<compile_context>
chip_gen: v7x
topology: tpu7x:2x2x1
jax: 0.10.2.dev20260603
libtpu: 0.0.44.dev20260713+nightly
codegen_flags: <defaults>
</compile_context>

<pallas_src>
import functools

import jax
import jax.numpy as jnp
from jax import lax
from jax.experimental import pallas as pl
from jax.experimental.pallas import tpu as pltpu
from jax.experimental.pallas import tpu_sc as plsc

N = 2048
DIM = 128
NC = 2
K = 512
HD = DIM // NC
BN = 512

NT = N * NC
NW = 32
BPW = NT // NW
L = 16


def _select_kernel(x_ref, embed_ref, i1_ref, i2_ref):
    x = x_ref[...]
    lane_iota = jax.lax.broadcasted_iota(jnp.int32, (BN, K), 1)
    i1_cols = []
    i2_cols = []
    for c in range(NC):
        xc = x[:, c * HD:(c + 1) * HD]
        ec = embed_ref[c]
        ecT = jnp.transpose(ec)
        s = jax.lax.dot_general(
            xc, ecT, (((1,), (0,)), ((), ())),
            preferred_element_type=jnp.float32,
            precision=jax.lax.Precision.HIGHEST)
        en = jnp.sum(ecT * ecT, axis=0, keepdims=True)
        d = en - 2.0 * s
        m1 = jnp.min(d, axis=1, keepdims=True)
        i1 = jnp.min(jnp.where(d == m1, lane_iota, K), axis=1,
                     keepdims=True)
        d2m = jnp.where(lane_iota == i1, jnp.inf, d)
        m2 = jnp.min(d2m, axis=1, keepdims=True)
        i2 = jnp.min(jnp.where(d2m == m2, lane_iota, K), axis=1,
                     keepdims=True)
        i1_cols.append(i1)
        i2_cols.append(i2)
    i1_ref[...] = jnp.concatenate(i1_cols, axis=1)
    i2_ref[...] = jnp.concatenate(i2_cols, axis=1)


def _refine_kernel(xf_hbm, ef_hbm, i1_hbm, i2_hbm, qf_hbm, ind_hbm,
                   i1_v, i2_v, fi1_v, fi2_v, x_v, r1_v, r2_v, q_v, ind_v,
                   sem1, sem2):
    wid = lax.axis_index("s") * 2 + lax.axis_index("c")
    base = wid * BPW
    pltpu.sync_copy(i1_hbm.at[pl.ds(base, BPW)], i1_v)
    pltpu.sync_copy(i2_hbm.at[pl.ds(base, BPW)], i2_v)
    pltpu.sync_copy(xf_hbm.at[pl.ds(base, BPW)], x_v)
    off = (lax.iota(jnp.int32, L) % 2) * K
    for j in range(BPW // L):
        fi1_v[pl.ds(j * L, L)] = i1_v[pl.ds(j * L, L)] + off
        fi2_v[pl.ds(j * L, L)] = i2_v[pl.ds(j * L, L)] + off
    cp1 = pltpu.make_async_copy(ef_hbm.at[fi1_v], r1_v, sem1)
    cp2 = pltpu.make_async_copy(ef_hbm.at[fi2_v], r2_v, sem2)
    cp1.start()
    cp2.start()
    cp1.wait()
    cp2.wait()

    lane = lax.iota(jnp.int32, L)
    _dnums = lax.GatherDimensionNumbers(
        offset_dims=(), collapsed_slice_dims=(0,), start_index_map=(0,))

    def _shuffle(v, idx):
        return lax.gather(
            v, idx.reshape(L, 1), _dnums, (1,),
            mode=lax.GatherScatterMode.PROMISE_IN_BOUNDS)

    def _allsum(v):
        for sh in (8, 4, 2, 1):
            v = v + _shuffle(v, lane ^ sh)
        return v

    def group_body(g, carry):
        j1v = i1_v[pl.ds(g * L, L)]
        j2v = i2_v[pl.ds(g * L, L)]
        indv = jnp.zeros((L,), jnp.int32)
        for t in range(L):
            i = g * L + t
            acc1 = jnp.zeros((L,), jnp.float32)
            acc2 = jnp.zeros((L,), jnp.float32)
            r1k = []
            r2k = []
            for k in range(HD // L):
                xc = x_v[i, pl.ds(k * L, L)]
                r1 = r1_v[i, pl.ds(k * L, L)]
                r2 = r2_v[i, pl.ds(k * L, L)]
                r1k.append(r1)
                r2k.append(r2)
                a = xc - r1
                acc1 = acc1 + a * a
                b = xc - r2
                acc2 = acc2 + b * b
            d1 = _allsum(acc1)
            d2 = _allsum(acc2)
            tsplat = jnp.full((L,), t, jnp.int32)
            j1 = _shuffle(j1v, tsplat)
            j2 = _shuffle(j2v, tsplat)
            lt = jnp.where(d2 < d1, 1, 0)
            eq = jnp.where(d2 == d1, 1, 0)
            jl = jnp.where(j2 < j1, 1, 0)
            take2 = (lt + eq * jl) > 0
            indv = jnp.where(lane == t, jnp.where(take2, j2, j1), indv)
            for k in range(HD // L):
                q_v[i, pl.ds(k * L, L)] = jnp.where(take2, r2k[k], r1k[k])
        ind_v[pl.ds(g * L, L)] = indv
        return carry

    lax.fori_loop(0, BPW // L, group_body, 0)
    pltpu.sync_copy(q_v, qf_hbm.at[pl.ds(base, BPW)])
    pltpu.sync_copy(ind_v, ind_hbm.at[pl.ds(base, BPW)])


@jax.jit
def kernel(x, node_type, embed):
    del node_type
    i1, i2 = pl.pallas_call(
        _select_kernel,
        grid=(N // BN,),
        in_specs=[
            pl.BlockSpec((BN, DIM), lambda i: (i, 0)),
            pl.BlockSpec((NC, K, HD), lambda i: (0, 0, 0)),
        ],
        out_specs=[
            pl.BlockSpec((BN, NC), lambda i: (i, 0)),
            pl.BlockSpec((BN, NC), lambda i: (i, 0)),
        ],
        out_shape=[
            jax.ShapeDtypeStruct((N, NC), jnp.int32),
            jax.ShapeDtypeStruct((N, NC), jnp.int32),
        ],
    )(x, embed)

    refine = functools.partial(
        pl.kernel,
        out_type=[
            jax.ShapeDtypeStruct((NT, HD), jnp.float32),
            jax.ShapeDtypeStruct((NT,), jnp.int32),
        ],
        mesh=plsc.VectorSubcoreMesh(core_axis_name="c", subcore_axis_name="s"),
        scratch_types=[
            pltpu.VMEM((BPW,), jnp.int32),
            pltpu.VMEM((BPW,), jnp.int32),
            pltpu.VMEM((BPW,), jnp.int32),
            pltpu.VMEM((BPW,), jnp.int32),
            pltpu.VMEM((BPW, HD), jnp.float32),
            pltpu.VMEM((BPW, 2 * HD), jnp.float32),
            pltpu.VMEM((BPW, 2 * HD), jnp.float32),
            pltpu.VMEM((BPW, HD), jnp.float32),
            pltpu.VMEM((BPW,), jnp.int32),
            pltpu.SemaphoreType.DMA,
            pltpu.SemaphoreType.DMA,
        ],
    )(_refine_kernel)

    ef_padded = jnp.pad(embed.reshape(NC * K, HD), ((0, 0), (0, HD)))
    qf, indf = refine(
        x.reshape(NT, HD),
        ef_padded,
        i1.reshape(NT),
        i2.reshape(NT),
    )
    return (qf.reshape(N, DIM), indf.reshape(N, NC), 0)

# --- scband reference (transcript-rebuilt; emitter-appended) ---
"""Pipeline reference for scband-dynamic-euclidean-codebook-6382321402116 (READ-ONLY COPY).

The authoritative reference and input builder live on the scoring server;
editing this copy changes nothing except your own understanding.
"""

import jax, jax.numpy as jnp
import numpy as np

N = 2048
DIM = 128
NC = 2
K = 512
HD = DIM // NC
NUM_NODE_TYPES = 10


def setup_inputs(seed: int = 0) -> dict:
    key = jax.random.key(seed)
    k1, k2, k3 = jax.random.split(key, 3)
    x = jax.random.normal(k1, (N, DIM), dtype=jnp.float32)
    node_type = jax.random.randint(k2, (N,), 0, NUM_NODE_TYPES, dtype=jnp.int32)
    # learned buffer: codebook embed [num_codebooks, codebook_size, head_dim]
    embed = jax.random.normal(k3, (NC, K, HD), dtype=jnp.float32)
    return {"x": x, "node_type": node_type, "embed": embed}


def reference(x, node_type, embed):
    # eval-mode forward of DynamicEuclideanCodebook (use_dynamic_generator=False)
    n, d = x.shape
    x_reshaped = x.reshape(n, NC, HD)
    effective_embed = embed[None]  # [1, NC, K, HD]
    x_exp = x_reshaped[:, :, None, :]  # [N, NC, 1, HD]
    dist = jnp.sum((x_exp - effective_embed) ** 2, axis=-1)  # [N, NC, K]
    embed_ind = jnp.argmin(dist, axis=-1)  # [N, NC]
    # gather quantized codes: equivalent to torch.gather over expanded embed
    cb_idx = jnp.arange(NC)[None, :]  # [1, NC]
    quantized = embed[cb_idx, embed_ind]  # [N, NC, HD]
    quantized_out = quantized.reshape(n, d)
    return (quantized_out, embed_ind, 0)

if __name__ == "__main__":
    import jax
    _d = setup_inputs()
    print(jax.jit(kernel)(*tuple(_d.values())))

</pallas_src>

<mosaic_0001>
#map = affine_map<(d0, d1) -> (0, 0)>
#map1 = affine_map<(d0, d1) -> (0)>
module attributes {stable_mosaic.version = 14 : i64} {
  func.func @_refine_kernel(%arg0: i32, %arg1: i32, %arg2: memref<4096x64xf32, #tpu.memory_space<hbm>>, %arg3: memref<1024x128xf32, #tpu.memory_space<hbm>>, %arg4: memref<4096xi32, #tpu.memory_space<hbm>>, %arg5: memref<4096xi32, #tpu.memory_space<hbm>>, %arg6: memref<4096x64xf32, #tpu.memory_space<hbm>>, %arg7: memref<4096xi32, #tpu.memory_space<hbm>>, %arg8: memref<128xi32, #tpu.memory_space<vmem>>, %arg9: memref<128xi32, #tpu.memory_space<vmem>>, %arg10: memref<128xi32, #tpu.memory_space<vmem>>, %arg11: memref<128xi32, #tpu.memory_space<vmem>>, %arg12: memref<128x64xf32, #tpu.memory_space<vmem>>, %arg13: memref<128x128xf32, #tpu.memory_space<vmem>>, %arg14: memref<128x128xf32, #tpu.memory_space<vmem>>, %arg15: memref<128x64xf32, #tpu.memory_space<vmem>>, %arg16: memref<128xi32, #tpu.memory_space<vmem>>, %arg17: memref<!tpu.dma_semaphore, #tpu.memory_space<semaphore_mem>>, %arg18: memref<!tpu.dma_semaphore, #tpu.memory_space<semaphore_mem>>) attributes {dimension_semantics = [#tpu.dimension_semantics<core_parallel>, #tpu.dimension_semantics<subcore_parallel>], iteration_bounds = array<i64: 2, 16>, scalar_prefetch = 0 : i64, scratch_operands = 11 : i64, tpu.core_type = #tpu.core_type<sc_vector_subcore>, window_params = [{transform_indices = #map}, {transform_indices = #map}, {transform_indices = #map1}, {transform_indices = #map1}, {transform_indices = #map}, {transform_indices = #map1}]} {
    %mul3A = arith.constant 2 : i32
    %mul3A_0 = arith.muli %arg1, %mul3A : i32
    %add3A = arith.addi %mul3A_0, %arg0 : i32
    %mul3A_1 = arith.constant 128 : i32
    %mul3A_2 = arith.muli %add3A, %mul3A_1 : i32
    "tpu.region"() ({
      %run_scoped3A = tpu.sem_alloc : memref<!tpu.dma_semaphore, #tpu.memory_space<semaphore_mem>>
      %dma_start3A_163 = tpu.memref_slice %arg4[%mul3A_2] : memref<4096xi32, #tpu.memory_space<hbm>> -> memref<128xi32, #tpu.memory_space<hbm>>
      %dma_start3A_164 = tpu.memref_slice %arg4[%mul3A_2] : memref<4096xi32, #tpu.memory_space<hbm>> -> memref<128xi32, #tpu.memory_space<hbm>>
      tpu.enqueue_dma source(%dma_start3A_164 : memref<128xi32, #tpu.memory_space<hbm>>) target(%arg8 : memref<128xi32, #tpu.memory_space<vmem>>) target_semaphore(%run_scoped3A : memref<!tpu.dma_semaphore, #tpu.memory_space<semaphore_mem>>)
      %dma_wait3A_165 = tpu.memref_slice %arg4[%mul3A_2] : memref<4096xi32, #tpu.memory_space<hbm>> -> memref<128xi32, #tpu.memory_space<hbm>>
      %dma_wait3A_166 = tpu.memref_slice %arg4[%mul3A_2] : memref<4096xi32, #tpu.memory_space<hbm>> -> memref<128xi32, #tpu.memory_space<hbm>>
      tpu.wait_dma2 semaphore(%run_scoped3A : memref<!tpu.dma_semaphore, #tpu.memory_space<semaphore_mem>>) src(%dma_wait3A_166 : memref<128xi32, #tpu.memory_space<hbm>>) dst(%arg8 : memref<128xi32, #tpu.memory_space<vmem>>)
      tpu.yield
    }) : () -> ()
    "tpu.region"() ({
      %run_scoped3A = tpu.sem_alloc : memref<!tpu.dma_semaphore, #tpu.memory_space<semaphore_mem>>
      %dma_start3A_163 = tpu.memref_slice %arg5[%mul3A_2] : memref<4096xi32, #tpu.memory_space<hbm>> -> memref<128xi32, #tpu.memory_space<hbm>>
      %dma_start3A_164 = tpu.memref_slice %arg5[%mul3A_2] : memref<4096xi32, #tpu.memory_space<hbm>> -> memref<128xi32, #tpu.memory_space<hbm>>
      tpu.enqueue_dma source(%dma_start3A_164 : memref<128xi32, #tpu.memory_space<hbm>>) target(%arg9 : memref<128xi32, #tpu.memory_space<vmem>>) target_semaphore(%run_scoped3A : memref<!tpu.dma_semaphore, #tpu.memory_space<semaphore_mem>>)
      %dma_wait3A_165 = tpu.memref_slice %arg5[%mul3A_2] : memref<4096xi32, #tpu.memory_space<hbm>> -> memref<128xi32, #tpu.memory_space<hbm>>
      %dma_wait3A_166 = tpu.memref_slice %arg5[%mul3A_2] : memref<4096xi32, #tpu.memory_space<hbm>> -> memref<128xi32, #tpu.memory_space<hbm>>
      tpu.wait_dma2 semaphore(%run_scoped3A : memref<!tpu.dma_semaphore, #tpu.memory_space<semaphore_mem>>) src(%dma_wait3A_166 : memref<128xi32, #tpu.memory_space<hbm>>) dst(%arg9 : memref<128xi32, #tpu.memory_space<vmem>>)
      tpu.yield
    }) : () -> ()
    "tpu.region"() ({
      %run_scoped3A = tpu.sem_alloc : memref<!tpu.dma_semaphore, #tpu.memory_space<semaphore_mem>>
      %dma_start3A_163 = arith.constant 0 : i32
      %dma_start3A_164 = tpu.memref_slice %arg2[%mul3A_2, %dma_start3A_163] : memref<4096x64xf32, #tpu.memory_space<hbm>> -> memref<128x64xf32, #tpu.memory_space<hbm>>
      %dma_start3A_165 = arith.constant 0 : i32
      %dma_start3A_166 = tpu.memref_slice %arg2[%mul3A_2, %dma_start3A_165] : memref<4096x64xf32, #tpu.memory_space<hbm>> -> memref<128x64xf32, #tpu.memory_space<hbm>>
      tpu.enqueue_dma source(%dma_start3A_166 : memref<128x64xf32, #tpu.memory_space<hbm>>) target(%arg12 : memref<128x64xf32, #tpu.memory_space<vmem>>) target_semaphore(%run_scoped3A : memref<!tpu.dma_semaphore, #tpu.memory_space<semaphore_mem>>)
      %dma_wait3A_167 = arith.constant 0 : i32
      %dma_wait3A_168 = tpu.memref_slice %arg2[%mul3A_2, %dma_wait3A_167] : memref<4096x64xf32, #tpu.memory_space<hbm>> -> memref<128x64xf32, #tpu.memory_space<hbm>>
      %dma_wait3A_169 = arith.constant 0 : i32
      %dma_wait3A_170 = tpu.memref_slice %arg2[%mul3A_2, %dma_wait3A_169] : memref<4096x64xf32, #tpu.memory_space<hbm>> -> memref<128x64xf32, #tpu.memory_space<hbm>>
      tpu.wait_dma2 semaphore(%run_scoped3A : memref<!tpu.dma_semaphore, #tpu.memory_space<semaphore_mem>>) src(%dma_wait3A_170 : memref<128x64xf32, #tpu.memory_space<hbm>>) dst(%arg12 : memref<128x64xf32, #tpu.memory_space<vmem>>)
      tpu.yield
    }) : () -> ()
    %iota3A = tpu.iota {dimensions = array<i32: 0>} : vector<16xi32>
    %jit3A = arith.constant 2 : i32
    %eq3A = arith.constant 0 : i32
    %eq3A_3 = arith.cmpi eq, %jit3A, %eq3A : i32
    %jit3A_4 = arith.constant 1 : i32
    %select_n3A = arith.select %eq3A_3, %jit3A_4, %jit3A : i32
    %rem3A = vector.broadcast %select_n3A : i32 to vector<16xi32>
    %rem3A_5 = arith.remsi %iota3A, %rem3A : vector<16xi32>
    %ne3A = arith.constant 0 : i32
    %ne3A_6 = vector.broadcast %ne3A : i32 to vector<16xi32>
    %ne3A_7 = arith.cmpi ne, %rem3A_5, %ne3A_6 : vector<16xi32>
    %lt3A = arith.constant 0 : i32
    %lt3A_8 = vector.broadcast %lt3A : i32 to vector<16xi32>
    %lt3A_9 = arith.cmpi slt, %rem3A_5, %lt3A_8 : vector<16xi32>
    %lt3A_10 = arith.constant 0 : i32
    %lt3A_11 = arith.cmpi slt, %select_n3A, %lt3A_10 : i32
    %ne3A_12 = vector.broadcast %lt3A_11 : i1 to vector<16xi1>
    %ne3A_13 = vector.broadcast %ne3A_12 : vector<16xi1> to vector<16xi1>
    %ne3A_14 = arith.xori %lt3A_9, %ne3A_13 : vector<16xi1>
    %and3A = arith.andi %ne3A_14, %ne3A_7 : vector<16xi1>
    %add3A_15 = vector.broadcast %select_n3A : i32 to vector<16xi32>
    %add3A_16 = arith.addi %rem3A_5, %add3A_15 : vector<16xi32>
    %select_n3A_17 = arith.select %and3A, %add3A_16, %rem3A_5 : vector<16xi1>, vector<16xi32>
    %mul3A_18 = arith.constant 512 : i32
    %mul3A_19 = vector.broadcast %mul3A_18 : i32 to vector<16xi32>
    %mul3A_20 = arith.muli %select_n3A_17, %mul3A_19 : vector<16xi32>
    %get3A = arith.constant 0 : index
    %get3A_21 = tpu.vector_load %arg8[%get3A] {strides = array<i32>} : memref<128xi32, #tpu.memory_space<vmem>>, vector<16xi32>,
    %get3A_22 = vector.shape_cast %get3A_21 : vector<16xi32> to vector<16xi32>
    %add3A_23 = arith.addi %get3A_22, %mul3A_20 : vector<16xi32>
    %swap3A = arith.constant 0 : index
    %swap3A_24 = tpu.vector_load %arg10[%swap3A] {strides = array<i32>} : memref<128xi32, #tpu.memory_space<vmem>>, vector<16xi32>,
    %swap3A_25 = vector.shape_cast %swap3A_24 : vector<16xi32> to vector<16xi32>
    %swap3A_26 = vector.shape_cast %add3A_23 : vector<16xi32> to vector<16xi32>
    tpu.vector_store %arg10[%swap3A], %swap3A_26 {strides = array<i32>} : memref<128xi32, #tpu.memory_space<vmem>>, vector<16xi32>,
    %get3A_27 = arith.constant 0 : index
    %get3A_28 = tpu.vector_load %arg9[%get3A_27] {strides = array<i32>} : memref<128xi32, #tpu.memory_space<vmem>>, vector<16xi32>,
    %get3A_29 = vector.shape_cast %get3A_28 : vector<16xi32> to vector<16xi32>
    %add3A_30 = arith.addi %get3A_29, %mul3A_20 : vector<16xi32>
    %swap3A_31 = arith.constant 0 : index
    %swap3A_32 = tpu.vector_load %arg11[%swap3A_31] {strides = array<i32>} : memref<128xi32, #tpu.memory_space<vmem>>, vector<16xi32>,
    %swap3A_33 = vector.shape_cast %swap3A_32 : vector<16xi32> to vector<16xi32>
    %swap3A_34 = vector.shape_cast %add3A_30 : vector<16xi32> to vector<16xi32>
    tpu.vector_store %arg11[%swap3A_31], %swap3A_34 {strides = array<i32>} : memref<128xi32, #tpu.memory_space<vmem>>, vector<16xi32>,
    %get3A_35 = arith.constant 16 : index
    %get3A_36 = tpu.vector_load %arg8[%get3A_35] {strides = array<i32>} : memref<128xi32, #tpu.memory_space<vmem>>, vector<16xi32>,
    %get3A_37 = vector.shape_cast %get3A_36 : vector<16xi32> to vector<16xi32>
    %add3A_38 = arith.addi %get3A_37, %mul3A_20 : vector<16xi32>
    %swap3A_39 = arith.constant 16 : index
    %swap3A_40 = tpu.vector_load %arg10[%swap3A_39] {strides = array<i32>} : memref<128xi32, #tpu.memory_space<vmem>>, vector<16xi32>,
    %swap3A_41 = vector.shape_cast %swap3A_40 : vector<16xi32> to vector<16xi32>
    %swap3A_42 = vector.shape_cast %add3A_38 : vector<16xi32> to vector<16xi32>
    tpu.vector_store %arg10[%swap3A_39], %swap3A_42 {strides = array<i32>} : memref<128xi32, #tpu.memory_space<vmem>>, vector<16xi32>,
    %get3A_43 = arith.constant 16 : index
    %get3A_44 = tpu.vector_load %arg9[%get3A_43] {strides = array<i32>} : memref<128xi32, #tpu.memory_space<vmem>>, vector<16xi32>,
    %get3A_45 = vector.shape_cast %get3A_44 : vector<16xi32> to vector<16xi32>
    %add3A_46 = arith.addi %get3A_45, %mul3A_20 : vector<16xi32>
    %swap3A_47 = arith.constant 16 : index
    %swap3A_48 = tpu.vector_load %arg11[%swap3A_47] {strides = array<i32>} : memref<128xi32, #tpu.memory_space<vmem>>, vector<16xi32>,
    %swap3A_49 = vector.shape_cast %swap3A_48 : vector<16xi32> to vector<16xi32>
    %swap3A_50 = vector.shape_cast %add3A_46 : vector<16xi32> to vector<16xi32>
    tpu.vector_store %arg11[%swap3A_47], %swap3A_50 {strides = array<i32>} : memref<128xi32, #tpu.memory_space<vmem>>, vector<16xi32>,
    %get3A_51 = arith.constant 32 : index
    %get3A_52 = tpu.vector_load %arg8[%get3A_51] {strides = array<i32>} : memref<128xi32, #tpu.memory_space<vmem>>, vector<16xi32>,
    %get3A_53 = vector.shape_cast %get3A_52 : vector<16xi32> to vector<16xi32>
    %add3A_54 = arith.addi %get3A_53, %mul3A_20 : vector<16xi32>
    %swap3A_55 = arith.constant 32 : index
    %swap3A_56 = tpu.vector_load %arg10[%swap3A_55] {strides = array<i32>} : memref<128xi32, #tpu.memory_space<vmem>>, vector<16xi32>,
    %swap3A_57 = vector.shape_cast %swap3A_56 : vector<16xi32> to vector<16xi32>
    %swap3A_58 = vector.shape_cast %add3A_54 : vector<16xi32> to vector<16xi32>
    tpu.vector_store %arg10[%swap3A_55], %swap3A_58 {strides = array<i32>} : memref<128xi32, #tpu.memory_space<vmem>>, vector<16xi32>,
    %get3A_59 = arith.constant 32 : index
    %get3A_60 = tpu.vector_load %arg9[%get3A_59] {strides = array<i32>} : memref<128xi32, #tpu.memory_space<vmem>>, vector<16xi32>,
    %get3A_61 = vector.shape_cast %get3A_60 : vector<16xi32> to vector<16xi32>
    %add3A_62 = arith.addi %get3A_61, %mul3A_20 : vector<16xi32>
    %swap3A_63 = arith.constant 32 : index
    %swap3A_64 = tpu.vector_load %arg11[%swap3A_63] {strides = array<i32>} : memref<128xi32, #tpu.memory_space<vmem>>, vector<16xi32>,
    %swap3A_65 = vector.shape_cast %swap3A_64 : vector<16xi32> to vector<16xi32>
    %swap3A_66 = vector.shape_cast %add3A_62 : vector<16xi32> to vector<16xi32>
    tpu.vector_store %arg11[%swap3A_63], %swap3A_66 {strides = array<i32>} : memref<128xi32, #tpu.memory_space<vmem>>, vector<16xi32>,
    %get3A_67 = arith.constant 48 : index
    %get3A_68 = tpu.vector_load %arg8[%get3A_67] {strides = array<i32>} : memref<128xi32, #tpu.memory_space<vmem>>, vector<16xi32>,
    %get3A_69 = vector.shape_cast %get3A_68 : vector<16xi32> to vector<16xi32>
    %add3A_70 = arith.addi %get3A_69, %mul3A_20 : vector<16xi32>
    %swap3A_71 = arith.constant 48 : index
    %swap3A_72 = tpu.vector_load %arg10[%swap3A_71] {strides = array<i32>} : memref<128xi32, #tpu.memory_space<vmem>>, vector<16xi32>,
    %swap3A_73 = vector.shape_cast %swap3A_72 : vector<16xi32> to vector<16xi32>
    %swap3A_74 = vector.shape_cast %add3A_70 : vector<16xi32> to vector<16xi32>
    tpu.vector_store %arg10[%swap3A_71], %swap3A_74 {strides = array<i32>} : memref<128xi32, #tpu.memory_space<vmem>>, vector<16xi32>,
    %get3A_75 = arith.constant 48 : index
    %get3A_76 = tpu.vector_load %arg9[%get3A_75] {strides = array<i32>} : memref<128xi32, #tpu.memory_space<vmem>>, vector<16xi32>,
    %get3A_77 = vector.shape_cast %get3A_76 : vector<16xi32> to vector<16xi32>
    %add3A_78 = arith.addi %get3A_77, %mul3A_20 : vector<16xi32>
    %swap3A_79 = arith.constant 48 : index
    %swap3A_80 = tpu.vector_load %arg11[%swap3A_79] {strides = array<i32>} : memref<128xi32, #tpu.memory_space<vmem>>, vector<16xi32>,
    %swap3A_81 = vector.shape_cast %swap3A_80 : vector<16xi32> to vector<16xi32>
    %swap3A_82 = vector.shape_cast %add3A_78 : vector<16xi32> to vector<16xi32>
    tpu.vector_store %arg11[%swap3A_79], %swap3A_82 {strides = array<i32>} : memref<128xi32, #tpu.memory_space<vmem>>, vector<16xi32>,
    %get3A_83 = arith.constant 64 : index
    %get3A_84 = tpu.vector_load %arg8[%get3A_83] {strides = array<i32>} : memref<128xi32, #tpu.memory_space<vmem>>, vector<16xi32>,
    %get3A_85 = vector.shape_cast %get3A_84 : vector<16xi32> to vector<16xi32>
    %add3A_86 = arith.addi %get3A_85, %mul3A_20 : vector<16xi32>
    %swap3A_87 = arith.constant 64 : index
    %swap3A_88 = tpu.vector_load %arg10[%swap3A_87] {strides = array<i32>} : memref<128xi32, #tpu.memory_space<vmem>>, vector<16xi32>,
    %swap3A_89 = vector.shape_cast %swap3A_88 : vector<16xi32> to vector<16xi32>
    %swap3A_90 = vector.shape_cast %add3A_86 : vector<16xi32> to vector<16xi32>
    tpu.vector_store %arg10[%swap3A_87], %swap3A_90 {strides = array<i32>} : memref<128xi32, #tpu.memory_space<vmem>>, vector<16xi32>,
    %get3A_91 = arith.constant 64 : index
    %get3A_92 = tpu.vector_load %arg9[%get3A_91] {strides = array<i32>} : memref<128xi32, #tpu.memory_space<vmem>>, vector<16xi32>,
    %get3A_93 = vector.shape_cast %get3A_92 : vector<16xi32> to vector<16xi32>
    %add3A_94 = arith.addi %get3A_93, %mul3A_20 : vector<16xi32>
    %swap3A_95 = arith.constant 64 : index
    %swap3A_96 = tpu.vector_load %arg11[%swap3A_95] {strides = array<i32>} : memref<128xi32, #tpu.memory_space<vmem>>, vector<16xi32>,
    %swap3A_97 = vector.shape_cast %swap3A_96 : vector<16xi32> to vector<16xi32>
    %swap3A_98 = vector.shape_cast %add3A_94 : vector<16xi32> to vector<16xi32>
    tpu.vector_store %arg11[%swap3A_95], %swap3A_98 {strides = array<i32>} : memref<128xi32, #tpu.memory_space<vmem>>, vector<16xi32>,
    %get3A_99 = arith.constant 80 : index
    %get3A_100 = tpu.vector_load %arg8[%get3A_99] {strides = array<i32>} : memref<128xi32, #tpu.memory_space<vmem>>, vector<16xi32>,
    %get3A_101 = vector.shape_cast %get3A_100 : vector<16xi32> to vector<16xi32>
    %add3A_102 = arith.addi %get3A_101, %mul3A_20 : vector<16xi32>
    %swap3A_103 = arith.constant 80 : index
    %swap3A_104 = tpu.vector_load %arg10[%swap3A_103] {strides = array<i32>} : memref<128xi32, #tpu.memory_space<vmem>>, vector<16xi32>,
    %swap3A_105 = vector.shape_cast %swap3A_104 : vector<16xi32> to vector<16xi32>
    %swap3A_106 = vector.shape_cast %add3A_102 : vector<16xi32> to vector<16xi32>
    tpu.vector_store %arg10[%swap3A_103], %swap3A_106 {strides = array<i32>} : memref<128xi32, #tpu.memory_space<vmem>>, vector<16xi32>,
    %get3A_107 = arith.constant 80 : index
    %get3A_108 = tpu.vector_load %arg9[%get3A_107] {strides = array<i32>} : memref<128xi32, #tpu.memory_space<vmem>>, vector<16xi32>,
    %get3A_109 = vector.shape_cast %get3A_108 : vector<16xi32> to vector<16xi32>
    %add3A_110 = arith.addi %get3A_109, %mul3A_20 : vector<16xi32>
    %swap3A_111 = arith.constant 80 : index
    %swap3A_112 = tpu.vector_load %arg11[%swap3A_111] {strides = array<i32>} : memref<128xi32, #tpu.memory_space<vmem>>, vector<16xi32>,
    %swap3A_113 = vector.shape_cast %swap3A_112 : vector<16xi32> to vector<16xi32>
    %swap3A_114 = vector.shape_cast %add3A_110 : vector<16xi32> to vector<16xi32>
    tpu.vector_store %arg11[%swap3A_111], %swap3A_114 {strides = array<i32>} : memref<128xi32, #tpu.memory_space<vmem>>, vector<16xi32>,
    %get3A_115 = arith.constant 96 : index
    %get3A_116 = tpu.vector_load %arg8[%get3A_115] {strides = array<i32>} : memref<128xi32, #tpu.memory_space<vmem>>, vector<16xi32>,
    %get3A_117 = vector.shape_cast %get3A_116 : vector<16xi32> to vector<16xi32>
    %add3A_118 = arith.addi %get3A_117, %mul3A_20 : vector<16xi32>
    %swap3A_119 = arith.constant 96 : index
    %swap3A_120 = tpu.vector_load %arg10[%swap3A_119] {strides = array<i32>} : memref<128xi32, #tpu.memory_space<vmem>>, vector<16xi32>,
    %swap3A_121 = vector.shape_cast %swap3A_120 : vector<16xi32> to vector<16xi32>
    %swap3A_122 = vector.shape_cast %add3A_118 : vector<16xi32> to vector<16xi32>
    tpu.vector_store %arg10[%swap3A_119], %swap3A_122 {strides = array<i32>} : memref<128xi32, #tpu.memory_space<vmem>>, vector<16xi32>,
    %get3A_123 = arith.constant 96 : index
    %get3A_124 = tpu.vector_load %arg9[%get3A_123] {strides = array<i32>} : memref<128xi32, #tpu.memory_space<vmem>>, vector<16xi32>,
    %get3A_125 = vector.shape_cast %get3A_124 : vector<16xi32> to vector<16xi32>
    %add3A_126 = arith.addi %get3A_125, %mul3A_20 : vector<16xi32>
    %swap3A_127 = arith.constant 96 : index
    %swap3A_128 = tpu.vector_load %arg11[%swap3A_127] {strides = array<i32>} : memref<128xi32, #tpu.memory_space<vmem>>, vector<16xi32>,
    %swap3A_129 = vector.shape_cast %swap3A_128 : vector<16xi32> to vector<16xi32>
    %swap3A_130 = vector.shape_cast %add3A_126 : vector<16xi32> to vector<16xi32>
    tpu.vector_store %arg11[%swap3A_127], %swap3A_130 {strides = array<i32>} : memref<128xi32, #tpu.memory_space<vmem>>, vector<16xi32>,
    %get3A_131 = arith.constant 112 : index
    %get3A_132 = tpu.vector_load %arg8[%get3A_131] {strides = array<i32>} : memref<128xi32, #tpu.memory_space<vmem>>, vector<16xi32>,
    %get3A_133 = vector.shape_cast %get3A_132 : vector<16xi32> to vector<16xi32>
    %add3A_134 = arith.addi %get3A_133, %mul3A_20 : vector<16xi32>
    %swap3A_135 = arith.constant 112 : index
    %swap3A_136 = tpu.vector_load %arg10[%swap3A_135] {strides = array<i32>} : memref<128xi32, #tpu.memory_space<vmem>>, vector<16xi32>,
    %swap3A_137 = vector.shape_cast %swap3A_136 : vector<16xi32> to vector<16xi32>
    %swap3A_138 = vector.shape_cast %add3A_134 : vector<16xi32> to vector<16xi32>
    tpu.vector_store %arg10[%swap3A_135], %swap3A_138 {strides = array<i32>} : memref<128xi32, #tpu.memory_space<vmem>>, vector<16xi32>,
    %get3A_139 = arith.constant 112 : index
    %get3A_140 = tpu.vector_load %arg9[%get3A_139] {strides = array<i32>} : memref<128xi32, #tpu.memory_space<vmem>>, vector<16xi32>,
    %get3A_141 = vector.shape_cast %get3A_140 : vector<16xi32> to vector<16xi32>
    %add3A_142 = arith.addi %get3A_141, %mul3A_20 : vector<16xi32>
    %swap3A_143 = arith.constant 112 : index
    %swap3A_144 = tpu.vector_load %arg11[%swap3A_143] {strides = array<i32>} : memref<128xi32, #tpu.memory_space<vmem>>, vector<16xi32>,
    %swap3A_145 = vector.shape_cast %swap3A_144 : vector<16xi32> to vector<16xi32>
    %swap3A_146 = vector.shape_cast %add3A_142 : vector<16xi32> to vector<16xi32>
    tpu.vector_store %arg11[%swap3A_143], %swap3A_146 {strides = array<i32>} : memref<128xi32, #tpu.memory_space<vmem>>, vector<16xi32>,
    %dma_start3A = arith.constant 0 : i32
    %dma_start3A_147 = arith.constant 0 : i32
    %dma_start3A_148 = tpu.memref_slice %arg3[%dma_start3A, %dma_start3A_147] : memref<1024x128xf32, #tpu.memory_space<hbm>> -> memref<1024x128xf32, #tpu.memory_space<hbm>>
    tpu.enqueue_indirect_dma source(%dma_start3A_148 : memref<1024x128xf32, #tpu.memory_space<hbm>>) target(%arg13 : memref<128x128xf32, #tpu.memory_space<vmem>>) offsets(%arg10 : memref<128xi32, #tpu.memory_space<vmem>>) semaphore(%arg17 : memref<!tpu.dma_semaphore, #tpu.memory_space<semaphore_mem>>)
    %dma_start3A_149 = arith.constant 0 : i32
    %dma_start3A_150 = arith.constant 0 : i32
    %dma_start3A_151 = tpu.memref_slice %arg3[%dma_start3A_149, %dma_start3A_150] : memref<1024x128xf32, #tpu.memory_space<hbm>> -> memref<1024x128xf32, #tpu.memory_space<hbm>>
    tpu.enqueue_indirect_dma source(%dma_start3A_151 : memref<1024x128xf32, #tpu.memory_space<hbm>>) target(%arg14 : memref<128x128xf32, #tpu.memory_space<vmem>>) offsets(%arg11 : memref<128xi32, #tpu.memory_space<vmem>>) semaphore(%arg18 : memref<!tpu.dma_semaphore, #tpu.memory_space<semaphore_mem>>)
    %dma_wait3A = arith.constant 0 : i32
    %dma_wait3A_152 = arith.constant 0 : i32
    %dma_wait3A_153 = tpu.memref_slice %arg3[%dma_wait3A, %dma_wait3A_152] : memref<1024x128xf32, #tpu.memory_space<hbm>> -> memref<1024x128xf32, #tpu.memory_space<hbm>>
    tpu.wait_indirect_dma semaphore(%arg17 : memref<!tpu.dma_semaphore, #tpu.memory_space<semaphore_mem>>) src(%dma_wait3A_153 : memref<1024x128xf32, #tpu.memory_space<hbm>>) dst(%arg13 : memref<128x128xf32, #tpu.memory_space<vmem>>)
    %dma_wait3A_154 = arith.constant 0 : i32
    %dma_wait3A_155 = arith.constant 0 : i32
    %dma_wait3A_156 = tpu.memref_slice %arg3[%dma_wait3A_154, %dma_wait3A_155] : memref<1024x128xf32, #tpu.memory_space<hbm>> -> memref<1024x128xf32, #tpu.memory_space<hbm>>
    tpu.wait_indirect_dma semaphore(%arg18 : memref<!tpu.dma_semaphore, #tpu.memory_space<semaphore_mem>>) src(%dma_wait3A_156 : memref<1024x128xf32, #tpu.memory_space<hbm>>) dst(%arg14 : memref<128x128xf32, #tpu.memory_space<vmem>>)
    %iota3A_157 = tpu.iota {dimensions = array<i32: 0>} : vector<16xi32>
    %scan3A = arith.constant 0 : i32
    %scan3A_158 = arith.constant 0 : i32
    %scan3A_159 = arith.constant 8 : i32
    %scan3A_160 = arith.addi %scan3A_158, %scan3A_159 : i32
    %scan3A_161 = arith.constant 1 : i32
    scf.for %scan3A_163 = %scan3A_158 to %scan3A_160 step %scan3A_161  : i32 {
      %mul3A_164 = arith.constant 16 : i32
      %mul3A_165 = arith.muli %scan3A_163, %mul3A_164 : i32
      %get3A_166 = arith.index_cast %mul3A_165 : i32 to index
      %get3A_167 = tpu.vector_load %arg8[%get3A_166] {strides = array<i32>} : memref<128xi32, #tpu.memory_space<vmem>>, vector<16xi32>,
      %get3A_168 = vector.shape_cast %get3A_167 : vector<16xi32> to vector<16xi32>
      %mul3A_169 = arith.constant 16 : i32
      %mul3A_170 = arith.muli %scan3A_163, %mul3A_169 : i32
      %get3A_171 = arith.index_cast %mul3A_170 : i32 to index
      %get3A_172 = tpu.vector_load %arg9[%get3A_171] {strides = array<i32>} : memref<128xi32, #tpu.memory_space<vmem>>, vector<16xi32>,
      %get3A_173 = vector.shape_cast %get3A_172 : vector<16xi32> to vector<16xi32>
      %broadcast_in_dim3A = arith.constant 0 : i32
      %broadcast_in_dim3A_174 = vector.broadcast %broadcast_in_dim3A : i32 to vector<16xi32>
      %mul3A_175 = arith.constant 16 : i32
      %mul3A_176 = arith.muli %scan3A_163, %mul3A_175 : i32
      %add3A_177 = arith.constant 0 : i32
      %add3A_178 = arith.addi %mul3A_176, %add3A_177 : i32
      %broadcast_in_dim3A_179 = arith.constant 0.000000e+00 : f32
      %broadcast_in_dim3A_180 = vector.broadcast %broadcast_in_dim3A_179 : f32 to vector<16xf32>
      %broadcast_in_dim3A_181 = arith.constant 0.000000e+00 : f32
      %broadcast_in_dim3A_182 = vector.broadcast %broadcast_in_dim3A_181 : f32 to vector<16xf32>
      %get3A_183 = arith.index_cast %add3A_178 : i32 to index
      %get3A_184 = arith.constant 0 : index
      %get3A_185 = tpu.vector_load %arg12[%get3A_183, %get3A_184] {strides = array<i32>} : memref<128x64xf32, #tpu.memory_space<vmem>>, vector<1x16xf32>,
      %get3A_186 = vector.shape_cast %get3A_185 : vector<1x16xf32> to vector<16xf32>
      %get3A_187 = arith.index_cast %add3A_178 : i32 to index
      %get3A_188 = arith.constant 0 : index
      %get3A_189 = tpu.vector_load %arg13[%get3A_187, %get3A_188] {strides = array<i32>} : memref<128x128xf32, #tpu.memory_space<vmem>>, vector<1x16xf32>,
      %get3A_190 = vector.shape_cast %get3A_189 : vector<1x16xf32> to vector<16xf32>
      %get3A_191 = arith.index_cast %add3A_178 : i32 to index
      %get3A_192 = arith.constant 0 : index
      %get3A_193 = tpu.vector_load %arg14[%get3A_191, %get3A_192] {strides = array<i32>} : memref<128x128xf32, #tpu.memory_space<vmem>>, vector<1x16xf32>,
      %get3A_194 = vector.shape_cast %get3A_193 : vector<1x16xf32> to vector<16xf32>
      %sub3A = arith.subf %get3A_186, %get3A_190 : vector<16xf32>
      %mul3A_195 = arith.mulf %sub3A, %sub3A : vector<16xf32>
      %add3A_196 = arith.addf %broadcast_in_dim3A_180, %mul3A_195 : vector<16xf32>
      %sub3A_197 = arith.subf %get3A_186, %get3A_194 : vector<16xf32>
      %mul3A_198 = arith.mulf %sub3A_197, %sub3A_197 : vector<16xf32>
      %add3A_199 = arith.addf %broadcast_in_dim3A_182, %mul3A_198 : vector<16xf32>
      %get3A_200 = arith.index_cast %add3A_178 : i32 to index
      %get3A_201 = arith.constant 16 : index
      %get3A_202 = tpu.vector_load %arg12[%get3A_200, %get3A_201] {strides = array<i32>} : memref<128x64xf32, #tpu.memory_space<vmem>>, vector<1x16xf32>,
      %get3A_203 = vector.shape_cast %get3A_202 : vector<1x16xf32> to vector<16xf32>
      %get3A_204 = arith.index_cast %add3A_178 : i32 to index
      %get3A_205 = arith.constant 16 : index
      %get3A_206 = tpu.vector_load %arg13[%get3A_204, %get3A_205] {strides = array<i32>} : memref<128x128xf32, #tpu.memory_space<vmem>>, vector<1x16xf32>,
      %get3A_207 = vector.shape_cast %get3A_206 : vector<1x16xf32> to vector<16xf32>
      %get3A_208 = arith.index_cast %add3A_178 : i32 to index
      %get3A_209 = arith.constant 16 : index
      %get3A_210 = tpu.vector_load %arg14[%get3A_208, %get3A_209] {strides = array<i32>} : memref<128x128xf32, #tpu.memory_space<vmem>>, vector<1x16xf32>,
      %get3A_211 = vector.shape_cast %get3A_210 : vector<1x16xf32> to vector<16xf32>
      %sub3A_212 = arith.subf %get3A_203, %get3A_207 : vector<16xf32>
      %mul3A_213 = arith.mulf %sub3A_212, %sub3A_212 : vector<16xf32>
      %add3A_214 = arith.addf %add3A_196, %mul3A_213 : vector<16xf32>
      %sub3A_215 = arith.subf %get3A_203, %get3A_211 : vector<16xf32>
      %mul3A_216 = arith.mulf %sub3A_215, %sub3A_215 : vector<16xf32>
      %add3A_217 = arith.addf %add3A_199, %mul3A_216 : vector<16xf32>
      %get3A_218 = arith.index_cast %add3A_178 : i32 to index
      %get3A_219 = arith.constant 32 : index
      %get3A_220 = tpu.vector_load %arg12[%get3A_218, %get3A_219] {strides = array<i32>} : memref<128x64xf32, #tpu.memory_space<vmem>>, vector<1x16xf32>,
      %get3A_221 = vector.shape_cast %get3A_220 : vector<1x16xf32> to vector<16xf32>
      %get3A_222 = arith.index_cast %add3A_178 : i32 to index
      %get3A_223 = arith.constant 32 : index
      %get3A_224 = tpu.vector_load %arg13[%get3A_222, %get3A_223] {strides = array<i32>} : memref<128x128xf32, #tpu.memory_space<vmem>>, vector<1x16xf32>,
      %get3A_225 = vector.shape_cast %get3A_224 : vector<1x16xf32> to vector<16xf32>
      %get3A_226 = arith.index_cast %add3A_178 : i32 to index
      %get3A_227 = arith.constant 32 : index
      %get3A_228 = tpu.vector_load %arg14[%get3A_226, %get3A_227] {strides = array<i32>} : memref<128x128xf32, #tpu.memory_space<vmem>>, vector<1x16xf32>,
      %get3A_229 = vector.shape_cast %get3A_228 : vector<1x16xf32> to vector<16xf32>
      %sub3A_230 = arith.subf %get3A_221, %get3A_225 : vector<16xf32>
      %mul3A_231 = arith.mulf %sub3A_230, %sub3A_230 : vector<16xf32>
      %add3A_232 = arith.addf %add3A_214, %mul3A_231 : vector<16xf32>
      %sub3A_233 = arith.subf %get3A_221, %get3A_229 : vector<16xf32>
      %mul3A_234 = arith.mulf %sub3A_233, %sub3A_233 : vector<16xf32>
      %add3A_235 = arith.addf %add3A_217, %mul3A_234 : vector<16xf32>
      %get3A_236 = arith.index_cast %add3A_178 : i32 to index
      %get3A_237 = arith.constant 48 : index
      %get3A_238 = tpu.vector_load %arg12[%get3A_236, %get3A_237] {strides = array<i32>} : memref<128x64xf32, #tpu.memory_space<vmem>>, vector<1x16xf32>,
      %get3A_239 = vector.shape_cast %get3A_238 : vector<1x16xf32> to vector<16xf32>
      %get3A_240 = arith.index_cast %add3A_178 : i32 to index
      %get3A_241 = arith.constant 48 : index
      %get3A_242 = tpu.vector_load %arg13[%get3A_240, %get3A_241] {strides = array<i32>} : memref<128x128xf32, #tpu.memory_space<vmem>>, vector<1x16xf32>,
      %get3A_243 = vector.shape_cast %get3A_242 : vector<1x16xf32> to vector<16xf32>
      %get3A_244 = arith.index_cast %add3A_178 : i32 to index
      %get3A_245 = arith.constant 48 : index
      %get3A_246 = tpu.vector_load %arg14[%get3A_244, %get3A_245] {strides = array<i32>} : memref<128x128xf32, #tpu.memory_space<vmem>>, vector<1x16xf32>,
      %get3A_247 = vector.shape_cast %get3A_246 : vector<1x16xf32> to vector<16xf32>
      %sub3A_248 = arith.subf %get3A_239, %get3A_243 : vector<16xf32>
      %mul3A_249 = arith.mulf %sub3A_248, %sub3A_248 : vector<16xf32>
      %add3A_250 = arith.addf %add3A_232, %mul3A_249 : vector<16xf32>
      %sub3A_251 = arith.subf %get3A_239, %get3A_247 : vector<16xf32>
      %mul3A_252 = arith.mulf %sub3A_251, %sub3A_251 : vector<16xf32>
      %add3A_253 = arith.addf %add3A_235, %mul3A_252 : vector<16xf32>
      %xor3A = arith.constant 8 : i32
      %xor3A_254 = vector.broadcast %xor3A : i32 to vector<16xi32>
      %xor3A_255 = arith.xori %iota3A_157, %xor3A_254 : vector<16xi32>
      %reshape3A = vector.shape_cast %xor3A_255 : vector<16xi32> to vector<16x1xi32>
      %gather3A = vector.shape_cast %reshape3A : vector<16x1xi32> to vector<16xi32>
      %gather3A_256 = tpu.dynamic_gather %add3A_250[%gather3A] in [0] : vector<16xf32>, vector<16xi32> -> vector<16xf32>
      %add3A_257 = arith.addf %add3A_250, %gather3A_256 : vector<16xf32>
      %xor3A_258 = arith.constant 4 : i32
      %xor3A_259 = vector.broadcast %xor3A_258 : i32 to vector<16xi32>
      %xor3A_260 = arith.xori %iota3A_157, %xor3A_259 : vector<16xi32>
      %reshape3A_261 = vector.shape_cast %xor3A_260 : vector<16xi32> to vector<16x1xi32>
      %gather3A_262 = vector.shape_cast %reshape3A_261 : vector<16x1xi32> to vector<16xi32>
      %gather3A_263 = tpu.dynamic_gather %add3A_257[%gather3A_262] in [0] : vector<16xf32>, vector<16xi32> -> vector<16xf32>
      %add3A_264 = arith.addf %add3A_257, %gather3A_263 : vector<16xf32>
      %xor3A_265 = arith.constant 2 : i32
      %xor3A_266 = vector.broadcast %xor3A_265 : i32 to vector<16xi32>
      %xor3A_267 = arith.xori %iota3A_157, %xor3A_266 : vector<16xi32>
      %reshape3A_268 = vector.shape_cast %xor3A_267 : vector<16xi32> to vector<16x1xi32>
      %gather3A_269 = vector.shape_cast %reshape3A_268 : vector<16x1xi32> to vector<16xi32>
      %gather3A_270 = tpu.dynamic_gather %add3A_264[%gather3A_269] in [0] : vector<16xf32>, vector<16xi32> -> vector<16xf32>
      %add3A_271 = arith.addf %add3A_264, %gather3A_270 : vector<16xf32>
      %xor3A_272 = arith.constant 1 : i32
      %xor3A_273 = vector.broadcast %xor3A_272 : i32 to vector<16xi32>
      %xor3A_274 = arith.xori %iota3A_157, %xor3A_273 : vector<16xi32>
      %reshape3A_275 = vector.shape_cast %xor3A_274 : vector<16xi32> to vector<16x1xi32>
      %gather3A_276 = vector.shape_cast %reshape3A_275 : vector<16x1xi32> to vector<16xi32>
      %gather3A_277 = tpu.dynamic_gather %add3A_271[%gather3A_276] in [0] : vector<16xf32>, vector<16xi32> -> vector<16xf32>
      %add3A_278 = arith.addf %add3A_271, %gather3A_277 : vector<16xf32>
      %xor3A_279 = arith.constant 8 : i32
      %xor3A_280 = vector.broadcast %xor3A_279 : i32 to vector<16xi32>
      %xor3A_281 = arith.xori %iota3A_157, %xor3A_280 : vector<16xi32>
      %reshape3A_282 = vector.shape_cast %xor3A_281 : vector<16xi32> to vector<16x1xi32>
      %gather3A_283 = vector.shape_cast %reshape3A_282 : vector<16x1xi32> to vector<16xi32>
      %gather3A_284 = tpu.dynamic_gather %add3A_253[%gather3A_283] in [0] : vector<16xf32>, vector<16xi32> -> vector<16xf32>
      %add3A_285 = arith.addf %add3A_253, %gather3A_284 : vector<16xf32>
      %xor3A_286 = arith.constant 4 : i32
      %xor3A_287 = vector.broadcast %xor3A_286 : i32 to vector<16xi32>
      %xor3A_288 = arith.xori %iota3A_157, %xor3A_287 : vector<16xi32>
      %reshape3A_289 = vector.shape_cast %xor3A_288 : vector<16xi32> to vector<16x1xi32>
      %gather3A_290 = vector.shape_cast %reshape3A_289 : vector<16x1xi32> to vector<16xi32>
      %gather3A_291 = tpu.dynamic_gather %add3A_285[%gather3A_290] in [0] : vector<16xf32>, vector<16xi32> -> vector<16xf32>
      %add3A_292 = arith.addf %add3A_285, %gather3A_291 : vector<16xf32>
      %xor3A_293 = arith.constant 2 : i32
      %xor3A_294 = vector.broadcast %xor3A_293 : i32 to vector<16xi32>
      %xor3A_295 = arith.xori %iota3A_157, %xor3A_294 : vector<16xi32>
      %reshape3A_296 = vector.shape_cast %xor3A_295 : vector<16xi32> to vector<16x1xi32>
      %gather3A_297 = vector.shape_cast %reshape3A_296 : vector<16x1xi32> to vector<16xi32>
      %gather3A_298 = tpu.dynamic_gather %add3A_292[%gather3A_297] in [0] : vector<16xf32>, vector<16xi32> -> vector<16xf32>
      %add3A_299 = arith.addf %add3A_292, %gather3A_298 : vector<16xf32>
      %xor3A_300 = arith.constant 1 : i32
      %xor3A_301 = vector.broadcast %xor3A_300 : i32 to vector<16xi32>
      %xor3A_302 = arith.xori %iota3A_157, %xor3A_301 : vector<16xi32>
      %reshape3A_303 = vector.shape_cast %xor3A_302 : vector<16xi32> to vector<16x1xi32>
      %gather3A_304 = vector.shape_cast %reshape3A_303 : vector<16x1xi32> to vector<16xi32>
      %gather3A_305 = tpu.dynamic_gather %add3A_299[%gather3A_304] in [0] : vector<16xf32>, vector<16xi32> -> vector<16xf32>
      %add3A_306 = arith.addf %add3A_299, %gather3A_305 : vector<16xf32>
      %broadcast_in_dim3A_307 = arith.constant 0 : i32
      %broadcast_in_dim3A_308 = vector.broadcast %broadcast_in_dim3A_307 : i32 to vector<16xi32>
      %reshape3A_309 = vector.shape_cast %broadcast_in_dim3A_308 : vector<16xi32> to vector<16x1xi32>
      %gather3A_310 = vector.shape_cast %reshape3A_309 : vector<16x1xi32> to vector<16xi32>
      %gather3A_311 = tpu.dynamic_gather %get3A_168[%gather3A_310] in [0] : vector<16xi32>, vector<16xi32> -> vector<16xi32>
      %reshape3A_312 = vector.shape_cast %broadcast_in_dim3A_308 : vector<16xi32> to vector<16x1xi32>
      %gather3A_313 = vector.shape_cast %reshape3A_312 : vector<16x1xi32> to vector<16xi32>
      %gather3A_314 = tpu.dynamic_gather %get3A_173[%gather3A_313] in [0] : vector<16xi32>, vector<16xi32> -> vector<16xi32>
      %lt3A_315 = arith.cmpf olt, %add3A_306, %add3A_278 : vector<16xf32>
      %jit3A_316 = arith.constant 1 : i32
      %jit3A_317 = arith.constant 0 : i32
      %broadcast_in_dim3A_318 = vector.broadcast %jit3A_316 : i32 to vector<16xi32>
      %broadcast_in_dim3A_319 = vector.broadcast %jit3A_317 : i32 to vector<16xi32>
      %select_n3A_320 = arith.select %lt3A_315, %broadcast_in_dim3A_318, %broadcast_in_dim3A_319 : vector<16xi1>, vector<16xi32>
      %eq3A_321 = arith.cmpf oeq, %add3A_306, %add3A_278 : vector<16xf32>
      %jit3A_322 = arith.constant 1 : i32
      %jit3A_323 = arith.constant 0 : i32
      %broadcast_in_dim3A_324 = vector.broadcast %jit3A_322 : i32 to vector<16xi32>
      %broadcast_in_dim3A_325 = vector.broadcast %jit3A_323 : i32 to vector<16xi32>
      %select_n3A_326 = arith.select %eq3A_321, %broadcast_in_dim3A_324, %broadcast_in_dim3A_325 : vector<16xi1>, vector<16xi32>
      %lt3A_327 = arith.cmpi slt, %gather3A_314, %gather3A_311 : vector<16xi32>
      %jit3A_328 = arith.constant 1 : i32
      %jit3A_329 = arith.constant 0 : i32
      %broadcast_in_dim3A_330 = vector.broadcast %jit3A_328 : i32 to vector<16xi32>
      %broadcast_in_dim3A_331 = vector.broadcast %jit3A_329 : i32 to vector<16xi32>
      %select_n3A_332 = arith.select %lt3A_327, %broadcast_in_dim3A_330, %broadcast_in_dim3A_331 : vector<16xi1>, vector<16xi32>
      %mul3A_333 = arith.muli %select_n3A_326, %select_n3A_332 : vector<16xi32>
      %add3A_334 = arith.addi %select_n3A_320, %mul3A_333 : vector<16xi32>
      %gt3A = arith.constant 0 : i32
      %gt3A_335 = vector.broadcast %gt3A : i32 to vector<16xi32>
      %gt3A_336 = arith.cmpi sgt, %add3A_334, %gt3A_335 : vector<16xi32>
      %eq3A_337 = arith.constant 0 : i32
      %eq3A_338 = vector.broadcast %eq3A_337 : i32 to vector<16xi32>
      %eq3A_339 = arith.cmpi eq, %iota3A_157, %eq3A_338 : vector<16xi32>
      %select_n3A_340 = arith.select %gt3A_336, %gather3A_314, %gather3A_311 : vector<16xi1>, vector<16xi32>
      %select_n3A_341 = arith.select %eq3A_339, %select_n3A_340, %broadcast_in_dim3A_174 : vector<16xi1>, vector<16xi32>
      %select_n3A_342 = arith.select %gt3A_336, %get3A_194, %get3A_190 : vector<16xi1>, vector<16xf32>
      %swap3A_343 = arith.index_cast %add3A_178 : i32 to index
      %swap3A_344 = arith.constant 0 : index
      %swap3A_345 = tpu.vector_load %arg15[%swap3A_343, %swap3A_344] {strides = array<i32>} : memref<128x64xf32, #tpu.memory_space<vmem>>, vector<1x16xf32>,
      %swap3A_346 = vector.shape_cast %swap3A_345 : vector<1x16xf32> to vector<16xf32>
      %swap3A_347 = vector.shape_cast %select_n3A_342 : vector<16xf32> to vector<1x16xf32>
      tpu.vector_store %arg15[%swap3A_343, %swap3A_344], %swap3A_347 {strides = array<i32>} : memref<128x64xf32, #tpu.memory_space<vmem>>, vector<1x16xf32>,
      %select_n3A_348 = arith.select %gt3A_336, %get3A_211, %get3A_207 : vector<16xi1>, vector<16xf32>
      %swap3A_349 = arith.index_cast %add3A_178 : i32 to index
      %swap3A_350 = arith.constant 16 : index
      %swap3A_351 = tpu.vector_load %arg15[%swap3A_349, %swap3A_350] {strides = array<i32>} : memref<128x64xf32, #tpu.memory_space<vmem>>, vector<1x16xf32>,
      %swap3A_352 = vector.shape_cast %swap3A_351 : vector<1x16xf32> to vector<16xf32>
      %swap3A_353 = vector.shape_cast %select_n3A_348 : vector<16xf32> to vector<1x16xf32>
      tpu.vector_store %arg15[%swap3A_349, %swap3A_350], %swap3A_353 {strides = array<i32>} : memref<128x64xf32, #tpu.memory_space<vmem>>, vector<1x16xf32>,
      %select_n3A_354 = arith.select %gt3A_336, %get3A_229, %get3A_225 : vector<16xi1>, vector<16xf32>
      %swap3A_355 = arith.index_cast %add3A_178 : i32 to index
      %swap3A_356 = arith.constant 32 : index
      %swap3A_357 = tpu.vector_load %arg15[%swap3A_355, %swap3A_356] {strides = array<i32>} : memref<128x64xf32, #tpu.memory_space<vmem>>, vector<1x16xf32>,
      %swap3A_358 = vector.shape_cast %swap3A_357 : vector<1x16xf32> to vector<16xf32>
      %swap3A_359 = vector.shape_cast %select_n3A_354 : vector<16xf32> to vector<1x16xf32>
      tpu.vector_store %arg15[%swap3A_355, %swap3A_356], %swap3A_359 {strides = array<i32>} : memref<128x64xf32, #tpu.memory_space<vmem>>, vector<1x16xf32>,
      %select_n3A_360 = arith.select %gt3A_336, %get3A_247, %get3A_243 : vector<16xi1>, vector<16xf32>
      %swap3A_361 = arith.index_cast %add3A_178 : i32 to index
      %swap3A_362 = arith.constant 48 : index
      %swap3A_363 = tpu.vector_load %arg15[%swap3A_361, %swap3A_362] {strides = array<i32>} : memref<128x64xf32, #tpu.memory_space<vmem>>, vector<1x16xf32>,
      %swap3A_364 = vector.shape_cast %swap3A_363 : vector<1x16xf32> to vector<16xf32>
      %swap3A_365 = vector.shape_cast %select_n3A_360 : vector<16xf32> to vector<1x16xf32>
      tpu.vector_store %arg15[%swap3A_361, %swap3A_362], %swap3A_365 {strides = array<i32>} : memref<128x64xf32, #tpu.memory_space<vmem>>, vector<1x16xf32>,
      %mul3A_366 = arith.constant 16 : i32
      %mul3A_367 = arith.muli %scan3A_163, %mul3A_366 : i32
      %add3A_368 = arith.constant 1 : i32
      %add3A_369 = arith.addi %mul3A_367, %add3A_368 : i32
      %broadcast_in_dim3A_370 = arith.constant 0.000000e+00 : f32
      %broadcast_in_dim3A_371 = vector.broadcast %broadcast_in_dim3A_370 : f32 to vector<16xf32>
      %broadcast_in_dim3A_372 = arith.constant 0.000000e+00 : f32
      %broadcast_in_dim3A_373 = vector.broadcast %broadcast_in_dim3A_372 : f32 to vector<16xf32>
      %get3A_374 = arith.index_cast %add3A_369 : i32 to index
      %get3A_375 = arith.constant 0 : index
      %get3A_376 = tpu.vector_load %arg12[%get3A_374, %get3A_375] {strides = array<i32>} : memref<128x64xf32, #tpu.memory_space<vmem>>, vector<1x16xf32>,
      %get3A_377 = vector.shape_cast %get3A_376 : vector<1x16xf32> to vector<16xf32>
      %get3A_378 = arith.index_cast %add3A_369 : i32 to index
      %get3A_379 = arith.constant 0 : index
      %get3A_380 = tpu.vector_load %arg13[%get3A_378, %get3A_379] {strides = array<i32>} : memref<128x128xf32, #tpu.memory_space<vmem>>, vector<1x16xf32>,
      %get3A_381 = vector.shape_cast %get3A_380 : vector<1x16xf32> to vector<16xf32>
      %get3A_382 = arith.index_cast %add3A_369 : i32 to index
      %get3A_383 = arith.constant 0 : index
      %get3A_384 = tpu.vector_load %arg14[%get3A_382, %get3A_383] {strides = array<i32>} : memref<128x128xf32, #tpu.memory_space<vmem>>, vector<1x16xf32>,
      %get3A_385 = vector.shape_cast %get3A_384 : vector<1x16xf32> to vector<16xf32>
      %sub3A_386 = arith.subf %get3A_377, %get3A_381 : vector<16xf32>
      %mul3A_387 = arith.mulf %sub3A_386, %sub3A_386 : vector<16xf32>
      %add3A_388 = arith.addf %broadcast_in_dim3A_371, %mul3A_387 : vector<16xf32>
      %sub3A_389 = arith.subf %get3A_377, %get3A_385 : vector<16xf32>
      %mul3A_390 = arith.mulf %sub3A_389, %sub3A_389 : vector<16xf32>
      %add3A_391 = arith.addf %broadcast_in_dim3A_373, %mul3A_390 : vector<16xf32>
      %get3A_392 = arith.index_cast %add3A_369 : i32 to index
      %get3A_393 = arith.constant 16 : index
      %get3A_394 = tpu.vector_load %arg12[%get3A_392, %get3A_393] {strides = array<i32>} : memref<128x64xf32, #tpu.memory_space<vmem>>, vector<1x16xf32>,
      %get3A_395 = vector.shape_cast %get3A_394 : vector<1x16xf32> to vector<16xf32>
      %get3A_396 = arith.index_cast %add3A_369 : i32 to index
      %get3A_397 = arith.constant 16 : index
      %get3A_398 = tpu.vector_load %arg13[%get3A_396, %get3A_397] {strides = array<i32>} : memref<128x128xf32, #tpu.memory_space<vmem>>, vector<1x16xf32>,
      %get3A_399 = vector.shape_cast %get3A_398 : vector<1x16xf32> to vector<16xf32>
      %get3A_400 = arith.index_cast %add3A_369 : i32 to index
      %get3A_401 = arith.constant 16 : index
      %get3A_402 = tpu.vector_load %arg14[%get3A_400, %get3A_401] {strides = array<i32>} : memref<128x128xf32, #tpu.memory_space<vmem>>, vector<1x16xf32>,
      %get3A_403 = vector.shape_cast %get3A_402 : vector<1x16xf32> to vector<16xf32>
      %sub3A_404 = arith.subf %get3A_395, %get3A_399 : vector<16xf32>
      %mul3A_405 = arith.mulf %sub3A_404, %sub3A_404 : vector<16xf32>
      %add3A_406 = arith.addf %add3A_388, %mul3A_405 : vector<16xf32>
      %sub3A_407 = arith.subf %get3A_395, %get3A_403 : vector<16xf32>
      %mul3A_408 = arith.mulf %sub3A_407, %sub3A_407 : vector<16xf32>
      %add3A_409 = arith.addf %add3A_391, %mul3A_408 : vector<16xf32>
      %get3A_410 = arith.index_cast %add3A_369 : i32 to index
      %get3A_411 = arith.constant 32 : index
      %get3A_412 = tpu.vector_load %arg12[%get3A_410, %get3A_411] {strides = array<i32>} : memref<128x64xf32, #tpu.memory_space<vmem>>, vector<1x16xf32>,
      %get3A_413 = vector.shape_cast %get3A_412 : vector<1x16xf32> to vector<16xf32>
      %get3A_414 = arith.index_cast %add3A_369 : i32 to index
      %get3A_415 = arith.constant 32 : index
      %get3A_416 = tpu.vector_load %arg13[%get3A_414, %get3A_415] {strides = array<i32>} : memref<128x128xf32, #tpu.memory_space<vmem>>, vector<1x16xf32>,
      %get3A_417 = vector.shape_cast %get3A_416 : vector<1x16xf32> to vector<16xf32>
      %get3A_418 = arith.index_cast %add3A_369 : i32 to index
      %get3A_419 = arith.constant 32 : index
      %get3A_420 = tpu.vector_load %arg14[%get3A_418, %get3A_419] {strides = array<i32>} : memref<128x128xf32, #tpu.memory_space<vmem>>, vector<1x16xf32>,
      %get3A_421 = vector.shape_cast %get3A_420 : vector<1x16xf32> to vector<16xf32>
      %sub3A_422 = arith.subf %get3A_413, %get3A_417 : vector<16xf32>
      %mul3A_423 = arith.mulf %sub3A_422, %sub3A_422 : vector<16xf32>
      %add3A_424 = arith.addf %add3A_406, %mul3A_423 : vector<16xf32>
      %sub3A_425 = arith.subf %get3A_413, %get3A_421 : vector<16xf32>
      %mul3A_426 = arith.mulf %sub3A_425, %sub3A_425 : vector<16xf32>
      %add3A_427 = arith.addf %add3A_409, %mul3A_426 : vector<16xf32>
      %get3A_428 = arith.index_cast %add3A_369 : i32 to index
      %get3A_429 = arith.constant 48 : index
      %get3A_430 = tpu.vector_load %arg12[%get3A_428, %get3A_429] {strides = array<i32>} : memref<128x64xf32, #tpu.memory_space<vmem>>, vector<1x16xf32>,
      %get3A_431 = vector.shape_cast %get3A_430 : vector<1x16xf32> to vector<16xf32>
      %get3A_432 = arith.index_cast %add3A_369 : i32 to index
      %get3A_433 = arith.constant 48 : index
      %get3A_434 = tpu.vector_load %arg13[%get3A_432, %get3A_433] {strides = array<i32>} : memref<128x128xf32, #tpu.memory_space<vmem>>, vector<1x16xf32>,
      %get3A_435 = vector.shape_cast %get3A_434 : vector<1x16xf32> to vector<16xf32>
      %get3A_436 = arith.index_cast %add3A_369 : i32 to index
      %get3A_437 = arith.constant 48 : index
      %get3A_438 = tpu.vector_load %arg14[%get3A_436, %get3A_437] {strides = array<i32>} : memref<128x128xf32, #tpu.memory_space<vmem>>, vector<1x16xf32>,
      %get3A_439 = vector.shape_cast %get3A_438 : vector<1x16xf32> to vector<16xf32>
      %sub3A_440 = arith.subf %get3A_431, %get3A_435 : vector<16xf32>
      %mul3A_441 = arith.mulf %sub3A_440, %sub3A_440 : vector<16xf32>
      %add3A_442 = arith.addf %add3A_424, %mul3A_441 : vector<16xf32>
      %sub3A_443 = arith.subf %get3A_431, %get3A_439 : vector<16xf32>
      %mul3A_444 = arith.mulf %sub3A_443, %sub3A_443 : vector<16xf32>
      %add3A_445 = arith.addf %add3A_427, %mul3A_444 : vector<16xf32>
      %xor3A_446 = arith.constant 8 : i32
      %xor3A_447 = vector.broadcast %xor3A_446 : i32 to vector<16xi32>
      %xor3A_448 = arith.xori %iota3A_157, %xor3A_447 : vector<16xi32>
      %reshape3A_449 = vector.shape_cast %xor3A_448 : vector<16xi32> to vector<16x1xi32>
      %gather3A_450 = vector.shape_cast %reshape3A_449 : vector<16x1xi32> to vector<16xi32>
      %gather3A_451 = tpu.dynamic_gather %add3A_442[%gather3A_450] in [0] : vector<16xf32>, vector<16xi32> -> vector<16xf32>
      %add3A_452 = arith.addf %add3A_442, %gather3A_451 : vector<16xf32>
      %xor3A_453 = arith.constant 4 : i32
      %xor3A_454 = vector.broadcast %xor3A_453 : i32 to vector<16xi32>
      %xor3A_455 = arith.xori %iota3A_157, %xor3A_454 : vector<16xi32>
      %reshape3A_456 = vector.shape_cast %xor3A_455 : vector<16xi32> to vector<16x1xi32>
      %gather3A_457 = vector.shape_cast %reshape3A_456 : vector<16x1xi32> to vector<16xi32>
      %gather3A_458 = tpu.dynamic_gather %add3A_452[%gather3A_457] in [0] : vector<16xf32>, vector<16xi32> -> vector<16xf32>
      %add3A_459 = arith.addf %add3A_452, %gather3A_458 : vector<16xf32>
      %xor3A_460 = arith.constant 2 : i32
      %xor3A_461 = vector.broadcast %xor3A_460 : i32 to vector<16xi32>
      %xor3A_462 = arith.xori %iota3A_157, %xor3A_461 : vector<16xi32>
      %reshape3A_463 = vector.shape_cast %xor3A_462 : vector<16xi32> to vector<16x1xi32>
      %gather3A_464 = vector.shape_cast %reshape3A_463 : vector<16x1xi32> to vector<16xi32>
      %gather3A_465 = tpu.dynamic_gather %add3A_459[%gather3A_464] in [0] : vector<16xf32>, vector<16xi32> -> vector<16xf32>
      %add3A_466 = arith.addf %add3A_459, %gather3A_465 : vector<16xf32>
      %xor3A_467 = arith.constant 1 : i32
      %xor3A_468 = vector.broadcast %xor3A_467 : i32 to vector<16xi32>
      %xor3A_469 = arith.xori %iota3A_157, %xor3A_468 : vector<16xi32>
      %reshape3A_470 = vector.shape_cast %xor3A_469 : vector<16xi32> to vector<16x1xi32>
      %gather3A_471 = vector.shape_cast %reshape3A_470 : vector<16x1xi32> to vector<16xi32>
      %gather3A_472 = tpu.dynamic_gather %add3A_466[%gather3A_471] in [0] : vector<16xf32>, vector<16xi32> -> vector<16xf32>
      %add3A_473 = arith.addf %add3A_466, %gather3A_472 : vector<16xf32>
      %xor3A_474 = arith.constant 8 : i32
      %xor3A_475 = vector.broadcast %xor3A_474 : i32 to vector<16xi32>
      %xor3A_476 = arith.xori %iota3A_157, %xor3A_475 : vector<16xi32>
      %reshape3A_477 = vector.shape_cast %xor3A_476 : vector<16xi32> to vector<16x1xi32>
      %gather3A_478 = vector.shape_cast %reshape3A_477 : vector<16x1xi32> to vector<16xi32>
      %gather3A_479 = tpu.dynamic_gather %add3A_445[%gather3A_478] in [0] : vector<16xf32>, vector<16xi32> -> vector<16xf32>
      %add3A_480 = arith.addf %add3A_445, %gather3A_479 : vector<16xf32>
      %xor3A_481 = arith.constant 4 : i32
      %xor3A_482 = vector.broadcast %xor3A_481 : i32 to vector<16xi32>
      %xor3A_483 = arith.xori %iota3A_157, %xor3A_482 : vector<16xi32>
      %reshape3A_484 = vector.shape_cast %xor3A_483 : vector<16xi32> to vector<16x1xi32>
      %gather3A_485 = vector.shape_cast %reshape3A_484 : vector<16x1xi32> to vector<16xi32>
      %gather3A_486 = tpu.dynamic_gather %add3A_480[%gather3A_485] in [0] : vector<16xf32>, vector<16xi32> -> vector<16xf32>
      %add3A_487 = arith.addf %add3A_480, %gather3A_486 : vector<16xf32>
      %xor3A_488 = arith.constant 2 : i32
      %xor3A_489 = vector.broadcast %xor3A_488 : i32 to vector<16xi32>
      %xor3A_490 = arith.xori %iota3A_157, %xor3A_489 : vector<16xi32>
      %reshape3A_491 = vector.shape_cast %xor3A_490 : vector<16xi32> to vector<16x1xi32>
      %gather3A_492 = vector.shape_cast %reshape3A_491 : vector<16x1xi32> to vector<16xi32>
      %gather3A_493 = tpu.dynamic_gather %add3A_487[%gather3A_492] in [0] : vector<16xf32>, vector<16xi32> -> vector<16xf32>
      %add3A_494 = arith.addf %add3A_487, %gather3A_493 : vector<16xf32>
      %xor3A_495 = arith.constant 1 : i32
      %xor3A_496 = vector.broadcast %xor3A_495 : i32 to vector<16xi32>
      %xor3A_497 = arith.xori %iota3A_157, %xor3A_496 : vector<16xi32>
      %reshape3A_498 = vector.shape_cast %xor3A_497 : vector<16xi32> to vector<16x1xi32>
      %gather3A_499 = vector.shape_cast %reshape3A_498 : vector<16x1xi32> to vector<16xi32>
      %gather3A_500 = tpu.dynamic_gather %add3A_494[%gather3A_499] in [0] : vector<16xf32>, vector<16xi32> -> vector<16xf32>
      %add3A_501 = arith.addf %add3A_494, %gather3A_500 : vector<16xf32>
      %broadcast_in_dim3A_502 = arith.constant 1 : i32
      %broadcast_in_dim3A_503 = vector.broadcast %broadcast_in_dim3A_502 : i32 to vector<16xi32>
      %reshape3A_504 = vector.shape_cast %broadcast_in_dim3A_503 : vector<16xi32> to vector<16x1xi32>
      %gather3A_505 = vector.shape_cast %reshape3A_504 : vector<16x1xi32> to vector<16xi32>
      %gather3A_506 = tpu.dynamic_gather %get3A_168[%gather3A_505] in [0] : vector<16xi32>, vector<16xi32> -> vector<16xi32>
      %reshape3A_507 = vector.shape_cast %broadcast_in_dim3A_503 : vector<16xi32> to vector<16x1xi32>
      %gather3A_508 = vector.shape_cast %reshape3A_507 : vector<16x1xi32> to vector<16xi32>
      %gather3A_509 = tpu.dynamic_gather %get3A_173[%gather3A_508] in [0] : vector<16xi32>, vector<16xi32> -> vector<16xi32>
      %lt3A_510 = arith.cmpf olt, %add3A_501, %add3A_473 : vector<16xf32>
      %jit3A_511 = arith.constant 1 : i32
      %jit3A_512 = arith.constant 0 : i32
      %broadcast_in_dim3A_513 = vector.broadcast %jit3A_511 : i32 to vector<16xi32>
      %broadcast_in_dim3A_514 = vector.broadcast %jit3A_512 : i32 to vector<16xi32>
      %select_n3A_515 = arith.select %lt3A_510, %broadcast_in_dim3A_513, %broadcast_in_dim3A_514 : vector<16xi1>, vector<16xi32>
      %eq3A_516 = arith.cmpf oeq, %add3A_501, %add3A_473 : vector<16xf32>
      %jit3A_517 = arith.constant 1 : i32
      %jit3A_518 = arith.constant 0 : i32
      %broadcast_in_dim3A_519 = vector.broadcast %jit3A_517 : i32 to vector<16xi32>
      %broadcast_in_dim3A_520 = vector.broadcast %jit3A_518 : i32 to vector<16xi32>
      %select_n3A_521 = arith.select %eq3A_516, %broadcast_in_dim3A_519, %broadcast_in_dim3A_520 : vector<16xi1>, vector<16xi32>
      %lt3A_522 = arith.cmpi slt, %gather3A_509, %gather3A_506 : vector<16xi32>
      %jit3A_523 = arith.constant 1 : i32
      %jit3A_524 = arith.constant 0 : i32
      %broadcast_in_dim3A_525 = vector.broadcast %jit3A_523 : i32 to vector<16xi32>
      %broadcast_in_dim3A_526 = vector.broadcast %jit3A_524 : i32 to vector<16xi32>
      %select_n3A_527 = arith.select %lt3A_522, %broadcast_in_dim3A_525, %broadcast_in_dim3A_526 : vector<16xi1>, vector<16xi32>
      %mul3A_528 = arith.muli %select_n3A_521, %select_n3A_527 : vector<16xi32>
      %add3A_529 = arith.addi %select_n3A_515, %mul3A_528 : vector<16xi32>
      %gt3A_530 = arith.constant 0 : i32
      %gt3A_531 = vector.broadcast %gt3A_530 : i32 to vector<16xi32>
      %gt3A_532 = arith.cmpi sgt, %add3A_529, %gt3A_531 : vector<16xi32>
      %eq3A_533 = arith.constant 1 : i32
      %eq3A_534 = vector.broadcast %eq3A_533 : i32 to vector<16xi32>
      %eq3A_535 = arith.cmpi eq, %iota3A_157, %eq3A_534 : vector<16xi32>
      %select_n3A_536 = arith.select %gt3A_532, %gather3A_509, %gather3A_506 : vector<16xi1>, vector<16xi32>
      %select_n3A_537 = arith.select %eq3A_535, %select_n3A_536, %select_n3A_341 : vector<16xi1>, vector<16xi32>
      %select_n3A_538 = arith.select %gt3A_532, %get3A_385, %get3A_381 : vector<16xi1>, vector<16xf32>
      %swap3A_539 = arith.index_cast %add3A_369 : i32 to index
      %swap3A_540 = arith.constant 0 : index
      %swap3A_541 = tpu.vector_load %arg15[%swap3A_539, %swap3A_540] {strides = array<i32>} : memref<128x64xf32, #tpu.memory_space<vmem>>, vector<1x16xf32>,
      %swap3A_542 = vector.shape_cast %swap3A_541 : vector<1x16xf32> to vector<16xf32>
      %swap3A_543 = vector.shape_cast %select_n3A_538 : vector<16xf32> to vector<1x16xf32>
      tpu.vector_store %arg15[%swap3A_539, %swap3A_540], %swap3A_543 {strides = array<i32>} : memref<128x64xf32, #tpu.memory_space<vmem>>, vector<1x16xf32>,
      %select_n3A_544 = arith.select %gt3A_532, %get3A_403, %get3A_399 : vector<16xi1>, vector<16xf32>
      %swap3A_545 = arith.index_cast %add3A_369 : i32 to index
      %swap3A_546 = arith.constant 16 : index
      %swap3A_547 = tpu.vector_load %arg15[%swap3A_545, %swap3A_546] {strides = array<i32>} : memref<128x64xf32, #tpu.memory_space<vmem>>, vector<1x16xf32>,
      %swap3A_548 = vector.shape_cast %swap3A_547 : vector<1x16xf32> to vector<16xf32>
      %swap3A_549 = vector.shape_cast %select_n3A_544 : vector<16xf32> to vector<1x16xf32>
      tpu.vector_store %arg15[%swap3A_545, %swap3A_546], %swap3A_549 {strides = array<i32>} : memref<128x64xf32, #tpu.memory_space<vmem>>, vector<1x16xf32>,
      %select_n3A_550 = arith.select %gt3A_532, %get3A_421, %get3A_417 : vector<16xi1>, vector<16xf32>
      %swap3A_551 = arith.index_cast %add3A_369 : i32 to index
      %swap3A_552 = arith.constant 32 : index
      %swap3A_553 = tpu.vector_load %arg15[%swap3A_551, %swap3A_552] {strides = array<i32>} : memref<128x64xf32, #tpu.memory_space<vmem>>, vector<1x16xf32>,
      %swap3A_554 = vector.shape_cast %swap3A_553 : vector<1x16xf32> to vector<16xf32>
      %swap3A_555 = vector.shape_cast %select_n3A_550 : vector<16xf32> to vector<1x16xf32>
      tpu.vector_store %arg15[%swap3A_551, %swap3A_552], %swap3A_555 {strides = array<i32>} : memref<128x64xf32, #tpu.memory_space<vmem>>, vector<1x16xf32>,
      %select_n3A_556 = arith.select %gt3A_532, %get3A_439, %get3A_435 : vector<16xi1>, vector<16xf32>
      %swap3A_557 = arith.index_cast %add3A_369 : i32 to index
      %swap3A_558 = arith.constant 48 : index
      %swap3A_559 = tpu.vector_load %arg15[%swap3A_557, %swap3A_558] {strides = array<i32>} : memref<128x64xf32, #tpu.memory_space<vmem>>, vector<1x16xf32>,
      %swap3A_560 = vector.shape_cast %swap3A_559 : vector<1x16xf32> to vector<16xf32>
      %swap3A_561 = vector.shape_cast %select_n3A_556 : vector<16xf32> to vector<1x16xf32>
      tpu.vector_store %arg15[%swap3A_557, %swap3A_558], %swap3A_561 {strides = array<i32>} : memref<128x64xf32, #tpu.memory_space<vmem>>, vector<1x16xf32>,
      %mul3A_562 = arith.constant 16 : i32
      %mul3A_563 = arith.muli %scan3A_163, %mul3A_562 : i32
      %add3A_564 = arith.constant 2 : i32
      %add3A_565 = arith.addi %mul3A_563, %add3A_564 : i32
      %broadcast_in_dim3A_566 = arith.constant 0.000000e+00 : f32
      %broadcast_in_dim3A_567 = vector.broadcast %broadcast_in_dim3A_566 : f32 to vector<16xf32>
      %broadcast_in_dim3A_568 = arith.constant 0.000000e+00 : f32
      %broadcast_in_dim3A_569 = vector.broadcast %broadcast_in_dim3A_568 : f32 to vector<16xf32>
      %get3A_570 = arith.index_cast %add3A_565 : i32 to index
      %get3A_571 = arith.constant 0 : index
      %get3A_572 = tpu.vector_load %arg12[%get3A_570, %get3A_571] {strides = array<i32>} : memref<128x64xf32, #tpu.memory_space<vmem>>, vector<1x16xf32>,
      %get3A_573 = vector.shape_cast %get3A_572 : vector<1x16xf32> to vector<16xf32>
      %get3A_574 = arith.index_cast %add3A_565 : i32 to index
      %get3A_575 = arith.constant 0 : index
      %get3A_576 = tpu.vector_load %arg13[%get3A_574, %get3A_575] {strides = array<i32>} : memref<128x128xf32, #tpu.memory_space<vmem>>, vector<1x16xf32>,
      %get3A_577 = vector.shape_cast %get3A_576 : vector<1x16xf32> to vector<16xf32>
      %get3A_578 = arith.index_cast %add3A_565 : i32 to index
      %get3A_579 = arith.constant 0 : index
      %get3A_580 = tpu.vector_load %arg14[%get3A_578, %get3A_579] {strides = array<i32>} : memref<128x128xf32, #tpu.memory_space<vmem>>, vector<1x16xf32>,
      %get3A_581 = vector.shape_cast %get3A_580 : vector<1x16xf32> to vector<16xf32>
      %sub3A_582 = arith.subf %get3A_573, %get3A_577 : vector<16xf32>
      %mul3A_583 = arith.mulf %sub3A_582, %sub3A_582 : vector<16xf32>
      %add3A_584 = arith.addf %broadcast_in_dim3A_567, %mul3A_583 : vector<16xf32>
      %sub3A_585 = arith.subf %get3A_573, %get3A_581 : vector<16xf32>
      %mul3A_586 = arith.mulf %sub3A_585, %sub3A_585 : vector<16xf32>
      %add3A_587 = arith.addf %broadcast_in_dim3A_569, %mul3A_586 : vector<16xf32>
      %get3A_588 = arith.index_cast %add3A_565 : i32 to index
      %get3A_589 = arith.constant 16 : index
      %get3A_590 = tpu.vector_load %arg12[%get3A_588, %get3A_589] {strides = array<i32>} : memref<128x64xf32, #tpu.memory_space<vmem>>, vector<1x16xf32>,
      %get3A_591 = vector.shape_cast %get3A_590 : vector<1x16xf32> to vector<16xf32>
      %get3A_592 = arith.index_cast %add3A_565 : i32 to index
      %get3A_593 = arith.constant 16 : index
      %get3A_594 = tpu.vector_load %arg13[%get3A_592, %get3A_593] {strides = array<i32>} : memref<128x128xf32, #tpu.memory_space<vmem>>, vector<1x16xf32>,
      %get3A_595 = vector.shape_cast %get3A_594 : vector<1x16xf32> to vector<16xf32>
      %get3A_596 = arith.index_cast %add3A_565 : i32 to index
      %get3A_597 = arith.constant 16 : index
      %get3A_598 = tpu.vector_load %arg14[%get3A_596, %get3A_597] {strides = array<i32>} : memref<128x128xf32, #tpu.memory_space<vmem>>, vector<1x16xf32>,
      %get3A_599 = vector.shape_cast %get3A_598 : vector<1x16xf32> to vector<16xf32>
      %sub3A_600 = arith.subf %get3A_591, %get3A_595 : vector<16xf32>
      %mul3A_601 = arith.mulf %sub3A_600, %sub3A_600 : vector<16xf32>
      %add3A_602 = arith.addf %add3A_584, %mul3A_601 : vector<16xf32>
      %sub3A_603 = arith.subf %get3A_591, %get3A_599 : vector<16xf32>
      %mul3A_604 = arith.mulf %sub3A_603, %sub3A_603 : vector<16xf32>
      %add3A_605 = arith.addf %add3A_587, %mul3A_604 : vector<16xf32>
      %get3A_606 = arith.index_cast %add3A_565 : i32 to index
      %get3A_607 = arith.constant 32 : index
      %get3A_608 = tpu.vector_load %arg12[%get3A_606, %get3A_607] {strides = array<i32>} : memref<128x64xf32, #tpu.memory_space<vmem>>, vector<1x16xf32>,
      %get3A_609 = vector.shape_cast %get3A_608 : vector<1x16xf32> to vector<16xf32>
      %get3A_610 = arith.index_cast %add3A_565 : i32 to index
      %get3A_611 = arith.constant 32 : index
      %get3A_612 = tpu.vector_load %arg13[%get3A_610, %get3A_611] {strides = array<i32>} : memref<128x128xf32, #tpu.memory_space<vmem>>, vector<1x16xf32>,
      %get3A_613 = vector.shape_cast %get3A_612 : vector<1x16xf32> to vector<16xf32>
      %get3A_614 = arith.index_cast %add3A_565 : i32 to index
      %get3A_615 = arith.constant 32 : index
      %get3A_616 = tpu.vector_load %arg14[%get3A_614, %get3A_615] {strides = array<i32>} : memref<128x128xf32, #tpu.memory_space<vmem>>, vector<1x16xf32>,
      %get3A_617 = vector.shape_cast %get3A_616 : vector<1x16xf32> to vector<16xf32>
      %sub3A_618 = arith.subf %get3A_609, %get3A_613 : vector<16xf32>
      %mul3A_619 = arith.mulf %sub3A_618, %sub3A_618 : vector<16xf32>
      %add3A_620 = arith.addf %add3A_602, %mul3A_619 : vector<16xf32>
      %sub3A_621 = arith.subf %get3A_609, %get3A_617 : vector<16xf32>
      %mul3A_622 = arith.mulf %sub3A_621, %sub3A_621 : vector<16xf32>
      %add3A_623 = arith.addf %add3A_605, %mul3A_622 : vector<16xf32>
      %get3A_624 = arith.index_cast %add3A_565 : i32 to index
      %get3A_625 = arith.constant 48 : index
      %get3A_626 = tpu.vector_load %arg12[%get3A_624, %get3A_625] {strides = array<i32>} : memref<128x64xf32, #tpu.memory_space<vmem>>, vector<1x16xf32>,
      %get3A_627 = vector.shape_cast %get3A_626 : vector<1x16xf32> to vector<16xf32>
      %get3A_628 = arith.index_cast %add3A_565 : i32 to index
      %get3A_629 = arith.constant 48 : index
      %get3A_630 = tpu.vector_load %arg13[%get3A_628, %get3A_629] {strides = array<i32>} : memref<128x128xf32, #tpu.memory_space<vmem>>, vector<1x16xf32>,
      %get3A_631 = vector.shape_cast %get3A_630 : vector<1x16xf32> to vector<16xf32>
      %get3A_632 = arith.index_cast %add3A_565 : i32 to index
      %get3A_633 = arith.constant 48 : index
      %get3A_634 = tpu.vector_load %arg14[%get3A_632, %get3A_633] {strides = array<i32>} : memref<128x128xf32, #tpu.memory_space<vmem>>, vector<1x16xf32>,
      %get3A_635 = vector.shape_cast %get3A_634 : vector<1x16xf32> to vector<16xf32>
      %sub3A_636 = arith.subf %get3A_627, %get3A_631 : vector<16xf32>
      %mul3A_637 = arith.mulf %sub3A_636, %sub3A_636 : vector<16xf32>
      %add3A_638 = arith.addf %add3A_620, %mul3A_637 : vector<16xf32>
      %sub3A_639 = arith.subf %get3A_627, %get3A_635 : vector<16xf32>
      %mul3A_640 = arith.mulf %sub3A_639, %sub3A_639 : vector<16xf32>
      %add3A_641 = arith.addf %add3A_623, %mul3A_640 : vector<16xf32>
      %xor3A_642 = arith.constant 8 : i32
      %xor3A_643 = vector.broadcast %xor3A_642 : i32 to vector<16xi32>
      %xor3A_644 = arith.xori %iota3A_157, %xor3A_643 : vector<16xi32>
      %reshape3A_645 = vector.shape_cast %xor3A_644 : vector<16xi32> to vector<16x1xi32>
      %gather3A_646 = vector.shape_cast %reshape3A_645 : vector<16x1xi32> to vector<16xi32>
      %gather3A_647 = tpu.dynamic_gather %add3A_638[%gather3A_646] in [0] : vector<16xf32>, vector<16xi32> -> vector<16xf32>
      %add3A_648 = arith.addf %add3A_638, %gather3A_647 : vector<16xf32>
      %xor3A_649 = arith.constant 4 : i32
      %xor3A_650 = vector.broadcast %xor3A_649 : i32 to vector<16xi32>
      %xor3A_651 = arith.xori %iota3A_157, %xor3A_650 : vector<16xi32>
      %reshape3A_652 = vector.shape_cast %xor3A_651 : vector<16xi32> to vector<16x1xi32>
      %gather3A_653 = vector.shape_cast %reshape3A_652 : vector<16x1xi32> to vector<16xi32>
      %gather3A_654 = tpu.dynamic_gather %add3A_648[%gather3A_653] in [0] : vector<16xf32>, vector<16xi32> -> vector<16xf32>
      %add3A_655 = arith.addf %add3A_648, %gather3A_654 : vector<16xf32>
      %xor3A_656 = arith.constant 2 : i32
      %xor3A_657 = vector.broadcast %xor3A_656 : i32 to vector<16xi32>
      %xor3A_658 = arith.xori %iota3A_157, %xor3A_657 : vector<16xi32>
      %reshape3A_659 = vector.shape_cast %xor3A_658 : vector<16xi32> to vector<16x1xi32>
      %gather3A_660 = vector.shape_cast %reshape3A_659 : vector<16x1xi32> to vector<16xi32>
      %gather3A_661 = tpu.dynamic_gather %add3A_655[%gather3A_660] in [0] : vector<16xf32>, vector<16xi32> -> vector<16xf32>
      %add3A_662 = arith.addf %add3A_655, %gather3A_661 : vector<16xf32>
      %xor3A_663 = arith.constant 1 : i32
      %xor3A_664 = vector.broadcast %xor3A_663 : i32 to vector<16xi32>
      %xor3A_665 = arith.xori %iota3A_157, %xor3A_664 : vector<16xi32>
      %reshape3A_666 = vector.shape_cast %xor3A_665 : vector<16xi32> to vector<16x1xi32>
      %gather3A_667 = vector.shape_cast %reshape3A_666 : vector<16x1xi32> to vector<16xi32>
      %gather3A_668 = tpu.dynamic_gather %add3A_662[%gather3A_667] in [0] : vector<16xf32>, vector<16xi32> -> vector<16xf32>
      %add3A_669 = arith.addf %add3A_662, %gather3A_668 : vector<16xf32>
      %xor3A_670 = arith.constant 8 : i32
      %xor3A_671 = vector.broadcast %xor3A_670 : i32 to vector<16xi32>
      %xor3A_672 = arith.xori %iota3A_157, %xor3A_671 : vector<16xi32>
      %reshape3A_673 = vector.shape_cast %xor3A_672 : vector<16xi32> to vector<16x1xi32>
      %gather3A_674 = vector.shape_cast %reshape3A_673 : vector<16x1xi32> to vector<16xi32>
      %gather3A_675 = tpu.dynamic_gather %add3A_641[%gather3A_674] in [0] : vector<16xf32>, vector<16xi32> -> vector<16xf32>
      %add3A_676 = arith.addf %add3A_641, %gather3A_675 : vector<16xf32>
      %xor3A_677 = arith.constant 4 : i32
      %xor3A_678 = vector.broadcast %xor3A_677 : i32 to vector<16xi32>
      %xor3A_679 = arith.xori %iota3A_157, %xor3A_678 : vector<16xi32>
      %reshape3A_680 = vector.shape_cast %xor3A_679 : vector<16xi32> to vector<16x1xi32>
      %gather3A_681 = vector.shape_cast %reshape3A_680 : vector<16x1xi32> to vector<16xi32>
      %gather3A_682 = tpu.dynamic_gather %add3A_676[%gather3A_681] in [0] : vector<16xf32>, vector<16xi32> -> vector<16xf32>
      %add3A_683 = arith.addf %add3A_676, %gather3A_682 : vector<16xf32>
      %xor3A_684 = arith.constant 2 : i32
      %xor3A_685 = vector.broadcast %xor3A_684 : i32 to vector<16xi32>
      %xor3A_686 = arith.xori %iota3A_157, %xor3A_685 : vector<16xi32>
      %reshape3A_687 = vector.shape_cast %xor3A_686 : vector<16xi32> to vector<16x1xi32>
      %gather3A_688 = vector.shape_cast %reshape3A_687 : vector<16x1xi32> to vector<16xi32>
      %gather3A_689 = tpu.dynamic_gather %add3A_683[%gather3A_688] in [0] : vector<16xf32>, vector<16xi32> -> vector<16xf32>
      %add3A_690 = arith.addf %add3A_683, %gather3A_689 : vector<16xf32>
      %xor3A_691 = arith.constant 1 : i32
      %xor3A_692 = vector.broadcast %xor3A_691 : i32 to vector<16xi32>
      %xor3A_693 = arith.xori %iota3A_157, %xor3A_692 : vector<16xi32>
      %reshape3A_694 = vector.shape_cast %xor3A_693 : vector<16xi32> to vector<16x1xi32>
      %gather3A_695 = vector.shape_cast %reshape3A_694 : vector<16x1xi32> to vector<16xi32>
      %gather3A_696 = tpu.dynamic_gather %add3A_690[%gather3A_695] in [0] : vector<16xf32>, vector<16xi32> -> vector<16xf32>
      %add3A_697 = arith.addf %add3A_690, %gather3A_696 : vector<16xf32>
      %broadcast_in_dim3A_698 = arith.constant 2 : i32
      %broadcast_in_dim3A_699 = vector.broadcast %broadcast_in_dim3A_698 : i32 to vector<16xi32>
      %reshape3A_700 = vector.shape_cast %broadcast_in_dim3A_699 : vector<16xi32> to vector<16x1xi32>
      %gather3A_701 = vector.shape_cast %reshape3A_700 : vector<16x1xi32> to vector<16xi32>
      %gather3A_702 = tpu.dynamic_gather %get3A_168[%gather3A_701] in [0] : vector<16xi32>, vector<16xi32> -> vector<16xi32>
      %reshape3A_703 = vector.shape_cast %broadcast_in_dim3A_699 : vector<16xi32> to vector<16x1xi32>
      %gather3A_704 = vector.shape_cast %reshape3A_703 : vector<16x1xi32> to vector<16xi32>
      %gather3A_705 = tpu.dynamic_gather %get3A_173[%gather3A_704] in [0] : vector<16xi32>, vector<16xi32> -> vector<16xi32>
      %lt3A_706 = arith.cmpf olt, %add3A_697, %add3A_669 : vector<16xf32>
      %jit3A_707 = arith.constant 1 : i32
      %jit3A_708 = arith.constant 0 : i32
      %broadcast_in_dim3A_709 = vector.broadcast %jit3A_707 : i32 to vector<16xi32>
      %broadcast_in_dim3A_710 = vector.broadcast %jit3A_708 : i32 to vector<16xi32>
      %select_n3A_711 = arith.select %lt3A_706, %broadcast_in_dim3A_709, %broadcast_in_dim3A_710 : vector<16xi1>, vector<16xi32>
      %eq3A_712 = arith.cmpf oeq, %add3A_697, %add3A_669 : vector<16xf32>
      %jit3A_713 = arith.constant 1 : i32
      %jit3A_714 = arith.constant 0 : i32
      %broadcast_in_dim3A_715 = vector.broadcast %jit3A_713 : i32 to vector<16xi32>
      %broadcast_in_dim3A_716 = vector.broadcast %jit3A_714 : i32 to vector<16xi32>
      %select_n3A_717 = arith.select %eq3A_712, %broadcast_in_dim3A_715, %broadcast_in_dim3A_716 : vector<16xi1>, vector<16xi32>
      %lt3A_718 = arith.cmpi slt, %gather3A_705, %gather3A_702 : vector<16xi32>
      %jit3A_719 = arith.constant 1 : i32
      %jit3A_720 = arith.constant 0 : i32
      %broadcast_in_dim3A_721 = vector.broadcast %jit3A_719 : i32 to vector<16xi32>
      %broadcast_in_dim3A_722 = vector.broadcast %jit3A_720 : i32 to vector<16xi32>
      %select_n3A_723 = arith.select %lt3A_718, %broadcast_in_dim3A_721, %broadcast_in_dim3A_722 : vector<16xi1>, vector<16xi32>
      %mul3A_724 = arith.muli %select_n3A_717, %select_n3A_723 : vector<16xi32>
      %add3A_725 = arith.addi %select_n3A_711, %mul3A_724 : vector<16xi32>
      %gt3A_726 = arith.constant 0 : i32
      %gt3A_727 = vector.broadcast %gt3A_726 : i32 to vector<16xi32>
      %gt3A_728 = arith.cmpi sgt, %add3A_725, %gt3A_727 : vector<16xi32>
      %eq3A_729 = arith.constant 2 : i32
      %eq3A_730 = vector.broadcast %eq3A_729 : i32 to vector<16xi32>
      %eq3A_731 = arith.cmpi eq, %iota3A_157, %eq3A_730 : vector<16xi32>
      %select_n3A_732 = arith.select %gt3A_728, %gather3A_705, %gather3A_702 : vector<16xi1>, vector<16xi32>
      %select_n3A_733 = arith.select %eq3A_731, %select_n3A_732, %select_n3A_537 : vector<16xi1>, vector<16xi32>
      %select_n3A_734 = arith.select %gt3A_728, %get3A_581, %get3A_577 : vector<16xi1>, vector<16xf32>
      %swap3A_735 = arith.index_cast %add3A_565 : i32 to index
      %swap3A_736 = arith.constant 0 : index
      %swap3A_737 = tpu.vector_load %arg15[%swap3A_735, %swap3A_736] {strides = array<i32>} : memref<128x64xf32, #tpu.memory_space<vmem>>, vector<1x16xf32>,
      %swap3A_738 = vector.shape_cast %swap3A_737 : vector<1x16xf32> to vector<16xf32>
      %swap3A_739 = vector.shape_cast %select_n3A_734 : vector<16xf32> to vector<1x16xf32>
      tpu.vector_store %arg15[%swap3A_735, %swap3A_736], %swap3A_739 {strides = array<i32>} : memref<128x64xf32, #tpu.memory_space<vmem>>, vector<1x16xf32>,
      %select_n3A_740 = arith.select %gt3A_728, %get3A_599, %get3A_595 : vector<16xi1>, vector<16xf32>
      %swap3A_741 = arith.index_cast %add3A_565 : i32 to index
      %swap3A_742 = arith.constant 16 : index
      %swap3A_743 = tpu.vector_load %arg15[%swap3A_741, %swap3A_742] {strides = array<i32>} : memref<128x64xf32, #tpu.memory_space<vmem>>, vector<1x16xf32>,
      %swap3A_744 = vector.shape_cast %swap3A_743 : vector<1x16xf32> to vector<16xf32>
      %swap3A_745 = vector.shape_cast %select_n3A_740 : vector<16xf32> to vector<1x16xf32>
      tpu.vector_store %arg15[%swap3A_741, %swap3A_742], %swap3A_745 {strides = array<i32>} : memref<128x64xf32, #tpu.memory_space<vmem>>, vector<1x16xf32>,
      %select_n3A_746 = arith.select %gt3A_728, %get3A_617, %get3A_613 : vector<16xi1>, vector<16xf32>
      %swap3A_747 = arith.index_cast %add3A_565 : i32 to index
      %swap3A_748 = arith.constant 32 : index
      %swap3A_749 = tpu.vector_load %arg15[%swap3A_747, %swap3A_748] {strides = array<i32>} : memref<128x64xf32, #tpu.memory_space<vmem>>, vector<1x16xf32>,
      %swap3A_750 = vector.shape_cast %swap3A_749 : vector<1x16xf32> to vector<16xf32>
      %swap3A_751 = vector.shape_cast %select_n3A_746 : vector<16xf32> to vector<1x16xf32>
      tpu.vector_store %arg15[%swap3A_747, %swap3A_748], %swap3A_751 {strides = array<i32>} : memref<128x64xf32, #tpu.memory_space<vmem>>, vector<1x16xf32>,
      %select_n3A_752 = arith.select %gt3A_728, %get3A_635, %get3A_631 : vector<16xi1>, vector<16xf32>
      %swap3A_753 = arith.index_cast %add3A_565 : i32 to index
      %swap3A_754 = arith.constant 48 : index
      %swap3A_755 = tpu.vector_load %arg15[%swap3A_753, %swap3A_754] {strides = array<i32>} : memref<128x64xf32, #tpu.memory_space<vmem>>, vector<1x16xf32>,
      %swap3A_756 = vector.shape_cast %swap3A_755 : vector<1x16xf32> to vector<16xf32>
      %swap3A_757 = vector.shape_cast %select_n3A_752 : vector<16xf32> to vector<1x16xf32>
      tpu.vector_store %arg15[%swap3A_753, %swap3A_754], %swap3A_757 {strides = array<i32>} : memref<128x64xf32, #tpu.memory_space<vmem>>, vector<1x16xf32>,
      %mul3A_758 = arith.constant 16 : i32
      %mul3A_759 = arith.muli %scan3A_163, %mul3A_758 : i32
      %add3A_760 = arith.constant 3 : i32
      %add3A_761 = arith.addi %mul3A_759, %add3A_760 : i32
      %broadcast_in_dim3A_762 = arith.constant 0.000000e+00 : f32
      %broadcast_in_dim3A_763 = vector.broadcast %broadcast_in_dim3A_762 : f32 to vector<16xf32>
      %broadcast_in_dim3A_764 = arith.constant 0.000000e+00 : f32
      %broadcast_in_dim3A_765 = vector.broadcast %broadcast_in_dim3A_764 : f32 to vector<16xf32>
      %get3A_766 = arith.index_cast %add3A_761 : i32 to index
      %get3A_767 = arith.constant 0 : index
      %get3A_768 = tpu.vector_load %arg12[%get3A_766, %get3A_767] {strides = array<i32>} : memref<128x64xf32, #tpu.memory_space<vmem>>, vector<1x16xf32>,
      %get3A_769 = vector.shape_cast %get3A_768 : vector<1x16xf32> to vector<16xf32>
      %get3A_770 = arith.index_cast %add3A_761 : i32 to index
      %get3A_771 = arith.constant 0 : index
      %get3A_772 = tpu.vector_load %arg13[%get3A_770, %get3A_771] {strides = array<i32>} : memref<128x128xf32, #tpu.memory_space<vmem>>, vector<1x16xf32>,
      %get3A_773 = vector.shape_cast %get3A_772 : vector<1x16xf32> to vector<16xf32>
      %get3A_774 = arith.index_cast %add3A_761 : i32 to index
      %get3A_775 = arith.constant 0 : index
      %get3A_776 = tpu.vector_load %arg14[%get3A_774, %get3A_775] {strides = array<i32>} : memref<128x128xf32, #tpu.memory_space<vmem>>, vector<1x16xf32>,
      %get3A_777 = vector.shape_cast %get3A_776 : vector<1x16xf32> to vector<16xf32>
      %sub3A_778 = arith.subf %get3A_769, %get3A_773 : vector<16xf32>
      %mul3A_779 = arith.mulf %sub3A_778, %sub3A_778 : vector<16xf32>
      %add3A_780 = arith.addf %broadcast_in_dim3A_763, %mul3A_779 : vector<16xf32>
      %sub3A_781 = arith.subf %get3A_769, %get3A_777 : vector<16xf32>
      %mul3A_782 = arith.mulf %sub3A_781, %sub3A_781 : vector<16xf32>
      %add3A_783 = arith.addf %broadcast_in_dim3A_765, %mul3A_782 : vector<16xf32>
      %get3A_784 = arith.index_cast %add3A_761 : i32 to index
      %get3A_785 = arith.constant 16 : index
      %get3A_786 = tpu.vector_load %arg12[%get3A_784, %get3A_785] {strides = array<i32>} : memref<128x64xf32, #tpu.memory_space<vmem>>, vector<1x16xf32>,
      %get3A_787 = vector.shape_cast %get3A_786 : vector<1x16xf32> to vector<16xf32>
      %get3A_788 = arith.index_cast %add3A_761 : i32 to index
      %get3A_789 = arith.constant 16 : index
      %get3A_790 = tpu.vector_load %arg13[%get3A_788, %get3A_789] {strides = array<i32>} : memref<128x128xf32, #tpu.memory_space<vmem>>, vector<1x16xf32>,
      %get3A_791 = vector.shape_cast %get3A_790 : vector<1x16xf32> to vector<16xf32>
      %get3A_792 = arith.index_cast %add3A_761 : i32 to index
      %get3A_793 = arith.constant 16 : index
      %get3A_794 = tpu.vector_load %arg14[%get3A_792, %get3A_793] {strides = array<i32>} : memref<128x128xf32, #tpu.memory_space<vmem>>, vector<1x16xf32>,
      %get3A_795 = vector.shape_cast %get3A_794 : vector<1x16xf32> to vector<16xf32>
      %sub3A_796 = arith.subf %get3A_787, %get3A_791 : vector<16xf32>
      %mul3A_797 = arith.mulf %sub3A_796, %sub3A_796 : vector<16xf32>
      %add3A_798 = arith.addf %add3A_780, %mul3A_797 : vector<16xf32>
      %sub3A_799 = arith.subf %get3A_787, %get3A_795 : vector<16xf32>
      %mul3A_800 = arith.mulf %sub3A_799, %sub3A_799 : vector<16xf32>
      %add3A_801 = arith.addf %add3A_783, %mul3A_800 : vector<16xf32>
      %get3A_802 = arith.index_cast %add3A_761 : i32 to index
      %get3A_803 = arith.constant 32 : index
      %get3A_804 = tpu.vector_load %arg12[%get3A_802, %get3A_803] {strides = array<i32>} : memref<128x64xf32, #tpu.memory_space<vmem>>, vector<1x16xf32>,
      %get3A_805 = vector.shape_cast %get3A_804 : vector<1x16xf32> to vector<16xf32>
      %get3A_806 = arith.index_cast %add3A_761 : i32 to index
      %get3A_807 = arith.constant 32 : index
      %get3A_808 = tpu.vector_load %arg13[%get3A_806, %get3A_807] {strides = array<i32>} : memref<128x128xf32, #tpu.memory_space<vmem>>, vector<1x16xf32>,
      %get3A_809 = vector.shape_cast %get3A_808 : vector<1x16xf32> to vector<16xf32>
      %get3A_810 = arith.index_cast %add3A_761 : i32 to index
      %get3A_811 = arith.constant 32 : index
      %get3A_812 = tpu.vector_load %arg14[%get3A_810, %get3A_811] {strides = array<i32>} : memref<128x128xf32, #tpu.memory_space<vmem>>, vector<1x16xf32>,
      %get3A_813 = vector.shape_cast %get3A_812 : vector<1x16xf32> to vector<16xf32>
      %sub3A_814 = arith.subf %get3A_805, %get3A_809 : vector<16xf32>
      %mul3A_815 = arith.mulf %sub3A_814, %sub3A_814 : vector<16xf32>
      %add3A_816 = arith.addf %add3A_798, %mul3A_815 : vector<16xf32>
      %sub3A_817 = arith.subf %get3A_805, %get3A_813 : vector<16xf32>
      %mul3A_818 = arith.mulf %sub3A_817, %sub3A_817 : vector<16xf32>
      %add3A_819 = arith.addf %add3A_801, %mul3A_818 : vector<16xf32>
      %get3A_820 = arith.index_cast %add3A_761 : i32 to index
      %get3A_821 = arith.constant 48 : index
      %get3A_822 = tpu.vector_load %arg12[%get3A_820, %get3A_821] {strides = array<i32>} : memref<128x64xf32, #tpu.memory_space<vmem>>, vector<1x16xf32>,
      %get3A_823 = vector.shape_cast %get3A_822 : vector<1x16xf32> to vector<16xf32>
      %get3A_824 = arith.index_cast %add3A_761 : i32 to index
      %get3A_825 = arith.constant 48 : index
      %get3A_826 = tpu.vector_load %arg13[%get3A_824, %get3A_825] {strides = array<i32>} : memref<128x128xf32, #tpu.memory_space<vmem>>, vector<1x16xf32>,
      %get3A_827 = vector.shape_cast %get3A_826 : vector<1x16xf32> to vector<16xf32>
      %get3A_828 = arith.index_cast %add3A_761 : i32 to index
      %get3A_829 = arith.constant 48 : index
      %get3A_830 = tpu.vector_load %arg14[%get3A_828, %get3A_829] {strides = array<i32>} : memref<128x128xf32, #tpu.memory_space<vmem>>, vector<1x16xf32>,
      %get3A_831 = vector.shape_cast %get3A_830 : vector<1x16xf32> to vector<16xf32>
      %sub3A_832 = arith.subf %get3A_823, %get3A_827 : vector<16xf32>
      %mul3A_833 = arith.mulf %sub3A_832, %sub3A_832 : vector<16xf32>
      %add3A_834 = arith.addf %add3A_816, %mul3A_833 : vector<16xf32>
      %sub3A_835 = arith.subf %get3A_823, %get3A_831 : vector<16xf32>
      %mul3A_836 = arith.mulf %sub3A_835, %sub3A_835 : vector<16xf32>
      %add3A_837 = arith.addf %add3A_819, %mul3A_836 : vector<16xf32>
      %xor3A_838 = arith.constant 8 : i32
      %xor3A_839 = vector.broadcast %xor3A_838 : i32 to vector<16xi32>
      %xor3A_840 = arith.xori %iota3A_157, %xor3A_839 : vector<16xi32>
      %reshape3A_841 = vector.shape_cast %xor3A_840 : vector<16xi32> to vector<16x1xi32>
      %gather3A_842 = vector.shape_cast %reshape3A_841 : vector<16x1xi32> to vector<16xi32>
      %gather3A_843 = tpu.dynamic_gather %add3A_834[%gather3A_842] in [0] : vector<16xf32>, vector<16xi32> -> vector<16xf32>
      %add3A_844 = arith.addf %add3A_834, %gather3A_843 : vector<16xf32>
      %xor3A_845 = arith.constant 4 : i32
      %xor3A_846 = vector.broadcast %xor3A_845 : i32 to vector<16xi32>
      %xor3A_847 = arith.xori %iota3A_157, %xor3A_846 : vector<16xi32>
      %reshape3A_848 = vector.shape_cast %xor3A_847 : vector<16xi32> to vector<16x1xi32>
      %gather3A_849 = vector.shape_cast %reshape3A_848 : vector<16x1xi32> to vector<16xi32>
      %gather3A_850 = tpu.dynamic_gather %add3A_844[%gather3A_849] in [0] : vector<16xf32>, vector<16xi32> -> vector<16xf32>
      %add3A_851 = arith.addf %add3A_844, %gather3A_850 : vector<16xf32>
      %xor3A_852 = arith.constant 2 : i32
      %xor3A_853 = vector.broadcast %xor3A_852 : i32 to vector<16xi32>
      %xor3A_854 = arith.xori %iota3A_157, %xor3A_853 : vector<16xi32>
      %reshape3A_855 = vector.shape_cast %xor3A_854 : vector<16xi32> to vector<16x1xi32>
      %gather3A_856 = vector.shape_cast %reshape3A_855 : vector<16x1xi32> to vector<16xi32>
      %gather3A_857 = tpu.dynamic_gather %add3A_851[%gather3A_856] in [0] : vector<16xf32>, vector<16xi32> -> vector<16xf32>
      %add3A_858 = arith.addf %add3A_851, %gather3A_857 : vector<16xf32>
      %xor3A_859 = arith.constant 1 : i32
      %xor3A_860 = vector.broadcast %xor3A_859 : i32 to vector<16xi32>
      %xor3A_861 = arith.xori %iota3A_157, %xor3A_860 : vector<16xi32>
      %reshape3A_862 = vector.shape_cast %xor3A_861 : vector<16xi32> to vector<16x1xi32>
      %gather3A_863 = vector.shape_cast %reshape3A_862 : vector<16x1xi32> to vector<16xi32>
      %gather3A_864 = tpu.dynamic_gather %add3A_858[%gather3A_863] in [0] : vector<16xf32>, vector<16xi32> -> vector<16xf32>
      %add3A_865 = arith.addf %add3A_858, %gather3A_864 : vector<16xf32>
      %xor3A_866 = arith.constant 8 : i32
      %xor3A_867 = vector.broadcast %xor3A_866 : i32 to vector<16xi32>
      %xor3A_868 = arith.xori %iota3A_157, %xor3A_867 : vector<16xi32>
      %reshape3A_869 = vector.shape_cast %xor3A_868 : vector<16xi32> to vector<16x1xi32>
      %gather3A_870 = vector.shape_cast %reshape3A_869 : vector<16x1xi32> to vector<16xi32>
      %gather3A_871 = tpu.dynamic_gather %add3A_837[%gather3A_870] in [0] : vector<16xf32>, vector<16xi32> -> vector<16xf32>
      %add3A_872 = arith.addf %add3A_837, %gather3A_871 : vector<16xf32>
      %xor3A_873 = arith.constant 4 : i32
      %xor3A_874 = vector.broadcast %xor3A_873 : i32 to vector<16xi32>
      %xor3A_875 = arith.xori %iota3A_157, %xor3A_874 : vector<16xi32>
      %reshape3A_876 = vector.shape_cast %xor3A_875 : vector<16xi32> to vector<16x1xi32>
      %gather3A_877 = vector.shape_cast %reshape3A_876 : vector<16x1xi32> to vector<16xi32>
      %gather3A_878 = tpu.dynamic_gather %add3A_872[%gather3A_877] in [0] : vector<16xf32>, vector<16xi32> -> vector<16xf32>
      %add3A_879 = arith.addf %add3A_872, %gather3A_878 : vector<16xf32>
      %xor3A_880 = arith.constant 2 : i32
      %xor3A_881 = vector.broadcast %xor3A_880 : i32 to vector<16xi32>
      %xor3A_882 = arith.xori %iota3A_157, %xor3A_881 : vector<16xi32>
      %reshape3A_883 = vector.shape_cast %xor3A_882 : vector<16xi32> to vector<16x1xi32>
      %gather3A_884 = vector.shape_cast %reshape3A_883 : vector<16x1xi32> to vector<16xi32>
      %gather3A_885 = tpu.dynamic_gather %add3A_879[%gather3A_884] in [0] : vector<16xf32>, vector<16xi32> -> vector<16xf32>
      %add3A_886 = arith.addf %add3A_879, %gather3A_885 : vector<16xf32>
      %xor3A_887 = arith.constant 1 : i32
      %xor3A_888 = vector.broadcast %xor3A_887 : i32 to vector<16xi32>
      %xor3A_889 = arith.xori %iota3A_157, %xor3A_888 : vector<16xi32>
      %reshape3A_890 = vector.shape_cast %xor3A_889 : vector<16xi32> to vector<16x1xi32>
      %gather3A_891 = vector.shape_cast %reshape3A_890 : vector<16x1xi32> to vector<16xi32>
      %gather3A_892 = tpu.dynamic_gather %add3A_886[%gather3A_891] in [0] : vector<16xf32>, vector<16xi32> -> vector<16xf32>
      %add3A_893 = arith.addf %add3A_886, %gather3A_892 : vector<16xf32>
      %broadcast_in_dim3A_894 = arith.constant 3 : i32
      %broadcast_in_dim3A_895 = vector.broadcast %broadcast_in_dim3A_894 : i32 to vector<16xi32>
      %reshape3A_896 = vector.shape_cast %broadcast_in_dim3A_895 : vector<16xi32> to vector<16x1xi32>
      %gather3A_897 = vector.shape_cast %reshape3A_896 : vector<16x1xi32> to vector<16xi32>
      %gather3A_898 = tpu.dynamic_gather %get3A_168[%gather3A_897] in [0] : vector<16xi32>, vector<16xi32> -> vector<16xi32>
      %reshape3A_899 = vector.shape_cast %broadcast_in_dim3A_895 : vector<16xi32> to vector<16x1xi32>
      %gather3A_900 = vector.shape_cast %reshape3A_899 : vector<16x1xi32> to vector<16xi32>
      %gather3A_901 = tpu.dynamic_gather %get3A_173[%gather3A_900] in [0] : vector<16xi32>, vector<16xi32> -> vector<16xi32>
      %lt3A_902 = arith.cmpf olt, %add3A_893, %add3A_865 : vector<16xf32>
      %jit3A_903 = arith.constant 1 : i32
      %jit3A_904 = arith.constant 0 : i32
      %broadcast_in_dim3A_905 = vector.broadcast %jit3A_903 : i32 to vector<16xi32>
      %broadcast_in_dim3A_906 = vector.broadcast %jit3A_904 : i32 to vector<16xi32>
      %select_n3A_907 = arith.select %lt3A_902, %broadcast_in_dim3A_905, %broadcast_in_dim3A_906 : vector<16xi1>, vector<16xi32>
      %eq3A_908 = arith.cmpf oeq, %add3A_893, %add3A_865 : vector<16xf32>
      %jit3A_909 = arith.constant 1 : i32
      %jit3A_910 = arith.constant 0 : i32
      %broadcast_in_dim3A_911 = vector.broadcast %jit3A_909 : i32 to vector<16xi32>
      %broadcast_in_dim3A_912 = vector.broadcast %jit3A_910 : i32 to vector<16xi32>
      %select_n3A_913 = arith.select %eq3A_908, %broadcast_in_dim3A_911, %broadcast_in_dim3A_912 : vector<16xi1>, vector<16xi32>
      %lt3A_914 = arith.cmpi slt, %gather3A_901, %gather3A_898 : vector<16xi32>
      %jit3A_915 = arith.constant 1 : i32
      %jit3A_916 = arith.constant 0 : i32
      %broadcast_in_dim3A_917 = vector.broadcast %jit3A_915 : i32 to vector<16xi32>
      %broadcast_in_dim3A_918 = vector.broadcast %jit3A_916 : i32 to vector<16xi32>
      %select_n3A_919 = arith.select %lt3A_914, %broadcast_in_dim3A_917, %broadcast_in_dim3A_918 : vector<16xi1>, vector<16xi32>
      %mul3A_920 = arith.muli %select_n3A_913, %select_n3A_919 : vector<16xi32>
      %add3A_921 = arith.addi %select_n3A_907, %mul3A_920 : vector<16xi32>
      %gt3A_922 = arith.constant 0 : i32
      %gt3A_923 = vector.broadcast %gt3A_922 : i32 to vector<16xi32>
      %gt3A_924 = arith.cmpi sgt, %add3A_921, %gt3A_923 : vector<16xi32>
      %eq3A_925 = arith.constant 3 : i32
      %eq3A_926 = vector.broadcast %eq3A_925 : i32 to vector<16xi32>
      %eq3A_927 = arith.cmpi eq, %iota3A_157, %eq3A_926 : vector<16xi32>
      %select_n3A_928 = arith.select %gt3A_924, %gather3A_901, %gather3A_898 : vector<16xi1>, vector<16xi32>
      %select_n3A_929 = arith.select %eq3A_927, %select_n3A_928, %select_n3A_733 : vector<16xi1>, vector<16xi32>
      %select_n3A_930 = arith.select %gt3A_924, %get3A_777, %get3A_773 : vector<16xi1>, vector<16xf32>
      %swap3A_931 = arith.index_cast %add3A_761 : i32 to index
      %swap3A_932 = arith.constant 0 : index
      %swap3A_933 = tpu.vector_load %arg15[%swap3A_931, %swap3A_932] {strides = array<i32>} : memref<128x64xf32, #tpu.memory_space<vmem>>, vector<1x16xf32>,
      %swap3A_934 = vector.shape_cast %swap3A_933 : vector<1x16xf32> to vector<16xf32>
      %swap3A_935 = vector.shape_cast %select_n3A_930 : vector<16xf32> to vector<1x16xf32>
      tpu.vector_store %arg15[%swap3A_931, %swap3A_932], %swap3A_935 {strides = array<i32>} : memref<128x64xf32, #tpu.memory_space<vmem>>, vector<1x16xf32>,
      %select_n3A_936 = arith.select %gt3A_924, %get3A_795, %get3A_791 : vector<16xi1>, vector<16xf32>
      %swap3A_937 = arith.index_cast %add3A_761 : i32 to index
      %swap3A_938 = arith.constant 16 : index
      %swap3A_939 = tpu.vector_load %arg15[%swap3A_937, %swap3A_938] {strides = array<i32>} : memref<128x64xf32, #tpu.memory_space<vmem>>, vector<1x16xf32>,
      %swap3A_940 = vector.shape_cast %swap3A_939 : vector<1x16xf32> to vector<16xf32>
      %swap3A_941 = vector.shape_cast %select_n3A_936 : vector<16xf32> to vector<1x16xf32>
      tpu.vector_store %arg15[%swap3A_937, %swap3A_938], %swap3A_941 {strides = array<i32>} : memref<128x64xf32, #tpu.memory_space<vmem>>, vector<1x16xf32>,
      %select_n3A_942 = arith.select %gt3A_924, %get3A_813, %get3A_809 : vector<16xi1>, vector<16xf32>
      %swap3A_943 = arith.index_cast %add3A_761 : i32 to index
      %swap3A_944 = arith.constant 32 : index
      %swap3A_945 = tpu.vector_load %arg15[%swap3A_943, %swap3A_944] {strides = array<i32>} : memref<128x64xf32, #tpu.memory_space<vmem>>, vector<1x16xf32>,
      %swap3A_946 = vector.shape_cast %swap3A_945 : vector<1x16xf32> to vector<16xf32>
      %swap3A_947 = vector.shape_cast %select_n3A_942 : vector<16xf32> to vector<1x16xf32>
      tpu.vector_store %arg15[%swap3A_943, %swap3A_944], %swap3A_947 {strides = array<i32>} : memref<128x64xf32, #tpu.memory_space<vmem>>, vector<1x16xf32>,
      %select_n3A_948 = arith.select %gt3A_924, %get3A_831, %get3A_827 : vector<16xi1>, vector<16xf32>
      %swap3A_949 = arith.index_cast %add3A_761 : i32 to index
      %swap3A_950 = arith.constant 48 : index
      %swap3A_951 = tpu.vector_load %arg15[%swap3A_949, %swap3A_950] {strides = array<i32>} : memref<128x64xf32, #tpu.memory_space<vmem>>, vector<1x16xf32>,
      %swap3A_952 = vector.shape_cast %swap3A_951 : vector<1x16xf32> to vector<16xf32>
      %swap3A_953 = vector.shape_cast %select_n3A_948 : vector<16xf32> to vector<1x16xf32>
      tpu.vector_store %arg15[%swap3A_949, %swap3A_950], %swap3A_953 {strides = array<i32>} : memref<128x64xf32, #tpu.memory_space<vmem>>, vector<1x16xf32>,
      %mul3A_954 = arith.constant 16 : i32
      %mul3A_955 = arith.muli %scan3A_163, %mul3A_954 : i32
      %add3A_956 = arith.constant 4 : i32
      %add3A_957 = arith.addi %mul3A_955, %add3A_956 : i32
      %broadcast_in_dim3A_958 = arith.constant 0.000000e+00 : f32
      %broadcast_in_dim3A_959 = vector.broadcast %broadcast_in_dim3A_958 : f32 to vector<16xf32>
      %broadcast_in_dim3A_960 = arith.constant 0.000000e+00 : f32
      %broadcast_in_dim3A_961 = vector.broadcast %broadcast_in_dim3A_960 : f32 to vector<16xf32>
      %get3A_962 = arith.index_cast %add3A_957 : i32 to index
      %get3A_963 = arith.constant 0 : index
      %get3A_964 = tpu.vector_load %arg12[%get3A_962, %get3A_963] {strides = array<i32>} : memref<128x64xf32, #tpu.memory_space<vmem>>, vector<1x16xf32>,
      %get3A_965 = vector.shape_cast %get3A_964 : vector<1x16xf32> to vector<16xf32>
      %get3A_966 = arith.index_cast %add3A_957 : i32 to index
      %get3A_967 = arith.constant 0 : index
      %get3A_968 = tpu.vector_load %arg13[%get3A_966, %get3A_967] {strides = array<i32>} : memref<128x128xf32, #tpu.memory_space<vmem>>, vector<1x16xf32>,
      %get3A_969 = vector.shape_cast %get3A_968 : vector<1x16xf32> to vector<16xf32>
      %get3A_970 = arith.index_cast %add3A_957 : i32 to index
      %get3A_971 = arith.constant 0 : index
      %get3A_972 = tpu.vector_load %arg14[%get3A_970, %get3A_971] {strides = array<i32>} : memref<128x128xf32, #tpu.memory_space<vmem>>, vector<1x16xf32>,
      %get3A_973 = vector.shape_cast %get3A_972 : vector<1x16xf32> to vector<16xf32>
      %sub3A_974 = arith.subf %get3A_965, %get3A_969 : vector<16xf32>
      %mul3A_975 = arith.mulf %sub3A_974, %sub3A_974 : vector<16xf32>
      %add3A_976 = arith.addf %broadcast_in_dim3A_959, %mul3A_975 : vector<16xf32>
      %sub3A_977 = arith.subf %get3A_965, %get3A_973 : vector<16xf32>
      %mul3A_978 = arith.mulf %sub3A_977, %sub3A_977 : vector<16xf32>
      %add3A_979 = arith.addf %broadcast_in_dim3A_961, %mul3A_978 : vector<16xf32>
      %get3A_980 = arith.index_cast %add3A_957 : i32 to index
      %get3A_981 = arith.constant 16 : index
      %get3A_982 = tpu.vector_load %arg12[%get3A_980, %get3A_981] {strides = array<i32>} : memref<128x64xf32, #tpu.memory_space<vmem>>, vector<1x16xf32>,
      %get3A_983 = vector.shape_cast %get3A_982 : vector<1x16xf32> to vector<16xf32>
      %get3A_984 = arith.index_cast %add3A_957 : i32 to index
      %get3A_985 = arith.constant 16 : index
      %get3A_986 = tpu.vector_load %arg13[%get3A_984, %get3A_985] {strides = array<i32>} : memref<128x128xf32, #tpu.memory_space<vmem>>, vector<1x16xf32>,
      %get3A_987 = vector.shape_cast %get3A_986 : vector<1x16xf32> to vector<16xf32>
      %get3A_988 = arith.index_cast %add3A_957 : i32 to index
      %get3A_989 = arith.constant 16 : index
      %get3A_990 = tpu.vector_load %arg14[%get3A_988, %get3A_989] {strides = array<i32>} : memref<128x128xf32, #tpu.memory_space<vmem>>, vector<1x16xf32>,
      %get3A_991 = vector.shape_cast %get3A_990 : vector<1x16xf32> to vector<16xf32>
      %sub3A_992 = arith.subf %get3A_983, %get3A_987 : vector<16xf32>
      %mul3A_993 = arith.mulf %sub3A_992, %sub3A_992 : vector<16xf32>
      %add3A_994 = arith.addf %add3A_976, %mul3A_993 : vector<16xf32>
      %sub3A_995 = arith.subf %get3A_983, %get3A_991 : vector<16xf32>
      %mul3A_996 = arith.mulf %sub3A_995, %sub3A_995 : vector<16xf32>
      %add3A_997 = arith.addf %add3A_979, %mul3A_996 : vector<16xf32>
      %get3A_998 = arith.index_cast %add3A_957 : i32 to index
      %get3A_999 = arith.constant 32 : index
      %get3A_1000 = tpu.vector_load %arg12[%get3A_998, %get3A_999] {strides = array<i32>} : memref<128x64xf32, #tpu.memory_space<vmem>>, vector<1x16xf32>,
      %get3A_1001 = vector.shape_cast %get3A_1000 : vector<1x16xf32> to vector<16xf32>
      %get3A_1002 = arith.index_cast %add3A_957 : i32 to index
      %get3A_1003 = arith.constant 32 : index
      %get3A_1004 = tpu.vector_load %arg13[%get3A_1002, %get3A_1003] {strides = array<i32>} : memref<128x128xf32, #tpu.memory_space<vmem>>, vector<1x16xf32>,
      %get3A_1005 = vector.shape_cast %get3A_1004 : vector<1x16xf32> to vector<16xf32>
      %get3A_1006 = arith.index_cast %add3A_957 : i32 to index
      %get3A_1007 = arith.constant 32 : index
      %get3A_1008 = tpu.vector_load %arg14[%get3A_1006, %get3A_1007] {strides = array<i32>} : memref<128x128xf32, #tpu.memory_space<vmem>>, vector<1x16xf32>,
      %get3A_1009 = vector.shape_cast %get3A_1008 : vector<1x16xf32> to vector<16xf32>
      %sub3A_1010 = arith.subf %get3A_1001, %get3A_1005 : vector<16xf32>
      %mul3A_1011 = arith.mulf %sub3A_1010, %sub3A_1010 : vector<16xf32>
      %add3A_1012 = arith.addf %add3A_994, %mul3A_1011 : vector<16xf32>
      %sub3A_1013 = arith.subf %get3A_1001, %get3A_1009 : vector<16xf32>
      %mul3A_1014 = arith.mulf %sub3A_1013, %sub3A_1013 : vector<16xf32>
      %add3A_1015 = arith.addf %add3A_997, %mul3A_1014 : vector<16xf32>
      %get3A_1016 = arith.index_cast %add3A_957 : i32 to index
      %get3A_1017 = arith.constant 48 : index
      %get3A_1018 = tpu.vector_load %arg12[%get3A_1016, %get3A_1017] {strides = array<i32>} : memref<128x64xf32, #tpu.memory_space<vmem>>, vector<1x16xf32>,
      %get3A_1019 = vector.shape_cast %get3A_1018 : vector<1x16xf32> to vector<16xf32>
      %get3A_1020 = arith.index_cast %add3A_957 : i32 to index
      %get3A_1021 = arith.constant 48 : index
      %get3A_1022 = tpu.vector_load %arg13[%get3A_1020, %get3A_1021] {strides = array<i32>} : memref<128x128xf32, #tpu.memory_space<vmem>>, vector<1x16xf32>,
      %get3A_1023 = vector.shape_cast %get3A_1022 : vector<1x16xf32> to vector<16xf32>
      %get3A_1024 = arith.index_cast %add3A_957 : i32 to index
      %get3A_1025 = arith.constant 48 : index
      %get3A_1026 = tpu.vector_load %arg14[%get3A_1024, %get3A_1025] {strides = array<i32>} : memref<128x128xf32, #tpu.memory_space<vmem>>, vector<1x16xf32>,
      %get3A_1027 = vector.shape_cast %get3A_1026 : vector<1x16xf32> to vector<16xf32>
      %sub3A_1028 = arith.subf %get3A_1019, %get3A_1023 : vector<16xf32>
      %mul3A_1029 = arith.mulf %sub3A_1028, %sub3A_1028 : vector<16xf32>
      %add3A_1030 = arith.addf %add3A_1012, %mul3A_1029 : vector<16xf32>
      %sub3A_1031 = arith.subf %get3A_1019, %get3A_1027 : vector<16xf32>
      %mul3A_1032 = arith.mulf %sub3A_1031, %sub3A_1031 : vector<16xf32>
      %add3A_1033 = arith.addf %add3A_1015, %mul3A_1032 : vector<16xf32>
      %xor3A_1034 = arith.constant 8 : i32
      %xor3A_1035 = vector.broadcast %xor3A_1034 : i32 to vector<16xi32>
      %xor3A_1036 = arith.xori %iota3A_157, %xor3A_1035 : vector<16xi32>
      %reshape3A_1037 = vector.shape_cast %xor3A_1036 : vector<16xi32> to vector<16x1xi32>
      %gather3A_1038 = vector.shape_cast %reshape3A_1037 : vector<16x1xi32> to vector<16xi32>
      %gather3A_1039 = tpu.dynamic_gather %add3A_1030[%gather3A_1038] in [0] : vector<16xf32>, vector<16xi32> -> vector<16xf32>
      %add3A_1040 = arith.addf %add3A_1030, %gather3A_1039 : vector<16xf32>
      %xor3A_1041 = arith.constant 4 : i32
      %xor3A_1042 = vector.broadcast %xor3A_1041 : i32 to vector<16xi32>
      %xor3A_1043 = arith.xori %iota3A_157, %xor3A_1042 : vector<16xi32>
      %reshape3A_1044 = vector.shape_cast %xor3A_1043 : vector<16xi32> to vector<16x1xi32>
      %gather3A_1045 = vector.shape_cast %reshape3A_1044 : vector<16x1xi32> to vector<16xi32>
      %gather3A_1046 = tpu.dynamic_gather %add3A_1040[%gather3A_1045] in [0] : vector<16xf32>, vector<16xi32> -> vector<16xf32>
      %add3A_1047 = arith.addf %add3A_1040, %gather3A_1046 : vector<16xf32>
      %xor3A_1048 = arith.constant 2 : i32
      %xor3A_1049 = vector.broadcast %xor3A_1048 : i32 to vector<16xi32>
      %xor3A_1050 = arith.xori %iota3A_157, %xor3A_1049 : vector<16xi32>
      %reshape3A_1051 = vector.shape_cast %xor3A_1050 : vector<16xi32> to vector<16x1xi32>
      %gather3A_1052 = vector.shape_cast %reshape3A_1051 : vector<16x1xi32> to vector<16xi32>
      %gather3A_1053 = tpu.dynamic_gather %add3A_1047[%gather3A_1052] in [0] : vector<16xf32>, vector<16xi32> -> vector<16xf32>
      %add3A_1054 = arith.addf %add3A_1047, %gather3A_1053 : vector<16xf32>
      %xor3A_1055 = arith.constant 1 : i32
      %xor3A_1056 = vector.broadcast %xor3A_1055 : i32 to vector<16xi32>
      %xor3A_1057 = arith.xori %iota3A_157, %xor3A_1056 : vector<16xi32>
      %reshape3A_1058 = vector.shape_cast %xor3A_1057 : vector<16xi32> to vector<16x1xi32>
      %gather3A_1059 = vector.shape_cast %reshape3A_1058 : vector<16x1xi32> to vector<16xi32>
      %gather3A_1060 = tpu.dynamic_gather %add3A_1054[%gather3A_1059] in [0] : vector<16xf32>, vector<16xi32> -> vector<16xf32>
      %add3A_1061 = arith.addf %add3A_1054, %gather3A_1060 : vector<16xf32>
      %xor3A_1062 = arith.constant 8 : i32
      %xor3A_1063 = vector.broadcast %xor3A_1062 : i32 to vector<16xi32>
      %xor3A_1064 = arith.xori %iota3A_157, %xor3A_1063 : vector<16xi32>
      %reshape3A_1065 = vector.shape_cast %xor3A_1064 : vector<16xi32> to vector<16x1xi32>
      %gather3A_1066 = vector.shape_cast %reshape3A_1065 : vector<16x1xi32> to vector<16xi32>
      %gather3A_1067 = tpu.dynamic_gather %add3A_1033[%gather3A_1066] in [0] : vector<16xf32>, vector<16xi32> -> vector<16xf32>
      %add3A_1068 = arith.addf %add3A_1033, %gather3A_1067 : vector<16xf32>
      %xor3A_1069 = arith.constant 4 : i32
      %xor3A_1070 = vector.broadcast %xor3A_1069 : i32 to vector<16xi32>
      %xor3A_1071 = arith.xori %iota3A_157, %xor3A_1070 : vector<16xi32>
      %reshape3A_1072 = vector.shape_cast %xor3A_1071 : vector<16xi32> to vector<16x1xi32>
      %gather3A_1073 = vector.shape_cast %reshape3A_1072 : vector<16x1xi32> to vector<16xi32>
      %gather3A_1074 = tpu.dynamic_gather %add3A_1068[%gather3A_1073] in [0] : vector<16xf32>, vector<16xi32> -> vector<16xf32>
      %add3A_1075 = arith.addf %add3A_1068, %gather3A_1074 : vector<16xf32>
      %xor3A_1076 = arith.constant 2 : i32
      %xor3A_1077 = vector.broadcast %xor3A_1076 : i32 to vector<16xi32>
      %xor3A_1078 = arith.xori %iota3A_157, %xor3A_1077 : vector<16xi32>
      %reshape3A_1079 = vector.shape_cast %xor3A_1078 : vector<16xi32> to vector<16x1xi32>
      %gather3A_1080 = vector.shape_cast %reshape3A_1079 : vector<16x1xi32> to vector<16xi32>
      %gather3A_1081 = tpu.dynamic_gather %add3A_1075[%gather3A_1080] in [0] : vector<16xf32>, vector<16xi32> -> vector<16xf32>
      %add3A_1082 = arith.addf %add3A_1075, %gather3A_1081 : vector<16xf32>
      %xor3A_1083 = arith.constant 1 : i32
      %xor3A_1084 = vector.broadcast %xor3A_1083 : i32 to vector<16xi32>
      %xor3A_1085 = arith.xori %iota3A_157, %xor3A_1084 : vector<16xi32>
      %reshape3A_1086 = vector.shape_cast %xor3A_1085 : vector<16xi32> to vector<16x1xi32>
      %gather3A_1087 = vector.shape_cast %reshape3A_1086 : vector<16x1xi32> to vector<16xi32>
      %gather3A_1088 = tpu.dynamic_gather %add3A_1082[%gather3A_1087] in [0] : vector<16xf32>, vector<16xi32> -> vector<16xf32>
      %add3A_1089 = arith.addf %add3A_1082, %gather3A_1088 : vector<16xf32>
      %broadcast_in_dim3A_1090 = arith.constant 4 : i32
      %broadcast_in_dim3A_1091 = vector.broadcast %broadcast_in_dim3A_1090 : i32 to vector<16xi32>
      %reshape3A_1092 = vector.shape_cast %broadcast_in_dim3A_1091 : vector<16xi32> to vector<16x1xi32>
      %gather3A_1093 = vector.shape_cast %reshape3A_1092 : vector<16x1xi32> to vector<16xi32>
      %gather3A_1094 = tpu.dynamic_gather %get3A_168[%gather3A_1093] in [0] : vector<16xi32>, vector<16xi32> -> vector<16xi32>
      %reshape3A_1095 = vector.shape_cast %broadcast_in_dim3A_1091 : vector<16xi32> to vector<16x1xi32>
      %gather3A_1096 = vector.shape_cast %reshape3A_1095 : vector<16x1xi32> to vector<16xi32>
      %gather3A_1097 = tpu.dynamic_gather %get3A_173[%gather3A_1096] in [0] : vector<16xi32>, vector<16xi32> -> vector<16xi32>
      %lt3A_1098 = arith.cmpf olt, %add3A_1089, %add3A_1061 : vector<16xf32>
      %jit3A_1099 = arith.constant 1 : i32
      %jit3A_1100 = arith.constant 0 : i32
      %broadcast_in_dim3A_1101 = vector.broadcast %jit3A_1099 : i32 to vector<16xi32>
      %broadcast_in_dim3A_1102 = vector.broadcast %jit3A_1100 : i32 to vector<16xi32>
      %select_n3A_1103 = arith.select %lt3A_1098, %broadcast_in_dim3A_1101, %broadcast_in_dim3A_1102 : vector<16xi1>, vector<16xi32>
      %eq3A_1104 = arith.cmpf oeq, %add3A_1089, %add3A_1061 : vector<16xf32>
      %jit3A_1105 = arith.constant 1 : i32
      %jit3A_1106 = arith.constant 0 : i32
      %broadcast_in_dim3A_1107 = vector.broadcast %jit3A_1105 : i32 to vector<16xi32>
      %broadcast_in_dim3A_1108 = vector.broadcast %jit3A_1106 : i32 to vector<16xi32>
      %select_n3A_1109 = arith.select %eq3A_1104, %broadcast_in_dim3A_1107, %broadcast_in_dim3A_1108 : vector<16xi1>, vector<16xi32>
      %lt3A_1110 = arith.cmpi slt, %gather3A_1097, %gather3A_1094 : vector<16xi32>
      %jit3A_1111 = arith.constant 1 : i32
      %jit3A_1112 = arith.constant 0 : i32
      %broadcast_in_dim3A_1113 = vector.broadcast %jit3A_1111 : i32 to vector<16xi32>
      %broadcast_in_dim3A_1114 = vector.broadcast %jit3A_1112 : i32 to vector<16xi32>
      %select_n3A_1115 = arith.select %lt3A_1110, %broadcast_in_dim3A_1113, %broadcast_in_dim3A_1114 : vector<16xi1>, vector<16xi32>
      %mul3A_1116 = arith.muli %select_n3A_1109, %select_n3A_1115 : vector<16xi32>
      %add3A_1117 = arith.addi %select_n3A_1103, %mul3A_1116 : vector<16xi32>
      %gt3A_1118 = arith.constant 0 : i32
      %gt3A_1119 = vector.broadcast %gt3A_1118 : i32 to vector<16xi32>
      %gt3A_1120 = arith.cmpi sgt, %add3A_1117, %gt3A_1119 : vector<16xi32>
      %eq3A_1121 = arith.constant 4 : i32
      %eq3A_1122 = vector.broadcast %eq3A_1121 : i32 to vector<16xi32>
      %eq3A_1123 = arith.cmpi eq, %iota3A_157, %eq3A_1122 : vector<16xi32>
      %select_n3A_1124 = arith.select %gt3A_1120, %gather3A_1097, %gather3A_1094 : vector<16xi1>, vector<16xi32>
      %select_n3A_1125 = arith.select %eq3A_1123, %select_n3A_1124, %select_n3A_929 : vector<16xi1>, vector<16xi32>
      %select_n3A_1126 = arith.select %gt3A_1120, %get3A_973, %get3A_969 : vector<16xi1>, vector<16xf32>
      %swap3A_1127 = arith.index_cast %add3A_957 : i32 to index
      %swap3A_1128 = arith.constant 0 : index
      %swap3A_1129 = tpu.vector_load %arg15[%swap3A_1127, %swap3A_1128] {strides = array<i32>} : memref<128x64xf32, #tpu.memory_space<vmem>>, vector<1x16xf32>,
      %swap3A_1130 = vector.shape_cast %swap3A_1129 : vector<1x16xf32> to vector<16xf32>
      %swap3A_1131 = vector.shape_cast %select_n3A_1126 : vector<16xf32> to vector<1x16xf32>
      tpu.vector_store %arg15[%swap3A_1127, %swap3A_1128], %swap3A_1131 {strides = array<i32>} : memref<128x64xf32, #tpu.memory_space<vmem>>, vector<1x16xf32>,
      %select_n3A_1132 = arith.select %gt3A_1120, %get3A_991, %get3A_987 : vector<16xi1>, vector<16xf32>
      %swap3A_1133 = arith.index_cast %add3A_957 : i32 to index
      %swap3A_1134 = arith.constant 16 : index
      %swap3A_1135 = tpu.vector_load %arg15[%swap3A_1133, %swap3A_1134] {strides = array<i32>} : memref<128x64xf32, #tpu.memory_space<vmem>>, vector<1x16xf32>,
      %swap3A_1136 = vector.shape_cast %swap3A_1135 : vector<1x16xf32> to vector<16xf32>
      %swap3A_1137 = vector.shape_cast %select_n3A_1132 : vector<16xf32> to vector<1x16xf32>
      tpu.vector_store %arg15[%swap3A_1133, %swap3A_1134], %swap3A_1137 {strides = array<i32>} : memref<128x64xf32, #tpu.memory_space<vmem>>, vector<1x16xf32>,
      %select_n3A_1138 = arith.select %gt3A_1120, %get3A_1009, %get3A_1005 : vector<16xi1>, vector<16xf32>
      %swap3A_1139 = arith.index_cast %add3A_957 : i32 to index
      %swap3A_1140 = arith.constant 32 : index
      %swap3A_1141 = tpu.vector_load %arg15[%swap3A_1139, %swap3A_1140] {strides = array<i32>} : memref<128x64xf32, #tpu.memory_space<vmem>>, vector<1x16xf32>,
      %swap3A_1142 = vector.shape_cast %swap3A_1141 : vector<1x16xf32> to vector<16xf32>
      %swap3A_1143 = vector.shape_cast %select_n3A_1138 : vector<16xf32> to vector<1x16xf32>
      tpu.vector_store %arg15[%swap3A_1139, %swap3A_1140], %swap3A_1143 {strides = array<i32>} : memref<128x64xf32, #tpu.memory_space<vmem>>, vector<1x16xf32>,
      %select_n3A_1144 = arith.select %gt3A_1120, %get3A_1027, %get3A_1023 : vector<16xi1>, vector<16xf32>
      %swap3A_1145 = arith.index_cast %add3A_957 : i32 to index
      %swap3A_1146 = arith.constant 48 : index
      %swap3A_1147 = tpu.vector_load %arg15[%swap3A_1145, %swap3A_1146] {strides = array<i32>} : memref<128x64xf32, #tpu.memory_space<vmem>>, vector<1x16xf32>,
      %swap3A_1148 = vector.shape_cast %swap3A_1147 : vector<1x16xf32> to vector<16xf32>
      %swap3A_1149 = vector.shape_cast %select_n3A_1144 : vector<16xf32> to vector<1x16xf32>
      tpu.vector_store %arg15[%swap3A_1145, %swap3A_1146], %swap3A_1149 {strides = array<i32>} : memref<128x64xf32, #tpu.memory_space<vmem>>, vector<1x16xf32>,
      %mul3A_1150 = arith.constant 16 : i32
      %mul3A_1151 = arith.muli %scan3A_163, %mul3A_1150 : i32
      %add3A_1152 = arith.constant 5 : i32
      %add3A_1153 = arith.addi %mul3A_1151, %add3A_1152 : i32
      %broadcast_in_dim3A_1154 = arith.constant 0.000000e+00 : f32
      %broadcast_in_dim3A_1155 = vector.broadcast %broadcast_in_dim3A_1154 : f32 to vector<16xf32>
      %broadcast_in_dim3A_1156 = arith.constant 0.000000e+00 : f32
      %broadcast_in_dim3A_1157 = vector.broadcast %broadcast_in_dim3A_1156 : f32 to vector<16xf32>
      %get3A_1158 = arith.index_cast %add3A_1153 : i32 to index
      %get3A_1159 = arith.constant 0 : index
      %get3A_1160 = tpu.vector_load %arg12[%get3A_1158, %get3A_1159] {strides = array<i32>} : memref<128x64xf32, #tpu.memory_space<vmem>>, vector<1x16xf32>,
      %get3A_1161 = vector.shape_cast %get3A_1160 : vector<1x16xf32> to vector<16xf32>
      %get3A_1162 = arith.index_cast %add3A_1153 : i32 to index
      %get3A_1163 = arith.constant 0 : index
      %get3A_1164 = tpu.vector_load %arg13[%get3A_1162, %get3A_1163] {strides = array<i32>} : memref<128x128xf32, #tpu.memory_space<vmem>>, vector<1x16xf32>,
      %get3A_1165 = vector.shape_cast %get3A_1164 : vector<1x16xf32> to vector<16xf32>
      %get3A_1166 = arith.index_cast %add3A_1153 : i32 to index
      %get3A_1167 = arith.constant 0 : index
      %get3A_1168 = tpu.vector_load %arg14[%get3A_1166, %get3A_1167] {strides = array<i32>} : memref<128x128xf32, #tpu.memory_space<vmem>>, vector<1x16xf32>,
      %get3A_1169 = vector.shape_cast %get3A_1168 : vector<1x16xf32> to vector<16xf32>
      %sub3A_1170 = arith.subf %get3A_1161, %get3A_1165 : vector<16xf32>
      %mul3A_1171 = arith.mulf %sub3A_1170, %sub3A_1170 : vector<16xf32>
      %add3A_1172 = arith.addf %broadcast_in_dim3A_1155, %mul3A_1171 : vector<16xf32>
      %sub3A_1173 = arith.subf %get3A_1161, %get3A_1169 : vector<16xf32>
      %mul3A_1174 = arith.mulf %sub3A_1173, %sub3A_1173 : vector<16xf32>
      %add3A_1175 = arith.addf %broadcast_in_dim3A_1157, %mul3A_1174 : vector<16xf32>
      %get3A_1176 = arith.index_cast %add3A_1153 : i32 to index
      %get3A_1177 = arith.constant 16 : index
      %get3A_1178 = tpu.vector_load %arg12[%get3A_1176, %get3A_1177] {strides = array<i32>} : memref<128x64xf32, #tpu.memory_space<vmem>>, vector<1x16xf32>,
      %get3A_1179 = vector.shape_cast %get3A_1178 : vector<1x16xf32> to vector<16xf32>
      %get3A_1180 = arith.index_cast %add3A_1153 : i32 to index
      %get3A_1181 = arith.constant 16 : index
      %get3A_1182 = tpu.vector_load %arg13[%get3A_1180, %get3A_1181] {strides = array<i32>} : memref<128x128xf32, #tpu.memory_space<vmem>>, vector<1x16xf32>,
      %get3A_1183 = vector.shape_cast %get3A_1182 : vector<1x16xf32> to vector<16xf32>
      %get3A_1184 = arith.index_cast %add3A_1153 : i32 to index
      %get3A_1185 = arith.constant 16 : index
      %get3A_1186 = tpu.vector_load %arg14[%get3A_1184, %get3A_1185] {strides = array<i32>} : memref<128x128xf32, #tpu.memory_space<vmem>>, vector<1x16xf32>,
      %get3A_1187 = vector.shape_cast %get3A_1186 : vector<1x16xf32> to vector<16xf32>
      %sub3A_1188 = arith.subf %get3A_1179, %get3A_1183 : vector<16xf32>
      %mul3A_1189 = arith.mulf %sub3A_1188, %sub3A_1188 : vector<16xf32>
      %add3A_1190 = arith.addf %add3A_1172, %mul3A_1189 : vector<16xf32>
      %sub3A_1191 = arith.subf %get3A_1179, %get3A_1187 : vector<16xf32>
      %mul3A_1192 = arith.mulf %sub3A_1191, %sub3A_1191 : vector<16xf32>
      %add3A_1193 = arith.addf %add3A_1175, %mul3A_1192 : vector<16xf32>
      %get3A_1194 = arith.index_cast %add3A_1153 : i32 to index
      %get3A_1195 = arith.constant 32 : index
      %get3A_1196 = tpu.vector_load %arg12[%get3A_1194, %get3A_1195] {strides = array<i32>} : memref<128x64xf32, #tpu.memory_space<vmem>>, vector<1x16xf32>,
      %get3A_1197 = vector.shape_cast %get3A_1196 : vector<1x16xf32> to vector<16xf32>
      %get3A_1198 = arith.index_cast %add3A_1153 : i32 to index
      %get3A_1199 = arith.constant 32 : index
      %get3A_1200 = tpu.vector_load %arg13[%get3A_1198, %get3A_1199] {strides = array<i32>} : memref<128x128xf32, #tpu.memory_space<vmem>>, vector<1x16xf32>,
      %get3A_1201 = vector.shape_cast %get3A_1200 : vector<1x16xf32> to vector<16xf32>
      %get3A_1202 = arith.index_cast %add3A_1153 : i32 to index
      %get3A_1203 = arith.constant 32 : index
      %get3A_1204 = tpu.vector_load %arg14[%get3A_1202, %get3A_1203] {strides = array<i32>} : memref<128x128xf32, #tpu.memory_space<vmem>>, vector<1x16xf32>,
      %get3A_1205 = vector.shape_cast %get3A_1204 : vector<1x16xf32> to vector<16xf32>
      %sub3A_1206 = arith.subf %get3A_1197, %get3A_1201 : vector<16xf32>
      %mul3A_1207 = arith.mulf %sub3A_1206, %sub3A_1206 : vector<16xf32>
      %add3A_1208 = arith.addf %add3A_1190, %mul3A_1207 : vector<16xf32>
      %sub3A_1209 = arith.subf %get3A_1197, %get3A_1205 : vector<16xf32>
      %mul3A_1210 = arith.mulf %sub3A_1209, %sub3A_1209 : vector<16xf32>
      %add3A_1211 = arith.addf %add3A_1193, %mul3A_1210 : vector<16xf32>
      %get3A_1212 = arith.index_cast %add3A_1153 : i32 to index
      %get3A_1213 = arith.constant 48 : index
      %get3A_1214 = tpu.vector_load %arg12[%get3A_1212, %get3A_1213] {strides = array<i32>} : memref<128x64xf32, #tpu.memory_space<vmem>>, vector<1x16xf32>,
      %get3A_1215 = vector.shape_cast %get3A_1214 : vector<1x16xf32> to vector<16xf32>
      %get3A_1216 = arith.index_cast %add3A_1153 : i32 to index
      %get3A_1217 = arith.constant 48 : index
      %get3A_1218 = tpu.vector_load %arg13[%get3A_1216, %get3A_1217] {strides = array<i32>} : memref<128x128xf32, #tpu.memory_space<vmem>>, vector<1x16xf32>,
      %get3A_1219 = vector.shape_cast %get3A_1218 : vector<1x16xf32> to vector<16xf32>
      %get3A_1220 = arith.index_cast %add3A_1153 : i32 to index
      %get3A_1221 = arith.constant 48 : index
      %get3A_1222 = tpu.vector_load %arg14[%get3A_1220, %get3A_1221] {strides = array<i32>} : memref<128x128xf32, #tpu.memory_space<vmem>>, vector<1x16xf32>,
      %get3A_1223 = vector.shape_cast %get3A_1222 : vector<1x16xf32> to vector<16xf32>
      %sub3A_1224 = arith.subf %get3A_1215, %get3A_1219 : vector<16xf32>
      %mul3A_1225 = arith.mulf %sub3A_1224, %sub3A_1224 : vector<16xf32>
      %add3A_1226 = arith.addf %add3A_1208, %mul3A_1225 : vector<16xf32>
      %sub3A_1227 = arith.subf %get3A_1215, %get3A_1223 : vector<16xf32>
      %mul3A_1228 = arith.mulf %sub3A_1227, %sub3A_1227 : vector<16xf32>
      %add3A_1229 = arith.addf %add3A_1211, %mul3A_1228 : vector<16xf32>
      %xor3A_1230 = arith.constant 8 : i32
      %xor3A_1231 = vector.broadcast %xor3A_1230 : i32 to vector<16xi32>
      %xor3A_1232 = arith.xori %iota3A_157, %xor3A_1231 : vector<16xi32>
      %reshape3A_1233 = vector.shape_cast %xor3A_1232 : vector<16xi32> to vector<16x1xi32>
      %gather3A_1234 = vector.shape_cast %reshape3A_1233 : vector<16x1xi32> to vector<16xi32>
      %gather3A_1235 = tpu.dynamic_gather %add3A_1226[%gather3A_1234] in [0] : vector<16xf32>, vector<16xi32> -> vector<16xf32>
      %add3A_1236 = arith.addf %add3A_1226, %gather3A_1235 : vector<16xf32>
      %xor3A_1237 = arith.constant 4 : i32
      %xor3A_1238 = vector.broadcast %xor3A_1237 : i32 to vector<16xi32>
      %xor3A_1239 = arith.xori %iota3A_157, %xor3A_1238 : vector<16xi32>
      %reshape3A_1240 = vector.shape_cast %xor3A_1239 : vector<16xi32> to vector<16x1xi32>
      %gather3A_1241 = vector.shape_cast %reshape3A_1240 : vector<16x1xi32> to vector<16xi32>
      %gather3A_1242 = tpu.dynamic_gather %add3A_1236[%gather3A_1241] in [0] : vector<16xf32>, vector<16xi32> -> vector<16xf32>
      %add3A_1243 = arith.addf %add3A_1236, %gather3A_1242 : vector<16xf32>
      %xor3A_1244 = arith.constant 2 : i32
      %xor3A_1245 = vector.broadcast %xor3A_1244 : i32 to vector<16xi32>
      %xor3A_1246 = arith.xori %iota3A_157, %xor3A_1245 : vector<16xi32>
      %reshape3A_1247 = vector.shape_cast %xor3A_1246 : vector<16xi32> to vector<16x1xi32>
      %gather3A_1248 = vector.shape_cast %reshape3A_1247 : vector<16x1xi32> to vector<16xi32>
      %gather3A_1249 = tpu.dynamic_gather %add3A_1243[%gather3A_1248] in [0] : vector<16xf32>, vector<16xi32> -> vector<16xf32>
      %add3A_1250 = arith.addf %add3A_1243, %gather3A_1249 : vector<16xf32>
      %xor3A_1251 = arith.constant 1 : i32
      %xor3A_1252 = vector.broadcast %xor3A_1251 : i32 to vector<16xi32>
      %xor3A_1253 = arith.xori %iota3A_157, %xor3A_1252 : vector<16xi32>
      %reshape3A_1254 = vector.shape_cast %xor3A_1253 : vector<16xi32> to vector<16x1xi32>
      %gather3A_1255 = vector.shape_cast %reshape3A_1254 : vector<16x1xi32> to vector<16xi32>
      %gather3A_1256 = tpu.dynamic_gather %add3A_1250[%gather3A_1255] in [0] : vector<16xf32>, vector<16xi32> -> vector<16xf32>
      %add3A_1257 = arith.addf %add3A_1250, %gather3A_1256 : vector<16xf32>
      %xor3A_1258 = arith.constant 8 : i32
      %xor3A_1259 = vector.broadcast %xor3A_1258 : i32 to vector<16xi32>
      %xor3A_1260 = arith.xori %iota3A_157, %xor3A_1259 : vector<16xi32>
      %reshape3A_1261 = vector.shape_cast %xor3A_1260 : vector<16xi32> to vector<16x1xi32>
      %gather3A_1262 = vector.shape_cast %reshape3A_1261 : vector<16x1xi32> to vector<16xi32>
      %gather3A_1263 = tpu.dynamic_gather %add3A_1229[%gather3A_1262] in [0] : vector<16xf32>, vector<16xi32> -> vector<16xf32>
      %add3A_1264 = arith.addf %add3A_1229, %gather3A_1263 : vector<16xf32>
      %xor3A_1265 = arith.constant 4 : i32
      %xor3A_1266 = vector.broadcast %xor3A_1265 : i32 to vector<16xi32>
      %xor3A_1267 = arith.xori %iota3A_157, %xor3A_1266 : vector<16xi32>
      %reshape3A_1268 = vector.shape_cast %xor3A_1267 : vector<16xi32> to vector<16x1xi32>
      %gather3A_1269 = vector.shape_cast %reshape3A_1268 : vector<16x1xi32> to vector<16xi32>
      %gather3A_1270 = tpu.dynamic_gather %add3A_1264[%gather3A_1269] in [0] : vector<16xf32>, vector<16xi32> -> vector<16xf32>
      %add3A_1271 = arith.addf %add3A_1264, %gather3A_1270 : vector<16xf32>
      %xor3A_1272 = arith.constant 2 : i32
      %xor3A_1273 = vector.broadcast %xor3A_1272 : i32 to vector<16xi32>
      %xor3A_1274 = arith.xori %iota3A_157, %xor3A_1273 : vector<16xi32>
      %reshape3A_1275 = vector.shape_cast %xor3A_1274 : vector<16xi32> to vector<16x1xi32>
      %gather3A_1276 = vector.shape_cast %reshape3A_1275 : vector<16x1xi32> to vector<16xi32>
      %gather3A_1277 = tpu.dynamic_gather %add3A_1271[%gather3A_1276] in [0] : vector<16xf32>, vector<16xi32> -> vector<16xf32>
      %add3A_1278 = arith.addf %add3A_1271, %gather3A_1277 : vector<16xf32>
      %xor3A_1279 = arith.constant 1 : i32
      %xor3A_1280 = vector.broadcast %xor3A_1279 : i32 to vector<16xi32>
      %xor3A_1281 = arith.xori %iota3A_157, %xor3A_1280 : vector<16xi32>
      %reshape3A_1282 = vector.shape_cast %xor3A_1281 : vector<16xi32> to vector<16x1xi32>
      %gather3A_1283 = vector.shape_cast %reshape3A_1282 : vector<16x1xi32> to vector<16xi32>
      %gather3A_1284 = tpu.dynamic_gather %add3A_1278[%gather3A_1283] in [0] : vector<16xf32>, vector<16xi32> -> vector<16xf32>
      %add3A_1285 = arith.addf %add3A_1278, %gather3A_1284 : vector<16xf32>
      %broadcast_in_dim3A_1286 = arith.constant 5 : i32
      %broadcast_in_dim3A_1287 = vector.broadcast %broadcast_in_dim3A_1286 : i32 to vector<16xi32>
      %reshape3A_1288 = vector.shape_cast %broadcast_in_dim3A_1287 : vector<16xi32> to vector<16x1xi32>
      %gather3A_1289 = vector.shape_cast %reshape3A_1288 : vector<16x1xi32> to vector<16xi32>
      %gather3A_1290 = tpu.dynamic_gather %get3A_168[%gather3A_1289] in [0] : vector<16xi32>, vector<16xi32> -> vector<16xi32>
      %reshape3A_1291 = vector.shape_cast %broadcast_in_dim3A_1287 : vector<16xi32> to vector<16x1xi32>
      %gather3A_1292 = vector.shape_cast %reshape3A_1291 : vector<16x1xi32> to vector<16xi32>
      %gather3A_1293 = tpu.dynamic_gather %get3A_173[%gather3A_1292] in [0] : vector<16xi32>, vector<16xi32> -> vector<16xi32>
      %lt3A_1294 = arith.cmpf olt, %add3A_1285, %add3A_1257 : vector<16xf32>
      %jit3A_1295 = arith.constant 1 : i32
      %jit3A_1296 = arith.constant 0 : i32
      %broadcast_in_dim3A_1297 = vector.broadcast %jit3A_1295 : i32 to vector<16xi32>
      %broadcast_in_dim3A_1298 = vector.broadcast %jit3A_1296 : i32 to vector<16xi32>
      %select_n3A_1299 = arith.select %lt3A_1294, %broadcast_in_dim3A_1297, %broadcast_in_dim3A_1298 : vector<16xi1>, vector<16xi32>
      %eq3A_1300 = arith.cmpf oeq, %add3A_1285, %add3A_1257 : vector<16xf32>
      %jit3A_1301 = arith.constant 1 : i32
      %jit3A_1302 = arith.constant 0 : i32
      %broadcast_in_dim3A_1303 = vector.broadcast %jit3A_1301 : i32 to vector<16xi32>
      %broadcast_in_dim3A_1304 = vector.broadcast %jit3A_1302 : i32 to vector<16xi32>
      %select_n3A_1305 = arith.select %eq3A_1300, %broadcast_in_dim3A_1303, %broadcast_in_dim3A_1304 : vector<16xi1>, vector<16xi32>
      %lt3A_1306 = arith.cmpi slt, %gather3A_1293, %gather3A_1290 : vector<16xi32>
      %jit3A_1307 = arith.constant 1 : i32
      %jit3A_1308 = arith.constant 0 : i32
      %broadcast_in_dim3A_1309 = vector.broadcast %jit3A_1307 : i32 to vector<16xi32>
      %broadcast_in_dim3A_1310 = vector.broadcast %jit3A_1308 : i32 to vector<16xi32>
      %select_n3A_1311 = arith.select %lt3A_1306, %broadcast_in_dim3A_1309, %broadcast_in_dim3A_1310 : vector<16xi1>, vector<16xi32>
      %mul3A_1312 = arith.muli %select_n3A_1305, %select_n3A_1311 : vector<16xi32>
      %add3A_1313 = arith.addi %select_n3A_1299, %mul3A_1312 : vector<16xi32>
      %gt3A_1314 = arith.constant 0 : i32
      %gt3A_1315 = vector.broadcast %gt3A_1314 : i32 to vector<16xi32>
      %gt3A_1316 = arith.cmpi sgt, %add3A_1313, %gt3A_1315 : vector<16xi32>
      %eq3A_1317 = arith.constant 5 : i32
      %eq3A_1318 = vector.broadcast %eq3A_1317 : i32 to vector<16xi32>
      %eq3A_1319 = arith.cmpi eq, %iota3A_157, %eq3A_1318 : vector<16xi32>
      %select_n3A_1320 = arith.select %gt3A_1316, %gather3A_1293, %gather3A_1290 : vector<16xi1>, vector<16xi32>
      %select_n3A_1321 = arith.select %eq3A_1319, %select_n3A_1320, %select_n3A_1125 : vector<16xi1>, vector<16xi32>
      %select_n3A_1322 = arith.select %gt3A_1316, %get3A_1169, %get3A_1165 : vector<16xi1>, vector<16xf32>
      %swap3A_1323 = arith.index_cast %add3A_1153 : i32 to index
      %swap3A_1324 = arith.constant 0 : index
      %swap3A_1325 = tpu.vector_load %arg15[%swap3A_1323, %swap3A_1324] {strides = array<i32>} : memref<128x64xf32, #tpu.memory_space<vmem>>, vector<1x16xf32>,
      %swap3A_1326 = vector.shape_cast %swap3A_1325 : vector<1x16xf32> to vector<16xf32>
      %swap3A_1327 = vector.shape_cast %select_n3A_1322 : vector<16xf32> to vector<1x16xf32>
      tpu.vector_store %arg15[%swap3A_1323, %swap3A_1324], %swap3A_1327 {strides = array<i32>} : memref<128x64xf32, #tpu.memory_space<vmem>>, vector<1x16xf32>,
      %select_n3A_1328 = arith.select %gt3A_1316, %get3A_1187, %get3A_1183 : vector<16xi1>, vector<16xf32>
      %swap3A_1329 = arith.index_cast %add3A_1153 : i32 to index
      %swap3A_1330 = arith.constant 16 : index
      %swap3A_1331 = tpu.vector_load %arg15[%swap3A_1329, %swap3A_1330] {strides = array<i32>} : memref<128x64xf32, #tpu.memory_space<vmem>>, vector<1x16xf32>,
      %swap3A_1332 = vector.shape_cast %swap3A_1331 : vector<1x16xf32> to vector<16xf32>
      %swap3A_1333 = vector.shape_cast %select_n3A_1328 : vector<16xf32> to vector<1x16xf32>
      tpu.vector_store %arg15[%swap3A_1329, %swap3A_1330], %swap3A_1333 {strides = array<i32>} : memref<128x64xf32, #tpu.memory_space<vmem>>, vector<1x16xf32>,
      %select_n3A_1334 = arith.select %gt3A_1316, %get3A_1205, %get3A_1201 : vector<16xi1>, vector<16xf32>
      %swap3A_1335 = arith.index_cast %add3A_1153 : i32 to index
      %swap3A_1336 = arith.constant 32 : index
      %swap3A_1337 = tpu.vector_load %arg15[%swap3A_1335, %swap3A_1336] {strides = array<i32>} : memref<128x64xf32, #tpu.memory_space<vmem>>, vector<1x16xf32>,
      %swap3A_1338 = vector.shape_cast %swap3A_1337 : vector<1x16xf32> to vector<16xf32>
      %swap3A_1339 = vector.shape_cast %select_n3A_1334 : vector<16xf32> to vector<1x16xf32>
      tpu.vector_store %arg15[%swap3A_1335, %swap3A_1336], %swap3A_1339 {strides = array<i32>} : memref<128x64xf32, #tpu.memory_space<vmem>>, vector<1x16xf32>,
      %select_n3A_1340 = arith.select %gt3A_1316, %get3A_1223, %get3A_1219 : vector<16xi1>, vector<16xf32>
      %swap3A_1341 = arith.index_cast %add3A_1153 : i32 to index
      %swap3A_1342 = arith.constant 48 : index
      %swap3A_1343 = tpu.vector_load %arg15[%swap3A_1341, %swap3A_1342] {strides = array<i32>} : memref<128x64xf32, #tpu.memory_space<vmem>>, vector<1x16xf32>,
      %swap3A_1344 = vector.shape_cast %swap3A_1343 : vector<1x16xf32> to vector<16xf32>
      %swap3A_1345 = vector.shape_cast %select_n3A_1340 : vector<16xf32> to vector<1x16xf32>
      tpu.vector_store %arg15[%swap3A_1341, %swap3A_1342], %swap3A_1345 {strides = array<i32>} : memref<128x64xf32, #tpu.memory_space<vmem>>, vector<1x16xf32>,
      %mul3A_1346 = arith.constant 16 : i32
      %mul3A_1347 = arith.muli %scan3A_163, %mul3A_1346 : i32
      %add3A_1348 = arith.constant 6 : i32
      %add3A_1349 = arith.addi %mul3A_1347, %add3A_1348 : i32
      %broadcast_in_dim3A_1350 = arith.constant 0.000000e+00 : f32
      %broadcast_in_dim3A_1351 = vector.broadcast %broadcast_in_dim3A_1350 : f32 to vector<16xf32>
      %broadcast_in_dim3A_1352 = arith.constant 0.000000e+00 : f32
      %broadcast_in_dim3A_1353 = vector.broadcast %broadcast_in_dim3A_1352 : f32 to vector<16xf32>
      %get3A_1354 = arith.index_cast %add3A_1349 : i32 to index
      %get3A_1355 = arith.constant 0 : index
      %get3A_1356 = tpu.vector_load %arg12[%get3A_1354, %get3A_1355] {strides = array<i32>} : memref<128x64xf32, #tpu.memory_space<vmem>>, vector<1x16xf32>,
      %get3A_1357 = vector.shape_cast %get3A_1356 : vector<1x16xf32> to vector<16xf32>
      %get3A_1358 = arith.index_cast %add3A_1349 : i32 to index
      %get3A_1359 = arith.constant 0 : index
      %get3A_1360 = tpu.vector_load %arg13[%get3A_1358, %get3A_1359] {strides = array<i32>} : memref<128x128xf32, #tpu.memory_space<vmem>>, vector<1x16xf32>,
      %get3A_1361 = vector.shape_cast %get3A_1360 : vector<1x16xf32> to vector<16xf32>
      %get3A_1362 = arith.index_cast %add3A_1349 : i32 to index
      %get3A_1363 = arith.constant 0 : index
      %get3A_1364 = tpu.vector_load %arg14[%get3A_1362, %get3A_1363] {strides = array<i32>} : memref<128x128xf32, #tpu.memory_space<vmem>>, vector<1x16xf32>,
      %get3A_1365 = vector.shape_cast %get3A_1364 : vector<1x16xf32> to vector<16xf32>
      %sub3A_1366 = arith.subf %get3A_1357, %get3A_1361 : vector<16xf32>
      %mul3A_1367 = arith.mulf %sub3A_1366, %sub3A_1366 : vector<16xf32>
      %add3A_1368 = arith.addf %broadcast_in_dim3A_1351, %mul3A_1367 : vector<16xf32>
      %sub3A_1369 = arith.subf %get3A_1357, %get3A_1365 : vector<16xf32>
      %mul3A_1370 = arith.mulf %sub3A_1369, %sub3A_1369 : vector<16xf32>
      %add3A_1371 = arith.addf %broadcast_in_dim3A_1353, %mul3A_1370 : vector<16xf32>
      %get3A_1372 = arith.index_cast %add3A_1349 : i32 to index
      %get3A_1373 = arith.constant 16 : index
      %get3A_1374 = tpu.vector_load %arg12[%get3A_1372, %get3A_1373] {strides = array<i32>} : memref<128x64xf32, #tpu.memory_space<vmem>>, vector<1x16xf32>,
      %get3A_1375 = vector.shape_cast %get3A_1374 : vector<1x16xf32> to vector<16xf32>
      %get3A_1376 = arith.index_cast %add3A_1349 : i32 to index
      %get3A_1377 = arith.constant 16 : index
      %get3A_1378 = tpu.vector_load %arg13[%get3A_1376, %get3A_1377] {strides = array<i32>} : memref<128x128xf32, #tpu.memory_space<vmem>>, vector<1x16xf32>,
      %get3A_1379 = vector.shape_cast %get3A_1378 : vector<1x16xf32> to vector<16xf32>
      %get3A_1380 = arith.index_cast %add3A_1349 : i32 to index
      %get3A_1381 = arith.constant 16 : index
      %get3A_1382 = tpu.vector_load %arg14[%get3A_1380, %get3A_1381] {strides = array<i32>} : memref<128x128xf32, #tpu.memory_space<vmem>>, vector<1x16xf32>,
      %get3A_1383 = vector.shape_cast %get3A_1382 : vector<1x16xf32> to vector<16xf32>
      %sub3A_1384 = arith.subf %get3A_1375, %get3A_1379 : vector<16xf32>
      %mul3A_1385 = arith.mulf %sub3A_1384, %sub3A_1384 : vector<16xf32>
      %add3A_1386 = arith.addf %add3A_1368, %mul3A_1385 : vector<16xf32>
      %sub3A_1387 = arith.subf %get3A_1375, %get3A_1383 : vector<16xf32>
      %mul3A_1388 = arith.mulf %sub3A_1387, %sub3A_1387 : vector<16xf32>
      %add3A_1389 = arith.addf %add3A_1371, %mul3A_1388 : vector<16xf32>
      %get3A_1390 = arith.index_cast %add3A_1349 : i32 to index
      %get3A_1391 = arith.constant 32 : index
      %get3A_1392 = tpu.vector_load %arg12[%get3A_1390, %get3A_1391] {strides = array<i32>} : memref<128x64xf32, #tpu.memory_space<vmem>>, vector<1x16xf32>,
      %get3A_1393 = vector.shape_cast %get3A_1392 : vector<1x16xf32> to vector<16xf32>
      %get3A_1394 = arith.index_cast %add3A_1349 : i32 to index
      %get3A_1395 = arith.constant 32 : index
      %get3A_1396 = tpu.vector_load %arg13[%get3A_1394, %get3A_1395] {strides = array<i32>} : memref<128x128xf32, #tpu.memory_space<vmem>>, vector<1x16xf32>,
      %get3A_1397 = vector.shape_cast %get3A_1396 : vector<1x16xf32> to vector<16xf32>
      %get3A_1398 = arith.index_cast %add3A_1349 : i32 to index
      %get3A_1399 = arith.constant 32 : index
      %get3A_1400 = tpu.vector_load %arg14[%get3A_1398, %get3A_1399] {strides = array<i32>} : memref<128x128xf32, #tpu.memory_space<vmem>>, vector<1x16xf32>,
      %get3A_1401 = vector.shape_cast %get3A_1400 : vector<1x16xf32> to vector<16xf32>
      %sub3A_1402 = arith.subf %get3A_1393, %get3A_1397 : vector<16xf32>
      %mul3A_1403 = arith.mulf %sub3A_1402, %sub3A_1402 : vector<16xf32>
      %add3A_1404 = arith.addf %add3A_1386, %mul3A_1403 : vector<16xf32>
      %sub3A_1405 = arith.subf %get3A_1393, %get3A_1401 : vector<16xf32>
      %mul3A_1406 = arith.mulf %sub3A_1405, %sub3A_1405 : vector<16xf32>
      %add3A_1407 = arith.addf %add3A_1389, %mul3A_1406 : vector<16xf32>
      %get3A_1408 = arith.index_cast %add3A_1349 : i32 to index
      %get3A_1409 = arith.constant 48 : index
      %get3A_1410 = tpu.vector_load %arg12[%get3A_1408, %get3A_1409] {strides = array<i32>} : memref<128x64xf32, #tpu.memory_space<vmem>>, vector<1x16xf32>,
      %get3A_1411 = vector.shape_cast %get3A_1410 : vector<1x16xf32> to vector<16xf32>
      %get3A_1412 = arith.index_cast %add3A_1349 : i32 to index
      %get3A_1413 = arith.constant 48 : index
      %get3A_1414 = tpu.vector_load %arg13[%get3A_1412, %get3A_1413] {strides = array<i32>} : memref<128x128xf32, #tpu.memory_space<vmem>>, vector<1x16xf32>,
      %get3A_1415 = vector.shape_cast %get3A_1414 : vector<1x16xf32> to vector<16xf32>
      %get3A_1416 = arith.index_cast %add3A_1349 : i32 to index
      %get3A_1417 = arith.constant 48 : index
      %get3A_1418 = tpu.vector_load %arg14[%get3A_1416, %get3A_1417] {strides = array<i32>} : memref<128x128xf32, #tpu.memory_space<vmem>>, vector<1x16xf32>,
      %get3A_1419 = vector.shape_cast %get3A_1418 : vector<1x16xf32> to vector<16xf32>
      %sub3A_1420 = arith.subf %get3A_1411, %get3A_1415 : vector<16xf32>
      %mul3A_1421 = arith.mulf %sub3A_1420, %sub3A_1420 : vector<16xf32>
      %add3A_1422 = arith.addf %add3A_1404, %mul3A_1421 : vector<16xf32>
      %sub3A_1423 = arith.subf %get3A_1411, %get3A_1419 : vector<16xf32>
      %mul3A_1424 = arith.mulf %sub3A_1423, %sub3A_1423 : vector<16xf32>
      %add3A_1425 = arith.addf %add3A_1407, %mul3A_1424 : vector<16xf32>
      %xor3A_1426 = arith.constant 8 : i32
      %xor3A_1427 = vector.broadcast %xor3A_1426 : i32 to vector<16xi32>
      %xor3A_1428 = arith.xori %iota3A_157, %xor3A_1427 : vector<16xi32>
      %reshape3A_1429 = vector.shape_cast %xor3A_1428 : vector<16xi32> to vector<16x1xi32>
      %gather3A_1430 = vector.shape_cast %reshape3A_1429 : vector<16x1xi32> to vector<16xi32>
      %gather3A_1431 = tpu.dynamic_gather %add3A_1422[%gather3A_1430] in [0] : vector<16xf32>, vector<16xi32> -> vector<16xf32>
      %add3A_1432 = arith.addf %add3A_1422, %gather3A_1431 : vector<16xf32>
      %xor3A_1433 = arith.constant 4 : i32
      %xor3A_1434 = vector.broadcast %xor3A_1433 : i32 to vector<16xi32>
      %xor3A_1435 = arith.xori %iota3A_157, %xor3A_1434 : vector<16xi32>
      %reshape3A_1436 = vector.shape_cast %xor3A_1435 : vector<16xi32> to vector<16x1xi32>
      %gather3A_1437 = vector.shape_cast %reshape3A_1436 : vector<16x1xi32> to vector<16xi32>
      %gather3A_1438 = tpu.dynamic_gather %add3A_1432[%gather3A_1437] in [0] : vector<16xf32>, vector<16xi32> -> vector<16xf32>
      %add3A_1439 = arith.addf %add3A_1432, %gather3A_1438 : vector<16xf32>
      %xor3A_1440 = arith.constant 2 : i32
      %xor3A_1441 = vector.broadcast %xor3A_1440 : i32 to vector<16xi32>
      %xor3A_1442 = arith.xori %iota3A_157, %xor3A_1441 : vector<16xi32>
      %reshape3A_1443 = vector.shape_cast %xor3A_1442 : vector<16xi32> to vector<16x1xi32>
      %gather3A_1444 = vector.shape_cast %reshape3A_1443 : vector<16x1xi32> to vector<16xi32>
      %gather3A_1445 = tpu.dynamic_gather %add3A_1439[%gather3A_1444] in [0] : vector<16xf32>, vector<16xi32> -> vector<16xf32>
      %add3A_1446 = arith.addf %add3A_1439, %gather3A_1445 : vector<16xf32>
      %xor3A_1447 = arith.constant 1 : i32
      %xor3A_1448 = vector.broadcast %xor3A_1447 : i32 to vector<16xi32>
      %xor3A_1449 = arith.xori %iota3A_157, %xor3A_1448 : vector<16xi32>
      %reshape3A_1450 = vector.shape_cast %xor3A_1449 : vector<16xi32> to vector<16x1xi32>
      %gather3A_1451 = vector.shape_cast %reshape3A_1450 : vector<16x1xi32> to vector<16xi32>
      %gather3A_1452 = tpu.dynamic_gather %add3A_1446[%gather3A_1451] in [0] : vector<16xf32>, vector<16xi32> -> vector<16xf32>
      %add3A_1453 = arith.addf %add3A_1446, %gather3A_1452 : vector<16xf32>
      %xor3A_1454 = arith.constant 8 : i32
      %xor3A_1455 = vector.broadcast %xor3A_1454 : i32 to vector<16xi32>
      %xor3A_1456 = arith.xori %iota3A_157, %xor3A_1455 : vector<16xi32>
      %reshape3A_1457 = vector.shape_cast %xor3A_1456 : vector<16xi32> to vector<16x1xi32>
      %gather3A_1458 = vector.shape_cast %reshape3A_1457 : vector<16x1xi32> to vector<16xi32>
      %gather3A_1459 = tpu.dynamic_gather %add3A_1425[%gather3A_1458] in [0] : vector<16xf32>, vector<16xi32> -> vector<16xf32>
      %add3A_1460 = arith.addf %add3A_1425, %gather3A_1459 : vector<16xf32>
      %xor3A_1461 = arith.constant 4 : i32
      %xor3A_1462 = vector.broadcast %xor3A_1461 : i32 to vector<16xi32>
      %xor3A_1463 = arith.xori %iota3A_157, %xor3A_1462 : vector<16xi32>
      %reshape3A_1464 = vector.shape_cast %xor3A_1463 : vector<16xi32> to vector<16x1xi32>
      %gather3A_1465 = vector.shape_cast %reshape3A_1464 : vector<16x1xi32> to vector<16xi32>
      %gather3A_1466 = tpu.dynamic_gather %add3A_1460[%gather3A_1465] in [0] : vector<16xf32>, vector<16xi32> -> vector<16xf32>
      %add3A_1467 = arith.addf %add3A_1460, %gather3A_1466 : vector<16xf32>
      %xor3A_1468 = arith.constant 2 : i32
      %xor3A_1469 = vector.broadcast %xor3A_1468 : i32 to vector<16xi32>
      %xor3A_1470 = arith.xori %iota3A_157, %xor3A_1469 : vector<16xi32>
      %reshape3A_1471 = vector.shape_cast %xor3A_1470 : vector<16xi32> to vector<16x1xi32>
      %gather3A_1472 = vector.shape_cast %reshape3A_1471 : vector<16x1xi32> to vector<16xi32>
      %gather3A_1473 = tpu.dynamic_gather %add3A_1467[%gather3A_1472] in [0] : vector<16xf32>, vector<16xi32> -> vector<16xf32>
      %add3A_1474 = arith.addf %add3A_1467, %gather3A_1473 : vector<16xf32>
      %xor3A_1475 = arith.constant 1 : i32
      %xor3A_1476 = vector.broadcast %xor3A_1475 : i32 to vector<16xi32>
      %xor3A_1477 = arith.xori %iota3A_157, %xor3A_1476 : vector<16xi32>
      %reshape3A_1478 = vector.shape_cast %xor3A_1477 : vector<16xi32> to vector<16x1xi32>
      %gather3A_1479 = vector.shape_cast %reshape3A_1478 : vector<16x1xi32> to vector<16xi32>
      %gather3A_1480 = tpu.dynamic_gather %add3A_1474[%gather3A_1479] in [0] : vector<16xf32>, vector<16xi32> -> vector<16xf32>
      %add3A_1481 = arith.addf %add3A_1474, %gather3A_1480 : vector<16xf32>
      %broadcast_in_dim3A_1482 = arith.constant 6 : i32
      %broadcast_in_dim3A_1483 = vector.broadcast %broadcast_in_dim3A_1482 : i32 to vector<16xi32>
      %reshape3A_1484 = vector.shape_cast %broadcast_in_dim3A_1483 : vector<16xi32> to vector<16x1xi32>
      %gather3A_1485 = vector.shape_cast %reshape3A_1484 : vector<16x1xi32> to vector<16xi32>
      %gather3A_1486 = tpu.dynamic_gather %get3A_168[%gather3A_1485] in [0] : vector<16xi32>, vector<16xi32> -> vector<16xi32>
      %reshape3A_1487 = vector.shape_cast %broadcast_in_dim3A_1483 : vector<16xi32> to vector<16x1xi32>
      %gather3A_1488 = vector.shape_cast %reshape3A_1487 : vector<16x1xi32> to vector<16xi32>
      %gather3A_1489 = tpu.dynamic_gather %get3A_173[%gather3A_1488] in [0] : vector<16xi32>, vector<16xi32> -> vector<16xi32>
      %lt3A_1490 = arith.cmpf olt, %add3A_1481, %add3A_1453 : vector<16xf32>
      %jit3A_1491 = arith.constant 1 : i32
      %jit3A_1492 = arith.constant 0 : i32
      %broadcast_in_dim3A_1493 = vector.broadcast %jit3A_1491 : i32 to vector<16xi32>
      %broadcast_in_dim3A_1494 = vector.broadcast %jit3A_1492 : i32 to vector<16xi32>
      %select_n3A_1495 = arith.select %lt3A_1490, %broadcast_in_dim3A_1493, %broadcast_in_dim3A_1494 : vector<16xi1>, vector<16xi32>
      %eq3A_1496 = arith.cmpf oeq, %add3A_1481, %add3A_1453 : vector<16xf32>
      %jit3A_1497 = arith.constant 1 : i32
      %jit3A_1498 = arith.constant 0 : i32
      %broadcast_in_dim3A_1499 = vector.broadcast %jit3A_1497 : i32 to vector<16xi32>
      %broadcast_in_dim3A_1500 = vector.broadcast %jit3A_1498 : i32 to vector<16xi32>
      %select_n3A_1501 = arith.select %eq3A_1496, %broadcast_in_dim3A_1499, %broadcast_in_dim3A_1500 : vector<16xi1>, vector<16xi32>
      %lt3A_1502 = arith.cmpi slt, %gather3A_1489, %gather3A_1486 : vector<16xi32>
      %jit3A_1503 = arith.constant 1 : i32
      %jit3A_1504 = arith.constant 0 : i32
      %broadcast_in_dim3A_1505 = vector.broadcast %jit3A_1503 : i32 to vector<16xi32>
      %broadcast_in_dim3A_1506 = vector.broadcast %jit3A_1504 : i32 to vector<16xi32>
      %select_n3A_1507 = arith.select %lt3A_1502, %broadcast_in_dim3A_1505, %broadcast_in_dim3A_1506 : vector<16xi1>, vector<16xi32>
      %mul3A_1508 = arith.muli %select_n3A_1501, %select_n3A_1507 : vector<16xi32>
      %add3A_1509 = arith.addi %select_n3A_1495, %mul3A_1508 : vector<16xi32>
      %gt3A_1510 = arith.constant 0 : i32
      %gt3A_1511 = vector.broadcast %gt3A_1510 : i32 to vector<16xi32>
      %gt3A_1512 = arith.cmpi sgt, %add3A_1509, %gt3A_1511 : vector<16xi32>
      %eq3A_1513 = arith.constant 6 : i32
      %eq3A_1514 = vector.broadcast %eq3A_1513 : i32 to vector<16xi32>
      %eq3A_1515 = arith.cmpi eq, %iota3A_157, %eq3A_1514 : vector<16xi32>
      %select_n3A_1516 = arith.select %gt3A_1512, %gather3A_1489, %gather3A_1486 : vector<16xi1>, vector<16xi32>
      %select_n3A_1517 = arith.select %eq3A_1515, %select_n3A_1516, %select_n3A_1321 : vector<16xi1>, vector<16xi32>
      %select_n3A_1518 = arith.select %gt3A_1512, %get3A_1365, %get3A_1361 : vector<16xi1>, vector<16xf32>
      %swap3A_1519 = arith.index_cast %add3A_1349 : i32 to index
      %swap3A_1520 = arith.constant 0 : index
      %swap3A_1521 = tpu.vector_load %arg15[%swap3A_1519, %swap3A_1520] {strides = array<i32>} : memref<128x64xf32, #tpu.memory_space<vmem>>, vector<1x16xf32>,
      %swap3A_1522 = vector.shape_cast %swap3A_1521 : vector<1x16xf32> to vector<16xf32>
      %swap3A_1523 = vector.shape_cast %select_n3A_1518 : vector<16xf32> to vector<1x16xf32>
      tpu.vector_store %arg15[%swap3A_1519, %swap3A_1520], %swap3A_1523 {strides = array<i32>} : memref<128x64xf32, #tpu.memory_space<vmem>>, vector<1x16xf32>,
      %select_n3A_1524 = arith.select %gt3A_1512, %get3A_1383, %get3A_1379 : vector<16xi1>, vector<16xf32>
      %swap3A_1525 = arith.index_cast %add3A_1349 : i32 to index
      %swap3A_1526 = arith.constant 16 : index
      %swap3A_1527 = tpu.vector_load %arg15[%swap3A_1525, %swap3A_1526] {strides = array<i32>} : memref<128x64xf32, #tpu.memory_space<vmem>>, vector<1x16xf32>,
      %swap3A_1528 = vector.shape_cast %swap3A_1527 : vector<1x16xf32> to vector<16xf32>
      %swap3A_1529 = vector.shape_cast %select_n3A_1524 : vector<16xf32> to vector<1x16xf32>
      tpu.vector_store %arg15[%swap3A_1525, %swap3A_1526], %swap3A_1529 {strides = array<i32>} : memref<128x64xf32, #tpu.memory_space<vmem>>, vector<1x16xf32>,
      %select_n3A_1530 = arith.select %gt3A_1512, %get3A_1401, %get3A_1397 : vector<16xi1>, vector<16xf32>
      %swap3A_1531 = arith.index_cast %add3A_1349 : i32 to index
      %swap3A_1532 = arith.constant 32 : index
      %swap3A_1533 = tpu.vector_load %arg15[%swap3A_1531, %swap3A_1532] {strides = array<i32>} : memref<128x64xf32, #tpu.memory_space<vmem>>, vector<1x16xf32>,
      %swap3A_1534 = vector.shape_cast %swap3A_1533 : vector<1x16xf32> to vector<16xf32>
      %swap3A_1535 = vector.shape_cast %select_n3A_1530 : vector<16xf32> to vector<1x16xf32>
      tpu.vector_store %arg15[%swap3A_1531, %swap3A_1532], %swap3A_1535 {strides = array<i32>} : memref<128x64xf32, #tpu.memory_space<vmem>>, vector<1x16xf32>,
      %select_n3A_1536 = arith.select %gt3A_1512, %get3A_1419, %get3A_1415 : vector<16xi1>, vector<16xf32>
      %swap3A_1537 = arith.index_cast %add3A_1349 : i32 to index
      %swap3A_1538 = arith.constant 48 : index
      %swap3A_1539 = tpu.vector_load %arg15[%swap3A_1537, %swap3A_1538] {strides = array<i32>} : memref<128x64xf32, #tpu.memory_space<vmem>>, vector<1x16xf32>,
      %swap3A_1540 = vector.shape_cast %swap3A_1539 : vector<1x16xf32> to vector<16xf32>
      %swap3A_1541 = vector.shape_cast %select_n3A_1536 : vector<16xf32> to vector<1x16xf32>
      tpu.vector_store %arg15[%swap3A_1537, %swap3A_1538], %swap3A_1541 {strides = array<i32>} : memref<128x64xf32, #tpu.memory_space<vmem>>, vector<1x16xf32>,
      %mul3A_1542 = arith.constant 16 : i32
      %mul3A_1543 = arith.muli %scan3A_163, %mul3A_1542 : i32
      %add3A_1544 = arith.constant 7 : i32
      %add3A_1545 = arith.addi %mul3A_1543, %add3A_1544 : i32
      %broadcast_in_dim3A_1546 = arith.constant 0.000000e+00 : f32
      %broadcast_in_dim3A_1547 = vector.broadcast %broadcast_in_dim3A_1546 : f32 to vector<16xf32>
      %broadcast_in_dim3A_1548 = arith.constant 0.000000e+00 : f32
      %broadcast_in_dim3A_1549 = vector.broadcast %broadcast_in_dim3A_1548 : f32 to vector<16xf32>
      %get3A_1550 = arith.index_cast %add3A_1545 : i32 to index
      %get3A_1551 = arith.constant 0 : index
      %get3A_1552 = tpu.vector_load %arg12[%get3A_1550, %get3A_1551] {strides = array<i32>} : memref<128x64xf32, #tpu.memory_space<vmem>>, vector<1x16xf32>,
      %get3A_1553 = vector.shape_cast %get3A_1552 : vector<1x16xf32> to vector<16xf32>
      %get3A_1554 = arith.index_cast %add3A_1545 : i32 to index
      %get3A_1555 = arith.constant 0 : index
      %get3A_1556 = tpu.vector_load %arg13[%get3A_1554, %get3A_1555] {strides = array<i32>} : memref<128x128xf32, #tpu.memory_space<vmem>>, vector<1x16xf32>,
      %get3A_1557 = vector.shape_cast %get3A_1556 : vector<1x16xf32> to vector<16xf32>
      %get3A_1558 = arith.index_cast %add3A_1545 : i32 to index
      %get3A_1559 = arith.constant 0 : index
      %get3A_1560 = tpu.vector_load %arg14[%get3A_1558, %get3A_1559] {strides = array<i32>} : memref<128x128xf32, #tpu.memory_space<vmem>>, vector<1x16xf32>,
      %get3A_1561 = vector.shape_cast %get3A_1560 : vector<1x16xf32> to vector<16xf32>
      %sub3A_1562 = arith.subf %get3A_1553, %get3A_1557 : vector<16xf32>
      %mul3A_1563 = arith.mulf %sub3A_1562, %sub3A_1562 : vector<16xf32>
      %add3A_1564 = arith.addf %broadcast_in_dim3A_1547, %mul3A_1563 : vector<16xf32>
      %sub3A_1565 = arith.subf %get3A_1553, %get3A_1561 : vector<16xf32>
      %mul3A_1566 = arith.mulf %sub3A_1565, %sub3A_1565 : vector<16xf32>
      %add3A_1567 = arith.addf %broadcast_in_dim3A_1549, %mul3A_1566 : vector<16xf32>
      %get3A_1568 = arith.index_cast %add3A_1545 : i32 to index
      %get3A_1569 = arith.constant 16 : index
      %get3A_1570 = tpu.vector_load %arg12[%get3A_1568, %get3A_1569] {strides = array<i32>} : memref<128x64xf32, #tpu.memory_space<vmem>>, vector<1x16xf32>,
      %get3A_1571 = vector.shape_cast %get3A_1570 : vector<1x16xf32> to vector<16xf32>
      %get3A_1572 = arith.index_cast %add3A_1545 : i32 to index
      %get3A_1573 = arith.constant 16 : index
      %get3A_1574 = tpu.vector_load %arg13[%get3A_1572, %get3A_1573] {strides = array<i32>} : memref<128x128xf32, #tpu.memory_space<vmem>>, vector<1x16xf32>,
      %get3A_1575 = vector.shape_cast %get3A_1574 : vector<1x16xf32> to vector<16xf32>
      %get3A_1576 = arith.index_cast %add3A_1545 : i32 to index
      %get3A_1577 = arith.constant 16 : index
      %get3A_1578 = tpu.vector_load %arg14[%get3A_1576, %get3A_1577] {strides = array<i32>} : memref<128x128xf32, #tpu.memory_space<vmem>>, vector<1x16xf32>,
      %get3A_1579 = vector.shape_cast %get3A_1578 : vector<1x16xf32> to vector<16xf32>
      %sub3A_1580 = arith.subf %get3A_1571, %get3A_1575 : vector<16xf32>
      %mul3A_1581 = arith.mulf %sub3A_1580, %sub3A_1580 : vector<16xf32>
      %add3A_1582 = arith.addf %add3A_1564, %mul3A_1581 : vector<16xf32>
      %sub3A_1583 = arith.subf %get3A_1571, %get3A_1579 : vector<16xf32>
      %mul3A_1584 = arith.mulf %sub3A_1583, %sub3A_1583 : vector<16xf32>
      %add3A_1585 = arith.addf %add3A_1567, %mul3A_1584 : vector<16xf32>
      %get3A_1586 = arith.index_cast %add3A_1545 : i32 to index
      %get3A_1587 = arith.constant 32 : index
      %get3A_1588 = tpu.vector_load %arg12[%get3A_1586, %get3A_1587] {strides = array<i32>} : memref<128x64xf32, #tpu.memory_space<vmem>>, vector<1x16xf32>,
      %get3A_1589 = vector.shape_cast %get3A_1588 : vector<1x16xf32> to vector<16xf32>
      %get3A_1590 = arith.index_cast %add3A_1545 : i32 to index
      %get3A_1591 = arith.constant 32 : index
      %get3A_1592 = tpu.vector_load %arg13[%get3A_1590, %get3A_1591] {strides = array<i32>} : memref<128x128xf32, #tpu.memory_space<vmem>>, vector<1x16xf32>,
      %get3A_1593 = vector.shape_cast %get3A_1592 : vector<1x16xf32> to vector<16xf32>
      %get3A_1594 = arith.index_cast %add3A_1545 : i32 to index
      %get3A_1595 = arith.constant 32 : index
      %get3A_1596 = tpu.vector_load %arg14[%get3A_1594, %get3A_1595] {strides = array<i32>} : memref<128x128xf32, #tpu.memory_space<vmem>>, vector<1x16xf32>,
      %get3A_1597 = vector.shape_cast %get3A_1596 : vector<1x16xf32> to vector<16xf32>
      %sub3A_1598 = arith.subf %get3A_1589, %get3A_1593 : vector<16xf32>
      %mul3A_1599 = arith.mulf %sub3A_1598, %sub3A_1598 : vector<16xf32>
      %add3A_1600 = arith.addf %add3A_1582, %mul3A_1599 : vector<16xf32>
      %sub3A_1601 = arith.subf %get3A_1589, %get3A_1597 : vector<16xf32>
      %mul3A_1602 = arith.mulf %sub3A_1601, %sub3A_1601 : vector<16xf32>
      %add3A_1603 = arith.addf %add3A_1585, %mul3A_1602 : vector<16xf32>
      %get3A_1604 = arith.index_cast %add3A_1545 : i32 to index
      %get3A_1605 = arith.constant 48 : index
      %get3A_1606 = tpu.vector_load %arg12[%get3A_1604, %get3A_1605] {strides = array<i32>} : memref<128x64xf32, #tpu.memory_space<vmem>>, vector<1x16xf32>,
      %get3A_1607 = vector.shape_cast %get3A_1606 : vector<1x16xf32> to vector<16xf32>
      %get3A_1608 = arith.index_cast %add3A_1545 : i32 to index
      %get3A_1609 = arith.constant 48 : index
      %get3A_1610 = tpu.vector_load %arg13[%get3A_1608, %get3A_1609] {strides = array<i32>} : memref<128x128xf32, #tpu.memory_space<vmem>>, vector<1x16xf32>,
      %get3A_1611 = vector.shape_cast %get3A_1610 : vector<1x16xf32> to vector<16xf32>
      %get3A_1612 = arith.index_cast %add3A_1545 : i32 to index
      %get3A_1613 = arith.constant 48 : index
      %get3A_1614 = tpu.vector_load %arg14[%get3A_1612, %get3A_1613] {strides = array<i32>} : memref<128x128xf32, #tpu.memory_space<vmem>>, vector<1x16xf32>,
      %get3A_1615 = vector.shape_cast %get3A_1614 : vector<1x16xf32> to vector<16xf32>
      %sub3A_1616 = arith.subf %get3A_1607, %get3A_1611 : vector<16xf32>
      %mul3A_1617 = arith.mulf %sub3A_1616, %sub3A_1616 : vector<16xf32>
      %add3A_1618 = arith.addf %add3A_1600, %mul3A_1617 : vector<16xf32>
      %sub3A_1619 = arith.subf %get3A_1607, %get3A_1615 : vector<16xf32>
      %mul3A_1620 = arith.mulf %sub3A_1619, %sub3A_1619 : vector<16xf32>
      %add3A_1621 = arith.addf %add3A_1603, %mul3A_1620 : vector<16xf32>
      %xor3A_1622 = arith.constant 8 : i32
      %xor3A_1623 = vector.broadcast %xor3A_1622 : i32 to vector<16xi32>
      %xor3A_1624 = arith.xori %iota3A_157, %xor3A_1623 : vector<16xi32>
      %reshape3A_1625 = vector.shape_cast %xor3A_1624 : vector<16xi32> to vector<16x1xi32>
      %gather3A_1626 = vector.shape_cast %reshape3A_1625 : vector<16x1xi32> to vector<16xi32>
      %gather3A_1627 = tpu.dynamic_gather %add3A_1618[%gather3A_1626] in [0] : vector<16xf32>, vector<16xi32> -> vector<16xf32>
      %add3A_1628 = arith.addf %add3A_1618, %gather3A_1627 : vector<16xf32>
      %xor3A_1629 = arith.constant 4 : i32
      %xor3A_1630 = vector.broadcast %xor3A_1629 : i32 to vector<16xi32>
      %xor3A_1631 = arith.xori %iota3A_157, %xor3A_1630 : vector<16xi32>
      %reshape3A_1632 = vector.shape_cast %xor3A_1631 : vector<16xi32> to vector<16x1xi32>
      %gather3A_1633 = vector.shape_cast %reshape3A_1632 : vector<16x1xi32> to vector<16xi32>
      %gather3A_1634 = tpu.dynamic_gather %add3A_1628[%gather3A_1633] in [0] : vector<16xf32>, vector<16xi32> -> vector<16xf32>
      %add3A_1635 = arith.addf %add3A_1628, %gather3A_1634 : vector<16xf32>
      %xor3A_1636 = arith.constant 2 : i32
      %xor3A_1637 = vector.broadcast %xor3A_1636 : i32 to vector<16xi32>
      %xor3A_1638 = arith.xori %iota3A_157, %xor3A_1637 : vector<16xi32>
      %reshape3A_1639 = vector.shape_cast %xor3A_1638 : vector<16xi32> to vector<16x1xi32>
      %gather3A_1640 = vector.shape_cast %reshape3A_1639 : vector<16x1xi32> to vector<16xi32>
      %gather3A_1641 = tpu.dynamic_gather %add3A_1635[%gather3A_1640] in [0] : vector<16xf32>, vector<16xi32> -> vector<16xf32>
      %add3A_1642 = arith.addf %add3A_1635, %gather3A_1641 : vector<16xf32>
      %xor3A_1643 = arith.constant 1 : i32
      %xor3A_1644 = vector.broadcast %xor3A_1643 : i32 to vector<16xi32>
      %xor3A_1645 = arith.xori %iota3A_157, %xor3A_1644 : vector<16xi32>
      %reshape3A_1646 = vector.shape_cast %xor3A_1645 : vector<16xi32> to vector<16x1xi32>
      %gather3A_1647 = vector.shape_cast %reshape3A_1646 : vector<16x1xi32> to vector<16xi32>
      %gather3A_1648 = tpu.dynamic_gather %add3A_1642[%gather3A_1647] in [0] : vector<16xf32>, vector<16xi32> -> vector<16xf32>
      %add3A_1649 = arith.addf %add3A_1642, %gather3A_1648 : vector<16xf32>
      %xor3A_1650 = arith.constant 8 : i32
      %xor3A_1651 = vector.broadcast %xor3A_1650 : i32 to vector<16xi32>
      %xor3A_1652 = arith.xori %iota3A_157, %xor3A_1651 : vector<16xi32>
      %reshape3A_1653 = vector.shape_cast %xor3A_1652 : vector<16xi32> to vector<16x1xi32>
      %gather3A_1654 = vector.shape_cast %reshape3A_1653 : vector<16x1xi32> to vector<16xi32>
      %gather3A_1655 = tpu.dynamic_gather %add3A_1621[%gather3A_1654] in [0] : vector<16xf32>, vector<16xi32> -> vector<16xf32>
      %add3A_1656 = arith.addf %add3A_1621, %gather3A_1655 : vector<16xf32>
      %xor3A_1657 = arith.constant 4 : i32
      %xor3A_1658 = vector.broadcast %xor3A_1657 : i32 to vector<16xi32>
      %xor3A_1659 = arith.xori %iota3A_157, %xor3A_1658 : vector<16xi32>
      %reshape3A_1660 = vector.shape_cast %xor3A_1659 : vector<16xi32> to vector<16x1xi32>
      %gather3A_1661 = vector.shape_cast %reshape3A_1660 : vector<16x1xi32> to vector<16xi32>
      %gather3A_1662 = tpu.dynamic_gather %add3A_1656[%gather3A_1661] in [0] : vector<16xf32>, vector<16xi32> -> vector<16xf32>
      %add3A_1663 = arith.addf %add3A_1656, %gather3A_1662 : vector<16xf32>
      %xor3A_1664 = arith.constant 2 : i32
      %xor3A_1665 = vector.broadcast %xor3A_1664 : i32 to vector<16xi32>
      %xor3A_1666 = arith.xori %iota3A_157, %xor3A_1665 : vector<16xi32>
      %reshape3A_1667 = vector.shape_cast %xor3A_1666 : vector<16xi32> to vector<16x1xi32>
      %gather3A_1668 = vector.shape_cast %reshape3A_1667 : vector<16x1xi32> to vector<16xi32>
      %gather3A_1669 = tpu.dynamic_gather %add3A_1663[%gather3A_1668] in [0] : vector<16xf32>, vector<16xi32> -> vector<16xf32>
      %add3A_1670 = arith.addf %add3A_1663, %gather3A_1669 : vector<16xf32>
      %xor3A_1671 = arith.constant 1 : i32
      %xor3A_1672 = vector.broadcast %xor3A_1671 : i32 to vector<16xi32>
      %xor3A_1673 = arith.xori %iota3A_157, %xor3A_1672 : vector<16xi32>
      %reshape3A_1674 = vector.shape_cast %xor3A_1673 : vector<16xi32> to vector<16x1xi32>
      %gather3A_1675 = vector.shape_cast %reshape3A_1674 : vector<16x1xi32> to vector<16xi32>
      %gather3A_1676 = tpu.dynamic_gather %add3A_1670[%gather3A_1675] in [0] : vector<16xf32>, vector<16xi32> -> vector<16xf32>
      %add3A_1677 = arith.addf %add3A_1670, %gather3A_1676 : vector<16xf32>
      %broadcast_in_dim3A_1678 = arith.constant 7 : i32
      %broadcast_in_dim3A_1679 = vector.broadcast %broadcast_in_dim3A_1678 : i32 to vector<16xi32>
      %reshape3A_1680 = vector.shape_cast %broadcast_in_dim3A_1679 : vector<16xi32> to vector<16x1xi32>
      %gather3A_1681 = vector.shape_cast %reshape3A_1680 : vector<16x1xi32> to vector<16xi32>
      %gather3A_1682 = tpu.dynamic_gather %get3A_168[%gather3A_1681] in [0] : vector<16xi32>, vector<16xi32> -> vector<16xi32>
      %reshape3A_1683 = vector.shape_cast %broadcast_in_dim3A_1679 : vector<16xi32> to vector<16x1xi32>
      %gather3A_1684 = vector.shape_cast %reshape3A_1683 : vector<16x1xi32> to vector<16xi32>
      %gather3A_1685 = tpu.dynamic_gather %get3A_173[%gather3A_1684] in [0] : vector<16xi32>, vector<16xi32> -> vector<16xi32>
      %lt3A_1686 = arith.cmpf olt, %add3A_1677, %add3A_1649 : vector<16xf32>
      %jit3A_1687 = arith.constant 1 : i32
      %jit3A_1688 = arith.constant 0 : i32
      %broadcast_in_dim3A_1689 = vector.broadcast %jit3A_1687 : i32 to vector<16xi32>
      %broadcast_in_dim3A_1690 = vector.broadcast %jit3A_1688 : i32 to vector<16xi32>
      %select_n3A_1691 = arith.select %lt3A_1686, %broadcast_in_dim3A_1689, %broadcast_in_dim3A_1690 : vector<16xi1>, vector<16xi32>
      %eq3A_1692 = arith.cmpf oeq, %add3A_1677, %add3A_1649 : vector<16xf32>
      %jit3A_1693 = arith.constant 1 : i32
      %jit3A_1694 = arith.constant 0 : i32
      %broadcast_in_dim3A_1695 = vector.broadcast %jit3A_1693 : i32 to vector<16xi32>
      %broadcast_in_dim3A_1696 = vector.broadcast %jit3A_1694 : i32 to vector<16xi32>
      %select_n3A_1697 = arith.select %eq3A_1692, %broadcast_in_dim3A_1695, %broadcast_in_dim3A_1696 : vector<16xi1>, vector<16xi32>
      %lt3A_1698 = arith.cmpi slt, %gather3A_1685, %gather3A_1682 : vector<16xi32>
      %jit3A_1699 = arith.constant 1 : i32
      %jit3A_1700 = arith.constant 0 : i32
      %broadcast_in_dim3A_1701 = vector.broadcast %jit3A_1699 : i32 to vector<16xi32>
      %broadcast_in_dim3A_1702 = vector.broadcast %jit3A_1700 : i32 to vector<16xi32>
      %select_n3A_1703 = arith.select %lt3A_1698, %broadcast_in_dim3A_1701, %broadcast_in_dim3A_1702 : vector<16xi1>, vector<16xi32>
      %mul3A_1704 = arith.muli %select_n3A_1697, %select_n3A_1703 : vector<16xi32>
      %add3A_1705 = arith.addi %select_n3A_1691, %mul3A_1704 : vector<16xi32>
      %gt3A_1706 = arith.constant 0 : i32
      %gt3A_1707 = vector.broadcast %gt3A_1706 : i32 to vector<16xi32>
      %gt3A_1708 = arith.cmpi sgt, %add3A_1705, %gt3A_1707 : vector<16xi32>
      %eq3A_1709 = arith.constant 7 : i32
      %eq3A_1710 = vector.broadcast %eq3A_1709 : i32 to vector<16xi32>
      %eq3A_1711 = arith.cmpi eq, %iota3A_157, %eq3A_1710 : vector<16xi32>
      %select_n3A_1712 = arith.select %gt3A_1708, %gather3A_1685, %gather3A_1682 : vector<16xi1>, vector<16xi32>
      %select_n3A_1713 = arith.select %eq3A_1711, %select_n3A_1712, %select_n3A_1517 : vector<16xi1>, vector<16xi32>
      %select_n3A_1714 = arith.select %gt3A_1708, %get3A_1561, %get3A_1557 : vector<16xi1>, vector<16xf32>
      %swap3A_1715 = arith.index_cast %add3A_1545 : i32 to index
      %swap3A_1716 = arith.constant 0 : index
      %swap3A_1717 = tpu.vector_load %arg15[%swap3A_1715, %swap3A_1716] {strides = array<i32>} : memref<128x64xf32, #tpu.memory_space<vmem>>, vector<1x16xf32>,
      %swap3A_1718 = vector.shape_cast %swap3A_1717 : vector<1x16xf32> to vector<16xf32>
      %swap3A_1719 = vector.shape_cast %select_n3A_1714 : vector<16xf32> to vector<1x16xf32>
      tpu.vector_store %arg15[%swap3A_1715, %swap3A_1716], %swap3A_1719 {strides = array<i32>} : memref<128x64xf32, #tpu.memory_space<vmem>>, vector<1x16xf32>,
      %select_n3A_1720 = arith.select %gt3A_1708, %get3A_1579, %get3A_1575 : vector<16xi1>, vector<16xf32>
      %swap3A_1721 = arith.index_cast %add3A_1545 : i32 to index
      %swap3A_1722 = arith.constant 16 : index
      %swap3A_1723 = tpu.vector_load %arg15[%swap3A_1721, %swap3A_1722] {strides = array<i32>} : memref<128x64xf32, #tpu.memory_space<vmem>>, vector<1x16xf32>,
      %swap3A_1724 = vector.shape_cast %swap3A_1723 : vector<1x16xf32> to vector<16xf32>
      %swap3A_1725 = vector.shape_cast %select_n3A_1720 : vector<16xf32> to vector<1x16xf32>
      tpu.vector_store %arg15[%swap3A_1721, %swap3A_1722], %swap3A_1725 {strides = array<i32>} : memref<128x64xf32, #tpu.memory_space<vmem>>, vector<1x16xf32>,
      %select_n3A_1726 = arith.select %gt3A_1708, %get3A_1597, %get3A_1593 : vector<16xi1>, vector<16xf32>
      %swap3A_1727 = arith.index_cast %add3A_1545 : i32 to index
      %swap3A_1728 = arith.constant 32 : index
      %swap3A_1729 = tpu.vector_load %arg15[%swap3A_1727, %swap3A_1728] {strides = array<i32>} : memref<128x64xf32, #tpu.memory_space<vmem>>, vector<1x16xf32>,
      %swap3A_1730 = vector.shape_cast %swap3A_1729 : vector<1x16xf32> to vector<16xf32>
      %swap3A_1731 = vector.shape_cast %select_n3A_1726 : vector<16xf32> to vector<1x16xf32>
      tpu.vector_store %arg15[%swap3A_1727, %swap3A_1728], %swap3A_1731 {strides = array<i32>} : memref<128x64xf32, #tpu.memory_space<vmem>>, vector<1x16xf32>,
      %select_n3A_1732 = arith.select %gt3A_1708, %get3A_1615, %get3A_1611 : vector<16xi1>, vector<16xf32>
      %swap3A_1733 = arith.index_cast %add3A_1545 : i32 to index
      %swap3A_1734 = arith.constant 48 : index
      %swap3A_1735 = tpu.vector_load %arg15[%swap3A_1733, %swap3A_1734] {strides = array<i32>} : memref<128x64xf32, #tpu.memory_space<vmem>>, vector<1x16xf32>,
      %swap3A_1736 = vector.shape_cast %swap3A_1735 : vector<1x16xf32> to vector<16xf32>
      %swap3A_1737 = vector.shape_cast %select_n3A_1732 : vector<16xf32> to vector<1x16xf32>
      tpu.vector_store %arg15[%swap3A_1733, %swap3A_1734], %swap3A_1737 {strides = array<i32>} : memref<128x64xf32, #tpu.memory_space<vmem>>, vector<1x16xf32>,
      %mul3A_1738 = arith.constant 16 : i32
      %mul3A_1739 = arith.muli %scan3A_163, %mul3A_1738 : i32
      %add3A_1740 = arith.constant 8 : i32
      %add3A_1741 = arith.addi %mul3A_1739, %add3A_1740 : i32
      %broadcast_in_dim3A_1742 = arith.constant 0.000000e+00 : f32
      %broadcast_in_dim3A_1743 = vector.broadcast %broadcast_in_dim3A_1742 : f32 to vector<16xf32>
      %broadcast_in_dim3A_1744 = arith.constant 0.000000e+00 : f32
      %broadcast_in_dim3A_1745 = vector.broadcast %broadcast_in_dim3A_1744 : f32 to vector<16xf32>
      %get3A_1746 = arith.index_cast %add3A_1741 : i32 to index
      %get3A_1747 = arith.constant 0 : index
      %get3A_1748 = tpu.vector_load %arg12[%get3A_1746, %get3A_1747] {strides = array<i32>} : memref<128x64xf32, #tpu.memory_space<vmem>>, vector<1x16xf32>,
      %get3A_1749 = vector.shape_cast %get3A_1748 : vector<1x16xf32> to vector<16xf32>
      %get3A_1750 = arith.index_cast %add3A_1741 : i32 to index
      %get3A_1751 = arith.constant 0 : index
      %get3A_1752 = tpu.vector_load %arg13[%get3A_1750, %get3A_1751] {strides = array<i32>} : memref<128x128xf32, #tpu.memory_space<vmem>>, vector<1x16xf32>,
      %get3A_1753 = vector.shape_cast %get3A_1752 : vector<1x16xf32> to vector<16xf32>
      %get3A_1754 = arith.index_cast %add3A_1741 : i32 to index
      %get3A_1755 = arith.constant 0 : index
      %get3A_1756 = tpu.vector_load %arg14[%get3A_1754, %get3A_1755] {strides = array<i32>} : memref<128x128xf32, #tpu.memory_space<vmem>>, vector<1x16xf32>,
      %get3A_1757 = vector.shape_cast %get3A_1756 : vector<1x16xf32> to vector<16xf32>
      %sub3A_1758 = arith.subf %get3A_1749, %get3A_1753 : vector<16xf32>
      %mul3A_1759 = arith.mulf %sub3A_1758, %sub3A_1758 : vector<16xf32>
      %add3A_1760 = arith.addf %broadcast_in_dim3A_1743, %mul3A_1759 : vector<16xf32>
      %sub3A_1761 = arith.subf %get3A_1749, %get3A_1757 : vector<16xf32>
      %mul3A_1762 = arith.mulf %sub3A_1761, %sub3A_1761 : vector<16xf32>
      %add3A_1763 = arith.addf %broadcast_in_dim3A_1745, %mul3A_1762 : vector<16xf32>
      %get3A_1764 = arith.index_cast %add3A_1741 : i32 to index
      %get3A_1765 = arith.constant 16 : index
      %get3A_1766 = tpu.vector_load %arg12[%get3A_1764, %get3A_1765] {strides = array<i32>} : memref<128x64xf32, #tpu.memory_space<vmem>>, vector<1x16xf32>,
      %get3A_1767 = vector.shape_cast %get3A_1766 : vector<1x16xf32> to vector<16xf32>
      %get3A_1768 = arith.index_cast %add3A_1741 : i32 to index
      %get3A_1769 = arith.constant 16 : index
      %get3A_1770 = tpu.vector_load %arg13[%get3A_1768, %get3A_1769] {strides = array<i32>} : memref<128x128xf32, #tpu.memory_space<vmem>>, vector<1x16xf32>,
      %get3A_1771 = vector.shape_cast %get3A_1770 : vector<1x16xf32> to vector<16xf32>
      %get3A_1772 = arith.index_cast %add3A_1741 : i32 to index
      %get3A_1773 = arith.constant 16 : index
      %get3A_1774 = tpu.vector_load %arg14[%get3A_1772, %get3A_1773] {strides = array<i32>} : memref<128x128xf32, #tpu.memory_space<vmem>>, vector<1x16xf32>,
      %get3A_1775 = vector.shape_cast %get3A_1774 : vector<1x16xf32> to vector<16xf32>
      %sub3A_1776 = arith.subf %get3A_1767, %get3A_1771 : vector<16xf32>
      %mul3A_1777 = arith.mulf %sub3A_1776, %sub3A_1776 : vector<16xf32>
      %add3A_1778 = arith.addf %add3A_1760, %mul3A_1777 : vector<16xf32>
      %sub3A_1779 = arith.subf %get3A_1767, %get3A_1775 : vector<16xf32>
      %mul3A_1780 = arith.mulf %sub3A_1779, %sub3A_1779 : vector<16xf32>
      %add3A_1781 = arith.addf %add3A_1763, %mul3A_1780 : vector<16xf32>
      %get3A_1782 = arith.index_cast %add3A_1741 : i32 to index
      %get3A_1783 = arith.constant 32 : index
      %get3A_1784 = tpu.vector_load %arg12[%get3A_1782, %get3A_1783] {strides = array<i32>} : memref<128x64xf32, #tpu.memory_space<vmem>>, vector<1x16xf32>,
      %get3A_1785 = vector.shape_cast %get3A_1784 : vector<1x16xf32> to vector<16xf32>
      %get3A_1786 = arith.index_cast %add3A_1741 : i32 to index
      %get3A_1787 = arith.constant 32 : index
      %get3A_1788 = tpu.vector_load %arg13[%get3A_1786, %get3A_1787] {strides = array<i32>} : memref<128x128xf32, #tpu.memory_space<vmem>>, vector<1x16xf32>,
      %get3A_1789 = vector.shape_cast %get3A_1788 : vector<1x16xf32> to vector<16xf32>
      %get3A_1790 = arith.index_cast %add3A_1741 : i32 to index
      %get3A_1791 = arith.constant 32 : index
      %get3A_1792 = tpu.vector_load %arg14[%get3A_1790, %get3A_1791] {strides = array<i32>} : memref<128x128xf32, #tpu.memory_space<vmem>>, vector<1x16xf32>,
      %get3A_1793 = vector.shape_cast %get3A_1792 : vector<1x16xf32> to vector<16xf32>
      %sub3A_1794 = arith.subf %get3A_1785, %get3A_1789 : vector<16xf32>
      %mul3A_1795 = arith.mulf %sub3A_1794, %sub3A_1794 : vector<16xf32>
      %add3A_1796 = arith.addf %add3A_1778, %mul3A_1795 : vector<16xf32>
      %sub3A_1797 = arith.subf %get3A_1785, %get3A_1793 : vector<16xf32>
      %mul3A_1798 = arith.mulf %sub3A_1797, %sub3A_1797 : vector<16xf32>
      %add3A_1799 = arith.addf %add3A_1781, %mul3A_1798 : vector<16xf32>
      %get3A_1800 = arith.index_cast %add3A_1741 : i32 to index
      %get3A_1801 = arith.constant 48 : index
      %get3A_1802 = tpu.vector_load %arg12[%get3A_1800, %get3A_1801] {strides = array<i32>} : memref<128x64xf32, #tpu.memory_space<vmem>>, vector<1x16xf32>,
      %get3A_1803 = vector.shape_cast %get3A_1802 : vector<1x16xf32> to vector<16xf32>
      %get3A_1804 = arith.index_cast %add3A_1741 : i32 to index
      %get3A_1805 = arith.constant 48 : index
      %get3A_1806 = tpu.vector_load %arg13[%get3A_1804, %get3A_1805] {strides = array<i32>} : memref<128x128xf32, #tpu.memory_space<vmem>>, vector<1x16xf32>,
      %get3A_1807 = vector.shape_cast %get3A_1806 : vector<1x16xf32> to vector<16xf32>
      %get3A_1808 = arith.index_cast %add3A_1741 : i32 to index
      %get3A_1809 = arith.constant 48 : index
      %get3A_1810 = tpu.vector_load %arg14[%get3A_1808, %get3A_1809] {strides = array<i32>} : memref<128x128xf32, #tpu.memory_space<vmem>>, vector<1x16xf32>,
      %get3A_1811 = vector.shape_cast %get3A_1810 : vector<1x16xf32> to vector<16xf32>
      %sub3A_1812 = arith.subf %get3A_1803, %get3A_1807 : vector<16xf32>
      %mul3A_1813 = arith.mulf %sub3A_1812, %sub3A_1812 : vector<16xf32>
      %add3A_1814 = arith.addf %add3A_1796, %mul3A_1813 : vector<16xf32>
      %sub3A_1815 = arith.subf %get3A_1803, %get3A_1811 : vector<16xf32>
      %mul3A_1816 = arith.mulf %sub3A_1815, %sub3A_1815 : vector<16xf32>
      %add3A_1817 = arith.addf %add3A_1799, %mul3A_1816 : vector<16xf32>
      %xor3A_1818 = arith.constant 8 : i32
      %xor3A_1819 = vector.broadcast %xor3A_1818 : i32 to vector<16xi32>
      %xor3A_1820 = arith.xori %iota3A_157, %xor3A_1819 : vector<16xi32>
      %reshape3A_1821 = vector.shape_cast %xor3A_1820 : vector<16xi32> to vector<16x1xi32>
      %gather3A_1822 = vector.shape_cast %reshape3A_1821 : vector<16x1xi32> to vector<16xi32>
      %gather3A_1823 = tpu.dynamic_gather %add3A_1814[%gather3A_1822] in [0] : vector<16xf32>, vector<16xi32> -> vector<16xf32>
      %add3A_1824 = arith.addf %add3A_1814, %gather3A_1823 : vector<16xf32>
      %xor3A_1825 = arith.constant 4 : i32
      %xor3A_1826 = vector.broadcast %xor3A_1825 : i32 to vector<16xi32>
      %xor3A_1827 = arith.xori %iota3A_157, %xor3A_1826 : vector<16xi32>
      %reshape3A_1828 = vector.shape_cast %xor3A_1827 : vector<16xi32> to vector<16x1xi32>
      %gather3A_1829 = vector.shape_cast %reshape3A_1828 : vector<16x1xi32> to vector<16xi32>
      %gather3A_1830 = tpu.dynamic_gather %add3A_1824[%gather3A_1829] in [0] : vector<16xf32>, vector<16xi32> -> vector<16xf32>
      %add3A_1831 = arith.addf %add3A_1824, %gather3A_1830 : vector<16xf32>
      %xor3A_1832 = arith.constant 2 : i32
      %xor3A_1833 = vector.broadcast %xor3A_1832 : i32 to vector<16xi32>
      %xor3A_1834 = arith.xori %iota3A_157, %xor3A_1833 : vector<16xi32>
      %reshape3A_1835 = vector.shape_cast %xor3A_1834 : vector<16xi32> to vector<16x1xi32>
      %gather3A_1836 = vector.shape_cast %reshape3A_1835 : vector<16x1xi32> to vector<16xi32>
      %gather3A_1837 = tpu.dynamic_gather %add3A_1831[%gather3A_1836] in [0] : vector<16xf32>, vector<16xi32> -> vector<16xf32>
      %add3A_1838 = arith.addf %add3A_1831, %gather3A_1837 : vector<16xf32>
      %xor3A_1839 = arith.constant 1 : i32
      %xor3A_1840 = vector.broadcast %xor3A_1839 : i32 to vector<16xi32>
      %xor3A_1841 = arith.xori %iota3A_157, %xor3A_1840 : vector<16xi32>
      %reshape3A_1842 = vector.shape_cast %xor3A_1841 : vector<16xi32> to vector<16x1xi32>
      %gather3A_1843 = vector.shape_cast %reshape3A_1842 : vector<16x1xi32> to vector<16xi32>
      %gather3A_1844 = tpu.dynamic_gather %add3A_1838[%gather3A_1843] in [0] : vector<16xf32>, vector<16xi32> -> vector<16xf32>
      %add3A_1845 = arith.addf %add3A_1838, %gather3A_1844 : vector<16xf32>
      %xor3A_1846 = arith.constant 8 : i32
      %xor3A_1847 = vector.broadcast %xor3A_1846 : i32 to vector<16xi32>
      %xor3A_1848 = arith.xori %iota3A_157, %xor3A_1847 : vector<16xi32>
      %reshape3A_1849 = vector.shape_cast %xor3A_1848 : vector<16xi32> to vector<16x1xi32>
      %gather3A_1850 = vector.shape_cast %reshape3A_1849 : vector<16x1xi32> to vector<16xi32>
      %gather3A_1851 = tpu.dynamic_gather %add3A_1817[%gather3A_1850] in [0] : vector<16xf32>, vector<16xi32> -> vector<16xf32>
      %add3A_1852 = arith.addf %add3A_1817, %gather3A_1851 : vector<16xf32>
      %xor3A_1853 = arith.constant 4 : i32
      %xor3A_1854 = vector.broadcast %xor3A_1853 : i32 to vector<16xi32>
      %xor3A_1855 = arith.xori %iota3A_157, %xor3A_1854 : vector<16xi32>
      %reshape3A_1856 = vector.shape_cast %xor3A_1855 : vector<16xi32> to vector<16x1xi32>
      %gather3A_1857 = vector.shape_cast %reshape3A_1856 : vector<16x1xi32> to vector<16xi32>
      %gather3A_1858 = tpu.dynamic_gather %add3A_1852[%gather3A_1857] in [0] : vector<16xf32>, vector<16xi32> -> vector<16xf32>
      %add3A_1859 = arith.addf %add3A_1852, %gather3A_1858 : vector<16xf32>
      %xor3A_1860 = arith.constant 2 : i32
      %xor3A_1861 = vector.broadcast %xor3A_1860 : i32 to vector<16xi32>
      %xor3A_1862 = arith.xori %iota3A_157, %xor3A_1861 : vector<16xi32>
      %reshape3A_1863 = vector.shape_cast %xor3A_1862 : vector<16xi32> to vector<16x1xi32>
      %gather3A_1864 = vector.shape_cast %reshape3A_1863 : vector<16x1xi32> to vector<16xi32>
      %gather3A_1865 = tpu.dynamic_gather %add3A_1859[%gather3A_1864] in [0] : vector<16xf32>, vector<16xi32> -> vector<16xf32>
      %add3A_1866 = arith.addf %add3A_1859, %gather3A_1865 : vector<16xf32>
      %xor3A_1867 = arith.constant 1 : i32
      %xor3A_1868 = vector.broadcast %xor3A_1867 : i32 to vector<16xi32>
      %xor3A_1869 = arith.xori %iota3A_157, %xor3A_1868 : vector<16xi32>
      %reshape3A_1870 = vector.shape_cast %xor3A_1869 : vector<16xi32> to vector<16x1xi32>
      %gather3A_1871 = vector.shape_cast %reshape3A_1870 : vector<16x1xi32> to vector<16xi32>
      %gather3A_1872 = tpu.dynamic_gather %add3A_1866[%gather3A_1871] in [0] : vector<16xf32>, vector<16xi32> -> vector<16xf32>
      %add3A_1873 = arith.addf %add3A_1866, %gather3A_1872 : vector<16xf32>
      %broadcast_in_dim3A_1874 = arith.constant 8 : i32
      %broadcast_in_dim3A_1875 = vector.broadcast %broadcast_in_dim3A_1874 : i32 to vector<16xi32>
      %reshape3A_1876 = vector.shape_cast %broadcast_in_dim3A_1875 : vector<16xi32> to vector<16x1xi32>
      %gather3A_1877 = vector.shape_cast %reshape3A_1876 : vector<16x1xi32> to vector<16xi32>
      %gather3A_1878 = tpu.dynamic_gather %get3A_168[%gather3A_1877] in [0] : vector<16xi32>, vector<16xi32> -> vector<16xi32>
      %reshape3A_1879 = vector.shape_cast %broadcast_in_dim3A_1875 : vector<16xi32> to vector<16x1xi32>
      %gather3A_1880 = vector.shape_cast %reshape3A_1879 : vector<16x1xi32> to vector<16xi32>
      %gather3A_1881 = tpu.dynamic_gather %get3A_173[%gather3A_1880] in [0] : vector<16xi32>, vector<16xi32> -> vector<16xi32>
      %lt3A_1882 = arith.cmpf olt, %add3A_1873, %add3A_1845 : vector<16xf32>
      %jit3A_1883 = arith.constant 1 : i32
      %jit3A_1884 = arith.constant 0 : i32
      %broadcast_in_dim3A_1885 = vector.broadcast %jit3A_1883 : i32 to vector<16xi32>
      %broadcast_in_dim3A_1886 = vector.broadcast %jit3A_1884 : i32 to vector<16xi32>
      %select_n3A_1887 = arith.select %lt3A_1882, %broadcast_in_dim3A_1885, %broadcast_in_dim3A_1886 : vector<16xi1>, vector<16xi32>
      %eq3A_1888 = arith.cmpf oeq, %add3A_1873, %add3A_1845 : vector<16xf32>
      %jit3A_1889 = arith.constant 1 : i32
      %jit3A_1890 = arith.constant 0 : i32
      %broadcast_in_dim3A_1891 = vector.broadcast %jit3A_1889 : i32 to vector<16xi32>
      %broadcast_in_dim3A_1892 = vector.broadcast %jit3A_1890 : i32 to vector<16xi32>
      %select_n3A_1893 = arith.select %eq3A_1888, %broadcast_in_dim3A_1891, %broadcast_in_dim3A_1892 : vector<16xi1>, vector<16xi32>
      %lt3A_1894 = arith.cmpi slt, %gather3A_1881, %gather3A_1878 : vector<16xi32>
      %jit3A_1895 = arith.constant 1 : i32
      %jit3A_1896 = arith.constant 0 : i32
      %broadcast_in_dim3A_1897 = vector.broadcast %jit3A_1895 : i32 to vector<16xi32>
      %broadcast_in_dim3A_1898 = vector.broadcast %jit3A_1896 : i32 to vector<16xi32>
      %select_n3A_1899 = arith.select %lt3A_1894, %broadcast_in_dim3A_1897, %broadcast_in_dim3A_1898 : vector<16xi1>, vector<16xi32>
      %mul3A_1900 = arith.muli %select_n3A_1893, %select_n3A_1899 : vector<16xi32>
      %add3A_1901 = arith.addi %select_n3A_1887, %mul3A_1900 : vector<16xi32>
      %gt3A_1902 = arith.constant 0 : i32
      %gt3A_1903 = vector.broadcast %gt3A_1902 : i32 to vector<16xi32>
      %gt3A_1904 = arith.cmpi sgt, %add3A_1901, %gt3A_1903 : vector<16xi32>
      %eq3A_1905 = arith.constant 8 : i32
      %eq3A_1906 = vector.broadcast %eq3A_1905 : i32 to vector<16xi32>
      %eq3A_1907 = arith.cmpi eq, %iota3A_157, %eq3A_1906 : vector<16xi32>
      %select_n3A_1908 = arith.select %gt3A_1904, %gather3A_1881, %gather3A_1878 : vector<16xi1>, vector<16xi32>
      %select_n3A_1909 = arith.select %eq3A_1907, %select_n3A_1908, %select_n3A_1713 : vector<16xi1>, vector<16xi32>
      %select_n3A_1910 = arith.select %gt3A_1904, %get3A_1757, %get3A_1753 : vector<16xi1>, vector<16xf32>
      %swap3A_1911 = arith.index_cast %add3A_1741 : i32 to index
      %swap3A_1912 = arith.constant 0 : index
      %swap3A_1913 = tpu.vector_load %arg15[%swap3A_1911, %swap3A_1912] {strides = array<i32>} : memref<128x64xf32, #tpu.memory_space<vmem>>, vector<1x16xf32>,
      %swap3A_1914 = vector.shape_cast %swap3A_1913 : vector<1x16xf32> to vector<16xf32>
      %swap3A_1915 = vector.shape_cast %select_n3A_1910 : vector<16xf32> to vector<1x16xf32>
      tpu.vector_store %arg15[%swap3A_1911, %swap3A_1912], %swap3A_1915 {strides = array<i32>} : memref<128x64xf32, #tpu.memory_space<vmem>>, vector<1x16xf32>,
      %select_n3A_1916 = arith.select %gt3A_1904, %get3A_1775, %get3A_1771 : vector<16xi1>, vector<16xf32>
      %swap3A_1917 = arith.index_cast %add3A_1741 : i32 to index
      %swap3A_1918 = arith.constant 16 : index
      %swap3A_1919 = tpu.vector_load %arg15[%swap3A_1917, %swap3A_1918] {strides = array<i32>} : memref<128x64xf32, #tpu.memory_space<vmem>>, vector<1x16xf32>,
      %swap3A_1920 = vector.shape_cast %swap3A_1919 : vector<1x16xf32> to vector<16xf32>
      %swap3A_1921 = vector.shape_cast %select_n3A_1916 : vector<16xf32> to vector<1x16xf32>
      tpu.vector_store %arg15[%swap3A_1917, %swap3A_1918], %swap3A_1921 {strides = array<i32>} : memref<128x64xf32, #tpu.memory_space<vmem>>, vector<1x16xf32>,
      %select_n3A_1922 = arith.select %gt3A_1904, %get3A_1793, %get3A_1789 : vector<16xi1>, vector<16xf32>
      %swap3A_1923 = arith.index_cast %add3A_1741 : i32 to index
      %swap3A_1924 = arith.constant 32 : index
      %swap3A_1925 = tpu.vector_load %arg15[%swap3A_1923, %swap3A_1924] {strides = array<i32>} : memref<128x64xf32, #tpu.memory_space<vmem>>, vector<1x16xf32>,
      %swap3A_1926 = vector.shape_cast %swap3A_1925 : vector<1x16xf32> to vector<16xf32>
      %swap3A_1927 = vector.shape_cast %select_n3A_1922 : vector<16xf32> to vector<1x16xf32>
      tpu.vector_store %arg15[%swap3A_1923, %swap3A_1924], %swap3A_1927 {strides = array<i32>} : memref<128x64xf32, #tpu.memory_space<vmem>>, vector<1x16xf32>,
      %select_n3A_1928 = arith.select %gt3A_1904, %get3A_1811, %get3A_1807 : vector<16xi1>, vector<16xf32>
      %swap3A_1929 = arith.index_cast %add3A_1741 : i32 to index
      %swap3A_1930 = arith.constant 48 : index
      %swap3A_1931 = tpu.vector_load %arg15[%swap3A_1929, %swap3A_1930] {strides = array<i32>} : memref<128x64xf32, #tpu.memory_space<vmem>>, vector<1x16xf32>,
      %swap3A_1932 = vector.shape_cast %swap3A_1931 : vector<1x16xf32> to vector<16xf32>
      %swap3A_1933 = vector.shape_cast %select_n3A_1928 : vector<16xf32> to vector<1x16xf32>
      tpu.vector_store %arg15[%swap3A_1929, %swap3A_1930], %swap3A_1933 {strides = array<i32>} : memref<128x64xf32, #tpu.memory_space<vmem>>, vector<1x16xf32>,
      %mul3A_1934 = arith.constant 16 : i32
      %mul3A_1935 = arith.muli %scan3A_163, %mul3A_1934 : i32
      %add3A_1936 = arith.constant 9 : i32
      %add3A_1937 = arith.addi %mul3A_1935, %add3A_1936 : i32
      %broadcast_in_dim3A_1938 = arith.constant 0.000000e+00 : f32
      %broadcast_in_dim3A_1939 = vector.broadcast %broadcast_in_dim3A_1938 : f32 to vector<16xf32>
      %broadcast_in_dim3A_1940 = arith.constant 0.000000e+00 : f32
      %broadcast_in_dim3A_1941 = vector.broadcast %broadcast_in_dim3A_1940 : f32 to vector<16xf32>
      %get3A_1942 = arith.index_cast %add3A_1937 : i32 to index
      %get3A_1943 = arith.constant 0 : index
      %get3A_1944 = tpu.vector_load %arg12[%get3A_1942, %get3A_1943] {strides = array<i32>} : memref<128x64xf32, #tpu.memory_space<vmem>>, vector<1x16xf32>,
      %get3A_1945 = vector.shape_cast %get3A_1944 : vector<1x16xf32> to vector<16xf32>
      %get3A_1946 = arith.index_cast %add3A_1937 : i32 to index
      %get3A_1947 = arith.constant 0 : index
      %get3A_1948 = tpu.vector_load %arg13[%get3A_1946, %get3A_1947] {strides = array<i32>} : memref<128x128xf32, #tpu.memory_space<vmem>>, vector<1x16xf32>,
      %get3A_1949 = vector.shape_cast %get3A_1948 : vector<1x16xf32> to vector<16xf32>
      %get3A_1950 = arith.index_cast %add3A_1937 : i32 to index
      %get3A_1951 = arith.constant 0 : index
      %get3A_1952 = tpu.vector_load %arg14[%get3A_1950, %get3A_1951] {strides = array<i32>} : memref<128x128xf32, #tpu.memory_space<vmem>>, vector<1x16xf32>,
      %get3A_1953 = vector.shape_cast %get3A_1952 : vector<1x16xf32> to vector<16xf32>
      %sub3A_1954 = arith.subf %get3A_1945, %get3A_1949 : vector<16xf32>
      %mul3A_1955 = arith.mulf %sub3A_1954, %sub3A_1954 : vector<16xf32>
      %add3A_1956 = arith.addf %broadcast_in_dim3A_1939, %mul3A_1955 : vector<16xf32>
      %sub3A_1957 = arith.subf %get3A_1945, %get3A_1953 : vector<16xf32>
      %mul3A_1958 = arith.mulf %sub3A_1957, %sub3A_1957 : vector<16xf32>
      %add3A_1959 = arith.addf %broadcast_in_dim3A_1941, %mul3A_1958 : vector<16xf32>
      %get3A_1960 = arith.index_cast %add3A_1937 : i32 to index
      %get3A_1961 = arith.constant 16 : index
      %get3A_1962 = tpu.vector_load %arg12[%get3A_1960, %get3A_1961] {strides = array<i32>} : memref<128x64xf32, #tpu.memory_space<vmem>>, vector<1x16xf32>,
      %get3A_1963 = vector.shape_cast %get3A_1962 : vector<1x16xf32> to vector<16xf32>
      %get3A_1964 = arith.index_cast %add3A_1937 : i32 to index
      %get3A_1965 = arith.constant 16 : index
      %get3A_1966 = tpu.vector_load %arg13[%get3A_1964, %get3A_1965] {strides = array<i32>} : memref<128x128xf32, #tpu.memory_space<vmem>>, vector<1x16xf32>,
      %get3A_1967 = vector.shape_cast %get3A_1966 : vector<1x16xf32> to vector<16xf32>
      %get3A_1968 = arith.index_cast %add3A_1937 : i32 to index
      %get3A_1969 = arith.constant 16 : index
      %get3A_1970 = tpu.vector_load %arg14[%get3A_1968, %get3A_1969] {strides = array<i32>} : memref<128x128xf32, #tpu.memory_space<vmem>>, vector<1x16xf32>,
      %get3A_1971 = vector.shape_cast %get3A_1970 : vector<1x16xf32> to vector<16xf32>
      %sub3A_1972 = arith.subf %get3A_1963, %get3A_1967 : vector<16xf32>
      %mul3A_1973 = arith.mulf %sub3A_1972, %sub3A_1972 : vector<16xf32>
      %add3A_1974 = arith.addf %add3A_1956, %mul3A_1973 : vector<16xf32>
      %sub3A_1975 = arith.subf %get3A_1963, %get3A_1971 : vector<16xf32>
      %mul3A_1976 = arith.mulf %sub3A_1975, %sub3A_1975 : vector<16xf32>
      %add3A_1977 = arith.addf %add3A_1959, %mul3A_1976 : vector<16xf32>
      %get3A_1978 = arith.index_cast %add3A_1937 : i32 to index
      %get3A_1979 = arith.constant 32 : index
      %get3A_1980 = tpu.vector_load %arg12[%get3A_1978, %get3A_1979] {strides = array<i32>} : memref<128x64xf32, #tpu.memory_space<vmem>>, vector<1x16xf32>,
      %get3A_1981 = vector.shape_cast %get3A_1980 : vector<1x16xf32> to vector<16xf32>
      %get3A_1982 = arith.index_cast %add3A_1937 : i32 to index
      %get3A_1983 = arith.constant 32 : index
      %get3A_1984 = tpu.vector_load %arg13[%get3A_1982, %get3A_1983] {strides = array<i32>} : memref<128x128xf32, #tpu.memory_space<vmem>>, vector<1x16xf32>,
      %get3A_1985 = vector.shape_cast %get3A_1984 : vector<1x16xf32> to vector<16xf32>
      %get3A_1986 = arith.index_cast %add3A_1937 : i32 to index
      %get3A_1987 = arith.constant 32 : index
      %get3A_1988 = tpu.vector_load %arg14[%get3A_1986, %get3A_1987] {strides = array<i32>} : memref<128x128xf32, #tpu.memory_space<vmem>>, vector<1x16xf32>,
      %get3A_1989 = vector.shape_cast %get3A_1988 : vector<1x16xf32> to vector<16xf32>
      %sub3A_1990 = arith.subf %get3A_1981, %get3A_1985 : vector<16xf32>
      %mul3A_1991 = arith.mulf %sub3A_1990, %sub3A_1990 : vector<16xf32>
      %add3A_1992 = arith.addf %add3A_1974, %mul3A_1991 : vector<16xf32>
      %sub3A_1993 = arith.subf %get3A_1981, %get3A_1989 : vector<16xf32>
      %mul3A_1994 = arith.mulf %sub3A_1993, %sub3A_1993 : vector<16xf32>
      %add3A_1995 = arith.addf %add3A_1977, %mul3A_1994 : vector<16xf32>
      %get3A_1996 = arith.index_cast %add3A_1937 : i32 to index
      %get3A_1997 = arith.constant 48 : index
      %get3A_1998 = tpu.vector_load %arg12[%get3A_1996, %get3A_1997] {strides = array<i32>} : memref<128x64xf32, #tpu.memory_space<vmem>>, vector<1x16xf32>,
      %get3A_1999 = vector.shape_cast %get3A_1998 : vector<1x16xf32> to vector<16xf32>
      %get3A_2000 = arith.index_cast %add3A_1937 : i32 to index
      %get3A_2001 = arith.constant 48 : index
      %get3A_2002 = tpu.vector_load %arg13[%get3A_2000, %get3A_2001] {strides = array<i32>} : memref<128x128xf32, #tpu.memory_space<vmem>>, vector<1x16xf32>,
      %get3A_2003 = vector.shape_cast %get3A_2002 : vector<1x16xf32> to vector<16xf32>
      %get3A_2004 = arith.index_cast %add3A_1937 : i32 to index
      %get3A_2005 = arith.constant 48 : index
      %get3A_2006 = tpu.vector_load %arg14[%get3A_2004, %get3A_2005] {strides = array<i32>} : memref<128x128xf32, #tpu.memory_space<vmem>>, vector<1x16xf32>,
      %get3A_2007 = vector.shape_cast %get3A_2006 : vector<1x16xf32> to vector<16xf32>
      %sub3A_2008 = arith.subf %get3A_1999, %get3A_2003 : vector<16xf32>
      %mul3A_2009 = arith.mulf %sub3A_2008, %sub3A_2008 : vector<16xf32>
      %add3A_2010 = arith.addf %add3A_1992, %mul3A_2009 : vector<16xf32>
      %sub3A_2011 = arith.subf %get3A_1999, %get3A_2007 : vector<16xf32>
      %mul3A_2012 = arith.mulf %sub3A_2011, %sub3A_2011 : vector<16xf32>
      %add3A_2013 = arith.addf %add3A_1995, %mul3A_2012 : vector<16xf32>
      %xor3A_2014 = arith.constant 8 : i32
      %xor3A_2015 = vector.broadcast %xor3A_2014 : i32 to vector<16xi32>
      %xor3A_2016 = arith.xori %iota3A_157, %xor3A_2015 : vector<16xi32>
      %reshape3A_2017 = vector.shape_cast %xor3A_2016 : vector<16xi32> to vector<16x1xi32>
      %gather3A_2018 = vector.shape_cast %reshape3A_2017 : vector<16x1xi32> to vector<16xi32>
      %gather3A_2019 = tpu.dynamic_gather %add3A_2010[%gather3A_2018] in [0] : vector<16xf32>, vector<16xi32> -> vector<16xf32>
      %add3A_2020 = arith.addf %add3A_2010, %gather3A_2019 : vector<16xf32>
      %xor3A_2021 = arith.constant 4 : i32
      %xor3A_2022 = vector.broadcast %xor3A_2021 : i32 to vector<16xi32>
      %xor3A_2023 = arith.xori %iota3A_157, %xor3A_2022 : vector<16xi32>
      %reshape3A_2024 = vector.shape_cast %xor3A_2023 : vector<16xi32> to vector<16x1xi32>
      %gather3A_2025 = vector.shape_cast %reshape3A_2024 : vector<16x1xi32> to vector<16xi32>
      %gather3A_2026 = tpu.dynamic_gather %add3A_2020[%gather3A_2025] in [0] : vector<16xf32>, vector<16xi32> -> vector<16xf32>
      %add3A_2027 = arith.addf %add3A_2020, %gather3A_2026 : vector<16xf32>
      %xor3A_2028 = arith.constant 2 : i32
      %xor3A_2029 = vector.broadcast %xor3A_2028 : i32 to vector<16xi32>
      %xor3A_2030 = arith.xori %iota3A_157, %xor3A_2029 : vector<16xi32>
      %reshape3A_2031 = vector.shape_cast %xor3A_2030 : vector<16xi32> to vector<16x1xi32>
      %gather3A_2032 = vector.shape_cast %reshape3A_2031 : vector<16x1xi32> to vector<16xi32>
      %gather3A_2033 = tpu.dynamic_gather %add3A_2027[%gather3A_2032] in [0] : vector<16xf32>, vector<16xi32> -> vector<16xf32>
      %add3A_2034 = arith.addf %add3A_2027, %gather3A_2033 : vector<16xf32>
      %xor3A_2035 = arith.constant 1 : i32
      %xor3A_2036 = vector.broadcast %xor3A_2035 : i32 to vector<16xi32>
      %xor3A_2037 = arith.xori %iota3A_157, %xor3A_2036 : vector<16xi32>
      %reshape3A_2038 = vector.shape_cast %xor3A_2037 : vector<16xi32> to vector<16x1xi32>
      %gather3A_2039 = vector.shape_cast %reshape3A_2038 : vector<16x1xi32> to vector<16xi32>
      %gather3A_2040 = tpu.dynamic_gather %add3A_2034[%gather3A_2039] in [0] : vector<16xf32>, vector<16xi32> -> vector<16xf32>
      %add3A_2041 = arith.addf %add3A_2034, %gather3A_2040 : vector<16xf32>
      %xor3A_2042 = arith.constant 8 : i32
      %xor3A_2043 = vector.broadcast %xor3A_2042 : i32 to vector<16xi32>
      %xor3A_2044 = arith.xori %iota3A_157, %xor3A_2043 : vector<16xi32>
      %reshape3A_2045 = vector.shape_cast %xor3A_2044 : vector<16xi32> to vector<16x1xi32>
      %gather3A_2046 = vector.shape_cast %reshape3A_2045 : vector<16x1xi32> to vector<16xi32>
      %gather3A_2047 = tpu.dynamic_gather %add3A_2013[%gather3A_2046] in [0] : vector<16xf32>, vector<16xi32> -> vector<16xf32>
      %add3A_2048 = arith.addf %add3A_2013, %gather3A_2047 : vector<16xf32>
      %xor3A_2049 = arith.constant 4 : i32
      %xor3A_2050 = vector.broadcast %xor3A_2049 : i32 to vector<16xi32>
      %xor3A_2051 = arith.xori %iota3A_157, %xor3A_2050 : vector<16xi32>
      %reshape3A_2052 = vector.shape_cast %xor3A_2051 : vector<16xi32> to vector<16x1xi32>
      %gather3A_2053 = vector.shape_cast %reshape3A_2052 : vector<16x1xi32> to vector<16xi32>
      %gather3A_2054 = tpu.dynamic_gather %add3A_2048[%gather3A_2053] in [0] : vector<16xf32>, vector<16xi32> -> vector<16xf32>
      %add3A_2055 = arith.addf %add3A_2048, %gather3A_2054 : vector<16xf32>
      %xor3A_2056 = arith.constant 2 : i32
      %xor3A_2057 = vector.broadcast %xor3A_2056 : i32 to vector<16xi32>
      %xor3A_2058 = arith.xori %iota3A_157, %xor3A_2057 : vector<16xi32>
      %reshape3A_2059 = vector.shape_cast %xor3A_2058 : vector<16xi32> to vector<16x1xi32>
      %gather3A_2060 = vector.shape_cast %reshape3A_2059 : vector<16x1xi32> to vector<16xi32>
      %gather3A_2061 = tpu.dynamic_gather %add3A_2055[%gather3A_2060] in [0] : vector<16xf32>, vector<16xi32> -> vector<16xf32>
      %add3A_2062 = arith.addf %add3A_2055, %gather3A_2061 : vector<16xf32>
      %xor3A_2063 = arith.constant 1 : i32
      %xor3A_2064 = vector.broadcast %xor3A_2063 : i32 to vector<16xi32>
      %xor3A_2065 = arith.xori %iota3A_157, %xor3A_2064 : vector<16xi32>
      %reshape3A_2066 = vector.shape_cast %xor3A_2065 : vector<16xi32> to vector<16x1xi32>
      %gather3A_2067 = vector.shape_cast %reshape3A_2066 : vector<16x1xi32> to vector<16xi32>
      %gather3A_2068 = tpu.dynamic_gather %add3A_2062[%gather3A_2067] in [0] : vector<16xf32>, vector<16xi32> -> vector<16xf32>
      %add3A_2069 = arith.addf %add3A_2062, %gather3A_2068 : vector<16xf32>
      %broadcast_in_dim3A_2070 = arith.constant 9 : i32
      %broadcast_in_dim3A_2071 = vector.broadcast %broadcast_in_dim3A_2070 : i32 to vector<16xi32>
      %reshape3A_2072 = vector.shape_cast %broadcast_in_dim3A_2071 : vector<16xi32> to vector<16x1xi32>
      %gather3A_2073 = vector.shape_cast %reshape3A_2072 : vector<16x1xi32> to vector<16xi32>
      %gather3A_2074 = tpu.dynamic_gather %get3A_168[%gather3A_2073] in [0] : vector<16xi32>, vector<16xi32> -> vector<16xi32>
      %reshape3A_2075 = vector.shape_cast %broadcast_in_dim3A_2071 : vector<16xi32> to vector<16x1xi32>
      %gather3A_2076 = vector.shape_cast %reshape3A_2075 : vector<16x1xi32> to vector<16xi32>
      %gather3A_2077 = tpu.dynamic_gather %get3A_173[%gather3A_2076] in [0] : vector<16xi32>, vector<16xi32> -> vector<16xi32>
      %lt3A_2078 = arith.cmpf olt, %add3A_2069, %add3A_2041 : vector<16xf32>
      %jit3A_2079 = arith.constant 1 : i32
      %jit3A_2080 = arith.constant 0 : i32
      %broadcast_in_dim3A_2081 = vector.broadcast %jit3A_2079 : i32 to vector<16xi32>
      %broadcast_in_dim3A_2082 = vector.broadcast %jit3A_2080 : i32 to vector<16xi32>
      %select_n3A_2083 = arith.select %lt3A_2078, %broadcast_in_dim3A_2081, %broadcast_in_dim3A_2082 : vector<16xi1>, vector<16xi32>
      %eq3A_2084 = arith.cmpf oeq, %add3A_2069, %add3A_2041 : vector<16xf32>
      %jit3A_2085 = arith.constant 1 : i32
      %jit3A_2086 = arith.constant 0 : i32
      %broadcast_in_dim3A_2087 = vector.broadcast %jit3A_2085 : i32 to vector<16xi32>
      %broadcast_in_dim3A_2088 = vector.broadcast %jit3A_2086 : i32 to vector<16xi32>
      %select_n3A_2089 = arith.select %eq3A_2084, %broadcast_in_dim3A_2087, %broadcast_in_dim3A_2088 : vector<16xi1>, vector<16xi32>
      %lt3A_2090 = arith.cmpi slt, %gather3A_2077, %gather3A_2074 : vector<16xi32>
      %jit3A_2091 = arith.constant 1 : i32
      %jit3A_2092 = arith.constant 0 : i32
      %broadcast_in_dim3A_2093 = vector.broadcast %jit3A_2091 : i32 to vector<16xi32>
      %broadcast_in_dim3A_2094 = vector.broadcast %jit3A_2092 : i32 to vector<16xi32>
      %select_n3A_2095 = arith.select %lt3A_2090, %broadcast_in_dim3A_2093, %broadcast_in_dim3A_2094 : vector<16xi1>, vector<16xi32>
      %mul3A_2096 = arith.muli %select_n3A_2089, %select_n3A_2095 : vector<16xi32>
      %add3A_2097 = arith.addi %select_n3A_2083, %mul3A_2096 : vector<16xi32>
      %gt3A_2098 = arith.constant 0 : i32
      %gt3A_2099 = vector.broadcast %gt3A_2098 : i32 to vector<16xi32>
      %gt3A_2100 = arith.cmpi sgt, %add3A_2097, %gt3A_2099 : vector<16xi32>
      %eq3A_2101 = arith.constant 9 : i32
      %eq3A_2102 = vector.broadcast %eq3A_2101 : i32 to vector<16xi32>
      %eq3A_2103 = arith.cmpi eq, %iota3A_157, %eq3A_2102 : vector<16xi32>
      %select_n3A_2104 = arith.select %gt3A_2100, %gather3A_2077, %gather3A_2074 : vector<16xi1>, vector<16xi32>
      %select_n3A_2105 = arith.select %eq3A_2103, %select_n3A_2104, %select_n3A_1909 : vector<16xi1>, vector<16xi32>
      %select_n3A_2106 = arith.select %gt3A_2100, %get3A_1953, %get3A_1949 : vector<16xi1>, vector<16xf32>
      %swap3A_2107 = arith.index_cast %add3A_1937 : i32 to index
      %swap3A_2108 = arith.constant 0 : index
      %swap3A_2109 = tpu.vector_load %arg15[%swap3A_2107, %swap3A_2108] {strides = array<i32>} : memref<128x64xf32, #tpu.memory_space<vmem>>, vector<1x16xf32>,
      %swap3A_2110 = vector.shape_cast %swap3A_2109 : vector<1x16xf32> to vector<16xf32>
      %swap3A_2111 = vector.shape_cast %select_n3A_2106 : vector<16xf32> to vector<1x16xf32>
      tpu.vector_store %arg15[%swap3A_2107, %swap3A_2108], %swap3A_2111 {strides = array<i32>} : memref<128x64xf32, #tpu.memory_space<vmem>>, vector<1x16xf32>,
      %select_n3A_2112 = arith.select %gt3A_2100, %get3A_1971, %get3A_1967 : vector<16xi1>, vector<16xf32>
      %swap3A_2113 = arith.index_cast %add3A_1937 : i32 to index
      %swap3A_2114 = arith.constant 16 : index
      %swap3A_2115 = tpu.vector_load %arg15[%swap3A_2113, %swap3A_2114] {strides = array<i32>} : memref<128x64xf32, #tpu.memory_space<vmem>>, vector<1x16xf32>,
      %swap3A_2116 = vector.shape_cast %swap3A_2115 : vector<1x16xf32> to vector<16xf32>
      %swap3A_2117 = vector.shape_cast %select_n3A_2112 : vector<16xf32> to vector<1x16xf32>
      tpu.vector_store %arg15[%swap3A_2113, %swap3A_2114], %swap3A_2117 {strides = array<i32>} : memref<128x64xf32, #tpu.memory_space<vmem>>, vector<1x16xf32>,
      %select_n3A_2118 = arith.select %gt3A_2100, %get3A_1989, %get3A_1985 : vector<16xi1>, vector<16xf32>
      %swap3A_2119 = arith.index_cast %add3A_1937 : i32 to index
      %swap3A_2120 = arith.constant 32 : index
      %swap3A_2121 = tpu.vector_load %arg15[%swap3A_2119, %swap3A_2120] {strides = array<i32>} : memref<128x64xf32, #tpu.memory_space<vmem>>, vector<1x16xf32>,
      %swap3A_2122 = vector.shape_cast %swap3A_2121 : vector<1x16xf32> to vector<16xf32>
      %swap3A_2123 = vector.shape_cast %select_n3A_2118 : vector<16xf32> to vector<1x16xf32>
      tpu.vector_store %arg15[%swap3A_2119, %swap3A_2120], %swap3A_2123 {strides = array<i32>} : memref<128x64xf32, #tpu.memory_space<vmem>>, vector<1x16xf32>,
      %select_n3A_2124 = arith.select %gt3A_2100, %get3A_2007, %get3A_2003 : vector<16xi1>, vector<16xf32>
      %swap3A_2125 = arith.index_cast %add3A_1937 : i32 to index
      %swap3A_2126 = arith.constant 48 : index
      %swap3A_2127 = tpu.vector_load %arg15[%swap3A_2125, %swap3A_2126] {strides = array<i32>} : memref<128x64xf32, #tpu.memory_space<vmem>>, vector<1x16xf32>,
      %swap3A_2128 = vector.shape_cast %swap3A_2127 : vector<1x16xf32> to vector<16xf32>
      %swap3A_2129 = vector.shape_cast %select_n3A_2124 : vector<16xf32> to vector<1x16xf32>
      tpu.vector_store %arg15[%swap3A_2125, %swap3A_2126], %swap3A_2129 {strides = array<i32>} : memref<128x64xf32, #tpu.memory_space<vmem>>, vector<1x16xf32>,
      %mul3A_2130 = arith.constant 16 : i32
      %mul3A_2131 = arith.muli %scan3A_163, %mul3A_2130 : i32
      %add3A_2132 = arith.constant 10 : i32
      %add3A_2133 = arith.addi %mul3A_2131, %add3A_2132 : i32
      %broadcast_in_dim3A_2134 = arith.constant 0.000000e+00 : f32
      %broadcast_in_dim3A_2135 = vector.broadcast %broadcast_in_dim3A_2134 : f32 to vector<16xf32>
      %broadcast_in_dim3A_2136 = arith.constant 0.000000e+00 : f32
      %broadcast_in_dim3A_2137 = vector.broadcast %broadcast_in_dim3A_2136 : f32 to vector<16xf32>
      %get3A_2138 = arith.index_cast %add3A_2133 : i32 to index
      %get3A_2139 = arith.constant 0 : index
      %get3A_2140 = tpu.vector_load %arg12[%get3A_2138, %get3A_2139] {strides = array<i32>} : memref<128x64xf32, #tpu.memory_space<vmem>>, vector<1x16xf32>,
      %get3A_2141 = vector.shape_cast %get3A_2140 : vector<1x16xf32> to vector<16xf32>
      %get3A_2142 = arith.index_cast %add3A_2133 : i32 to index
      %get3A_2143 = arith.constant 0 : index
      %get3A_2144 = tpu.vector_load %arg13[%get3A_2142, %get3A_2143] {strides = array<i32>} : memref<128x128xf32, #tpu.memory_space<vmem>>, vector<1x16xf32>,
      %get3A_2145 = vector.shape_cast %get3A_2144 : vector<1x16xf32> to vector<16xf32>
      %get3A_2146 = arith.index_cast %add3A_2133 : i32 to index
      %get3A_2147 = arith.constant 0 : index
      %get3A_2148 = tpu.vector_load %arg14[%get3A_2146, %get3A_2147] {strides = array<i32>} : memref<128x128xf32, #tpu.memory_space<vmem>>, vector<1x16xf32>,
      %get3A_2149 = vector.shape_cast %get3A_2148 : vector<1x16xf32> to vector<16xf32>
      %sub3A_2150 = arith.subf %get3A_2141, %get3A_2145 : vector<16xf32>
      %mul3A_2151 = arith.mulf %sub3A_2150, %sub3A_2150 : vector<16xf32>
      %add3A_2152 = arith.addf %broadcast_in_dim3A_2135, %mul3A_2151 : vector<16xf32>
      %sub3A_2153 = arith.subf %get3A_2141, %get3A_2149 : vector<16xf32>
      %mul3A_2154 = arith.mulf %sub3A_2153, %sub3A_2153 : vector<16xf32>
      %add3A_2155 = arith.addf %broadcast_in_dim3A_2137, %mul3A_2154 : vector<16xf32>
      %get3A_2156 = arith.index_cast %add3A_2133 : i32 to index
      %get3A_2157 = arith.constant 16 : index
      %get3A_2158 = tpu.vector_load %arg12[%get3A_2156, %get3A_2157] {strides = array<i32>} : memref<128x64xf32, #tpu.memory_space<vmem>>, vector<1x16xf32>,
      %get3A_2159 = vector.shape_cast %get3A_2158 : vector<1x16xf32> to vector<16xf32>
      %get3A_2160 = arith.index_cast %add3A_2133 : i32 to index
      %get3A_2161 = arith.constant 16 : index
      %get3A_2162 = tpu.vector_load %arg13[%get3A_2160, %get3A_2161] {strides = array<i32>} : memref<128x128xf32, #tpu.memory_space<vmem>>, vector<1x16xf32>,
      %get3A_2163 = vector.shape_cast %get3A_2162 : vector<1x16xf32> to vector<16xf32>
      %get3A_2164 = arith.index_cast %add3A_2133 : i32 to index
      %get3A_2165 = arith.constant 16 : index
      %get3A_2166 = tpu.vector_load %arg14[%get3A_2164, %get3A_2165] {strides = array<i32>} : memref<128x128xf32, #tpu.memory_space<vmem>>, vector<1x16xf32>,
      %get3A_2167 = vector.shape_cast %get3A_2166 : vector<1x16xf32> to vector<16xf32>
      %sub3A_2168 = arith.subf %get3A_2159, %get3A_2163 : vector<16xf32>
      %mul3A_2169 = arith.mulf %sub3A_2168, %sub3A_2168 : vector<16xf32>
      %add3A_2170 = arith.addf %add3A_2152, %mul3A_2169 : vector<16xf32>
      %sub3A_2171 = arith.subf %get3A_2159, %get3A_2167 : vector<16xf32>
      %mul3A_2172 = arith.mulf %sub3A_2171, %sub3A_2171 : vector<16xf32>
      %add3A_2173 = arith.addf %add3A_2155, %mul3A_2172 : vector<16xf32>
      %get3A_2174 = arith.index_cast %add3A_2133 : i32 to index
      %get3A_2175 = arith.constant 32 : index
      %get3A_2176 = tpu.vector_load %arg12[%get3A_2174, %get3A_2175] {strides = array<i32>} : memref<128x64xf32, #tpu.memory_space<vmem>>, vector<1x16xf32>,
      %get3A_2177 = vector.shape_cast %get3A_2176 : vector<1x16xf32> to vector<16xf32>
      %get3A_2178 = arith.index_cast %add3A_2133 : i32 to index
      %get3A_2179 = arith.constant 32 : index
      %get3A_2180 = tpu.vector_load %arg13[%get3A_2178, %get3A_2179] {strides = array<i32>} : memref<128x128xf32, #tpu.memory_space<vmem>>, vector<1x16xf32>,
      %get3A_2181 = vector.shape_cast %get3A_2180 : vector<1x16xf32> to vector<16xf32>
      %get3A_2182 = arith.index_cast %add3A_2133 : i32 to index
      %get3A_2183 = arith.constant 32 : index
      %get3A_2184 = tpu.vector_load %arg14[%get3A_2182, %get3A_2183] {strides = array<i32>} : memref<128x128xf32, #tpu.memory_space<vmem>>, vector<1x16xf32>,
      %get3A_2185 = vector.shape_cast %get3A_2184 : vector<1x16xf32> to vector<16xf32>
      %sub3A_2186 = arith.subf %get3A_2177, %get3A_2181 : vector<16xf32>
      %mul3A_2187 = arith.mulf %sub3A_2186, %sub3A_2186 : vector<16xf32>
      %add3A_2188 = arith.addf %add3A_2170, %mul3A_2187 : vector<16xf32>
      %sub3A_2189 = arith.subf %get3A_2177, %get3A_2185 : vector<16xf32>
      %mul3A_2190 = arith.mulf %sub3A_2189, %sub3A_2189 : vector<16xf32>
      %add3A_2191 = arith.addf %add3A_2173, %mul3A_2190 : vector<16xf32>
      %get3A_2192 = arith.index_cast %add3A_2133 : i32 to index
      %get3A_2193 = arith.constant 48 : index
      %get3A_2194 = tpu.vector_load %arg12[%get3A_2192, %get3A_2193] {strides = array<i32>} : memref<128x64xf32, #tpu.memory_space<vmem>>, vector<1x16xf32>,
      %get3A_2195 = vector.shape_cast %get3A_2194 : vector<1x16xf32> to vector<16xf32>
      %get3A_2196 = arith.index_cast %add3A_2133 : i32 to index
      %get3A_2197 = arith.constant 48 : index
      %get3A_2198 = tpu.vector_load %arg13[%get3A_2196, %get3A_2197] {strides = array<i32>} : memref<128x128xf32, #tpu.memory_space<vmem>>, vector<1x16xf32>,
      %get3A_2199 = vector.shape_cast %get3A_2198 : vector<1x16xf32> to vector<16xf32>
      %get3A_2200 = arith.index_cast %add3A_2133 : i32 to index
      %get3A_2201 = arith.constant 48 : index
      %get3A_2202 = tpu.vector_load %arg14[%get3A_2200, %get3A_2201] {strides = array<i32>} : memref<128x128xf32, #tpu.memory_space<vmem>>, vector<1x16xf32>,
      %get3A_2203 = vector.shape_cast %get3A_2202 : vector<1x16xf32> to vector<16xf32>
      %sub3A_2204 = arith.subf %get3A_2195, %get3A_2199 : vector<16xf32>
      %mul3A_2205 = arith.mulf %sub3A_2204, %sub3A_2204 : vector<16xf32>
      %add3A_2206 = arith.addf %add3A_2188, %mul3A_2205 : vector<16xf32>
      %sub3A_2207 = arith.subf %get3A_2195, %get3A_2203 : vector<16xf32>
      %mul3A_2208 = arith.mulf %sub3A_2207, %sub3A_2207 : vector<16xf32>
      %add3A_2209 = arith.addf %add3A_2191, %mul3A_2208 : vector<16xf32>
      %xor3A_2210 = arith.constant 8 : i32
      %xor3A_2211 = vector.broadcast %xor3A_2210 : i32 to vector<16xi32>
      %xor3A_2212 = arith.xori %iota3A_157, %xor3A_2211 : vector<16xi32>
      %reshape3A_2213 = vector.shape_cast %xor3A_2212 : vector<16xi32> to vector<16x1xi32>
      %gather3A_2214 = vector.shape_cast %reshape3A_2213 : vector<16x1xi32> to vector<16xi32>
      %gather3A_2215 = tpu.dynamic_gather %add3A_2206[%gather3A_2214] in [0] : vector<16xf32>, vector<16xi32> -> vector<16xf32>
      %add3A_2216 = arith.addf %add3A_2206, %gather3A_2215 : vector<16xf32>
      %xor3A_2217 = arith.constant 4 : i32
      %xor3A_2218 = vector.broadcast %xor3A_2217 : i32 to vector<16xi32>
      %xor3A_2219 = arith.xori %iota3A_157, %xor3A_2218 : vector<16xi32>
      %reshape3A_2220 = vector.shape_cast %xor3A_2219 : vector<16xi32> to vector<16x1xi32>
      %gather3A_2221 = vector.shape_cast %reshape3A_2220 : vector<16x1xi32> to vector<16xi32>
      %gather3A_2222 = tpu.dynamic_gather %add3A_2216[%gather3A_2221] in [0] : vector<16xf32>, vector<16xi32> -> vector<16xf32>
      %add3A_2223 = arith.addf %add3A_2216, %gather3A_2222 : vector<16xf32>
      %xor3A_2224 = arith.constant 2 : i32
      %xor3A_2225 = vector.broadcast %xor3A_2224 : i32 to vector<16xi32>
      %xor3A_2226 = arith.xori %iota3A_157, %xor3A_2225 : vector<16xi32>
      %reshape3A_2227 = vector.shape_cast %xor3A_2226 : vector<16xi32> to vector<16x1xi32>
      %gather3A_2228 = vector.shape_cast %reshape3A_2227 : vector<16x1xi32> to vector<16xi32>
      %gather3A_2229 = tpu.dynamic_gather %add3A_2223[%gather3A_2228] in [0] : vector<16xf32>, vector<16xi32> -> vector<16xf32>
      %add3A_2230 = arith.addf %add3A_2223, %gather3A_2229 : vector<16xf32>
      %xor3A_2231 = arith.constant 1 : i32
      %xor3A_2232 = vector.broadcast %xor3A_2231 : i32 to vector<16xi32>
      %xor3A_2233 = arith.xori %iota3A_157, %xor3A_2232 : vector<16xi32>
      %reshape3A_2234 = vector.shape_cast %xor3A_2233 : vector<16xi32> to vector<16x1xi32>
      %gather3A_2235 = vector.shape_cast %reshape3A_2234 : vector<16x1xi32> to vector<16xi32>
      %gather3A_2236 = tpu.dynamic_gather %add3A_2230[%gather3A_2235] in [0] : vector<16xf32>, vector<16xi32> -> vector<16xf32>
      %add3A_2237 = arith.addf %add3A_2230, %gather3A_2236 : vector<16xf32>
      %xor3A_2238 = arith.constant 8 : i32
      %xor3A_2239 = vector.broadcast %xor3A_2238 : i32 to vector<16xi32>
      %xor3A_2240 = arith.xori %iota3A_157, %xor3A_2239 : vector<16xi32>
      %reshape3A_2241 = vector.shape_cast %xor3A_2240 : vector<16xi32> to vector<16x1xi32>
      %gather3A_2242 = vector.shape_cast %reshape3A_2241 : vector<16x1xi32> to vector<16xi32>
      %gather3A_2243 = tpu.dynamic_gather %add3A_2209[%gather3A_2242] in [0] : vector<16xf32>, vector<16xi32> -> vector<16xf32>
      %add3A_2244 = arith.addf %add3A_2209, %gather3A_2243 : vector<16xf32>
      %xor3A_2245 = arith.constant 4 : i32
      %xor3A_2246 = vector.broadcast %xor3A_2245 : i32 to vector<16xi32>
      %xor3A_2247 = arith.xori %iota3A_157, %xor3A_2246 : vector<16xi32>
      %reshape3A_2248 = vector.shape_cast %xor3A_2247 : vector<16xi32> to vector<16x1xi32>
      %gather3A_2249 = vector.shape_cast %reshape3A_2248 : vector<16x1xi32> to vector<16xi32>
      %gather3A_2250 = tpu.dynamic_gather %add3A_2244[%gather3A_2249] in [0] : vector<16xf32>, vector<16xi32> -> vector<16xf32>
      %add3A_2251 = arith.addf %add3A_2244, %gather3A_2250 : vector<16xf32>
      %xor3A_2252 = arith.constant 2 : i32
      %xor3A_2253 = vector.broadcast %xor3A_2252 : i32 to vector<16xi32>
      %xor3A_2254 = arith.xori %iota3A_157, %xor3A_2253 : vector<16xi32>
      %reshape3A_2255 = vector.shape_cast %xor3A_2254 : vector<16xi32> to vector<16x1xi32>
      %gather3A_2256 = vector.shape_cast %reshape3A_2255 : vector<16x1xi32> to vector<16xi32>
      %gather3A_2257 = tpu.dynamic_gather %add3A_2251[%gather3A_2256] in [0] : vector<16xf32>, vector<16xi32> -> vector<16xf32>
      %add3A_2258 = arith.addf %add3A_2251, %gather3A_2257 : vector<16xf32>
      %xor3A_2259 = arith.constant 1 : i32
      %xor3A_2260 = vector.broadcast %xor3A_2259 : i32 to vector<16xi32>
      %xor3A_2261 = arith.xori %iota3A_157, %xor3A_2260 : vector<16xi32>
      %reshape3A_2262 = vector.shape_cast %xor3A_2261 : vector<16xi32> to vector<16x1xi32>
      %gather3A_2263 = vector.shape_cast %reshape3A_2262 : vector<16x1xi32> to vector<16xi32>
      %gather3A_2264 = tpu.dynamic_gather %add3A_2258[%gather3A_2263] in [0] : vector<16xf32>, vector<16xi32> -> vector<16xf32>
      %add3A_2265 = arith.addf %add3A_2258, %gather3A_2264 : vector<16xf32>
      %broadcast_in_dim3A_2266 = arith.constant 10 : i32
      %broadcast_in_dim3A_2267 = vector.broadcast %broadcast_in_dim3A_2266 : i32 to vector<16xi32>
      %reshape3A_2268 = vector.shape_cast %broadcast_in_dim3A_2267 : vector<16xi32> to vector<16x1xi32>
      %gather3A_2269 = vector.shape_cast %reshape3A_2268 : vector<16x1xi32> to vector<16xi32>
      %gather3A_2270 = tpu.dynamic_gather %get3A_168[%gather3A_2269] in [0] : vector<16xi32>, vector<16xi32> -> vector<16xi32>
      %reshape3A_2271 = vector.shape_cast %broadcast_in_dim3A_2267 : vector<16xi32> to vector<16x1xi32>
      %gather3A_2272 = vector.shape_cast %reshape3A_2271 : vector<16x1xi32> to vector<16xi32>
      %gather3A_2273 = tpu.dynamic_gather %get3A_173[%gather3A_2272] in [0] : vector<16xi32>, vector<16xi32> -> vector<16xi32>
      %lt3A_2274 = arith.cmpf olt, %add3A_2265, %add3A_2237 : vector<16xf32>
      %jit3A_2275 = arith.constant 1 : i32
      %jit3A_2276 = arith.constant 0 : i32
      %broadcast_in_dim3A_2277 = vector.broadcast %jit3A_2275 : i32 to vector<16xi32>
      %broadcast_in_dim3A_2278 = vector.broadcast %jit3A_2276 : i32 to vector<16xi32>
      %select_n3A_2279 = arith.select %lt3A_2274, %broadcast_in_dim3A_2277, %broadcast_in_dim3A_2278 : vector<16xi1>, vector<16xi32>
      %eq3A_2280 = arith.cmpf oeq, %add3A_2265, %add3A_2237 : vector<16xf32>
      %jit3A_2281 = arith.constant 1 : i32
      %jit3A_2282 = arith.constant 0 : i32
      %broadcast_in_dim3A_2283 = vector.broadcast %jit3A_2281 : i32 to vector<16xi32>
      %broadcast_in_dim3A_2284 = vector.broadcast %jit3A_2282 : i32 to vector<16xi32>
      %select_n3A_2285 = arith.select %eq3A_2280, %broadcast_in_dim3A_2283, %broadcast_in_dim3A_2284 : vector<16xi1>, vector<16xi32>
      %lt3A_2286 = arith.cmpi slt, %gather3A_2273, %gather3A_2270 : vector<16xi32>
      %jit3A_2287 = arith.constant 1 : i32
      %jit3A_2288 = arith.constant 0 : i32
      %broadcast_in_dim3A_2289 = vector.broadcast %jit3A_2287 : i32 to vector<16xi32>
      %broadcast_in_dim3A_2290 = vector.broadcast %jit3A_2288 : i32 to vector<16xi32>
      %select_n3A_2291 = arith.select %lt3A_2286, %broadcast_in_dim3A_2289, %broadcast_in_dim3A_2290 : vector<16xi1>, vector<16xi32>
      %mul3A_2292 = arith.muli %select_n3A_2285, %select_n3A_2291 : vector<16xi32>
      %add3A_2293 = arith.addi %select_n3A_2279, %mul3A_2292 : vector<16xi32>
      %gt3A_2294 = arith.constant 0 : i32
      %gt3A_2295 = vector.broadcast %gt3A_2294 : i32 to vector<16xi32>
      %gt3A_2296 = arith.cmpi sgt, %add3A_2293, %gt3A_2295 : vector<16xi32>
      %eq3A_2297 = arith.constant 10 : i32
      %eq3A_2298 = vector.broadcast %eq3A_2297 : i32 to vector<16xi32>
      %eq3A_2299 = arith.cmpi eq, %iota3A_157, %eq3A_2298 : vector<16xi32>
      %select_n3A_2300 = arith.select %gt3A_2296, %gather3A_2273, %gather3A_2270 : vector<16xi1>, vector<16xi32>
      %select_n3A_2301 = arith.select %eq3A_2299, %select_n3A_2300, %select_n3A_2105 : vector<16xi1>, vector<16xi32>
      %select_n3A_2302 = arith.select %gt3A_2296, %get3A_2149, %get3A_2145 : vector<16xi1>, vector<16xf32>
      %swap3A_2303 = arith.index_cast %add3A_2133 : i32 to index
      %swap3A_2304 = arith.constant 0 : index
      %swap3A_2305 = tpu.vector_load %arg15[%swap3A_2303, %swap3A_2304] {strides = array<i32>} : memref<128x64xf32, #tpu.memory_space<vmem>>, vector<1x16xf32>,
      %swap3A_2306 = vector.shape_cast %swap3A_2305 : vector<1x16xf32> to vector<16xf32>
      %swap3A_2307 = vector.shape_cast %select_n3A_2302 : vector<16xf32> to vector<1x16xf32>
      tpu.vector_store %arg15[%swap3A_2303, %swap3A_2304], %swap3A_2307 {strides = array<i32>} : memref<128x64xf32, #tpu.memory_space<vmem>>, vector<1x16xf32>,
      %select_n3A_2308 = arith.select %gt3A_2296, %get3A_2167, %get3A_2163 : vector<16xi1>, vector<16xf32>
      %swap3A_2309 = arith.index_cast %add3A_2133 : i32 to index
      %swap3A_2310 = arith.constant 16 : index
      %swap3A_2311 = tpu.vector_load %arg15[%swap3A_2309, %swap3A_2310] {strides = array<i32>} : memref<128x64xf32, #tpu.memory_space<vmem>>, vector<1x16xf32>,
      %swap3A_2312 = vector.shape_cast %swap3A_2311 : vector<1x16xf32> to vector<16xf32>
      %swap3A_2313 = vector.shape_cast %select_n3A_2308 : vector<16xf32> to vector<1x16xf32>
      tpu.vector_store %arg15[%swap3A_2309, %swap3A_2310], %swap3A_2313 {strides = array<i32>} : memref<128x64xf32, #tpu.memory_space<vmem>>, vector<1x16xf32>,
      %select_n3A_2314 = arith.select %gt3A_2296, %get3A_2185, %get3A_2181 : vector<16xi1>, vector<16xf32>
      %swap3A_2315 = arith.index_cast %add3A_2133 : i32 to index
      %swap3A_2316 = arith.constant 32 : index
      %swap3A_2317 = tpu.vector_load %arg15[%swap3A_2315, %swap3A_2316] {strides = array<i32>} : memref<128x64xf32, #tpu.memory_space<vmem>>, vector<1x16xf32>,
      %swap3A_2318 = vector.shape_cast %swap3A_2317 : vector<1x16xf32> to vector<16xf32>
      %swap3A_2319 = vector.shape_cast %select_n3A_2314 : vector<16xf32> to vector<1x16xf32>
      tpu.vector_store %arg15[%swap3A_2315, %swap3A_2316], %swap3A_2319 {strides = array<i32>} : memref<128x64xf32, #tpu.memory_space<vmem>>, vector<1x16xf32>,
      %select_n3A_2320 = arith.select %gt3A_2296, %get3A_2203, %get3A_2199 : vector<16xi1>, vector<16xf32>
      %swap3A_2321 = arith.index_cast %add3A_2133 : i32 to index
      %swap3A_2322 = arith.constant 48 : index
      %swap3A_2323 = tpu.vector_load %arg15[%swap3A_2321, %swap3A_2322] {strides = array<i32>} : memref<128x64xf32, #tpu.memory_space<vmem>>, vector<1x16xf32>,
      %swap3A_2324 = vector.shape_cast %swap3A_2323 : vector<1x16xf32> to vector<16xf32>
      %swap3A_2325 = vector.shape_cast %select_n3A_2320 : vector<16xf32> to vector<1x16xf32>
      tpu.vector_store %arg15[%swap3A_2321, %swap3A_2322], %swap3A_2325 {strides = array<i32>} : memref<128x64xf32, #tpu.memory_space<vmem>>, vector<1x16xf32>,
      %mul3A_2326 = arith.constant 16 : i32
      %mul3A_2327 = arith.muli %scan3A_163, %mul3A_2326 : i32
      %add3A_2328 = arith.constant 11 : i32
      %add3A_2329 = arith.addi %mul3A_2327, %add3A_2328 : i32
      %broadcast_in_dim3A_2330 = arith.constant 0.000000e+00 : f32
      %broadcast_in_dim3A_2331 = vector.broadcast %broadcast_in_dim3A_2330 : f32 to vector<16xf32>
      %broadcast_in_dim3A_2332 = arith.constant 0.000000e+00 : f32
      %broadcast_in_dim3A_2333 = vector.broadcast %broadcast_in_dim3A_2332 : f32 to vector<16xf32>
      %get3A_2334 = arith.index_cast %add3A_2329 : i32 to index
      %get3A_2335 = arith.constant 0 : index
      %get3A_2336 = tpu.vector_load %arg12[%get3A_2334, %get3A_2335] {strides = array<i32>} : memref<128x64xf32, #tpu.memory_space<vmem>>, vector<1x16xf32>,
      %get3A_2337 = vector.shape_cast %get3A_2336 : vector<1x16xf32> to vector<16xf32>
      %get3A_2338 = arith.index_cast %add3A_2329 : i32 to index
      %get3A_2339 = arith.constant 0 : index
      %get3A_2340 = tpu.vector_load %arg13[%get3A_2338, %get3A_2339] {strides = array<i32>} : memref<128x128xf32, #tpu.memory_space<vmem>>, vector<1x16xf32>,
      %get3A_2341 = vector.shape_cast %get3A_2340 : vector<1x16xf32> to vector<16xf32>
      %get3A_2342 = arith.index_cast %add3A_2329 : i32 to index
      %get3A_2343 = arith.constant 0 : index
      %get3A_2344 = tpu.vector_load %arg14[%get3A_2342, %get3A_2343] {strides = array<i32>} : memref<128x128xf32, #tpu.memory_space<vmem>>, vector<1x16xf32>,
      %get3A_2345 = vector.shape_cast %get3A_2344 : vector<1x16xf32> to vector<16xf32>
      %sub3A_2346 = arith.subf %get3A_2337, %get3A_2341 : vector<16xf32>
      %mul3A_2347 = arith.mulf %sub3A_2346, %sub3A_2346 : vector<16xf32>
      %add3A_2348 = arith.addf %broadcast_in_dim3A_2331, %mul3A_2347 : vector<16xf32>
      %sub3A_2349 = arith.subf %get3A_2337, %get3A_2345 : vector<16xf32>
      %mul3A_2350 = arith.mulf %sub3A_2349, %sub3A_2349 : vector<16xf32>
      %add3A_2351 = arith.addf %broadcast_in_dim3A_2333, %mul3A_2350 : vector<16xf32>
      %get3A_2352 = arith.index_cast %add3A_2329 : i32 to index
      %get3A_2353 = arith.constant 16 : index
      %get3A_2354 = tpu.vector_load %arg12[%get3A_2352, %get3A_2353] {strides = array<i32>} : memref<128x64xf32, #tpu.memory_space<vmem>>, vector<1x16xf32>,
      %get3A_2355 = vector.shape_cast %get3A_2354 : vector<1x16xf32> to vector<16xf32>
      %get3A_2356 = arith.index_cast %add3A_2329 : i32 to index
      %get3A_2357 = arith.constant 16 : index
      %get3A_2358 = tpu.vector_load %arg13[%get3A_2356, %get3A_2357] {strides = array<i32>} : memref<128x128xf32, #tpu.memory_space<vmem>>, vector<1x16xf32>,
      %get3A_2359 = vector.shape_cast %get3A_2358 : vector<1x16xf32> to vector<16xf32>
      %get3A_2360 = arith.index_cast %add3A_2329 : i32 to index
      %get3A_2361 = arith.constant 16 : index
      %get3A_2362 = tpu.vector_load %arg14[%get3A_2360, %get3A_2361] {strides = array<i32>} : memref<128x128xf32, #tpu.memory_space<vmem>>, vector<1x16xf32>,
      %get3A_2363 = vector.shape_cast %get3A_2362 : vector<1x16xf32> to vector<16xf32>
      %sub3A_2364 = arith.subf %get3A_2355, %get3A_2359 : vector<16xf32>
      %mul3A_2365 = arith.mulf %sub3A_2364, %sub3A_2364 : vector<16xf32>
      %add3A_2366 = arith.addf %add3A_2348, %mul3A_2365 : vector<16xf32>
      %sub3A_2367 = arith.subf %get3A_2355, %get3A_2363 : vector<16xf32>
      %mul3A_2368 = arith.mulf %sub3A_2367, %sub3A_2367 : vector<16xf32>
      %add3A_2369 = arith.addf %add3A_2351, %mul3A_2368 : vector<16xf32>
      %get3A_2370 = arith.index_cast %add3A_2329 : i32 to index
      %get3A_2371 = arith.constant 32 : index
      %get3A_2372 = tpu.vector_load %arg12[%get3A_2370, %get3A_2371] {strides = array<i32>} : memref<128x64xf32, #tpu.memory_space<vmem>>, vector<1x16xf32>,
      %get3A_2373 = vector.shape_cast %get3A_2372 : vector<1x16xf32> to vector<16xf32>
      %get3A_2374 = arith.index_cast %add3A_2329 : i32 to index
      %get3A_2375 = arith.constant 32 : index
      %get3A_2376 = tpu.vector_load %arg13[%get3A_2374, %get3A_2375] {strides = array<i32>} : memref<128x128xf32, #tpu.memory_space<vmem>>, vector<1x16xf32>,
      %get3A_2377 = vector.shape_cast %get3A_2376 : vector<1x16xf32> to vector<16xf32>
      %get3A_2378 = arith.index_cast %add3A_2329 : i32 to index
      %get3A_2379 = arith.constant 32 : index
      %get3A_2380 = tpu.vector_load %arg14[%get3A_2378, %get3A_2379] {strides = array<i32>} : memref<128x128xf32, #tpu.memory_space<vmem>>, vector<1x16xf32>,
      %get3A_2381 = vector.shape_cast %get3A_2380 : vector<1x16xf32> to vector<16xf32>
      %sub3A_2382 = arith.subf %get3A_2373, %get3A_2377 : vector<16xf32>
      %mul3A_2383 = arith.mulf %sub3A_2382, %sub3A_2382 : vector<16xf32>
      %add3A_2384 = arith.addf %add3A_2366, %mul3A_2383 : vector<16xf32>
      %sub3A_2385 = arith.subf %get3A_2373, %get3A_2381 : vector<16xf32>
      %mul3A_2386 = arith.mulf %sub3A_2385, %sub3A_2385 : vector<16xf32>
      %add3A_2387 = arith.addf %add3A_2369, %mul3A_2386 : vector<16xf32>
      %get3A_2388 = arith.index_cast %add3A_2329 : i32 to index
      %get3A_2389 = arith.constant 48 : index
      %get3A_2390 = tpu.vector_load %arg12[%get3A_2388, %get3A_2389] {strides = array<i32>} : memref<128x64xf32, #tpu.memory_space<vmem>>, vector<1x16xf32>,
      %get3A_2391 = vector.shape_cast %get3A_2390 : vector<1x16xf32> to vector<16xf32>
      %get3A_2392 = arith.index_cast %add3A_2329 : i32 to index
      %get3A_2393 = arith.constant 48 : index
      %get3A_2394 = tpu.vector_load %arg13[%get3A_2392, %get3A_2393] {strides = array<i32>} : memref<128x128xf32, #tpu.memory_space<vmem>>, vector<1x16xf32>,
      %get3A_2395 = vector.shape_cast %get3A_2394 : vector<1x16xf32> to vector<16xf32>
      %get3A_2396 = arith.index_cast %add3A_2329 : i32 to index
      %get3A_2397 = arith.constant 48 : index
      %get3A_2398 = tpu.vector_load %arg14[%get3A_2396, %get3A_2397] {strides = array<i32>} : memref<128x128xf32, #tpu.memory_space<vmem>>, vector<1x16xf32>,
      %get3A_2399 = vector.shape_cast %get3A_2398 : vector<1x16xf32> to vector<16xf32>
      %sub3A_2400 = arith.subf %get3A_2391, %get3A_2395 : vector<16xf32>
      %mul3A_2401 = arith.mulf %sub3A_2400, %sub3A_2400 : vector<16xf32>
      %add3A_2402 = arith.addf %add3A_2384, %mul3A_2401 : vector<16xf32>
      %sub3A_2403 = arith.subf %get3A_2391, %get3A_2399 : vector<16xf32>
      %mul3A_2404 = arith.mulf %sub3A_2403, %sub3A_2403 : vector<16xf32>
      %add3A_2405 = arith.addf %add3A_2387, %mul3A_2404 : vector<16xf32>
      %xor3A_2406 = arith.constant 8 : i32
      %xor3A_2407 = vector.broadcast %xor3A_2406 : i32 to vector<16xi32>
      %xor3A_2408 = arith.xori %iota3A_157, %xor3A_2407 : vector<16xi32>
      %reshape3A_2409 = vector.shape_cast %xor3A_2408 : vector<16xi32> to vector<16x1xi32>
      %gather3A_2410 = vector.shape_cast %reshape3A_2409 : vector<16x1xi32> to vector<16xi32>
      %gather3A_2411 = tpu.dynamic_gather %add3A_2402[%gather3A_2410] in [0] : vector<16xf32>, vector<16xi32> -> vector<16xf32>
      %add3A_2412 = arith.addf %add3A_2402, %gather3A_2411 : vector<16xf32>
      %xor3A_2413 = arith.constant 4 : i32
      %xor3A_2414 = vector.broadcast %xor3A_2413 : i32 to vector<16xi32>
      %xor3A_2415 = arith.xori %iota3A_157, %xor3A_2414 : vector<16xi32>
      %reshape3A_2416 = vector.shape_cast %xor3A_2415 : vector<16xi32> to vector<16x1xi32>
      %gather3A_2417 = vector.shape_cast %reshape3A_2416 : vector<16x1xi32> to vector<16xi32>
      %gather3A_2418 = tpu.dynamic_gather %add3A_2412[%gather3A_2417] in [0] : vector<16xf32>, vector<16xi32> -> vector<16xf32>
      %add3A_2419 = arith.addf %add3A_2412, %gather3A_2418 : vector<16xf32>
      %xor3A_2420 = arith.constant 2 : i32
      %xor3A_2421 = vector.broadcast %xor3A_2420 : i32 to vector<16xi32>
      %xor3A_2422 = arith.xori %iota3A_157, %xor3A_2421 : vector<16xi32>
      %reshape3A_2423 = vector.shape_cast %xor3A_2422 : vector<16xi32> to vector<16x1xi32>
      %gather3A_2424 = vector.shape_cast %reshape3A_2423 : vector<16x1xi32> to vector<16xi32>
      %gather3A_2425 = tpu.dynamic_gather %add3A_2419[%gather3A_2424] in [0] : vector<16xf32>, vector<16xi32> -> vector<16xf32>
      %add3A_2426 = arith.addf %add3A_2419, %gather3A_2425 : vector<16xf32>
      %xor3A_2427 = arith.constant 1 : i32
      %xor3A_2428 = vector.broadcast %xor3A_2427 : i32 to vector<16xi32>
      %xor3A_2429 = arith.xori %iota3A_157, %xor3A_2428 : vector<16xi32>
      %reshape3A_2430 = vector.shape_cast %xor3A_2429 : vector<16xi32> to vector<16x1xi32>
      %gather3A_2431 = vector.shape_cast %reshape3A_2430 : vector<16x1xi32> to vector<16xi32>
      %gather3A_2432 = tpu.dynamic_gather %add3A_2426[%gather3A_2431] in [0] : vector<16xf32>, vector<16xi32> -> vector<16xf32>
      %add3A_2433 = arith.addf %add3A_2426, %gather3A_2432 : vector<16xf32>
      %xor3A_2434 = arith.constant 8 : i32
      %xor3A_2435 = vector.broadcast %xor3A_2434 : i32 to vector<16xi32>
      %xor3A_2436 = arith.xori %iota3A_157, %xor3A_2435 : vector<16xi32>
      %reshape3A_2437 = vector.shape_cast %xor3A_2436 : vector<16xi32> to vector<16x1xi32>
      %gather3A_2438 = vector.shape_cast %reshape3A_2437 : vector<16x1xi32> to vector<16xi32>
      %gather3A_2439 = tpu.dynamic_gather %add3A_2405[%gather3A_2438] in [0] : vector<16xf32>, vector<16xi32> -> vector<16xf32>
      %add3A_2440 = arith.addf %add3A_2405, %gather3A_2439 : vector<16xf32>
      %xor3A_2441 = arith.constant 4 : i32
      %xor3A_2442 = vector.broadcast %xor3A_2441 : i32 to vector<16xi32>
      %xor3A_2443 = arith.xori %iota3A_157, %xor3A_2442 : vector<16xi32>
      %reshape3A_2444 = vector.shape_cast %xor3A_2443 : vector<16xi32> to vector<16x1xi32>
      %gather3A_2445 = vector.shape_cast %reshape3A_2444 : vector<16x1xi32> to vector<16xi32>
      %gather3A_2446 = tpu.dynamic_gather %add3A_2440[%gather3A_2445] in [0] : vector<16xf32>, vector<16xi32> -> vector<16xf32>
      %add3A_2447 = arith.addf %add3A_2440, %gather3A_2446 : vector<16xf32>
      %xor3A_2448 = arith.constant 2 : i32
      %xor3A_2449 = vector.broadcast %xor3A_2448 : i32 to vector<16xi32>
      %xor3A_2450 = arith.xori %iota3A_157, %xor3A_2449 : vector<16xi32>
      %reshape3A_2451 = vector.shape_cast %xor3A_2450 : vector<16xi32> to vector<16x1xi32>
      %gather3A_2452 = vector.shape_cast %reshape3A_2451 : vector<16x1xi32> to vector<16xi32>
      %gather3A_2453 = tpu.dynamic_gather %add3A_2447[%gather3A_2452] in [0] : vector<16xf32>, vector<16xi32> -> vector<16xf32>
      %add3A_2454 = arith.addf %add3A_2447, %gather3A_2453 : vector<16xf32>
      %xor3A_2455 = arith.constant 1 : i32
      %xor3A_2456 = vector.broadcast %xor3A_2455 : i32 to vector<16xi32>
      %xor3A_2457 = arith.xori %iota3A_157, %xor3A_2456 : vector<16xi32>
      %reshape3A_2458 = vector.shape_cast %xor3A_2457 : vector<16xi32> to vector<16x1xi32>
      %gather3A_2459 = vector.shape_cast %reshape3A_2458 : vector<16x1xi32> to vector<16xi32>
      %gather3A_2460 = tpu.dynamic_gather %add3A_2454[%gather3A_2459] in [0] : vector<16xf32>, vector<16xi32> -> vector<16xf32>
      %add3A_2461 = arith.addf %add3A_2454, %gather3A_2460 : vector<16xf32>
      %broadcast_in_dim3A_2462 = arith.constant 11 : i32
      %broadcast_in_dim3A_2463 = vector.broadcast %broadcast_in_dim3A_2462 : i32 to vector<16xi32>
      %reshape3A_2464 = vector.shape_cast %broadcast_in_dim3A_2463 : vector<16xi32> to vector<16x1xi32>
      %gather3A_2465 = vector.shape_cast %reshape3A_2464 : vector<16x1xi32> to vector<16xi32>
      %gather3A_2466 = tpu.dynamic_gather %get3A_168[%gather3A_2465] in [0] : vector<16xi32>, vector<16xi32> -> vector<16xi32>
      %reshape3A_2467 = vector.shape_cast %broadcast_in_dim3A_2463 : vector<16xi32> to vector<16x1xi32>
      %gather3A_2468 = vector.shape_cast %reshape3A_2467 : vector<16x1xi32> to vector<16xi32>
      %gather3A_2469 = tpu.dynamic_gather %get3A_173[%gather3A_2468] in [0] : vector<16xi32>, vector<16xi32> -> vector<16xi32>
      %lt3A_2470 = arith.cmpf olt, %add3A_2461, %add3A_2433 : vector<16xf32>
      %jit3A_2471 = arith.constant 1 : i32
      %jit3A_2472 = arith.constant 0 : i32
      %broadcast_in_dim3A_2473 = vector.broadcast %jit3A_2471 : i32 to vector<16xi32>
      %broadcast_in_dim3A_2474 = vector.broadcast %jit3A_2472 : i32 to vector<16xi32>
      %select_n3A_2475 = arith.select %lt3A_2470, %broadcast_in_dim3A_2473, %broadcast_in_dim3A_2474 : vector<16xi1>, vector<16xi32>
      %eq3A_2476 = arith.cmpf oeq, %add3A_2461, %add3A_2433 : vector<16xf32>
      %jit3A_2477 = arith.constant 1 : i32
      %jit3A_2478 = arith.constant 0 : i32
      %broadcast_in_dim3A_2479 = vector.broadcast %jit3A_2477 : i32 to vector<16xi32>
      %broadcast_in_dim3A_2480 = vector.broadcast %jit3A_2478 : i32 to vector<16xi32>
      %select_n3A_2481 = arith.select %eq3A_2476, %broadcast_in_dim3A_2479, %broadcast_in_dim3A_2480 : vector<16xi1>, vector<16xi32>
      %lt3A_2482 = arith.cmpi slt, %gather3A_2469, %gather3A_2466 : vector<16xi32>
      %jit3A_2483 = arith.constant 1 : i32
      %jit3A_2484 = arith.constant 0 : i32
      %broadcast_in_dim3A_2485 = vector.broadcast %jit3A_2483 : i32 to vector<16xi32>
      %broadcast_in_dim3A_2486 = vector.broadcast %jit3A_2484 : i32 to vector<16xi32>
      %select_n3A_2487 = arith.select %lt3A_2482, %broadcast_in_dim3A_2485, %broadcast_in_dim3A_2486 : vector<16xi1>, vector<16xi32>
      %mul3A_2488 = arith.muli %select_n3A_2481, %select_n3A_2487 : vector<16xi32>
      %add3A_2489 = arith.addi %select_n3A_2475, %mul3A_2488 : vector<16xi32>
      %gt3A_2490 = arith.constant 0 : i32
      %gt3A_2491 = vector.broadcast %gt3A_2490 : i32 to vector<16xi32>
      %gt3A_2492 = arith.cmpi sgt, %add3A_2489, %gt3A_2491 : vector<16xi32>
      %eq3A_2493 = arith.constant 11 : i32
      %eq3A_2494 = vector.broadcast %eq3A_2493 : i32 to vector<16xi32>
      %eq3A_2495 = arith.cmpi eq, %iota3A_157, %eq3A_2494 : vector<16xi32>
      %select_n3A_2496 = arith.select %gt3A_2492, %gather3A_2469, %gather3A_2466 : vector<16xi1>, vector<16xi32>
      %select_n3A_2497 = arith.select %eq3A_2495, %select_n3A_2496, %select_n3A_2301 : vector<16xi1>, vector<16xi32>
      %select_n3A_2498 = arith.select %gt3A_2492, %get3A_2345, %get3A_2341 : vector<16xi1>, vector<16xf32>
      %swap3A_2499 = arith.index_cast %add3A_2329 : i32 to index
      %swap3A_2500 = arith.constant 0 : index
      %swap3A_2501 = tpu.vector_load %arg15[%swap3A_2499, %swap3A_2500] {strides = array<i32>} : memref<128x64xf32, #tpu.memory_space<vmem>>, vector<1x16xf32>,
      %swap3A_2502 = vector.shape_cast %swap3A_2501 : vector<1x16xf32> to vector<16xf32>
      %swap3A_2503 = vector.shape_cast %select_n3A_2498 : vector<16xf32> to vector<1x16xf32>
      tpu.vector_store %arg15[%swap3A_2499, %swap3A_2500], %swap3A_2503 {strides = array<i32>} : memref<128x64xf32, #tpu.memory_space<vmem>>, vector<1x16xf32>,
      %select_n3A_2504 = arith.select %gt3A_2492, %get3A_2363, %get3A_2359 : vector<16xi1>, vector<16xf32>
      %swap3A_2505 = arith.index_cast %add3A_2329 : i32 to index
      %swap3A_2506 = arith.constant 16 : index
      %swap3A_2507 = tpu.vector_load %arg15[%swap3A_2505, %swap3A_2506] {strides = array<i32>} : memref<128x64xf32, #tpu.memory_space<vmem>>, vector<1x16xf32>,
      %swap3A_2508 = vector.shape_cast %swap3A_2507 : vector<1x16xf32> to vector<16xf32>
      %swap3A_2509 = vector.shape_cast %select_n3A_2504 : vector<16xf32> to vector<1x16xf32>
      tpu.vector_store %arg15[%swap3A_2505, %swap3A_2506], %swap3A_2509 {strides = array<i32>} : memref<128x64xf32, #tpu.memory_space<vmem>>, vector<1x16xf32>,
      %select_n3A_2510 = arith.select %gt3A_2492, %get3A_2381, %get3A_2377 : vector<16xi1>, vector<16xf32>
      %swap3A_2511 = arith.index_cast %add3A_2329 : i32 to index
      %swap3A_2512 = arith.constant 32 : index
      %swap3A_2513 = tpu.vector_load %arg15[%swap3A_2511, %swap3A_2512] {strides = array<i32>} : memref<128x64xf32, #tpu.memory_space<vmem>>, vector<1x16xf32>,
      %swap3A_2514 = vector.shape_cast %swap3A_2513 : vector<1x16xf32> to vector<16xf32>
      %swap3A_2515 = vector.shape_cast %select_n3A_2510 : vector<16xf32> to vector<1x16xf32>
      tpu.vector_store %arg15[%swap3A_2511, %swap3A_2512], %swap3A_2515 {strides = array<i32>} : memref<128x64xf32, #tpu.memory_space<vmem>>, vector<1x16xf32>,
      %select_n3A_2516 = arith.select %gt3A_2492, %get3A_2399, %get3A_2395 : vector<16xi1>, vector<16xf32>
      %swap3A_2517 = arith.index_cast %add3A_2329 : i32 to index
      %swap3A_2518 = arith.constant 48 : index
      %swap3A_2519 = tpu.vector_load %arg15[%swap3A_2517, %swap3A_2518] {strides = array<i32>} : memref<128x64xf32, #tpu.memory_space<vmem>>, vector<1x16xf32>,
      %swap3A_2520 = vector.shape_cast %swap3A_2519 : vector<1x16xf32> to vector<16xf32>
      %swap3A_2521 = vector.shape_cast %select_n3A_2516 : vector<16xf32> to vector<1x16xf32>
      tpu.vector_store %arg15[%swap3A_2517, %swap3A_2518], %swap3A_2521 {strides = array<i32>} : memref<128x64xf32, #tpu.memory_space<vmem>>, vector<1x16xf32>,
      %mul3A_2522 = arith.constant 16 : i32
      %mul3A_2523 = arith.muli %scan3A_163, %mul3A_2522 : i32
      %add3A_2524 = arith.constant 12 : i32
      %add3A_2525 = arith.addi %mul3A_2523, %add3A_2524 : i32
      %broadcast_in_dim3A_2526 = arith.constant 0.000000e+00 : f32
      %broadcast_in_dim3A_2527 = vector.broadcast %broadcast_in_dim3A_2526 : f32 to vector<16xf32>
      %broadcast_in_dim3A_2528 = arith.constant 0.000000e+00 : f32
      %broadcast_in_dim3A_2529 = vector.broadcast %broadcast_in_dim3A_2528 : f32 to vector<16xf32>
      %get3A_2530 = arith.index_cast %add3A_2525 : i32 to index
      %get3A_2531 = arith.constant 0 : index
      %get3A_2532 = tpu.vector_load %arg12[%get3A_2530, %get3A_2531] {strides = array<i32>} : memref<128x64xf32, #tpu.memory_space<vmem>>, vector<1x16xf32>,
      %get3A_2533 = vector.shape_cast %get3A_2532 : vector<1x16xf32> to vector<16xf32>
      %get3A_2534 = arith.index_cast %add3A_2525 : i32 to index
      %get3A_2535 = arith.constant 0 : index
      %get3A_2536 = tpu.vector_load %arg13[%get3A_2534, %get3A_2535] {strides = array<i32>} : memref<128x128xf32, #tpu.memory_space<vmem>>, vector<1x16xf32>,
      %get3A_2537 = vector.shape_cast %get3A_2536 : vector<1x16xf32> to vector<16xf32>
      %get3A_2538 = arith.index_cast %add3A_2525 : i32 to index
      %get3A_2539 = arith.constant 0 : index
      %get3A_2540 = tpu.vector_load %arg14[%get3A_2538, %get3A_2539] {strides = array<i32>} : memref<128x128xf32, #tpu.memory_space<vmem>>, vector<1x16xf32>,
      %get3A_2541 = vector.shape_cast %get3A_2540 : vector<1x16xf32> to vector<16xf32>
      %sub3A_2542 = arith.subf %get3A_2533, %get3A_2537 : vector<16xf32>
      %mul3A_2543 = arith.mulf %sub3A_2542, %sub3A_2542 : vector<16xf32>
      %add3A_2544 = arith.addf %broadcast_in_dim3A_2527, %mul3A_2543 : vector<16xf32>
      %sub3A_2545 = arith.subf %get3A_2533, %get3A_2541 : vector<16xf32>
      %mul3A_2546 = arith.mulf %sub3A_2545, %sub3A_2545 : vector<16xf32>
      %add3A_2547 = arith.addf %broadcast_in_dim3A_2529, %mul3A_2546 : vector<16xf32>
      %get3A_2548 = arith.index_cast %add3A_2525 : i32 to index
      %get3A_2549 = arith.constant 16 : index
      %get3A_2550 = tpu.vector_load %arg12[%get3A_2548, %get3A_2549] {strides = array<i32>} : memref<128x64xf32, #tpu.memory_space<vmem>>, vector<1x16xf32>,
      %get3A_2551 = vector.shape_cast %get3A_2550 : vector<1x16xf32> to vector<16xf32>
      %get3A_2552 = arith.index_cast %add3A_2525 : i32 to index
      %get3A_2553 = arith.constant 16 : index
      %get3A_2554 = tpu.vector_load %arg13[%get3A_2552, %get3A_2553] {strides = array<i32>} : memref<128x128xf32, #tpu.memory_space<vmem>>, vector<1x16xf32>,
      %get3A_2555 = vector.shape_cast %get3A_2554 : vector<1x16xf32> to vector<16xf32>
      %get3A_2556 = arith.index_cast %add3A_2525 : i32 to index
      %get3A_2557 = arith.constant 16 : index
      %get3A_2558 = tpu.vector_load %arg14[%get3A_2556, %get3A_2557] {strides = array<i32>} : memref<128x128xf32, #tpu.memory_space<vmem>>, vector<1x16xf32>,
      %get3A_2559 = vector.shape_cast %get3A_2558 : vector<1x16xf32> to vector<16xf32>
      %sub3A_2560 = arith.subf %get3A_2551, %get3A_2555 : vector<16xf32>
      %mul3A_2561 = arith.mulf %sub3A_2560, %sub3A_2560 : vector<16xf32>
      %add3A_2562 = arith.addf %add3A_2544, %mul3A_2561 : vector<16xf32>
      %sub3A_2563 = arith.subf %get3A_2551, %get3A_2559 : vector<16xf32>
      %mul3A_2564 = arith.mulf %sub3A_2563, %sub3A_2563 : vector<16xf32>
      %add3A_2565 = arith.addf %add3A_2547, %mul3A_2564 : vector<16xf32>
      %get3A_2566 = arith.index_cast %add3A_2525 : i32 to index
      %get3A_2567 = arith.constant 32 : index
      %get3A_2568 = tpu.vector_load %arg12[%get3A_2566, %get3A_2567] {strides = array<i32>} : memref<128x64xf32, #tpu.memory_space<vmem>>, vector<1x16xf32>,
      %get3A_2569 = vector.shape_cast %get3A_2568 : vector<1x16xf32> to vector<16xf32>
      %get3A_2570 = arith.index_cast %add3A_2525 : i32 to index
      %get3A_2571 = arith.constant 32 : index
      %get3A_2572 = tpu.vector_load %arg13[%get3A_2570, %get3A_2571] {strides = array<i32>} : memref<128x128xf32, #tpu.memory_space<vmem>>, vector<1x16xf32>,
      %get3A_2573 = vector.shape_cast %get3A_2572 : vector<1x16xf32> to vector<16xf32>
      %get3A_2574 = arith.index_cast %add3A_2525 : i32 to index
      %get3A_2575 = arith.constant 32 : index
      %get3A_2576 = tpu.vector_load %arg14[%get3A_2574, %get3A_2575] {strides = array<i32>} : memref<128x128xf32, #tpu.memory_space<vmem>>, vector<1x16xf32>,
      %get3A_2577 = vector.shape_cast %get3A_2576 : vector<1x16xf32> to vector<16xf32>
      %sub3A_2578 = arith.subf %get3A_2569, %get3A_2573 : vector<16xf32>
      %mul3A_2579 = arith.mulf %sub3A_2578, %sub3A_2578 : vector<16xf32>
      %add3A_2580 = arith.addf %add3A_2562, %mul3A_2579 : vector<16xf32>
      %sub3A_2581 = arith.subf %get3A_2569, %get3A_2577 : vector<16xf32>
      %mul3A_2582 = arith.mulf %sub3A_2581, %sub3A_2581 : vector<16xf32>
      %add3A_2583 = arith.addf %add3A_2565, %mul3A_2582 : vector<16xf32>
      %get3A_2584 = arith.index_cast %add3A_2525 : i32 to index
      %get3A_2585 = arith.constant 48 : index
      %get3A_2586 = tpu.vector_load %arg12[%get3A_2584, %get3A_2585] {strides = array<i32>} : memref<128x64xf32, #tpu.memory_space<vmem>>, vector<1x16xf32>,
      %get3A_2587 = vector.shape_cast %get3A_2586 : vector<1x16xf32> to vector<16xf32>
      %get3A_2588 = arith.index_cast %add3A_2525 : i32 to index
      %get3A_2589 = arith.constant 48 : index
      %get3A_2590 = tpu.vector_load %arg13[%get3A_2588, %get3A_2589] {strides = array<i32>} : memref<128x128xf32, #tpu.memory_space<vmem>>, vector<1x16xf32>,
      %get3A_2591 = vector.shape_cast %get3A_2590 : vector<1x16xf32> to vector<16xf32>
      %get3A_2592 = arith.index_cast %add3A_2525 : i32 to index
      %get3A_2593 = arith.constant 48 : index
      %get3A_2594 = tpu.vector_load %arg14[%get3A_2592, %get3A_2593] {strides = array<i32>} : memref<128x128xf32, #tpu.memory_space<vmem>>, vector<1x16xf32>,
      %get3A_2595 = vector.shape_cast %get3A_2594 : vector<1x16xf32> to vector<16xf32>
      %sub3A_2596 = arith.subf %get3A_2587, %get3A_2591 : vector<16xf32>
      %mul3A_2597 = arith.mulf %sub3A_2596, %sub3A_2596 : vector<16xf32>
      %add3A_2598 = arith.addf %add3A_2580, %mul3A_2597 : vector<16xf32>
      %sub3A_2599 = arith.subf %get3A_2587, %get3A_2595 : vector<16xf32>
      %mul3A_2600 = arith.mulf %sub3A_2599, %sub3A_2599 : vector<16xf32>
      %add3A_2601 = arith.addf %add3A_2583, %mul3A_2600 : vector<16xf32>
      %xor3A_2602 = arith.constant 8 : i32
      %xor3A_2603 = vector.broadcast %xor3A_2602 : i32 to vector<16xi32>
      %xor3A_2604 = arith.xori %iota3A_157, %xor3A_2603 : vector<16xi32>
      %reshape3A_2605 = vector.shape_cast %xor3A_2604 : vector<16xi32> to vector<16x1xi32>
      %gather3A_2606 = vector.shape_cast %reshape3A_2605 : vector<16x1xi32> to vector<16xi32>
      %gather3A_2607 = tpu.dynamic_gather %add3A_2598[%gather3A_2606] in [0] : vector<16xf32>, vector<16xi32> -> vector<16xf32>
      %add3A_2608 = arith.addf %add3A_2598, %gather3A_2607 : vector<16xf32>
      %xor3A_2609 = arith.constant 4 : i32
      %xor3A_2610 = vector.broadcast %xor3A_2609 : i32 to vector<16xi32>
      %xor3A_2611 = arith.xori %iota3A_157, %xor3A_2610 : vector<16xi32>
      %reshape3A_2612 = vector.shape_cast %xor3A_2611 : vector<16xi32> to vector<16x1xi32>
      %gather3A_2613 = vector.shape_cast %reshape3A_2612 : vector<16x1xi32> to vector<16xi32>
      %gather3A_2614 = tpu.dynamic_gather %add3A_2608[%gather3A_2613] in [0] : vector<16xf32>, vector<16xi32> -> vector<16xf32>
      %add3A_2615 = arith.addf %add3A_2608, %gather3A_2614 : vector<16xf32>
      %xor3A_2616 = arith.constant 2 : i32
      %xor3A_2617 = vector.broadcast %xor3A_2616 : i32 to vector<16xi32>
      %xor3A_2618 = arith.xori %iota3A_157, %xor3A_2617 : vector<16xi32>
      %reshape3A_2619 = vector.shape_cast %xor3A_2618 : vector<16xi32> to vector<16x1xi32>
      %gather3A_2620 = vector.shape_cast %reshape3A_2619 : vector<16x1xi32> to vector<16xi32>
      %gather3A_2621 = tpu.dynamic_gather %add3A_2615[%gather3A_2620] in [0] : vector<16xf32>, vector<16xi32> -> vector<16xf32>
      %add3A_2622 = arith.addf %add3A_2615, %gather3A_2621 : vector<16xf32>
      %xor3A_2623 = arith.constant 1 : i32
      %xor3A_2624 = vector.broadcast %xor3A_2623 : i32 to vector<16xi32>
      %xor3A_2625 = arith.xori %iota3A_157, %xor3A_2624 : vector<16xi32>
      %reshape3A_2626 = vector.shape_cast %xor3A_2625 : vector<16xi32> to vector<16x1xi32>
      %gather3A_2627 = vector.shape_cast %reshape3A_2626 : vector<16x1xi32> to vector<16xi32>
      %gather3A_2628 = tpu.dynamic_gather %add3A_2622[%gather3A_2627] in [0] : vector<16xf32>, vector<16xi32> -> vector<16xf32>
      %add3A_2629 = arith.addf %add3A_2622, %gather3A_2628 : vector<16xf32>
      %xor3A_2630 = arith.constant 8 : i32
      %xor3A_2631 = vector.broadcast %xor3A_2630 : i32 to vector<16xi32>
      %xor3A_2632 = arith.xori %iota3A_157, %xor3A_2631 : vector<16xi32>
      %reshape3A_2633 = vector.shape_cast %xor3A_2632 : vector<16xi32> to vector<16x1xi32>
      %gather3A_2634 = vector.shape_cast %reshape3A_2633 : vector<16x1xi32> to vector<16xi32>
      %gather3A_2635 = tpu.dynamic_gather %add3A_2601[%gather3A_2634] in [0] : vector<16xf32>, vector<16xi32> -> vector<16xf32>
      %add3A_2636 = arith.addf %add3A_2601, %gather3A_2635 : vector<16xf32>
      %xor3A_2637 = arith.constant 4 : i32
      %xor3A_2638 = vector.broadcast %xor3A_2637 : i32 to vector<16xi32>
      %xor3A_2639 = arith.xori %iota3A_157, %xor3A_2638 : vector<16xi32>
      %reshape3A_2640 = vector.shape_cast %xor3A_2639 : vector<16xi32> to vector<16x1xi32>
      %gather3A_2641 = vector.shape_cast %reshape3A_2640 : vector<16x1xi32> to vector<16xi32>
      %gather3A_2642 = tpu.dynamic_gather %add3A_2636[%gather3A_2641] in [0] : vector<16xf32>, vector<16xi32> -> vector<16xf32>
      %add3A_2643 = arith.addf %add3A_2636, %gather3A_2642 : vector<16xf32>
      %xor3A_2644 = arith.constant 2 : i32
      %xor3A_2645 = vector.broadcast %xor3A_2644 : i32 to vector<16xi32>
      %xor3A_2646 = arith.xori %iota3A_157, %xor3A_2645 : vector<16xi32>
      %reshape3A_2647 = vector.shape_cast %xor3A_2646 : vector<16xi32> to vector<16x1xi32>
      %gather3A_2648 = vector.shape_cast %reshape3A_2647 : vector<16x1xi32> to vector<16xi32>
      %gather3A_2649 = tpu.dynamic_gather %add3A_2643[%gather3A_2648] in [0] : vector<16xf32>, vector<16xi32> -> vector<16xf32>
      %add3A_2650 = arith.addf %add3A_2643, %gather3A_2649 : vector<16xf32>
      %xor3A_2651 = arith.constant 1 : i32
      %xor3A_2652 = vector.broadcast %xor3A_2651 : i32 to vector<16xi32>
      %xor3A_2653 = arith.xori %iota3A_157, %xor3A_2652 : vector<16xi32>
      %reshape3A_2654 = vector.shape_cast %xor3A_2653 : vector<16xi32> to vector<16x1xi32>
      %gather3A_2655 = vector.shape_cast %reshape3A_2654 : vector<16x1xi32> to vector<16xi32>
      %gather3A_2656 = tpu.dynamic_gather %add3A_2650[%gather3A_2655] in [0] : vector<16xf32>, vector<16xi32> -> vector<16xf32>
      %add3A_2657 = arith.addf %add3A_2650, %gather3A_2656 : vector<16xf32>
      %broadcast_in_dim3A_2658 = arith.constant 12 : i32
      %broadcast_in_dim3A_2659 = vector.broadcast %broadcast_in_dim3A_2658 : i32 to vector<16xi32>
      %reshape3A_2660 = vector.shape_cast %broadcast_in_dim3A_2659 : vector<16xi32> to vector<16x1xi32>
      %gather3A_2661 = vector.shape_cast %reshape3A_2660 : vector<16x1xi32> to vector<16xi32>
      %gather3A_2662 = tpu.dynamic_gather %get3A_168[%gather3A_2661] in [0] : vector<16xi32>, vector<16xi32> -> vector<16xi32>
      %reshape3A_2663 = vector.shape_cast %broadcast_in_dim3A_2659 : vector<16xi32> to vector<16x1xi32>
      %gather3A_2664 = vector.shape_cast %reshape3A_2663 : vector<16x1xi32> to vector<16xi32>
      %gather3A_2665 = tpu.dynamic_gather %get3A_173[%gather3A_2664] in [0] : vector<16xi32>, vector<16xi32> -> vector<16xi32>
      %lt3A_2666 = arith.cmpf olt, %add3A_2657, %add3A_2629 : vector<16xf32>
      %jit3A_2667 = arith.constant 1 : i32
      %jit3A_2668 = arith.constant 0 : i32
      %broadcast_in_dim3A_2669 = vector.broadcast %jit3A_2667 : i32 to vector<16xi32>
      %broadcast_in_dim3A_2670 = vector.broadcast %jit3A_2668 : i32 to vector<16xi32>
      %select_n3A_2671 = arith.select %lt3A_2666, %broadcast_in_dim3A_2669, %broadcast_in_dim3A_2670 : vector<16xi1>, vector<16xi32>
      %eq3A_2672 = arith.cmpf oeq, %add3A_2657, %add3A_2629 : vector<16xf32>
      %jit3A_2673 = arith.constant 1 : i32
      %jit3A_2674 = arith.constant 0 : i32
      %broadcast_in_dim3A_2675 = vector.broadcast %jit3A_2673 : i32 to vector<16xi32>
      %broadcast_in_dim3A_2676 = vector.broadcast %jit3A_2674 : i32 to vector<16xi32>
      %select_n3A_2677 = arith.select %eq3A_2672, %broadcast_in_dim3A_2675, %broadcast_in_dim3A_2676 : vector<16xi1>, vector<16xi32>
      %lt3A_2678 = arith.cmpi slt, %gather3A_2665, %gather3A_2662 : vector<16xi32>
      %jit3A_2679 = arith.constant 1 : i32
      %jit3A_2680 = arith.constant 0 : i32
      %broadcast_in_dim3A_2681 = vector.broadcast %jit3A_2679 : i32 to vector<16xi32>
      %broadcast_in_dim3A_2682 = vector.broadcast %jit3A_2680 : i32 to vector<16xi32>
      %select_n3A_2683 = arith.select %lt3A_2678, %broadcast_in_dim3A_2681, %broadcast_in_dim3A_2682 : vector<16xi1>, vector<16xi32>
      %mul3A_2684 = arith.muli %select_n3A_2677, %select_n3A_2683 : vector<16xi32>
      %add3A_2685 = arith.addi %select_n3A_2671, %mul3A_2684 : vector<16xi32>
      %gt3A_2686 = arith.constant 0 : i32
      %gt3A_2687 = vector.broadcast %gt3A_2686 : i32 to vector<16xi32>
      %gt3A_2688 = arith.cmpi sgt, %add3A_2685, %gt3A_2687 : vector<16xi32>
      %eq3A_2689 = arith.constant 12 : i32
      %eq3A_2690 = vector.broadcast %eq3A_2689 : i32 to vector<16xi32>
      %eq3A_2691 = arith.cmpi eq, %iota3A_157, %eq3A_2690 : vector<16xi32>
      %select_n3A_2692 = arith.select %gt3A_2688, %gather3A_2665, %gather3A_2662 : vector<16xi1>, vector<16xi32>
      %select_n3A_2693 = arith.select %eq3A_2691, %select_n3A_2692, %select_n3A_2497 : vector<16xi1>, vector<16xi32>
      %select_n3A_2694 = arith.select %gt3A_2688, %get3A_2541, %get3A_2537 : vector<16xi1>, vector<16xf32>
      %swap3A_2695 = arith.index_cast %add3A_2525 : i32 to index
      %swap3A_2696 = arith.constant 0 : index
      %swap3A_2697 = tpu.vector_load %arg15[%swap3A_2695, %swap3A_2696] {strides = array<i32>} : memref<128x64xf32, #tpu.memory_space<vmem>>, vector<1x16xf32>,
      %swap3A_2698 = vector.shape_cast %swap3A_2697 : vector<1x16xf32> to vector<16xf32>
      %swap3A_2699 = vector.shape_cast %select_n3A_2694 : vector<16xf32> to vector<1x16xf32>
      tpu.vector_store %arg15[%swap3A_2695, %swap3A_2696], %swap3A_2699 {strides = array<i32>} : memref<128x64xf32, #tpu.memory_space<vmem>>, vector<1x16xf32>,
      %select_n3A_2700 = arith.select %gt3A_2688, %get3A_2559, %get3A_2555 : vector<16xi1>, vector<16xf32>
      %swap3A_2701 = arith.index_cast %add3A_2525 : i32 to index
      %swap3A_2702 = arith.constant 16 : index
      %swap3A_2703 = tpu.vector_load %arg15[%swap3A_2701, %swap3A_2702] {strides = array<i32>} : memref<128x64xf32, #tpu.memory_space<vmem>>, vector<1x16xf32>,
      %swap3A_2704 = vector.shape_cast %swap3A_2703 : vector<1x16xf32> to vector<16xf32>
      %swap3A_2705 = vector.shape_cast %select_n3A_2700 : vector<16xf32> to vector<1x16xf32>
      tpu.vector_store %arg15[%swap3A_2701, %swap3A_2702], %swap3A_2705 {strides = array<i32>} : memref<128x64xf32, #tpu.memory_space<vmem>>, vector<1x16xf32>,
      %select_n3A_2706 = arith.select %gt3A_2688, %get3A_2577, %get3A_2573 : vector<16xi1>, vector<16xf32>
      %swap3A_2707 = arith.index_cast %add3A_2525 : i32 to index
      %swap3A_2708 = arith.constant 32 : index
      %swap3A_2709 = tpu.vector_load %arg15[%swap3A_2707, %swap3A_2708] {strides = array<i32>} : memref<128x64xf32, #tpu.memory_space<vmem>>, vector<1x16xf32>,
      %swap3A_2710 = vector.shape_cast %swap3A_2709 : vector<1x16xf32> to vector<16xf32>
      %swap3A_2711 = vector.shape_cast %select_n3A_2706 : vector<16xf32> to vector<1x16xf32>
      tpu.vector_store %arg15[%swap3A_2707, %swap3A_2708], %swap3A_2711 {strides = array<i32>} : memref<128x64xf32, #tpu.memory_space<vmem>>, vector<1x16xf32>,
      %select_n3A_2712 = arith.select %gt3A_2688, %get3A_2595, %get3A_2591 : vector<16xi1>, vector<16xf32>
      %swap3A_2713 = arith.index_cast %add3A_2525 : i32 to index
      %swap3A_2714 = arith.constant 48 : index
      %swap3A_2715 = tpu.vector_load %arg15[%swap3A_2713, %swap3A_2714] {strides = array<i32>} : memref<128x64xf32, #tpu.memory_space<vmem>>, vector<1x16xf32>,
      %swap3A_2716 = vector.shape_cast %swap3A_2715 : vector<1x16xf32> to vector<16xf32>
      %swap3A_2717 = vector.shape_cast %select_n3A_2712 : vector<16xf32> to vector<1x16xf32>
      tpu.vector_store %arg15[%swap3A_2713, %swap3A_2714], %swap3A_2717 {strides = array<i32>} : memref<128x64xf32, #tpu.memory_space<vmem>>, vector<1x16xf32>,
      %mul3A_2718 = arith.constant 16 : i32
      %mul3A_2719 = arith.muli %scan3A_163, %mul3A_2718 : i32
      %add3A_2720 = arith.constant 13 : i32
      %add3A_2721 = arith.addi %mul3A_2719, %add3A_2720 : i32
      %broadcast_in_dim3A_2722 = arith.constant 0.000000e+00 : f32
      %broadcast_in_dim3A_2723 = vector.broadcast %broadcast_in_dim3A_2722 : f32 to vector<16xf32>
      %broadcast_in_dim3A_2724 = arith.constant 0.000000e+00 : f32
      %broadcast_in_dim3A_2725 = vector.broadcast %broadcast_in_dim3A_2724 : f32 to vector<16xf32>
      %get3A_2726 = arith.index_cast %add3A_2721 : i32 to index
      %get3A_2727 = arith.constant 0 : index
      %get3A_2728 = tpu.vector_load %arg12[%get3A_2726, %get3A_2727] {strides = array<i32>} : memref<128x64xf32, #tpu.memory_space<vmem>>, vector<1x16xf32>,
      %get3A_2729 = vector.shape_cast %get3A_2728 : vector<1x16xf32> to vector<16xf32>
      %get3A_2730 = arith.index_cast %add3A_2721 : i32 to index
      %get3A_2731 = arith.constant 0 : index
      %get3A_2732 = tpu.vector_load %arg13[%get3A_2730, %get3A_2731] {strides = array<i32>} : memref<128x128xf32, #tpu.memory_space<vmem>>, vector<1x16xf32>,
      %get3A_2733 = vector.shape_cast %get3A_2732 : vector<1x16xf32> to vector<16xf32>
      %get3A_2734 = arith.index_cast %add3A_2721 : i32 to index
      %get3A_2735 = arith.constant 0 : index
      %get3A_2736 = tpu.vector_load %arg14[%get3A_2734, %get3A_2735] {strides = array<i32>} : memref<128x128xf32, #tpu.memory_space<vmem>>, vector<1x16xf32>,
      %get3A_2737 = vector.shape_cast %get3A_2736 : vector<1x16xf32> to vector<16xf32>
      %sub3A_2738 = arith.subf %get3A_2729, %get3A_2733 : vector<16xf32>
      %mul3A_2739 = arith.mulf %sub3A_2738, %sub3A_2738 : vector<16xf32>
      %add3A_2740 = arith.addf %broadcast_in_dim3A_2723, %mul3A_2739 : vector<16xf32>
      %sub3A_2741 = arith.subf %get3A_2729, %get3A_2737 : vector<16xf32>
      %mul3A_2742 = arith.mulf %sub3A_2741, %sub3A_2741 : vector<16xf32>
      %add3A_2743 = arith.addf %broadcast_in_dim3A_2725, %mul3A_2742 : vector<16xf32>
      %get3A_2744 = arith.index_cast %add3A_2721 : i32 to index
      %get3A_2745 = arith.constant 16 : index
      %get3A_2746 = tpu.vector_load %arg12[%get3A_2744, %get3A_2745] {strides = array<i32>} : memref<128x64xf32, #tpu.memory_space<vmem>>, vector<1x16xf32>,
      %get3A_2747 = vector.shape_cast %get3A_2746 : vector<1x16xf32> to vector<16xf32>
      %get3A_2748 = arith.index_cast %add3A_2721 : i32 to index
      %get3A_2749 = arith.constant 16 : index
      %get3A_2750 = tpu.vector_load %arg13[%get3A_2748, %get3A_2749] {strides = array<i32>} : memref<128x128xf32, #tpu.memory_space<vmem>>, vector<1x16xf32>,
      %get3A_2751 = vector.shape_cast %get3A_2750 : vector<1x16xf32> to vector<16xf32>
      %get3A_2752 = arith.index_cast %add3A_2721 : i32 to index
      %get3A_2753 = arith.constant 16 : index
      %get3A_2754 = tpu.vector_load %arg14[%get3A_2752, %get3A_2753] {strides = array<i32>} : memref<128x128xf32, #tpu.memory_space<vmem>>, vector<1x16xf32>,
      %get3A_2755 = vector.shape_cast %get3A_2754 : vector<1x16xf32> to vector<16xf32>
      %sub3A_2756 = arith.subf %get3A_2747, %get3A_2751 : vector<16xf32>
      %mul3A_2757 = arith.mulf %sub3A_2756, %sub3A_2756 : vector<16xf32>
      %add3A_2758 = arith.addf %add3A_2740, %mul3A_2757 : vector<16xf32>
      %sub3A_2759 = arith.subf %get3A_2747, %get3A_2755 : vector<16xf32>
      %mul3A_2760 = arith.mulf %sub3A_2759, %sub3A_2759 : vector<16xf32>
      %add3A_2761 = arith.addf %add3A_2743, %mul3A_2760 : vector<16xf32>
      %get3A_2762 = arith.index_cast %add3A_2721 : i32 to index
      %get3A_2763 = arith.constant 32 : index
      %get3A_2764 = tpu.vector_load %arg12[%get3A_2762, %get3A_2763] {strides = array<i32>} : memref<128x64xf32, #tpu.memory_space<vmem>>, vector<1x16xf32>,
      %get3A_2765 = vector.shape_cast %get3A_2764 : vector<1x16xf32> to vector<16xf32>
      %get3A_2766 = arith.index_cast %add3A_2721 : i32 to index
      %get3A_2767 = arith.constant 32 : index
      %get3A_2768 = tpu.vector_load %arg13[%get3A_2766, %get3A_2767] {strides = array<i32>} : memref<128x128xf32, #tpu.memory_space<vmem>>, vector<1x16xf32>,
      %get3A_2769 = vector.shape_cast %get3A_2768 : vector<1x16xf32> to vector<16xf32>
      %get3A_2770 = arith.index_cast %add3A_2721 : i32 to index
      %get3A_2771 = arith.constant 32 : index
      %get3A_2772 = tpu.vector_load %arg14[%get3A_2770, %get3A_2771] {strides = array<i32>} : memref<128x128xf32, #tpu.memory_space<vmem>>, vector<1x16xf32>,
      %get3A_2773 = vector.shape_cast %get3A_2772 : vector<1x16xf32> to vector<16xf32>
      %sub3A_2774 = arith.subf %get3A_2765, %get3A_2769 : vector<16xf32>
      %mul3A_2775 = arith.mulf %sub3A_2774, %sub3A_2774 : vector<16xf32>
      %add3A_2776 = arith.addf %add3A_2758, %mul3A_2775 : vector<16xf32>
      %sub3A_2777 = arith.subf %get3A_2765, %get3A_2773 : vector<16xf32>
      %mul3A_2778 = arith.mulf %sub3A_2777, %sub3A_2777 : vector<16xf32>
      %add3A_2779 = arith.addf %add3A_2761, %mul3A_2778 : vector<16xf32>
      %get3A_2780 = arith.index_cast %add3A_2721 : i32 to index
      %get3A_2781 = arith.constant 48 : index
      %get3A_2782 = tpu.vector_load %arg12[%get3A_2780, %get3A_2781] {strides = array<i32>} : memref<128x64xf32, #tpu.memory_space<vmem>>, vector<1x16xf32>,
      %get3A_2783 = vector.shape_cast %get3A_2782 : vector<1x16xf32> to vector<16xf32>
      %get3A_2784 = arith.index_cast %add3A_2721 : i32 to index
      %get3A_2785 = arith.constant 48 : index
      %get3A_2786 = tpu.vector_load %arg13[%get3A_2784, %get3A_2785] {strides = array<i32>} : memref<128x128xf32, #tpu.memory_space<vmem>>, vector<1x16xf32>,
      %get3A_2787 = vector.shape_cast %get3A_2786 : vector<1x16xf32> to vector<16xf32>
      %get3A_2788 = arith.index_cast %add3A_2721 : i32 to index
      %get3A_2789 = arith.constant 48 : index
      %get3A_2790 = tpu.vector_load %arg14[%get3A_2788, %get3A_2789] {strides = array<i32>} : memref<128x128xf32, #tpu.memory_space<vmem>>, vector<1x16xf32>,
      %get3A_2791 = vector.shape_cast %get3A_2790 : vector<1x16xf32> to vector<16xf32>
      %sub3A_2792 = arith.subf %get3A_2783, %get3A_2787 : vector<16xf32>
      %mul3A_2793 = arith.mulf %sub3A_2792, %sub3A_2792 : vector<16xf32>
      %add3A_2794 = arith.addf %add3A_2776, %mul3A_2793 : vector<16xf32>
      %sub3A_2795 = arith.subf %get3A_2783, %get3A_2791 : vector<16xf32>
      %mul3A_2796 = arith.mulf %sub3A_2795, %sub3A_2795 : vector<16xf32>
      %add3A_2797 = arith.addf %add3A_2779, %mul3A_2796 : vector<16xf32>
      %xor3A_2798 = arith.constant 8 : i32
      %xor3A_2799 = vector.broadcast %xor3A_2798 : i32 to vector<16xi32>
      %xor3A_2800 = arith.xori %iota3A_157, %xor3A_2799 : vector<16xi32>
      %reshape3A_2801 = vector.shape_cast %xor3A_2800 : vector<16xi32> to vector<16x1xi32>
      %gather3A_2802 = vector.shape_cast %reshape3A_2801 : vector<16x1xi32> to vector<16xi32>
      %gather3A_2803 = tpu.dynamic_gather %add3A_2794[%gather3A_2802] in [0] : vector<16xf32>, vector<16xi32> -> vector<16xf32>
      %add3A_2804 = arith.addf %add3A_2794, %gather3A_2803 : vector<16xf32>
      %xor3A_2805 = arith.constant 4 : i32
      %xor3A_2806 = vector.broadcast %xor3A_2805 : i32 to vector<16xi32>
      %xor3A_2807 = arith.xori %iota3A_157, %xor3A_2806 : vector<16xi32>
      %reshape3A_2808 = vector.shape_cast %xor3A_2807 : vector<16xi32> to vector<16x1xi32>
      %gather3A_2809 = vector.shape_cast %reshape3A_2808 : vector<16x1xi32> to vector<16xi32>
      %gather3A_2810 = tpu.dynamic_gather %add3A_2804[%gather3A_2809] in [0] : vector<16xf32>, vector<16xi32> -> vector<16xf32>
      %add3A_2811 = arith.addf %add3A_2804, %gather3A_2810 : vector<16xf32>
      %xor3A_2812 = arith.constant 2 : i32
      %xor3A_2813 = vector.broadcast %xor3A_2812 : i32 to vector<16xi32>
      %xor3A_2814 = arith.xori %iota3A_157, %xor3A_2813 : vector<16xi32>
      %reshape3A_2815 = vector.shape_cast %xor3A_2814 : vector<16xi32> to vector<16x1xi32>
      %gather3A_2816 = vector.shape_cast %reshape3A_2815 : vector<16x1xi32> to vector<16xi32>
      %gather3A_2817 = tpu.dynamic_gather %add3A_2811[%gather3A_2816] in [0] : vector<16xf32>, vector<16xi32> -> vector<16xf32>
      %add3A_2818 = arith.addf %add3A_2811, %gather3A_2817 : vector<16xf32>
      %xor3A_2819 = arith.constant 1 : i32
      %xor3A_2820 = vector.broadcast %xor3A_2819 : i32 to vector<16xi32>
      %xor3A_2821 = arith.xori %iota3A_157, %xor3A_2820 : vector<16xi32>
      %reshape3A_2822 = vector.shape_cast %xor3A_2821 : vector<16xi32> to vector<16x1xi32>
      %gather3A_2823 = vector.shape_cast %reshape3A_2822 : vector<16x1xi32> to vector<16xi32>
      %gather3A_2824 = tpu.dynamic_gather %add3A_2818[%gather3A_2823] in [0] : vector<16xf32>, vector<16xi32> -> vector<16xf32>
      %add3A_2825 = arith.addf %add3A_2818, %gather3A_2824 : vector<16xf32>
      %xor3A_2826 = arith.constant 8 : i32
      %xor3A_2827 = vector.broadcast %xor3A_2826 : i32 to vector<16xi32>
      %xor3A_2828 = arith.xori %iota3A_157, %xor3A_2827 : vector<16xi32>
      %reshape3A_2829 = vector.shape_cast %xor3A_2828 : vector<16xi32> to vector<16x1xi32>
      %gather3A_2830 = vector.shape_cast %reshape3A_2829 : vector<16x1xi32> to vector<16xi32>
      %gather3A_2831 = tpu.dynamic_gather %add3A_2797[%gather3A_2830] in [0] : vector<16xf32>, vector<16xi32> -> vector<16xf32>
      %add3A_2832 = arith.addf %add3A_2797, %gather3A_2831 : vector<16xf32>
      %xor3A_2833 = arith.constant 4 : i32
      %xor3A_2834 = vector.broadcast %xor3A_2833 : i32 to vector<16xi32>
      %xor3A_2835 = arith.xori %iota3A_157, %xor3A_2834 : vector<16xi32>
      %reshape3A_2836 = vector.shape_cast %xor3A_2835 : vector<16xi32> to vector<16x1xi32>
      %gather3A_2837 = vector.shape_cast %reshape3A_2836 : vector<16x1xi32> to vector<16xi32>
      %gather3A_2838 = tpu.dynamic_gather %add3A_2832[%gather3A_2837] in [0] : vector<16xf32>, vector<16xi32> -> vector<16xf32>
      %add3A_2839 = arith.addf %add3A_2832, %gather3A_2838 : vector<16xf32>
      %xor3A_2840 = arith.constant 2 : i32
      %xor3A_2841 = vector.broadcast %xor3A_2840 : i32 to vector<16xi32>
      %xor3A_2842 = arith.xori %iota3A_157, %xor3A_2841 : vector<16xi32>
      %reshape3A_2843 = vector.shape_cast %xor3A_2842 : vector<16xi32> to vector<16x1xi32>
      %gather3A_2844 = vector.shape_cast %reshape3A_2843 : vector<16x1xi32> to vector<16xi32>
      %gather3A_2845 = tpu.dynamic_gather %add3A_2839[%gather3A_2844] in [0] : vector<16xf32>, vector<16xi32> -> vector<16xf32>
      %add3A_2846 = arith.addf %add3A_2839, %gather3A_2845 : vector<16xf32>
      %xor3A_2847 = arith.constant 1 : i32
      %xor3A_2848 = vector.broadcast %xor3A_2847 : i32 to vector<16xi32>
      %xor3A_2849 = arith.xori %iota3A_157, %xor3A_2848 : vector<16xi32>
      %reshape3A_2850 = vector.shape_cast %xor3A_2849 : vector<16xi32> to vector<16x1xi32>
      %gather3A_2851 = vector.shape_cast %reshape3A_2850 : vector<16x1xi32> to vector<16xi32>
      %gather3A_2852 = tpu.dynamic_gather %add3A_2846[%gather3A_2851] in [0] : vector<16xf32>, vector<16xi32> -> vector<16xf32>
      %add3A_2853 = arith.addf %add3A_2846, %gather3A_2852 : vector<16xf32>
      %broadcast_in_dim3A_2854 = arith.constant 13 : i32
      %broadcast_in_dim3A_2855 = vector.broadcast %broadcast_in_dim3A_2854 : i32 to vector<16xi32>
      %reshape3A_2856 = vector.shape_cast %broadcast_in_dim3A_2855 : vector<16xi32> to vector<16x1xi32>
      %gather3A_2857 = vector.shape_cast %reshape3A_2856 : vector<16x1xi32> to vector<16xi32>
      %gather3A_2858 = tpu.dynamic_gather %get3A_168[%gather3A_2857] in [0] : vector<16xi32>, vector<16xi32> -> vector<16xi32>
      %reshape3A_2859 = vector.shape_cast %broadcast_in_dim3A_2855 : vector<16xi32> to vector<16x1xi32>
      %gather3A_2860 = vector.shape_cast %reshape3A_2859 : vector<16x1xi32> to vector<16xi32>
      %gather3A_2861 = tpu.dynamic_gather %get3A_173[%gather3A_2860] in [0] : vector<16xi32>, vector<16xi32> -> vector<16xi32>
      %lt3A_2862 = arith.cmpf olt, %add3A_2853, %add3A_2825 : vector<16xf32>
      %jit3A_2863 = arith.constant 1 : i32
      %jit3A_2864 = arith.constant 0 : i32
      %broadcast_in_dim3A_2865 = vector.broadcast %jit3A_2863 : i32 to vector<16xi32>
      %broadcast_in_dim3A_2866 = vector.broadcast %jit3A_2864 : i32 to vector<16xi32>
      %select_n3A_2867 = arith.select %lt3A_2862, %broadcast_in_dim3A_2865, %broadcast_in_dim3A_2866 : vector<16xi1>, vector<16xi32>
      %eq3A_2868 = arith.cmpf oeq, %add3A_2853, %add3A_2825 : vector<16xf32>
      %jit3A_2869 = arith.constant 1 : i32
      %jit3A_2870 = arith.constant 0 : i32
      %broadcast_in_dim3A_2871 = vector.broadcast %jit3A_2869 : i32 to vector<16xi32>
      %broadcast_in_dim3A_2872 = vector.broadcast %jit3A_2870 : i32 to vector<16xi32>
      %select_n3A_2873 = arith.select %eq3A_2868, %broadcast_in_dim3A_2871, %broadcast_in_dim3A_2872 : vector<16xi1>, vector<16xi32>
      %lt3A_2874 = arith.cmpi slt, %gather3A_2861, %gather3A_2858 : vector<16xi32>
      %jit3A_2875 = arith.constant 1 : i32
      %jit3A_2876 = arith.constant 0 : i32
      %broadcast_in_dim3A_2877 = vector.broadcast %jit3A_2875 : i32 to vector<16xi32>
      %broadcast_in_dim3A_2878 = vector.broadcast %jit3A_2876 : i32 to vector<16xi32>
      %select_n3A_2879 = arith.select %lt3A_2874, %broadcast_in_dim3A_2877, %broadcast_in_dim3A_2878 : vector<16xi1>, vector<16xi32>
      %mul3A_2880 = arith.muli %select_n3A_2873, %select_n3A_2879 : vector<16xi32>
      %add3A_2881 = arith.addi %select_n3A_2867, %mul3A_2880 : vector<16xi32>
      %gt3A_2882 = arith.constant 0 : i32
      %gt3A_2883 = vector.broadcast %gt3A_2882 : i32 to vector<16xi32>
      %gt3A_2884 = arith.cmpi sgt, %add3A_2881, %gt3A_2883 : vector<16xi32>
      %eq3A_2885 = arith.constant 13 : i32
      %eq3A_2886 = vector.broadcast %eq3A_2885 : i32 to vector<16xi32>
      %eq3A_2887 = arith.cmpi eq, %iota3A_157, %eq3A_2886 : vector<16xi32>
      %select_n3A_2888 = arith.select %gt3A_2884, %gather3A_2861, %gather3A_2858 : vector<16xi1>, vector<16xi32>
      %select_n3A_2889 = arith.select %eq3A_2887, %select_n3A_2888, %select_n3A_2693 : vector<16xi1>, vector<16xi32>
      %select_n3A_2890 = arith.select %gt3A_2884, %get3A_2737, %get3A_2733 : vector<16xi1>, vector<16xf32>
      %swap3A_2891 = arith.index_cast %add3A_2721 : i32 to index
      %swap3A_2892 = arith.constant 0 : index
      %swap3A_2893 = tpu.vector_load %arg15[%swap3A_2891, %swap3A_2892] {strides = array<i32>} : memref<128x64xf32, #tpu.memory_space<vmem>>, vector<1x16xf32>,
      %swap3A_2894 = vector.shape_cast %swap3A_2893 : vector<1x16xf32> to vector<16xf32>
      %swap3A_2895 = vector.shape_cast %select_n3A_2890 : vector<16xf32> to vector<1x16xf32>
      tpu.vector_store %arg15[%swap3A_2891, %swap3A_2892], %swap3A_2895 {strides = array<i32>} : memref<128x64xf32, #tpu.memory_space<vmem>>, vector<1x16xf32>,
      %select_n3A_2896 = arith.select %gt3A_2884, %get3A_2755, %get3A_2751 : vector<16xi1>, vector<16xf32>
      %swap3A_2897 = arith.index_cast %add3A_2721 : i32 to index
      %swap3A_2898 = arith.constant 16 : index
      %swap3A_2899 = tpu.vector_load %arg15[%swap3A_2897, %swap3A_2898] {strides = array<i32>} : memref<128x64xf32, #tpu.memory_space<vmem>>, vector<1x16xf32>,
      %swap3A_2900 = vector.shape_cast %swap3A_2899 : vector<1x16xf32> to vector<16xf32>
      %swap3A_2901 = vector.shape_cast %select_n3A_2896 : vector<16xf32> to vector<1x16xf32>
      tpu.vector_store %arg15[%swap3A_2897, %swap3A_2898], %swap3A_2901 {strides = array<i32>} : memref<128x64xf32, #tpu.memory_space<vmem>>, vector<1x16xf32>,
      %select_n3A_2902 = arith.select %gt3A_2884, %get3A_2773, %get3A_2769 : vector<16xi1>, vector<16xf32>
      %swap3A_2903 = arith.index_cast %add3A_2721 : i32 to index
      %swap3A_2904 = arith.constant 32 : index
      %swap3A_2905 = tpu.vector_load %arg15[%swap3A_2903, %swap3A_2904] {strides = array<i32>} : memref<128x64xf32, #tpu.memory_space<vmem>>, vector<1x16xf32>,
      %swap3A_2906 = vector.shape_cast %swap3A_2905 : vector<1x16xf32> to vector<16xf32>
      %swap3A_2907 = vector.shape_cast %select_n3A_2902 : vector<16xf32> to vector<1x16xf32>
      tpu.vector_store %arg15[%swap3A_2903, %swap3A_2904], %swap3A_2907 {strides = array<i32>} : memref<128x64xf32, #tpu.memory_space<vmem>>, vector<1x16xf32>,
      %select_n3A_2908 = arith.select %gt3A_2884, %get3A_2791, %get3A_2787 : vector<16xi1>, vector<16xf32>
      %swap3A_2909 = arith.index_cast %add3A_2721 : i32 to index
      %swap3A_2910 = arith.constant 48 : index
      %swap3A_2911 = tpu.vector_load %arg15[%swap3A_2909, %swap3A_2910] {strides = array<i32>} : memref<128x64xf32, #tpu.memory_space<vmem>>, vector<1x16xf32>,
      %swap3A_2912 = vector.shape_cast %swap3A_2911 : vector<1x16xf32> to vector<16xf32>
      %swap3A_2913 = vector.shape_cast %select_n3A_2908 : vector<16xf32> to vector<1x16xf32>
      tpu.vector_store %arg15[%swap3A_2909, %swap3A_2910], %swap3A_2913 {strides = array<i32>} : memref<128x64xf32, #tpu.memory_space<vmem>>, vector<1x16xf32>,
      %mul3A_2914 = arith.constant 16 : i32
      %mul3A_2915 = arith.muli %scan3A_163, %mul3A_2914 : i32
      %add3A_2916 = arith.constant 14 : i32
      %add3A_2917 = arith.addi %mul3A_2915, %add3A_2916 : i32
      %broadcast_in_dim3A_2918 = arith.constant 0.000000e+00 : f32
      %broadcast_in_dim3A_2919 = vector.broadcast %broadcast_in_dim3A_2918 : f32 to vector<16xf32>
      %broadcast_in_dim3A_2920 = arith.constant 0.000000e+00 : f32
      %broadcast_in_dim3A_2921 = vector.broadcast %broadcast_in_dim3A_2920 : f32 to vector<16xf32>
      %get3A_2922 = arith.index_cast %add3A_2917 : i32 to index
      %get3A_2923 = arith.constant 0 : index
      %get3A_2924 = tpu.vector_load %arg12[%get3A_2922, %get3A_2923] {strides = array<i32>} : memref<128x64xf32, #tpu.memory_space<vmem>>, vector<1x16xf32>,
      %get3A_2925 = vector.shape_cast %get3A_2924 : vector<1x16xf32> to vector<16xf32>
      %get3A_2926 = arith.index_cast %add3A_2917 : i32 to index
      %get3A_2927 = arith.constant 0 : index
      %get3A_2928 = tpu.vector_load %arg13[%get3A_2926, %get3A_2927] {strides = array<i32>} : memref<128x128xf32, #tpu.memory_space<vmem>>, vector<1x16xf32>,
      %get3A_2929 = vector.shape_cast %get3A_2928 : vector<1x16xf32> to vector<16xf32>
      %get3A_2930 = arith.index_cast %add3A_2917 : i32 to index
      %get3A_2931 = arith.constant 0 : index
      %get3A_2932 = tpu.vector_load %arg14[%get3A_2930, %get3A_2931] {strides = array<i32>} : memref<128x128xf32, #tpu.memory_space<vmem>>, vector<1x16xf32>,
      %get3A_2933 = vector.shape_cast %get3A_2932 : vector<1x16xf32> to vector<16xf32>
      %sub3A_2934 = arith.subf %get3A_2925, %get3A_2929 : vector<16xf32>
      %mul3A_2935 = arith.mulf %sub3A_2934, %sub3A_2934 : vector<16xf32>
      %add3A_2936 = arith.addf %broadcast_in_dim3A_2919, %mul3A_2935 : vector<16xf32>
      %sub3A_2937 = arith.subf %get3A_2925, %get3A_2933 : vector<16xf32>
      %mul3A_2938 = arith.mulf %sub3A_2937, %sub3A_2937 : vector<16xf32>
      %add3A_2939 = arith.addf %broadcast_in_dim3A_2921, %mul3A_2938 : vector<16xf32>
      %get3A_2940 = arith.index_cast %add3A_2917 : i32 to index
      %get3A_2941 = arith.constant 16 : index
      %get3A_2942 = tpu.vector_load %arg12[%get3A_2940, %get3A_2941] {strides = array<i32>} : memref<128x64xf32, #tpu.memory_space<vmem>>, vector<1x16xf32>,
      %get3A_2943 = vector.shape_cast %get3A_2942 : vector<1x16xf32> to vector<16xf32>
      %get3A_2944 = arith.index_cast %add3A_2917 : i32 to index
      %get3A_2945 = arith.constant 16 : index
      %get3A_2946 = tpu.vector_load %arg13[%get3A_2944, %get3A_2945] {strides = array<i32>} : memref<128x128xf32, #tpu.memory_space<vmem>>, vector<1x16xf32>,
      %get3A_2947 = vector.shape_cast %get3A_2946 : vector<1x16xf32> to vector<16xf32>
      %get3A_2948 = arith.index_cast %add3A_2917 : i32 to index
      %get3A_2949 = arith.constant 16 : index
      %get3A_2950 = tpu.vector_load %arg14[%get3A_2948, %get3A_2949] {strides = array<i32>} : memref<128x128xf32, #tpu.memory_space<vmem>>, vector<1x16xf32>,
      %get3A_2951 = vector.shape_cast %get3A_2950 : vector<1x16xf32> to vector<16xf32>
      %sub3A_2952 = arith.subf %get3A_2943, %get3A_2947 : vector<16xf32>
      %mul3A_2953 = arith.mulf %sub3A_2952, %sub3A_2952 : vector<16xf32>
      %add3A_2954 = arith.addf %add3A_2936, %mul3A_2953 : vector<16xf32>
      %sub3A_2955 = arith.subf %get3A_2943, %get3A_2951 : vector<16xf32>
      %mul3A_2956 = arith.mulf %sub3A_2955, %sub3A_2955 : vector<16xf32>
      %add3A_2957 = arith.addf %add3A_2939, %mul3A_2956 : vector<16xf32>
      %get3A_2958 = arith.index_cast %add3A_2917 : i32 to index
      %get3A_2959 = arith.constant 32 : index
      %get3A_2960 = tpu.vector_load %arg12[%get3A_2958, %get3A_2959] {strides = array<i32>} : memref<128x64xf32, #tpu.memory_space<vmem>>, vector<1x16xf32>,
      %get3A_2961 = vector.shape_cast %get3A_2960 : vector<1x16xf32> to vector<16xf32>
      %get3A_2962 = arith.index_cast %add3A_2917 : i32 to index
      %get3A_2963 = arith.constant 32 : index
      %get3A_2964 = tpu.vector_load %arg13[%get3A_2962, %get3A_2963] {strides = array<i32>} : memref<128x128xf32, #tpu.memory_space<vmem>>, vector<1x16xf32>,
      %get3A_2965 = vector.shape_cast %get3A_2964 : vector<1x16xf32> to vector<16xf32>
      %get3A_2966 = arith.index_cast %add3A_2917 : i32 to index
      %get3A_2967 = arith.constant 32 : index
      %get3A_2968 = tpu.vector_load %arg14[%get3A_2966, %get3A_2967] {strides = array<i32>} : memref<128x128xf32, #tpu.memory_space<vmem>>, vector<1x16xf32>,
      %get3A_2969 = vector.shape_cast %get3A_2968 : vector<1x16xf32> to vector<16xf32>
      %sub3A_2970 = arith.subf %get3A_2961, %get3A_2965 : vector<16xf32>
      %mul3A_2971 = arith.mulf %sub3A_2970, %sub3A_2970 : vector<16xf32>
      %add3A_2972 = arith.addf %add3A_2954, %mul3A_2971 : vector<16xf32>
      %sub3A_2973 = arith.subf %get3A_2961, %get3A_2969 : vector<16xf32>
      %mul3A_2974 = arith.mulf %sub3A_2973, %sub3A_2973 : vector<16xf32>
      %add3A_2975 = arith.addf %add3A_2957, %mul3A_2974 : vector<16xf32>
      %get3A_2976 = arith.index_cast %add3A_2917 : i32 to index
      %get3A_2977 = arith.constant 48 : index
      %get3A_2978 = tpu.vector_load %arg12[%get3A_2976, %get3A_2977] {strides = array<i32>} : memref<128x64xf32, #tpu.memory_space<vmem>>, vector<1x16xf32>,
      %get3A_2979 = vector.shape_cast %get3A_2978 : vector<1x16xf32> to vector<16xf32>
      %get3A_2980 = arith.index_cast %add3A_2917 : i32 to index
      %get3A_2981 = arith.constant 48 : index
      %get3A_2982 = tpu.vector_load %arg13[%get3A_2980, %get3A_2981] {strides = array<i32>} : memref<128x128xf32, #tpu.memory_space<vmem>>, vector<1x16xf32>,
      %get3A_2983 = vector.shape_cast %get3A_2982 : vector<1x16xf32> to vector<16xf32>
      %get3A_2984 = arith.index_cast %add3A_2917 : i32 to index
      %get3A_2985 = arith.constant 48 : index
      %get3A_2986 = tpu.vector_load %arg14[%get3A_2984, %get3A_2985] {strides = array<i32>} : memref<128x128xf32, #tpu.memory_space<vmem>>, vector<1x16xf32>,
      %get3A_2987 = vector.shape_cast %get3A_2986 : vector<1x16xf32> to vector<16xf32>
      %sub3A_2988 = arith.subf %get3A_2979, %get3A_2983 : vector<16xf32>
      %mul3A_2989 = arith.mulf %sub3A_2988, %sub3A_2988 : vector<16xf32>
      %add3A_2990 = arith.addf %add3A_2972, %mul3A_2989 : vector<16xf32>
      %sub3A_2991 = arith.subf %get3A_2979, %get3A_2987 : vector<16xf32>
      %mul3A_2992 = arith.mulf %sub3A_2991, %sub3A_2991 : vector<16xf32>
      %add3A_2993 = arith.addf %add3A_2975, %mul3A_2992 : vector<16xf32>
      %xor3A_2994 = arith.constant 8 : i32
      %xor3A_2995 = vector.broadcast %xor3A_2994 : i32 to vector<16xi32>
      %xor3A_2996 = arith.xori %iota3A_157, %xor3A_2995 : vector<16xi32>
      %reshape3A_2997 = vector.shape_cast %xor3A_2996 : vector<16xi32> to vector<16x1xi32>
      %gather3A_2998 = vector.shape_cast %reshape3A_2997 : vector<16x1xi32> to vector<16xi32>
      %gather3A_2999 = tpu.dynamic_gather %add3A_2990[%gather3A_2998] in [0] : vector<16xf32>, vector<16xi32> -> vector<16xf32>
      %add3A_3000 = arith.addf %add3A_2990, %gather3A_2999 : vector<16xf32>
      %xor3A_3001 = arith.constant 4 : i32
      %xor3A_3002 = vector.broadcast %xor3A_3001 : i32 to vector<16xi32>
      %xor3A_3003 = arith.xori %iota3A_157, %xor3A_3002 : vector<16xi32>
      %reshape3A_3004 = vector.shape_cast %xor3A_3003 : vector<16xi32> to vector<16x1xi32>
      %gather3A_3005 = vector.shape_cast %reshape3A_3004 : vector<16x1xi32> to vector<16xi32>
      %gather3A_3006 = tpu.dynamic_gather %add3A_3000[%gather3A_3005] in [0] : vector<16xf32>, vector<16xi32> -> vector<16xf32>
      %add3A_3007 = arith.addf %add3A_3000, %gather3A_3006 : vector<16xf32>
      %xor3A_3008 = arith.constant 2 : i32
      %xor3A_3009 = vector.broadcast %xor3A_3008 : i32 to vector<16xi32>
      %xor3A_3010 = arith.xori %iota3A_157, %xor3A_3009 : vector<16xi32>
      %reshape3A_3011 = vector.shape_cast %xor3A_3010 : vector<16xi32> to vector<16x1xi32>
      %gather3A_3012 = vector.shape_cast %reshape3A_3011 : vector<16x1xi32> to vector<16xi32>
      %gather3A_3013 = tpu.dynamic_gather %add3A_3007[%gather3A_3012] in [0] : vector<16xf32>, vector<16xi32> -> vector<16xf32>
      %add3A_3014 = arith.addf %add3A_3007, %gather3A_3013 : vector<16xf32>
      %xor3A_3015 = arith.constant 1 : i32
      %xor3A_3016 = vector.broadcast %xor3A_3015 : i32 to vector<16xi32>
      %xor3A_3017 = arith.xori %iota3A_157, %xor3A_3016 : vector<16xi32>
      %reshape3A_3018 = vector.shape_cast %xor3A_3017 : vector<16xi32> to vector<16x1xi32>
      %gather3A_3019 = vector.shape_cast %reshape3A_3018 : vector<16x1xi32> to vector<16xi32>
      %gather3A_3020 = tpu.dynamic_gather %add3A_3014[%gather3A_3019] in [0] : vector<16xf32>, vector<16xi32> -> vector<16xf32>
      %add3A_3021 = arith.addf %add3A_3014, %gather3A_3020 : vector<16xf32>
      %xor3A_3022 = arith.constant 8 : i32
      %xor3A_3023 = vector.broadcast %xor3A_3022 : i32 to vector<16xi32>
      %xor3A_3024 = arith.xori %iota3A_157, %xor3A_3023 : vector<16xi32>
      %reshape3A_3025 = vector.shape_cast %xor3A_3024 : vector<16xi32> to vector<16x1xi32>
      %gather3A_3026 = vector.shape_cast %reshape3A_3025 : vector<16x1xi32> to vector<16xi32>
      %gather3A_3027 = tpu.dynamic_gather %add3A_2993[%gather3A_3026] in [0] : vector<16xf32>, vector<16xi32> -> vector<16xf32>
      %add3A_3028 = arith.addf %add3A_2993, %gather3A_3027 : vector<16xf32>
      %xor3A_3029 = arith.constant 4 : i32
      %xor3A_3030 = vector.broadcast %xor3A_3029 : i32 to vector<16xi32>
      %xor3A_3031 = arith.xori %iota3A_157, %xor3A_3030 : vector<16xi32>
      %reshape3A_3032 = vector.shape_cast %xor3A_3031 : vector<16xi32> to vector<16x1xi32>
      %gather3A_3033 = vector.shape_cast %reshape3A_3032 : vector<16x1xi32> to vector<16xi32>
      %gather3A_3034 = tpu.dynamic_gather %add3A_3028[%gather3A_3033] in [0] : vector<16xf32>, vector<16xi32> -> vector<16xf32>
      %add3A_3035 = arith.addf %add3A_3028, %gather3A_3034 : vector<16xf32>
      %xor3A_3036 = arith.constant 2 : i32
      %xor3A_3037 = vector.broadcast %xor3A_3036 : i32 to vector<16xi32>
      %xor3A_3038 = arith.xori %iota3A_157, %xor3A_3037 : vector<16xi32>
      %reshape3A_3039 = vector.shape_cast %xor3A_3038 : vector<16xi32> to vector<16x1xi32>
      %gather3A_3040 = vector.shape_cast %reshape3A_3039 : vector<16x1xi32> to vector<16xi32>
      %gather3A_3041 = tpu.dynamic_gather %add3A_3035[%gather3A_3040] in [0] : vector<16xf32>, vector<16xi32> -> vector<16xf32>
      %add3A_3042 = arith.addf %add3A_3035, %gather3A_3041 : vector<16xf32>
      %xor3A_3043 = arith.constant 1 : i32
      %xor3A_3044 = vector.broadcast %xor3A_3043 : i32 to vector<16xi32>
      %xor3A_3045 = arith.xori %iota3A_157, %xor3A_3044 : vector<16xi32>
      %reshape3A_3046 = vector.shape_cast %xor3A_3045 : vector<16xi32> to vector<16x1xi32>
      %gather3A_3047 = vector.shape_cast %reshape3A_3046 : vector<16x1xi32> to vector<16xi32>
      %gather3A_3048 = tpu.dynamic_gather %add3A_3042[%gather3A_3047] in [0] : vector<16xf32>, vector<16xi32> -> vector<16xf32>
      %add3A_3049 = arith.addf %add3A_3042, %gather3A_3048 : vector<16xf32>
      %broadcast_in_dim3A_3050 = arith.constant 14 : i32
      %broadcast_in_dim3A_3051 = vector.broadcast %broadcast_in_dim3A_3050 : i32 to vector<16xi32>
      %reshape3A_3052 = vector.shape_cast %broadcast_in_dim3A_3051 : vector<16xi32> to vector<16x1xi32>
      %gather3A_3053 = vector.shape_cast %reshape3A_3052 : vector<16x1xi32> to vector<16xi32>
      %gather3A_3054 = tpu.dynamic_gather %get3A_168[%gather3A_3053] in [0] : vector<16xi32>, vector<16xi32> -> vector<16xi32>
      %reshape3A_3055 = vector.shape_cast %broadcast_in_dim3A_3051 : vector<16xi32> to vector<16x1xi32>
      %gather3A_3056 = vector.shape_cast %reshape3A_3055 : vector<16x1xi32> to vector<16xi32>
      %gather3A_3057 = tpu.dynamic_gather %get3A_173[%gather3A_3056] in [0] : vector<16xi32>, vector<16xi32> -> vector<16xi32>
      %lt3A_3058 = arith.cmpf olt, %add3A_3049, %add3A_3021 : vector<16xf32>
      %jit3A_3059 = arith.constant 1 : i32
      %jit3A_3060 = arith.constant 0 : i32
      %broadcast_in_dim3A_3061 = vector.broadcast %jit3A_3059 : i32 to vector<16xi32>
      %broadcast_in_dim3A_3062 = vector.broadcast %jit3A_3060 : i32 to vector<16xi32>
      %select_n3A_3063 = arith.select %lt3A_3058, %broadcast_in_dim3A_3061, %broadcast_in_dim3A_3062 : vector<16xi1>, vector<16xi32>
      %eq3A_3064 = arith.cmpf oeq, %add3A_3049, %add3A_3021 : vector<16xf32>
      %jit3A_3065 = arith.constant 1 : i32
      %jit3A_3066 = arith.constant 0 : i32
      %broadcast_in_dim3A_3067 = vector.broadcast %jit3A_3065 : i32 to vector<16xi32>
      %broadcast_in_dim3A_3068 = vector.broadcast %jit3A_3066 : i32 to vector<16xi32>
      %select_n3A_3069 = arith.select %eq3A_3064, %broadcast_in_dim3A_3067, %broadcast_in_dim3A_3068 : vector<16xi1>, vector<16xi32>
      %lt3A_3070 = arith.cmpi slt, %gather3A_3057, %gather3A_3054 : vector<16xi32>
      %jit3A_3071 = arith.constant 1 : i32
      %jit3A_3072 = arith.constant 0 : i32
      %broadcast_in_dim3A_3073 = vector.broadcast %jit3A_3071 : i32 to vector<16xi32>
      %broadcast_in_dim3A_3074 = vector.broadcast %jit3A_3072 : i32 to vector<16xi32>
      %select_n3A_3075 = arith.select %lt3A_3070, %broadcast_in_dim3A_3073, %broadcast_in_dim3A_3074 : vector<16xi1>, vector<16xi32>
      %mul3A_3076 = arith.muli %select_n3A_3069, %select_n3A_3075 : vector<16xi32>
      %add3A_3077 = arith.addi %select_n3A_3063, %mul3A_3076 : vector<16xi32>
      %gt3A_3078 = arith.constant 0 : i32
      %gt3A_3079 = vector.broadcast %gt3A_3078 : i32 to vector<16xi32>
      %gt3A_3080 = arith.cmpi sgt, %add3A_3077, %gt3A_3079 : vector<16xi32>
      %eq3A_3081 = arith.constant 14 : i32
      %eq3A_3082 = vector.broadcast %eq3A_3081 : i32 to vector<16xi32>
      %eq3A_3083 = arith.cmpi eq, %iota3A_157, %eq3A_3082 : vector<16xi32>
      %select_n3A_3084 = arith.select %gt3A_3080, %gather3A_3057, %gather3A_3054 : vector<16xi1>, vector<16xi32>
      %select_n3A_3085 = arith.select %eq3A_3083, %select_n3A_3084, %select_n3A_2889 : vector<16xi1>, vector<16xi32>
      %select_n3A_3086 = arith.select %gt3A_3080, %get3A_2933, %get3A_2929 : vector<16xi1>, vector<16xf32>
      %swap3A_3087 = arith.index_cast %add3A_2917 : i32 to index
      %swap3A_3088 = arith.constant 0 : index
      %swap3A_3089 = tpu.vector_load %arg15[%swap3A_3087, %swap3A_3088] {strides = array<i32>} : memref<128x64xf32, #tpu.memory_space<vmem>>, vector<1x16xf32>,
      %swap3A_3090 = vector.shape_cast %swap3A_3089 : vector<1x16xf32> to vector<16xf32>
      %swap3A_3091 = vector.shape_cast %select_n3A_3086 : vector<16xf32> to vector<1x16xf32>
      tpu.vector_store %arg15[%swap3A_3087, %swap3A_3088], %swap3A_3091 {strides = array<i32>} : memref<128x64xf32, #tpu.memory_space<vmem>>, vector<1x16xf32>,
      %select_n3A_3092 = arith.select %gt3A_3080, %get3A_2951, %get3A_2947 : vector<16xi1>, vector<16xf32>
      %swap3A_3093 = arith.index_cast %add3A_2917 : i32 to index
      %swap3A_3094 = arith.constant 16 : index
      %swap3A_3095 = tpu.vector_load %arg15[%swap3A_3093, %swap3A_3094] {strides = array<i32>} : memref<128x64xf32, #tpu.memory_space<vmem>>, vector<1x16xf32>,
      %swap3A_3096 = vector.shape_cast %swap3A_3095 : vector<1x16xf32> to vector<16xf32>
      %swap3A_3097 = vector.shape_cast %select_n3A_3092 : vector<16xf32> to vector<1x16xf32>
      tpu.vector_store %arg15[%swap3A_3093, %swap3A_3094], %swap3A_3097 {strides = array<i32>} : memref<128x64xf32, #tpu.memory_space<vmem>>, vector<1x16xf32>,
      %select_n3A_3098 = arith.select %gt3A_3080, %get3A_2969, %get3A_2965 : vector<16xi1>, vector<16xf32>
      %swap3A_3099 = arith.index_cast %add3A_2917 : i32 to index
      %swap3A_3100 = arith.constant 32 : index
      %swap3A_3101 = tpu.vector_load %arg15[%swap3A_3099, %swap3A_3100] {strides = array<i32>} : memref<128x64xf32, #tpu.memory_space<vmem>>, vector<1x16xf32>,
      %swap3A_3102 = vector.shape_cast %swap3A_3101 : vector<1x16xf32> to vector<16xf32>
      %swap3A_3103 = vector.shape_cast %select_n3A_3098 : vector<16xf32> to vector<1x16xf32>
      tpu.vector_store %arg15[%swap3A_3099, %swap3A_3100], %swap3A_3103 {strides = array<i32>} : memref<128x64xf32, #tpu.memory_space<vmem>>, vector<1x16xf32>,
      %select_n3A_3104 = arith.select %gt3A_3080, %get3A_2987, %get3A_2983 : vector<16xi1>, vector<16xf32>
      %swap3A_3105 = arith.index_cast %add3A_2917 : i32 to index
      %swap3A_3106 = arith.constant 48 : index
      %swap3A_3107 = tpu.vector_load %arg15[%swap3A_3105, %swap3A_3106] {strides = array<i32>} : memref<128x64xf32, #tpu.memory_space<vmem>>, vector<1x16xf32>,
      %swap3A_3108 = vector.shape_cast %swap3A_3107 : vector<1x16xf32> to vector<16xf32>
      %swap3A_3109 = vector.shape_cast %select_n3A_3104 : vector<16xf32> to vector<1x16xf32>
      tpu.vector_store %arg15[%swap3A_3105, %swap3A_3106], %swap3A_3109 {strides = array<i32>} : memref<128x64xf32, #tpu.memory_space<vmem>>, vector<1x16xf32>,
      %mul3A_3110 = arith.constant 16 : i32
      %mul3A_3111 = arith.muli %scan3A_163, %mul3A_3110 : i32
      %add3A_3112 = arith.constant 15 : i32
      %add3A_3113 = arith.addi %mul3A_3111, %add3A_3112 : i32
      %broadcast_in_dim3A_3114 = arith.constant 0.000000e+00 : f32
      %broadcast_in_dim3A_3115 = vector.broadcast %broadcast_in_dim3A_3114 : f32 to vector<16xf32>
      %broadcast_in_dim3A_3116 = arith.constant 0.000000e+00 : f32
      %broadcast_in_dim3A_3117 = vector.broadcast %broadcast_in_dim3A_3116 : f32 to vector<16xf32>
      %get3A_3118 = arith.index_cast %add3A_3113 : i32 to index
      %get3A_3119 = arith.constant 0 : index
      %get3A_3120 = tpu.vector_load %arg12[%get3A_3118, %get3A_3119] {strides = array<i32>} : memref<128x64xf32, #tpu.memory_space<vmem>>, vector<1x16xf32>,
      %get3A_3121 = vector.shape_cast %get3A_3120 : vector<1x16xf32> to vector<16xf32>
      %get3A_3122 = arith.index_cast %add3A_3113 : i32 to index
      %get3A_3123 = arith.constant 0 : index
      %get3A_3124 = tpu.vector_load %arg13[%get3A_3122, %get3A_3123] {strides = array<i32>} : memref<128x128xf32, #tpu.memory_space<vmem>>, vector<1x16xf32>,
      %get3A_3125 = vector.shape_cast %get3A_3124 : vector<1x16xf32> to vector<16xf32>
      %get3A_3126 = arith.index_cast %add3A_3113 : i32 to index
      %get3A_3127 = arith.constant 0 : index
      %get3A_3128 = tpu.vector_load %arg14[%get3A_3126, %get3A_3127] {strides = array<i32>} : memref<128x128xf32, #tpu.memory_space<vmem>>, vector<1x16xf32>,
      %get3A_3129 = vector.shape_cast %get3A_3128 : vector<1x16xf32> to vector<16xf32>
      %sub3A_3130 = arith.subf %get3A_3121, %get3A_3125 : vector<16xf32>
      %mul3A_3131 = arith.mulf %sub3A_3130, %sub3A_3130 : vector<16xf32>
      %add3A_3132 = arith.addf %broadcast_in_dim3A_3115, %mul3A_3131 : vector<16xf32>
      %sub3A_3133 = arith.subf %get3A_3121, %get3A_3129 : vector<16xf32>
      %mul3A_3134 = arith.mulf %sub3A_3133, %sub3A_3133 : vector<16xf32>
      %add3A_3135 = arith.addf %broadcast_in_dim3A_3117, %mul3A_3134 : vector<16xf32>
      %get3A_3136 = arith.index_cast %add3A_3113 : i32 to index
      %get3A_3137 = arith.constant 16 : index
      %get3A_3138 = tpu.vector_load %arg12[%get3A_3136, %get3A_3137] {strides = array<i32>} : memref<128x64xf32, #tpu.memory_space<vmem>>, vector<1x16xf32>,
      %get3A_3139 = vector.shape_cast %get3A_3138 : vector<1x16xf32> to vector<16xf32>
      %get3A_3140 = arith.index_cast %add3A_3113 : i32 to index
      %get3A_3141 = arith.constant 16 : index
      %get3A_3142 = tpu.vector_load %arg13[%get3A_3140, %get3A_3141] {strides = array<i32>} : memref<128x128xf32, #tpu.memory_space<vmem>>, vector<1x16xf32>,
      %get3A_3143 = vector.shape_cast %get3A_3142 : vector<1x16xf32> to vector<16xf32>
      %get3A_3144 = arith.index_cast %add3A_3113 : i32 to index
      %get3A_3145 = arith.constant 16 : index
      %get3A_3146 = tpu.vector_load %arg14[%get3A_3144, %get3A_3145] {strides = array<i32>} : memref<128x128xf32, #tpu.memory_space<vmem>>, vector<1x16xf32>,
      %get3A_3147 = vector.shape_cast %get3A_3146 : vector<1x16xf32> to vector<16xf32>
      %sub3A_3148 = arith.subf %get3A_3139, %get3A_3143 : vector<16xf32>
      %mul3A_3149 = arith.mulf %sub3A_3148, %sub3A_3148 : vector<16xf32>
      %add3A_3150 = arith.addf %add3A_3132, %mul3A_3149 : vector<16xf32>
      %sub3A_3151 = arith.subf %get3A_3139, %get3A_3147 : vector<16xf32>
      %mul3A_3152 = arith.mulf %sub3A_3151, %sub3A_3151 : vector<16xf32>
      %add3A_3153 = arith.addf %add3A_3135, %mul3A_3152 : vector<16xf32>
      %get3A_3154 = arith.index_cast %add3A_3113 : i32 to index
      %get3A_3155 = arith.constant 32 : index
      %get3A_3156 = tpu.vector_load %arg12[%get3A_3154, %get3A_3155] {strides = array<i32>} : memref<128x64xf32, #tpu.memory_space<vmem>>, vector<1x16xf32>,
      %get3A_3157 = vector.shape_cast %get3A_3156 : vector<1x16xf32> to vector<16xf32>
      %get3A_3158 = arith.index_cast %add3A_3113 : i32 to index
      %get3A_3159 = arith.constant 32 : index
      %get3A_3160 = tpu.vector_load %arg13[%get3A_3158, %get3A_3159] {strides = array<i32>} : memref<128x128xf32, #tpu.memory_space<vmem>>, vector<1x16xf32>,
      %get3A_3161 = vector.shape_cast %get3A_3160 : vector<1x16xf32> to vector<16xf32>
      %get3A_3162 = arith.index_cast %add3A_3113 : i32 to index
      %get3A_3163 = arith.constant 32 : index
      %get3A_3164 = tpu.vector_load %arg14[%get3A_3162, %get3A_3163] {strides = array<i32>} : memref<128x128xf32, #tpu.memory_space<vmem>>, vector<1x16xf32>,
      %get3A_3165 = vector.shape_cast %get3A_3164 : vector<1x16xf32> to vector<16xf32>
      %sub3A_3166 = arith.subf %get3A_3157, %get3A_3161 : vector<16xf32>
      %mul3A_3167 = arith.mulf %sub3A_3166, %sub3A_3166 : vector<16xf32>
      %add3A_3168 = arith.addf %add3A_3150, %mul3A_3167 : vector<16xf32>
      %sub3A_3169 = arith.subf %get3A_3157, %get3A_3165 : vector<16xf32>
      %mul3A_3170 = arith.mulf %sub3A_3169, %sub3A_3169 : vector<16xf32>
      %add3A_3171 = arith.addf %add3A_3153, %mul3A_3170 : vector<16xf32>
      %get3A_3172 = arith.index_cast %add3A_3113 : i32 to index
      %get3A_3173 = arith.constant 48 : index
      %get3A_3174 = tpu.vector_load %arg12[%get3A_3172, %get3A_3173] {strides = array<i32>} : memref<128x64xf32, #tpu.memory_space<vmem>>, vector<1x16xf32>,
      %get3A_3175 = vector.shape_cast %get3A_3174 : vector<1x16xf32> to vector<16xf32>
      %get3A_3176 = arith.index_cast %add3A_3113 : i32 to index
      %get3A_3177 = arith.constant 48 : index
      %get3A_3178 = tpu.vector_load %arg13[%get3A_3176, %get3A_3177] {strides = array<i32>} : memref<128x128xf32, #tpu.memory_space<vmem>>, vector<1x16xf32>,
      %get3A_3179 = vector.shape_cast %get3A_3178 : vector<1x16xf32> to vector<16xf32>
      %get3A_3180 = arith.index_cast %add3A_3113 : i32 to index
      %get3A_3181 = arith.constant 48 : index
      %get3A_3182 = tpu.vector_load %arg14[%get3A_3180, %get3A_3181] {strides = array<i32>} : memref<128x128xf32, #tpu.memory_space<vmem>>, vector<1x16xf32>,
      %get3A_3183 = vector.shape_cast %get3A_3182 : vector<1x16xf32> to vector<16xf32>
      %sub3A_3184 = arith.subf %get3A_3175, %get3A_3179 : vector<16xf32>
      %mul3A_3185 = arith.mulf %sub3A_3184, %sub3A_3184 : vector<16xf32>
      %add3A_3186 = arith.addf %add3A_3168, %mul3A_3185 : vector<16xf32>
      %sub3A_3187 = arith.subf %get3A_3175, %get3A_3183 : vector<16xf32>
      %mul3A_3188 = arith.mulf %sub3A_3187, %sub3A_3187 : vector<16xf32>
      %add3A_3189 = arith.addf %add3A_3171, %mul3A_3188 : vector<16xf32>
      %xor3A_3190 = arith.constant 8 : i32
      %xor3A_3191 = vector.broadcast %xor3A_3190 : i32 to vector<16xi32>
      %xor3A_3192 = arith.xori %iota3A_157, %xor3A_3191 : vector<16xi32>
      %reshape3A_3193 = vector.shape_cast %xor3A_3192 : vector<16xi32> to vector<16x1xi32>
      %gather3A_3194 = vector.shape_cast %reshape3A_3193 : vector<16x1xi32> to vector<16xi32>
      %gather3A_3195 = tpu.dynamic_gather %add3A_3186[%gather3A_3194] in [0] : vector<16xf32>, vector<16xi32> -> vector<16xf32>
      %add3A_3196 = arith.addf %add3A_3186, %gather3A_3195 : vector<16xf32>
      %xor3A_3197 = arith.constant 4 : i32
      %xor3A_3198 = vector.broadcast %xor3A_3197 : i32 to vector<16xi32>
      %xor3A_3199 = arith.xori %iota3A_157, %xor3A_3198 : vector<16xi32>
      %reshape3A_3200 = vector.shape_cast %xor3A_3199 : vector<16xi32> to vector<16x1xi32>
      %gather3A_3201 = vector.shape_cast %reshape3A_3200 : vector<16x1xi32> to vector<16xi32>
      %gather3A_3202 = tpu.dynamic_gather %add3A_3196[%gather3A_3201] in [0] : vector<16xf32>, vector<16xi32> -> vector<16xf32>
      %add3A_3203 = arith.addf %add3A_3196, %gather3A_3202 : vector<16xf32>
      %xor3A_3204 = arith.constant 2 : i32
      %xor3A_3205 = vector.broadcast %xor3A_3204 : i32 to vector<16xi32>
      %xor3A_3206 = arith.xori %iota3A_157, %xor3A_3205 : vector<16xi32>
      %reshape3A_3207 = vector.shape_cast %xor3A_3206 : vector<16xi32> to vector<16x1xi32>
      %gather3A_3208 = vector.shape_cast %reshape3A_3207 : vector<16x1xi32> to vector<16xi32>
      %gather3A_3209 = tpu.dynamic_gather %add3A_3203[%gather3A_3208] in [0] : vector<16xf32>, vector<16xi32> -> vector<16xf32>
      %add3A_3210 = arith.addf %add3A_3203, %gather3A_3209 : vector<16xf32>
      %xor3A_3211 = arith.constant 1 : i32
      %xor3A_3212 = vector.broadcast %xor3A_3211 : i32 to vector<16xi32>
      %xor3A_3213 = arith.xori %iota3A_157, %xor3A_3212 : vector<16xi32>
      %reshape3A_3214 = vector.shape_cast %xor3A_3213 : vector<16xi32> to vector<16x1xi32>
      %gather3A_3215 = vector.shape_cast %reshape3A_3214 : vector<16x1xi32> to vector<16xi32>
      %gather3A_3216 = tpu.dynamic_gather %add3A_3210[%gather3A_3215] in [0] : vector<16xf32>, vector<16xi32> -> vector<16xf32>
      %add3A_3217 = arith.addf %add3A_3210, %gather3A_3216 : vector<16xf32>
      %xor3A_3218 = arith.constant 8 : i32
      %xor3A_3219 = vector.broadcast %xor3A_3218 : i32 to vector<16xi32>
      %xor3A_3220 = arith.xori %iota3A_157, %xor3A_3219 : vector<16xi32>
      %reshape3A_3221 = vector.shape_cast %xor3A_3220 : vector<16xi32> to vector<16x1xi32>
      %gather3A_3222 = vector.shape_cast %reshape3A_3221 : vector<16x1xi32> to vector<16xi32>
      %gather3A_3223 = tpu.dynamic_gather %add3A_3189[%gather3A_3222] in [0] : vector<16xf32>, vector<16xi32> -> vector<16xf32>
      %add3A_3224 = arith.addf %add3A_3189, %gather3A_3223 : vector<16xf32>
      %xor3A_3225 = arith.constant 4 : i32
      %xor3A_3226 = vector.broadcast %xor3A_3225 : i32 to vector<16xi32>
      %xor3A_3227 = arith.xori %iota3A_157, %xor3A_3226 : vector<16xi32>
      %reshape3A_3228 = vector.shape_cast %xor3A_3227 : vector<16xi32> to vector<16x1xi32>
      %gather3A_3229 = vector.shape_cast %reshape3A_3228 : vector<16x1xi32> to vector<16xi32>
      %gather3A_3230 = tpu.dynamic_gather %add3A_3224[%gather3A_3229] in [0] : vector<16xf32>, vector<16xi32> -> vector<16xf32>
      %add3A_3231 = arith.addf %add3A_3224, %gather3A_3230 : vector<16xf32>
      %xor3A_3232 = arith.constant 2 : i32
      %xor3A_3233 = vector.broadcast %xor3A_3232 : i32 to vector<16xi32>
      %xor3A_3234 = arith.xori %iota3A_157, %xor3A_3233 : vector<16xi32>
      %reshape3A_3235 = vector.shape_cast %xor3A_3234 : vector<16xi32> to vector<16x1xi32>
      %gather3A_3236 = vector.shape_cast %reshape3A_3235 : vector<16x1xi32> to vector<16xi32>
      %gather3A_3237 = tpu.dynamic_gather %add3A_3231[%gather3A_3236] in [0] : vector<16xf32>, vector<16xi32> -> vector<16xf32>
      %add3A_3238 = arith.addf %add3A_3231, %gather3A_3237 : vector<16xf32>
      %xor3A_3239 = arith.constant 1 : i32
      %xor3A_3240 = vector.broadcast %xor3A_3239 : i32 to vector<16xi32>
      %xor3A_3241 = arith.xori %iota3A_157, %xor3A_3240 : vector<16xi32>
      %reshape3A_3242 = vector.shape_cast %xor3A_3241 : vector<16xi32> to vector<16x1xi32>
      %gather3A_3243 = vector.shape_cast %reshape3A_3242 : vector<16x1xi32> to vector<16xi32>
      %gather3A_3244 = tpu.dynamic_gather %add3A_3238[%gather3A_3243] in [0] : vector<16xf32>, vector<16xi32> -> vector<16xf32>
      %add3A_3245 = arith.addf %add3A_3238, %gather3A_3244 : vector<16xf32>
      %broadcast_in_dim3A_3246 = arith.constant 15 : i32
      %broadcast_in_dim3A_3247 = vector.broadcast %broadcast_in_dim3A_3246 : i32 to vector<16xi32>
      %reshape3A_3248 = vector.shape_cast %broadcast_in_dim3A_3247 : vector<16xi32> to vector<16x1xi32>
      %gather3A_3249 = vector.shape_cast %reshape3A_3248 : vector<16x1xi32> to vector<16xi32>
      %gather3A_3250 = tpu.dynamic_gather %get3A_168[%gather3A_3249] in [0] : vector<16xi32>, vector<16xi32> -> vector<16xi32>
      %reshape3A_3251 = vector.shape_cast %broadcast_in_dim3A_3247 : vector<16xi32> to vector<16x1xi32>
      %gather3A_3252 = vector.shape_cast %reshape3A_3251 : vector<16x1xi32> to vector<16xi32>
      %gather3A_3253 = tpu.dynamic_gather %get3A_173[%gather3A_3252] in [0] : vector<16xi32>, vector<16xi32> -> vector<16xi32>
      %lt3A_3254 = arith.cmpf olt, %add3A_3245, %add3A_3217 : vector<16xf32>
      %jit3A_3255 = arith.constant 1 : i32
      %jit3A_3256 = arith.constant 0 : i32
      %broadcast_in_dim3A_3257 = vector.broadcast %jit3A_3255 : i32 to vector<16xi32>
      %broadcast_in_dim3A_3258 = vector.broadcast %jit3A_3256 : i32 to vector<16xi32>
      %select_n3A_3259 = arith.select %lt3A_3254, %broadcast_in_dim3A_3257, %broadcast_in_dim3A_3258 : vector<16xi1>, vector<16xi32>
      %eq3A_3260 = arith.cmpf oeq, %add3A_3245, %add3A_3217 : vector<16xf32>
      %jit3A_3261 = arith.constant 1 : i32
      %jit3A_3262 = arith.constant 0 : i32
      %broadcast_in_dim3A_3263 = vector.broadcast %jit3A_3261 : i32 to vector<16xi32>
      %broadcast_in_dim3A_3264 = vector.broadcast %jit3A_3262 : i32 to vector<16xi32>
      %select_n3A_3265 = arith.select %eq3A_3260, %broadcast_in_dim3A_3263, %broadcast_in_dim3A_3264 : vector<16xi1>, vector<16xi32>
      %lt3A_3266 = arith.cmpi slt, %gather3A_3253, %gather3A_3250 : vector<16xi32>
      %jit3A_3267 = arith.constant 1 : i32
      %jit3A_3268 = arith.constant 0 : i32
      %broadcast_in_dim3A_3269 = vector.broadcast %jit3A_3267 : i32 to vector<16xi32>
      %broadcast_in_dim3A_3270 = vector.broadcast %jit3A_3268 : i32 to vector<16xi32>
      %select_n3A_3271 = arith.select %lt3A_3266, %broadcast_in_dim3A_3269, %broadcast_in_dim3A_3270 : vector<16xi1>, vector<16xi32>
      %mul3A_3272 = arith.muli %select_n3A_3265, %select_n3A_3271 : vector<16xi32>
      %add3A_3273 = arith.addi %select_n3A_3259, %mul3A_3272 : vector<16xi32>
      %gt3A_3274 = arith.constant 0 : i32
      %gt3A_3275 = vector.broadcast %gt3A_3274 : i32 to vector<16xi32>
      %gt3A_3276 = arith.cmpi sgt, %add3A_3273, %gt3A_3275 : vector<16xi32>
      %eq3A_3277 = arith.constant 15 : i32
      %eq3A_3278 = vector.broadcast %eq3A_3277 : i32 to vector<16xi32>
      %eq3A_3279 = arith.cmpi eq, %iota3A_157, %eq3A_3278 : vector<16xi32>
      %select_n3A_3280 = arith.select %gt3A_3276, %gather3A_3253, %gather3A_3250 : vector<16xi1>, vector<16xi32>
      %select_n3A_3281 = arith.select %eq3A_3279, %select_n3A_3280, %select_n3A_3085 : vector<16xi1>, vector<16xi32>
      %select_n3A_3282 = arith.select %gt3A_3276, %get3A_3129, %get3A_3125 : vector<16xi1>, vector<16xf32>
      %swap3A_3283 = arith.index_cast %add3A_3113 : i32 to index
      %swap3A_3284 = arith.constant 0 : index
      %swap3A_3285 = tpu.vector_load %arg15[%swap3A_3283, %swap3A_3284] {strides = array<i32>} : memref<128x64xf32, #tpu.memory_space<vmem>>, vector<1x16xf32>,
      %swap3A_3286 = vector.shape_cast %swap3A_3285 : vector<1x16xf32> to vector<16xf32>
      %swap3A_3287 = vector.shape_cast %select_n3A_3282 : vector<16xf32> to vector<1x16xf32>
      tpu.vector_store %arg15[%swap3A_3283, %swap3A_3284], %swap3A_3287 {strides = array<i32>} : memref<128x64xf32, #tpu.memory_space<vmem>>, vector<1x16xf32>,
      %select_n3A_3288 = arith.select %gt3A_3276, %get3A_3147, %get3A_3143 : vector<16xi1>, vector<16xf32>
      %swap3A_3289 = arith.index_cast %add3A_3113 : i32 to index
      %swap3A_3290 = arith.constant 16 : index
      %swap3A_3291 = tpu.vector_load %arg15[%swap3A_3289, %swap3A_3290] {strides = array<i32>} : memref<128x64xf32, #tpu.memory_space<vmem>>, vector<1x16xf32>,
      %swap3A_3292 = vector.shape_cast %swap3A_3291 : vector<1x16xf32> to vector<16xf32>
      %swap3A_3293 = vector.shape_cast %select_n3A_3288 : vector<16xf32> to vector<1x16xf32>
      tpu.vector_store %arg15[%swap3A_3289, %swap3A_3290], %swap3A_3293 {strides = array<i32>} : memref<128x64xf32, #tpu.memory_space<vmem>>, vector<1x16xf32>,
      %select_n3A_3294 = arith.select %gt3A_3276, %get3A_3165, %get3A_3161 : vector<16xi1>, vector<16xf32>
      %swap3A_3295 = arith.index_cast %add3A_3113 : i32 to index
      %swap3A_3296 = arith.constant 32 : index
      %swap3A_3297 = tpu.vector_load %arg15[%swap3A_3295, %swap3A_3296] {strides = array<i32>} : memref<128x64xf32, #tpu.memory_space<vmem>>, vector<1x16xf32>,
      %swap3A_3298 = vector.shape_cast %swap3A_3297 : vector<1x16xf32> to vector<16xf32>
      %swap3A_3299 = vector.shape_cast %select_n3A_3294 : vector<16xf32> to vector<1x16xf32>
      tpu.vector_store %arg15[%swap3A_3295, %swap3A_3296], %swap3A_3299 {strides = array<i32>} : memref<128x64xf32, #tpu.memory_space<vmem>>, vector<1x16xf32>,
      %select_n3A_3300 = arith.select %gt3A_3276, %get3A_3183, %get3A_3179 : vector<16xi1>, vector<16xf32>
      %swap3A_3301 = arith.index_cast %add3A_3113 : i32 to index
      %swap3A_3302 = arith.constant 48 : index
      %swap3A_3303 = tpu.vector_load %arg15[%swap3A_3301, %swap3A_3302] {strides = array<i32>} : memref<128x64xf32, #tpu.memory_space<vmem>>, vector<1x16xf32>,
      %swap3A_3304 = vector.shape_cast %swap3A_3303 : vector<1x16xf32> to vector<16xf32>
      %swap3A_3305 = vector.shape_cast %select_n3A_3300 : vector<16xf32> to vector<1x16xf32>
      tpu.vector_store %arg15[%swap3A_3301, %swap3A_3302], %swap3A_3305 {strides = array<i32>} : memref<128x64xf32, #tpu.memory_space<vmem>>, vector<1x16xf32>,
      %mul3A_3306 = arith.constant 16 : i32
      %mul3A_3307 = arith.muli %scan3A_163, %mul3A_3306 : i32
      %swap3A_3308 = arith.index_cast %mul3A_3307 : i32 to index
      %swap3A_3309 = tpu.vector_load %arg16[%swap3A_3308] {strides = array<i32>} : memref<128xi32, #tpu.memory_space<vmem>>, vector<16xi32>,
      %swap3A_3310 = vector.shape_cast %swap3A_3309 : vector<16xi32> to vector<16xi32>
      %swap3A_3311 = vector.shape_cast %select_n3A_3281 : vector<16xi32> to vector<16xi32>
      tpu.vector_store %arg16[%swap3A_3308], %swap3A_3311 {strides = array<i32>} : memref<128xi32, #tpu.memory_space<vmem>>, vector<16xi32>,
    }
    %scan3A_162 = arith.constant 8 : i32
    "tpu.region"() ({
      %run_scoped3A = tpu.sem_alloc : memref<!tpu.dma_semaphore, #tpu.memory_space<semaphore_mem>>
      %dma_start3A_163 = arith.constant 0 : i32
      %dma_start3A_164 = tpu.memref_slice %arg6[%mul3A_2, %dma_start3A_163] : memref<4096x64xf32, #tpu.memory_space<hbm>> -> memref<128x64xf32, #tpu.memory_space<hbm>>
      %dma_start3A_165 = arith.constant 0 : i32
      %dma_start3A_166 = tpu.memref_slice %arg6[%mul3A_2, %dma_start3A_165] : memref<4096x64xf32, #tpu.memory_space<hbm>> -> memref<128x64xf32, #tpu.memory_space<hbm>>
      tpu.enqueue_dma source(%arg15 : memref<128x64xf32, #tpu.memory_space<vmem>>) target(%dma_start3A_166 : memref<128x64xf32, #tpu.memory_space<hbm>>) target_semaphore(%run_scoped3A : memref<!tpu.dma_semaphore, #tpu.memory_space<semaphore_mem>>)
      %dma_wait3A_167 = arith.constant 0 : i32
      %dma_wait3A_168 = tpu.memref_slice %arg6[%mul3A_2, %dma_wait3A_167] : memref<4096x64xf32, #tpu.memory_space<hbm>> -> memref<128x64xf32, #tpu.memory_space<hbm>>
      %dma_wait3A_169 = arith.constant 0 : i32
      %dma_wait3A_170 = tpu.memref_slice %arg6[%mul3A_2, %dma_wait3A_169] : memref<4096x64xf32, #tpu.memory_space<hbm>> -> memref<128x64xf32, #tpu.memory_space<hbm>>
      tpu.wait_dma2 semaphore(%run_scoped3A : memref<!tpu.dma_semaphore, #tpu.memory_space<semaphore_mem>>) src(%arg15 : memref<128x64xf32, #tpu.memory_space<vmem>>) dst(%dma_wait3A_170 : memref<128x64xf32, #tpu.memory_space<hbm>>)
      tpu.yield
    }) : () -> ()
    "tpu.region"() ({
      %run_scoped3A = tpu.sem_alloc : memref<!tpu.dma_semaphore, #tpu.memory_space<semaphore_mem>>
      %dma_start3A_163 = tpu.memref_slice %arg7[%mul3A_2] : memref<4096xi32, #tpu.memory_space<hbm>> -> memref<128xi32, #tpu.memory_space<hbm>>
      %dma_start3A_164 = tpu.memref_slice %arg7[%mul3A_2] : memref<4096xi32, #tpu.memory_space<hbm>> -> memref<128xi32, #tpu.memory_space<hbm>>
      tpu.enqueue_dma source(%arg16 : memref<128xi32, #tpu.memory_space<vmem>>) target(%dma_start3A_164 : memref<128xi32, #tpu.memory_space<hbm>>) target_semaphore(%run_scoped3A : memref<!tpu.dma_semaphore, #tpu.memory_space<semaphore_mem>>)
      %dma_wait3A_165 = tpu.memref_slice %arg7[%mul3A_2] : memref<4096xi32, #tpu.memory_space<hbm>> -> memref<128xi32, #tpu.memory_space<hbm>>
      %dma_wait3A_166 = tpu.memref_slice %arg7[%mul3A_2] : memref<4096xi32, #tpu.memory_space<hbm>> -> memref<128xi32, #tpu.memory_space<hbm>>
      tpu.wait_dma2 semaphore(%run_scoped3A : memref<!tpu.dma_semaphore, #tpu.memory_space<semaphore_mem>>) src(%arg16 : memref<128xi32, #tpu.memory_space<vmem>>) dst(%dma_wait3A_166 : memref<128xi32, #tpu.memory_space<hbm>>)
      tpu.yield
    }) : () -> ()
    return
  }
}

module attributes {stable_mosaic.version = 14 : i64} {
  func.func @_select_kernel(%arg0: i32, %arg1: memref<512x128xf32, #tpu.memory_space<vmem>>, %arg2: memref<2x512x64xf32, #tpu.memory_space<vmem>>, %arg3: memref<512x2xi32, #tpu.memory_space<vmem>>, %arg4: memref<512x2xi32, #tpu.memory_space<vmem>>) attributes {dimension_semantics = [#tpu.dimension_semantics<arbitrary>], iteration_bounds = array<i64: 4>, scalar_prefetch = 0 : i64, scratch_operands = 0 : i64, tpu.core_type = #tpu.core_type<tc>, window_params = [{transform_indices = @transform_0, window_bounds = array<i64: 512, 128>}, {pipeline_mode = #tpu.pipeline_mode<synchronous>, transform_indices = @transform_1, window_bounds = array<i64: 2, 512, 64>}, {transform_indices = @transform_2, window_bounds = array<i64: 512, 2>}, {transform_indices = @transform_3, window_bounds = array<i64: 512, 2>}]} {
    %get3A = arith.constant 0 : index
    %get3A_0 = arith.constant 0 : index
    %get3A_1 = vector.load %arg1[%get3A, %get3A_0] : memref<512x128xf32, #tpu.memory_space<vmem>>, vector<512x128xf32>
    %iota3A = tpu.iota {dimensions = array<i32: 1>} : vector<512x512xi32>
    %slice3A = vector.extract_strided_slice %get3A_1 {offsets = [0, 0], sizes = [512, 64], strides = [1, 1]} : vector<512x128xf32> to vector<512x64xf32>
    %get3A_2 = arith.constant 0 : index
    %get3A_3 = arith.constant 0 : index
    %get3A_4 = arith.constant 0 : index
    %get3A_5 = vector.load %arg2[%get3A_2, %get3A_3, %get3A_4] : memref<2x512x64xf32, #tpu.memory_space<vmem>>, vector<1x512x64xf32>
    %get3A_6 = vector.shape_cast %get3A_5 : vector<1x512x64xf32> to vector<512x64xf32>
    %transpose3A = tpu.transpose %get3A_6, [1, 0] : vector<512x64xf32> -> vector<64x512xf32>
    %dot_general3A = arith.constant dense<0.000000e+00> : vector<512x512xf32>
    %dot_general3A_7 = tpu.matmul %slice3A, %transpose3A, %dot_general3A {dimension_numbers = #tpu.dot_dimension_numbers<[1], [0], [0], [1], [0, 0, 1, 1], [], []>, precision = #tpu.contract_precision<fp32>, transpose_lhs_hint = false} : vector<512x64xf32>, vector<64x512xf32>, vector<512x512xf32> -> vector<512x512xf32>
    %mul3A = arith.mulf %transpose3A, %transpose3A : vector<64x512xf32>
    %reduce_sum3A = arith.constant dense<0.000000e+00> : vector<512xf32>
    %reduce_sum3A_8 = vector.multi_reduction <add>, %mul3A, %reduce_sum3A [0] : vector<64x512xf32> to vector<512xf32>
    %broadcast_in_dim3A = vector.shape_cast %reduce_sum3A_8 : vector<512xf32> to vector<1x512xf32>
    %mul3A_9 = arith.constant 2.000000e+00 : f32
    %mul3A_10 = vector.broadcast %mul3A_9 : f32 to vector<512x512xf32>
    %mul3A_11 = arith.mulf %mul3A_10, %dot_general3A_7 : vector<512x512xf32>
    %sub3A = vector.broadcast %broadcast_in_dim3A : vector<1x512xf32> to vector<512x512xf32>
    %sub3A_12 = arith.subf %sub3A, %mul3A_11 : vector<512x512xf32>
    %reduce_min3A = arith.constant dense<0x7F800000> : vector<512xf32>
    %reduce_min3A_13 = vector.multi_reduction <minimumf>, %sub3A_12, %reduce_min3A [1] : vector<512x512xf32> to vector<512xf32>
    %broadcast_in_dim3A_14 = vector.shape_cast %reduce_min3A_13 : vector<512xf32> to vector<512x1xf32>
    %eq3A = vector.broadcast %broadcast_in_dim3A_14 : vector<512x1xf32> to vector<512x512xf32>
    %eq3A_15 = arith.cmpf oeq, %sub3A_12, %eq3A : vector<512x512xf32>
    %jit3A = arith.constant 512 : i32
    %broadcast_in_dim3A_16 = vector.broadcast %jit3A : i32 to vector<512x512xi32>
    %select_n3A = arith.select %eq3A_15, %iota3A, %broadcast_in_dim3A_16 : vector<512x512xi1>, vector<512x512xi32>
    %reduce_min3A_17 = arith.constant dense<2147483647> : vector<512xi32>
    %reduce_min3A_18 = vector.multi_reduction <minsi>, %select_n3A, %reduce_min3A_17 [1] : vector<512x512xi32> to vector<512xi32>
    %broadcast_in_dim3A_19 = vector.shape_cast %reduce_min3A_18 : vector<512xi32> to vector<512x1xi32>
    %eq3A_20 = vector.broadcast %broadcast_in_dim3A_19 : vector<512x1xi32> to vector<512x512xi32>
    %eq3A_21 = arith.cmpi eq, %iota3A, %eq3A_20 : vector<512x512xi32>
    %jit3A_22 = arith.constant 0x7F800000 : f32
    %broadcast_in_dim3A_23 = vector.broadcast %jit3A_22 : f32 to vector<512x512xf32>
    %select_n3A_24 = arith.select %eq3A_21, %broadcast_in_dim3A_23, %sub3A_12 : vector<512x512xi1>, vector<512x512xf32>
    %reduce_min3A_25 = arith.constant dense<0x7F800000> : vector<512xf32>
    %reduce_min3A_26 = vector.multi_reduction <minimumf>, %select_n3A_24, %reduce_min3A_25 [1] : vector<512x512xf32> to vector<512xf32>
    %broadcast_in_dim3A_27 = vector.shape_cast %reduce_min3A_26 : vector<512xf32> to vector<512x1xf32>
    %eq3A_28 = vector.broadcast %broadcast_in_dim3A_27 : vector<512x1xf32> to vector<512x512xf32>
    %eq3A_29 = arith.cmpf oeq, %select_n3A_24, %eq3A_28 : vector<512x512xf32>
    %jit3A_30 = arith.constant 512 : i32
    %broadcast_in_dim3A_31 = vector.broadcast %jit3A_30 : i32 to vector<512x512xi32>
    %select_n3A_32 = arith.select %eq3A_29, %iota3A, %broadcast_in_dim3A_31 : vector<512x512xi1>, vector<512x512xi32>
    %reduce_min3A_33 = arith.constant dense<2147483647> : vector<512xi32>
    %reduce_min3A_34 = vector.multi_reduction <minsi>, %select_n3A_32, %reduce_min3A_33 [1] : vector<512x512xi32> to vector<512xi32>
    %broadcast_in_dim3A_35 = vector.shape_cast %reduce_min3A_34 : vector<512xi32> to vector<512x1xi32>
    %slice3A_36 = vector.extract_strided_slice %get3A_1 {offsets = [0, 64], sizes = [512, 64], strides = [1, 1]} : vector<512x128xf32> to vector<512x64xf32>
    %get3A_37 = arith.constant 1 : index
    %get3A_38 = arith.constant 0 : index
    %get3A_39 = arith.constant 0 : index
    %get3A_40 = vector.load %arg2[%get3A_37, %get3A_38, %get3A_39] : memref<2x512x64xf32, #tpu.memory_space<vmem>>, vector<1x512x64xf32>
    %get3A_41 = vector.shape_cast %get3A_40 : vector<1x512x64xf32> to vector<512x64xf32>
    %transpose3A_42 = tpu.transpose %get3A_41, [1, 0] : vector<512x64xf32> -> vector<64x512xf32>
    %dot_general3A_43 = arith.constant dense<0.000000e+00> : vector<512x512xf32>
    %dot_general3A_44 = tpu.matmul %slice3A_36, %transpose3A_42, %dot_general3A_43 {dimension_numbers = #tpu.dot_dimension_numbers<[1], [0], [0], [1], [0, 0, 1, 1], [], []>, precision = #tpu.contract_precision<fp32>, transpose_lhs_hint = false} : vector<512x64xf32>, vector<64x512xf32>, vector<512x512xf32> -> vector<512x512xf32>
    %mul3A_45 = arith.mulf %transpose3A_42, %transpose3A_42 : vector<64x512xf32>
    %reduce_sum3A_46 = arith.constant dense<0.000000e+00> : vector<512xf32>
    %reduce_sum3A_47 = vector.multi_reduction <add>, %mul3A_45, %reduce_sum3A_46 [0] : vector<64x512xf32> to vector<512xf32>
    %broadcast_in_dim3A_48 = vector.shape_cast %reduce_sum3A_47 : vector<512xf32> to vector<1x512xf32>
    %mul3A_49 = arith.constant 2.000000e+00 : f32
    %mul3A_50 = vector.broadcast %mul3A_49 : f32 to vector<512x512xf32>
    %mul3A_51 = arith.mulf %mul3A_50, %dot_general3A_44 : vector<512x512xf32>
    %sub3A_52 = vector.broadcast %broadcast_in_dim3A_48 : vector<1x512xf32> to vector<512x512xf32>
    %sub3A_53 = arith.subf %sub3A_52, %mul3A_51 : vector<512x512xf32>
    %reduce_min3A_54 = arith.constant dense<0x7F800000> : vector<512xf32>
    %reduce_min3A_55 = vector.multi_reduction <minimumf>, %sub3A_53, %reduce_min3A_54 [1] : vector<512x512xf32> to vector<512xf32>
    %broadcast_in_dim3A_56 = vector.shape_cast %reduce_min3A_55 : vector<512xf32> to vector<512x1xf32>
    %eq3A_57 = vector.broadcast %broadcast_in_dim3A_56 : vector<512x1xf32> to vector<512x512xf32>
    %eq3A_58 = arith.cmpf oeq, %sub3A_53, %eq3A_57 : vector<512x512xf32>
    %jit3A_59 = arith.constant 512 : i32
    %broadcast_in_dim3A_60 = vector.broadcast %jit3A_59 : i32 to vector<512x512xi32>
    %select_n3A_61 = arith.select %eq3A_58, %iota3A, %broadcast_in_dim3A_60 : vector<512x512xi1>, vector<512x512xi32>
    %reduce_min3A_62 = arith.constant dense<2147483647> : vector<512xi32>
    %reduce_min3A_63 = vector.multi_reduction <minsi>, %select_n3A_61, %reduce_min3A_62 [1] : vector<512x512xi32> to vector<512xi32>
    %broadcast_in_dim3A_64 = vector.shape_cast %reduce_min3A_63 : vector<512xi32> to vector<512x1xi32>
    %eq3A_65 = vector.broadcast %broadcast_in_dim3A_64 : vector<512x1xi32> to vector<512x512xi32>
    %eq3A_66 = arith.cmpi eq, %iota3A, %eq3A_65 : vector<512x512xi32>
    %jit3A_67 = arith.constant 0x7F800000 : f32
    %broadcast_in_dim3A_68 = vector.broadcast %jit3A_67 : f32 to vector<512x512xf32>
    %select_n3A_69 = arith.select %eq3A_66, %broadcast_in_dim3A_68, %sub3A_53 : vector<512x512xi1>, vector<512x512xf32>
    %reduce_min3A_70 = arith.constant dense<0x7F800000> : vector<512xf32>
    %reduce_min3A_71 = vector.multi_reduction <minimumf>, %select_n3A_69, %reduce_min3A_70 [1] : vector<512x512xf32> to vector<512xf32>
    %broadcast_in_dim3A_72 = vector.shape_cast %reduce_min3A_71 : vector<512xf32> to vector<512x1xf32>
    %eq3A_73 = vector.broadcast %broadcast_in_dim3A_72 : vector<512x1xf32> to vector<512x512xf32>
    %eq3A_74 = arith.cmpf oeq, %select_n3A_69, %eq3A_73 : vector<512x512xf32>
    %jit3A_75 = arith.constant 512 : i32
    %broadcast_in_dim3A_76 = vector.broadcast %jit3A_75 : i32 to vector<512x512xi32>
    %select_n3A_77 = arith.select %eq3A_74, %iota3A, %broadcast_in_dim3A_76 : vector<512x512xi1>, vector<512x512xi32>
    %reduce_min3A_78 = arith.constant dense<2147483647> : vector<512xi32>
    %reduce_min3A_79 = vector.multi_reduction <minsi>, %select_n3A_77, %reduce_min3A_78 [1] : vector<512x512xi32> to vector<512xi32>
    %broadcast_in_dim3A_80 = vector.shape_cast %reduce_min3A_79 : vector<512xi32> to vector<512x1xi32>
    %concatenate3A = tpu.concatenate %broadcast_in_dim3A_19, %broadcast_in_dim3A_64 in 1 : vector<512x1xi32>, vector<512x1xi32> -> vector<512x2xi32>
    %swap3A = arith.constant 0 : index
    %swap3A_81 = arith.constant 0 : index
    %swap3A_82 = vector.load %arg3[%swap3A, %swap3A_81] : memref<512x2xi32, #tpu.memory_space<vmem>>, vector<512x2xi32>
    tpu.vector_store %arg3[%swap3A, %swap3A_81], %concatenate3A {strides = array<i32>} : memref<512x2xi32, #tpu.memory_space<vmem>>, vector<512x2xi32>,
    %concatenate3A_83 = tpu.concatenate %broadcast_in_dim3A_35, %broadcast_in_dim3A_80 in 1 : vector<512x1xi32>, vector<512x1xi32> -> vector<512x2xi32>
    %swap3A_84 = arith.constant 0 : index
    %swap3A_85 = arith.constant 0 : index
    %swap3A_86 = vector.load %arg4[%swap3A_84, %swap3A_85] : memref<512x2xi32, #tpu.memory_space<vmem>>, vector<512x2xi32>
    tpu.vector_store %arg4[%swap3A_84, %swap3A_85], %concatenate3A_83 {strides = array<i32>} : memref<512x2xi32, #tpu.memory_space<vmem>>, vector<512x2xi32>,
    return
  }
  func.func @transform_0(%arg0: i32) -> (i32, i32) {
    %c0_i32 = arith.constant 0 : i32
    %c0_i32_0 = arith.constant 0 : i32
    return %arg0, %c0_i32 : i32, i32
  }
  func.func @transform_1(%arg0: i32) -> (i32, i32, i32) {
    %c0_i32 = arith.constant 0 : i32
    %c0_i32_0 = arith.constant 0 : i32
    %c0_i32_1 = arith.constant 0 : i32
    %c0_i32_2 = arith.constant 0 : i32
    return %c0_i32, %c0_i32_0, %c0_i32_1 : i32, i32, i32
  }
  func.func @transform_2(%arg0: i32) -> (i32, i32) {
    %c0_i32 = arith.constant 0 : i32
    %c0_i32_0 = arith.constant 0 : i32
    return %arg0, %c0_i32 : i32, i32
  }
  func.func @transform_3(%arg0: i32) -> (i32, i32) {
    %c0_i32 = arith.constant 0 : i32
    %c0_i32_0 = arith.constant 0 : i32
    return %arg0, %c0_i32 : i32, i32
  }
}

</mosaic_0001>

<sc_bundles>
// kernel: kernel.4.cloned.1.call-start
scs
__scs_entry_jumppad:
0x0: {  	(pc) =	sbr.rel $0x88, $3  }
0x1: {  	(tag) =	ssettag $0x0;
	lr =	simm.s32 $0x1  }
0x2: {  	[smem:$0x3F9F] =	sst lr;
	_ =	strace $0xD0000000  }
0x3: {  	_ = 	snop  }
0x4: {  	_ = 	snop  }
0x5: {  	_ = 	snop  }
0x6: {  	_ = 	snop  }
0x7: {  	_ = 	snop  }
__scs_overlays_trampoline_lowered:
0x8: {  	[smem:$0x3FAE] =	sst s0  }
0x9: {  	[smem:$0x3FAF] =	sst s1  }
0xa: {  	[smem:$0x3FB0] =	sst s2  }
0xb: {  	[smem:$0x3FB1] =	sst s3  }
0xc: {  	[smem:$0x3FB2] =	sst s4  }
0xd: {  	[smem:$0x3FB3] =	sst s5  }
0xe: {  	[smem:$0x3FB4] =	sst s6  }
0xf: {  	[smem:$0x3FB5] =	sst s7  }
0x10: {  	[smem:$0x3FB6] =	sst s8  }
0x11: {  	[smem:$0x3FB7] =	sst s9;
	s0 =	simm.s32 @!p0 $0x0  }
0x12: {  	s1 =	sld [smem:$0x3F9D];
	s0 =	simm.s32 @p0 $0x1  }
0x13: {  	[smem:$0x3FB8] =	sst s0;
	s0 =	simm.s32 @!p1 $0x0  }
0x14: {  	s2 =	sld [smem:$0x3F9C];
	s0 =	simm.s32 @p1 $0x1  }
0x15: {  	[smem:$0x3FB9] =	sst s0;
	s0 =	simm.s32 @!p2 $0x0  }
0x16: {  	s3 =	sld [smem:$0x3FDB];
	s0 =	simm.s32 @p2 $0x1  }
0x17: {  	s4 =	simm.s32 $0x1BF5;
	[smem:$0x3FBB] =	sst s0  }
0x18: {  	s0 =	sld [smem:$0x3F9E];
	_ =	swait.ge [sflag:s4], $0x0  }
0x19: {  	s7 =	sld [smem:$0x3F9F]  }
0x1a: {  	s8 =	sadd.s32 $0xFFFFE003, lr  }
0x1b: {  	s9 =	sadd.s32 $0xFFFFFEF7, lr;
	s5 =	simm.s32 $0xFFFFFFFF;
	p2 =	slt.u32 s8, $0xFFFFF086  }
0x1c: {  	p1 =	slt.u32 s9, $0xF7A;
	s5 =	simm.s32 @!p2 $0x0  }
0x1d: {  	s5 =	simm.s32 @p1 $0x1;
	p0 =	seq.s32 s7, s2  }
0x1e: {  	s7 =	smul.u32 @!p0 $0xF7A, s2;
	p2 =	seq.s32 @!p0 s5, $0x0  }
0x1f: {  	s9 =	smul.u32 $0xF7A, s1;
	s8 =	simm.s32 @!p0 $0x1BF5;
	p2 =	por !p2, p0  }
0x20: {  	[sflag:s8] =	ssyncset.s32 @!p0 $0xFFFFF086;
	s6 =	sadd.s32 @!p0 s3, s7;
	s7 =	simm.s32 @!p0 $0x108  }
0x21: {  	s3 =	sadd.s32 s3, s9;
	s6 =	sadd.s32 @!p0 $0x88, s6;
	s7 =	simm.s32 @p2 $0x1082  }
0x22: {  	[simem:s7], [sflag:s8] =	dma.local @!p0 [hbm:s6], $0xF7A  }
0x23: {  	s9 =	sor.u32 $0xD0000000, s2;
	s6 =	simm.s32 $0x108;
	_ =	swait.ge @!p0 [sflag:s8], $0x0  }
0x24: {  	s3 =	sadd.s32 $0x88, s3;
	s6 =	simm.s32 @!p1 $0x1082;
	[sflag:s4] =	ssyncset.s32 $0xFFFFF086  }
0x25: {  	[simem:s6], [sflag:s4] =	dma.local [hbm:s3], $0xF7A  }
0x26: {  	[smem:$0x3F9F] =	sst s1;
	(tag) =	ssettag s2;
	_ =	strace s9  }
0x27: {  	s1 =	sld [smem:$0x3FAF]  }
0x28: {  	s2 =	sld [smem:$0x3FB0]  }
0x29: {  	s4 =	sld [smem:$0x3FB2]  }
0x2a: {  	p0 =	seq.s32 s5, $0x0;
	s5 =	sld [smem:$0x3FB3]  }
0x2b: {  	s6 =	sld [smem:$0x3FB4]  }
0x2c: {  	s7 =	sld [smem:$0x3FB5]  }
0x2d: {  	s3 =	simm.s32 $0x108;
	s8 =	sld [smem:$0x3FB6]  }
0x2e: {  	s3 =	simm.s32 @!p0 $0x1082;
	s9 =	sld [smem:$0x3FB7]  }
0x2f: {  	lr =	sadd.s32 s0, s3;
	s0 =	sld [smem:$0x3FAE]  }
0x30: {  	s3 =	sld [smem:$0x3FB1]  }
0x31: {  	[smem:$0x3FBA] =	sst s10  }
0x32: {  	s10 =	sld [smem:$0x3FB8];
	_ =	sdelay $0x3  }
0x33: {  	p0 =	seq.s32 s10, $0x1;
	s10 =	sld [smem:$0x3FBA];
	_ =	sdelay $0x3  }
0x34: {  	[smem:$0x3FBA] =	sst s10  }
0x35: {  	s10 =	sld [smem:$0x3FB9];
	_ =	sdelay $0x3  }
0x36: {  	p1 =	seq.s32 s10, $0x1;
	s10 =	sld [smem:$0x3FBA];
	_ =	sdelay $0x3  }
0x37: {  	[smem:$0x3FBA] =	sst s10  }
0x38: {  	s10 =	sld [smem:$0x3FBB]  }
0x39: {  	_ = 	snop;
	(pc) =	sbr.ind lr, $3  }
0x3a: {  	_ = 	snop  }
0x3b: {  	_ = 	snop  }
0x3c: {  	p2 =	seq.s32 s10, $0x1;
	s10 =	sld [smem:$0x3FBA]  }
0x3d: {  	_ =	shalt  }
0x3e: {  	_ =	shalt  }
0x3f: {  	_ =	shalt  }
0x40: {  	_ =	shalt  }
0x41: {  	_ =	shalt  }
0x42: {  	_ =	shalt  }
0x43: {  	_ =	shalt  }
0x44: {  	_ =	shalt  }
0x45: {  	_ =	shalt  }
0x46: {  	_ =	shalt  }
0x47: {  	_ =	shalt  }
0x48: {  	_ =	shalt  }
0x49: {  	_ =	shalt  }
0x4a: {  	_ =	shalt  }
0x4b: {  	_ =	shalt  }
0x4c: {  	_ =	shalt  }
0x4d: {  	_ =	shalt  }
0x4e: {  	_ =	shalt  }
0x4f: {  	_ =	shalt  }
0x50: {  	_ =	shalt  }
0x51: {  	_ =	shalt  }
0x52: {  	_ =	shalt  }
0x53: {  	_ =	shalt  }
0x54: {  	_ =	shalt  }
0x55: {  	_ =	shalt  }
0x56: {  	_ =	shalt  }
0x57: {  	_ =	shalt  }
0x58: {  	_ =	shalt  }
0x59: {  	_ =	shalt  }
0x5a: {  	_ =	shalt  }
0x5b: {  	_ =	shalt  }
0x5c: {  	_ =	shalt  }
0x5d: {  	_ =	shalt  }
0x5e: {  	_ =	shalt  }
0x5f: {  	_ =	shalt  }
0x60: {  	_ =	shalt  }
0x61: {  	_ =	shalt  }
0x62: {  	_ =	shalt  }
0x63: {  	_ =	shalt  }
0x64: {  	_ =	shalt  }
0x65: {  	_ =	shalt  }
0x66: {  	_ =	shalt  }
0x67: {  	_ =	shalt  }
0x68: {  	_ =	shalt  }
0x69: {  	_ =	shalt  }
0x6a: {  	_ =	shalt  }
0x6b: {  	_ =	shalt  }
0x6c: {  	_ =	shalt  }
0x6d: {  	_ =	shalt  }
0x6e: {  	_ =	shalt  }
0x6f: {  	_ =	shalt  }
0x70: {  	_ =	shalt  }
0x71: {  	_ =	shalt  }
0x72: {  	_ =	shalt  }
0x73: {  	_ =	shalt  }
0x74: {  	_ =	shalt  }
0x75: {  	_ =	shalt  }
0x76: {  	_ =	shalt  }
0x77: {  	_ =	shalt  }
0x78: {  	_ =	shalt  }
0x79: {  	_ =	shalt  }
0x7a: {  	_ =	shalt  }
0x7b: {  	_ =	shalt  }
0x7c: {  	_ =	shalt  }
0x7d: {  	_ =	shalt  }
0x7e: {  	_ =	shalt  }
0x7f: {  	_ =	shalt  }
0x80: {  	_ =	shalt  }
0x81: {  	_ =	shalt  }
0x82: {  	_ =	shalt  }
0x83: {  	_ =	shalt  }
0x84: {  	_ =	shalt  }
0x85: {  	_ =	shalt  }
0x86: {  	_ =	shalt  }
0x87: {  	_ =	shalt  }
.Lfunc_end0:
.L_simem_size_0:
called_computation_lowered:
.L_overlay_start_0:
0x88: {  	s2 =	sld [smem:$0x3FD9]  }
0x89: {  	s3 =	sld [smem:$0x3FFE];
	_ =	sdelay $0x1  }
0x8a: {  	s1 =	srdreg.scid  }
0x8b: {  	s0 =	sand.u32 $0x1, s1  }
0x8c: {  	s14 =	sshll.u32 s0, $0xA;
	s2 =	sadd.s32 s3, s2  }
0x8d: {  	s2 =	sadd.s32 s2, s14  }
0x8e: {  	[smem:$0x3FC6] =	sst s2  }
0x8f: {  	_ = 	snop  }
0x90: {  	s2 =	sld [smem:$0x3FD0];
	_ =	sdelay $0x2  }
0x91: {  	s15 =	simm.s32 $0xA;
	s4 =	simm.s32 $0x10  }
0x92: {  	[smem:s4], [sflag:s15] =	dma.local [hbm:s2], $0x1  }
0x93: {  	_ =	swait.eq [sflag:s15], $0x1  }
0x94: {  	[sflag:s15] =	ssyncset.done $0x0  }
0x95: {  	s16 =	sld [smem:$0x10];
	[sflag:s15] =	ssyncadd.s32 $0xFFFFFFFF  }
0x96: {  	s17 =	sld [smem:$0x11];
	(tm) =	ssettm $0x1  }
0x97: {  	s18 =	sld [smem:$0x3FFB];
	_ =	sdelay $0x3  }
0x98: {  	_ =	strace s18  }
0x99: {  	s4 =	sld [smem:$0x3FFC];
	_ =	sdelay $0x3  }
0x9a: {  	_ =	strace s4  }
0x9b: {  	s4 =	sld [smem:$0x3FFD];
	_ =	sdelay $0x3  }
0x9c: {  	_ =	strace s4  }
0x9d: {  	_ =	strace $0x8FFFFFFF  }
0x9e: {  	s19 =	sld [smem:$0x3FDB];
	_ =	sdelay $0x1  }
0x9f: {  	s5 =	simm.s32 $_scs_section_size  }
0xa0: {  	s6 =	simm.s32 $_size__tile_overlayer_lowered;
	s7 =	simm.s32 $_tile_overlayer_lowered  }
0xa1: {  	s22 =	simm.s32 $0x1BFF;
	s21 =	sshll.u32 s7, $0x1;
	s4 =	sadd.s32 s5, s19  }
0xa2: {  	s8 =	simm.s32 $0x0;
	s20 =	sshll.u32 s6, $0x1;
	s6 =	sadd.s32 s21, s4  }
0xa3: {  	[timem:s8], [sflag:s22] =	dma.local [hbm:s6], s20  }
0xa4: {  	_ =	swait.ge [sflag:s22], s20  }
0xa5: {  	s5 =	ssub.s32 $0x0, s20;
	[sflag:s22] =	ssyncset.done $0x0  }
0xa6: {  	[sflag:s22] =	ssyncadd.s32 s5;
	_ =	sdelay $0x1  }
0xa7: {  	s23 =	simm.s32 $0x1B8B  }
0xa8: {  	_ =	swait.ge [sflag:s23], $0x1  }
0xa9: {  	[sflag:s23] =	ssyncset.done $0x0  }
0xaa: {  	s25 =	simm.s32 $0x1B8E;
	s24 =	sld [smem:$0x3FFE];
	[sflag:s23] =	ssyncadd.s32 $0xFFFFFFFF  }
0xab: {  	s26 =	simm.s32 $execute0_lowered;
	[smem:$0x3FD2] =	sst s25  }
0xac: {  	s6 =	sshll.u32 s26, $0x1;
	_ =	strace $0x80000046;
	[dreg:$0x1] =	wrdreg $0xFFFFFFFF  }
0xad: {  	s28 =	simm.s32 $_size_execute0_lowered;
	s4 =	sadd.s32 s4, s6;
	[dreg:$0x0] =	wrdreg $0x0  }
0xae: {  	s6 =	sshll.u32 s28, $0x1;
	[dreg:$0x2] =	wrdreg s4  }
0xaf: {  	[dreg:$0x3] =	wrdreg s6  }
0xb0: {  	[dreg:$0x4] =	wrdreg $0xC0  }
0xb1: {  	_ =	task [dreg:s8], $0x5FFFF  }
0xb2: {  	[dreg:$0x1] =	wrdreg $0xFFFFFFFF  }
0xb3: {  	[dreg:$0x0] =	wrdreg $0x60  }
0xb4: {  	[dreg:$0x2] =	wrdreg s24  }
0xb5: {  	[dreg:$0x3] =	wrdreg s16  }
0xb6: {  	[dreg:$0x4] =	wrdreg s17  }
0xb7: {  	[dreg:$0x5] =	wrdreg $0x9  }
0xb8: {  	_ =	task.clear_ibuf [dreg:s8], $0x6FFFF;
	_ =	strace $0x90000046  }
0xb9: {  	s29 =	simm.s32 $0x9;
	_ =	strace $0x80000048  }
0xba: {  	_ =	swait.ge [sflag:s29], $0x1  }
0xbb: {  	[sflag:s29] =	ssyncadd.s32 $0xFFFFFFFF  }
0xbc: {  	_ =	strace $0x90000048  }
0xbd: {  	_ =	sfence  }
0xbe: {  	s30 =	sld [smem:$0x0];
	_ =	sdelay $0x2  }
0xbf: {  	s31 =	sshll.u32 s1, $0xD;
	s1 =	sshrl.u32 s1, $0x2  }
0xc0: {  	s3 =	sand.u32 $0x4000, s31;
	s1 =	sadd.s32 s1, s30  }
0xc1: {  	s0 =	sor.u32 s3, s0;
	s1 =	sshll.u32 s1, $0x11  }
0xc2: {  	s0 =	sor.u32 s1, s0  }
0xc3: {  	s0 =	sadd.s32 $0x8F2B, s0  }
0xc4: {  	[sflag:s0] =	ssyncadd.remote.s32 $0x1  }
0xc5: {  	_ =	sfence.sel $0xFFFF  }
0xc6: {  	[dreg:$0x0] =	wrdreg $0xFFFFFFFF;
	(pc) =	sbr.abs _section_cstart, $3  }
0xc7: {  	[dreg:$0x1] =	wrdreg $0xFFFFFFFF  }
0xc8: {  	_ =	task.clear_ibuf [dreg:s8], $0x2FFFF;
	_ =	strace $0x9FFFFFFF  }
0xc9: {  	(tm) =	ssettm $0x7FFFFFFF  }
tec
execute0_lowered:
.L_overlay_start_1:
0x0: {  	(tag) =	ssettag $0x1  }
0x1: {  	v0 =	vimm.s32 $0xFEDCBA98  }
0x2: {  	v1 =	vimm.s32 $0x76543210;
	v0 =	vunpack.c.l.s4.s8 v0  }
0x3: {  	v1 =	vunpack.c.l.s4.s8 v1  }
0x4: {  	v0 =	vunpack.c.0.s8.s32 v0  }
0x5: {  	v1 =	vunpack.c.0.s8.s32 v1  }
0x6: {  	v2 =	vlaneseq.u32;
	vm0 =	vmmov $0x1;
	v0 =	vand.u32 $0xF, v0  }
0x7: {  	s4 =	rddreg [dreg:$0x0];
	v2 =	vand.u32 $0x1, v2;
	v50 =	vcombine.low v0, v1;
	v0 =	vimm.s32 $0x0  }
0x8: {  	s0 =	rddreg [dreg:$0x1];
	v2 =	vmul.u32 $0x200, v2;
	v0 =	vsel vm0, $0xFFFFFFFF, v0  }
0x9: {  	s5 =	rddreg [dreg:$0x2];
	s3 =	simm.s32 $0x0;
	vm13 =	vmmov $0x7;
	[tilespmem:$0x1FF10] =	vst v0;
	v0 =	vimm.s32 $0x0  }
0xa: {  	[smem:$0x7FF] =	sst s3;
	[tilespmem:$0x1FF00] =	vst v2;
	v0 =	vsel vm13, $0xFFFFFFFF, v0  }
0xb: {  	s1 =	rddreg [dreg:$0x3];
	vm15 =	vmmov $0x3;
	_ =	strace $0x80000047;
	[tilespmem:$0x1FF20] =	vst v0;
	v0 =	vimm.s32 $0x0  }
0xc: {  	v0 =	vsel vm15, $0xFFFFFFFF, v0  }
0xd: {  	vm9 =	vmmov $0xf;
	[tilespmem:$0x1FF30] =	vst v0;
	v0 =	vimm.s32 $0x0  }
0xe: {  	v0 =	vsel vm9, $0xFFFFFFFF, v0  }
0xf: {  	vm7 =	vmmov $0x1f;
	[tilespmem:$0x1FF40] =	vst v0;
	v0 =	vimm.s32 $0x0  }
0x10: {  	v0 =	vsel vm7, $0xFFFFFFFF, v0  }
0x11: {  	vm8 =	vmmov $0x3f;
	[tilespmem:$0x1FF50] =	vst v0;
	v0 =	vimm.s32 $0x0  }
0x12: {  	v3 =	vimm.s32 $0xBA98FEDC;
	v0 =	vsel vm8, $0xFFFFFFFF, v0  }
0x13: {  	v4 =	vimm.s32 $0x32107654;
	vm5 =	vmmov $0x7f;
	[tilespmem:$0x1FF60] =	vst v0;
	v0 =	vimm.s32 $0x0  }
0x14: {  	v5 =	vimm.s32 $0xDCFE98BA;
	v6 =	vimm.s32 $0x54761032;
	v0 =	vsel vm5, $0xFFFFFFFF, v0  }
0x15: {  	v7 =	vimm.s32 $0xEFCDAB89;
	vm6 =	vmmov $0xff;
	[tilespmem:$0x1FF70] =	vst v0;
	v0 =	vimm.s32 $0x0  }
0x16: {  	v8 =	vimm.s32 $0x67452301;
	v39 =	vimm.s32 $0x0;
	v0 =	vsel vm6, $0xFFFFFFFF, v0  }
0x17: {  	v40 =	vimm.s32 $0x1;
	vm10 =	vmmov $0x1ff;
	[tilespmem:$0x1FF80] =	vst v0;
	v0 =	vimm.s32 $0x0  }
0x18: {  	v42 =	vimm.s32 $0x2;
	v43 =	vimm.s32 $0x3;
	v0 =	vsel vm10, $0xFFFFFFFF, v0  }
0x19: {  	v63 =	vimm.s32 $0x4;
	vm4 =	vmmov $0x3ff;
	[tilespmem:$0x1FF90] =	vst v0;
	v0 =	vimm.s32 $0x0  }
0x1a: {  	vm1 =	vmmov $0x7ff;
	vm14 =	vmmov $0xfff;
	v0 =	vsel vm4, $0xFFFFFFFF, v0  }
0x1b: {  	s6 =	srdreg.scid;
	vm2 =	vmmov $0x1fff;
	vm3 =	vmmov $0x3fff;
	[tilespmem:$0x1FFA0] =	vst v0;
	v0 =	vimm.s32 $0x0  }
0x1c: {  	s2 =	stileid.u32;
	s11 =	simm.s32 $0x80;
	s12 =	simm.s32 $0x200;
	v3 =	vunpack.c.l.s4.s8 v3;
	v4 =	vunpack.c.l.s4.s8 v4;
	v0 =	vsel vm1, $0xFFFFFFFF, v0  }
0x1d: {  	s13 =	simm.s32 $0x100;
	s14 =	simm.s32 $0x4200;
	s15 =	simm.s32 $0x180;
	v5 =	vunpack.c.l.s4.s8 v5;
	v6 =	vunpack.c.l.s4.s8 v6;
	[tilespmem:$0x1FFB0] =	vst v0;
	v0 =	vimm.s32 $0x0  }
0x1e: {  	s16 =	simm.s32 $0x8200;
	s17 =	simm.s32 $0x1;
	s18 =	simm.s32 $0x2;
	v7 =	vunpack.c.l.s4.s8 v7;
	v8 =	vunpack.c.l.s4.s8 v8;
	v0 =	vsel vm14, $0xFFFFFFFF, v0  }
0x1f: {  	s19 =	simm.s32 $0xC200;
	s20 =	simm.s32 $0x10200;
	s6 =	sand.u32 $0x1, s6;
	v3 =	vunpack.c.0.s8.s32 v3;
	v4 =	vunpack.c.0.s8.s32 v4;
	[tilespmem:$0x1FFC0] =	vst v0;
	v0 =	vimm.s32 $0x0  }
0x20: {  	s7 =	sshll.u32 s2, $0x8;
	s8 =	sshll.u32 s6, $0x7;
	s6 =	ssub.s32 $0x2, s6;
	v5 =	vunpack.c.0.s8.s32 v5;
	v6 =	vunpack.c.0.s8.s32 v6;
	v0 =	vsel vm2, $0xFFFFFFFF, v0  }
0x21: {  	s21 =	simm.s32 $0x0;
	v7 =	vunpack.c.0.s8.s32 v7;
	v8 =	vunpack.c.0.s8.s32 v8;
	s7 =	sor.u32 s8, s7;
	s9 =	sshrl.u32 s6, $0x1;
	[tilespmem:$0x1FFD0] =	vst v0;
	v0 =	vimm.s32 $0x0  }
0x22: {  	vm11 =	vmmov $0x7fff;
	s8 =	sshll.u32 s7, $0x4;
	s7 =	sshrl.u32 s7, $0x3;
	s9 =	ssub.s32 s6, s9;
	v3 =	vcombine.low v4, v3;
	v0 =	vsel vm3, $0xFFFFFFFF, v0  }
0x23: {  	v4 =	vcombine.low v6, v5;
	v5 =	vcombine.low v8, v7;
	s8 =	sadd.s32 s8, s4;
	s10 =	sadd.s32 s7, s4;
	s4 =	sadd.s32 s5, s7;
	[tilespmem:$0x1FFE0] =	vst v0;
	v0 =	vimm.s32 $0x0  }
0x24: {  	v53 =	vimm.s32 $0x5;
	v54 =	vimm.s32 $0x6;
	s9 =	smax.u32 s9, $0x1;
	s5 =	sadd.s32 $0x10E00, s10;
	s6 =	sadd.s32 $0xE00, s8;
	v0 =	vsel vm11, $0xFFFFFFFF, v0  }
0x25: {  	s7 =	sadd.s32 $0x11200, s8;
	s8 =	sadd.s32 $0x11000, s10;
	s10 =	simm.s32 $0x3;
	v2 =	vand.u32 $0xF, v3;
	v3 =	vand.u32 $0xF, v4;
	v4 =	vand.u32 $0xF, v5;
	[tilespmem:$0x1FFF0] =	vst v0  }
.LBB2_1:
0x26: {  	[tilespmem:s3], [sflag:$0x3] =	stream.linear.gather [hbm4b:s4+s3], $0x80, $0x38;
	[tilespmem:$0x10280] =	vst v63  }
0x27: {  	_ =	swait.ge [sflag:s10], $0x80  }
0x28: {  	[sflag:s10] =	ssyncset.done $0x0  }
0x29: {  	[sflag:s10] =	ssyncadd.s32 $0xFFFFFF80  }
0x2a: {  	[tilespmem:s11], [sflag:$0x3] =	stream.linear.gather [hbm4b:s5+s3], $0x80, $0x38;
	[tilespmem:$0x10280] =	vst v63  }
0x2b: {  	_ =	swait.ge [sflag:s10], $0x80  }
0x2c: {  	[sflag:s10] =	ssyncset.done $0x0  }
0x2d: {  	[sflag:s10] =	ssyncadd.s32 $0xFFFFFF80  }
0x2e: {  	[tilespmem:s12], [sflag:$0x3] =	stream.linear.gather [hbm4b:s6+s3], $0x4000, $0x38;
	[tilespmem:$0x10280] =	vst v63  }
0x2f: {  	_ =	swait.ge [sflag:s10], $0x4000  }
0x30: {  	[sflag:s10] =	ssyncset.done $0x0  }
0x31: {  	v1 =	vld [tilespmem:$0x1FF00];
	[sflag:s10] =	ssyncadd.s32 $0xFFFFC000  }
0x32: {  	v0 =	vld [tilespmem:$0x0]  }
0x33: {  	v5 =	vld [tilespmem:$0x80]  }
0x34: {  	v6 =	vld [tilespmem:$0x10]  }
0x35: {  	v7 =	vld [tilespmem:$0x90]  }
0x36: {  	v8 =	vld [tilespmem:$0x20]  }
0x37: {  	v9 =	vld [tilespmem:$0xA0];
	v0 =	vadd.s32 v1, v0  }
0x38: {  	[tilespmem:$0x100] =	vst v0;
	v0 =	vadd.s32 v1, v5;
	v5 =	vld [tilespmem:$0x30]  }
0x39: {  	[tilespmem:$0x180] =	vst v0;
	v0 =	vadd.s32 v1, v6;
	v6 =	vld [tilespmem:$0xB0]  }
0x3a: {  	[tilespmem:$0x110] =	vst v0;
	v0 =	vadd.s32 v1, v7;
	v7 =	vld [tilespmem:$0x40]  }
0x3b: {  	v59 =	vld [tilespmem:$0xC0];
	[tilespmem:$0x190] =	vst v0;
	v0 =	vadd.s32 v1, v8  }
0x3c: {  	v60 =	vld [tilespmem:$0x50];
	[tilespmem:$0x120] =	vst v0;
	v0 =	vadd.s32 v1, v9  }
0x3d: {  	[tilespmem:$0x1A0] =	vst v0;
	v0 =	vadd.s32 v1, v5;
	v5 =	vld [tilespmem:$0xD0]  }
0x3e: {  	[tilespmem:$0x130] =	vst v0;
	v0 =	vadd.s32 v1, v6;
	v6 =	vld [tilespmem:$0x60]  }
0x3f: {  	[tilespmem:$0x1B0] =	vst v0;
	v0 =	vadd.s32 v1, v7;
	v7 =	vld [tilespmem:$0xE0]  }
0x40: {  	v61 =	vld [tilespmem:$0x70];
	[tilespmem:$0x140] =	vst v0;
	v0 =	vadd.s32 v1, v59  }
0x41: {  	v62 =	vld [tilespmem:$0xF0];
	[tilespmem:$0x1C0] =	vst v0;
	v0 =	vadd.s32 v1, v60  }
0x42: {  	[tilespmem:$0x150] =	vst v0;
	v0 =	vadd.s32 v1, v5  }
0x43: {  	[tilespmem:$0x1D0] =	vst v0;
	v0 =	vadd.s32 v1, v6  }
0x44: {  	[tilespmem:$0x160] =	vst v0;
	v0 =	vadd.s32 v1, v7  }
0x45: {  	[tilespmem:$0x1E0] =	vst v0;
	v0 =	vadd.s32 v1, v61  }
0x46: {  	[tilespmem:$0x170] =	vst v0;
	v0 =	vadd.s32 v1, v62  }
0x47: {  	[tilespmem:$0x1F0] =	vst v0  }
0x48: {  	[tilespmem:s14], [sflag:$0x1] =	stream.indirect.gather [hbm4b:s0+s11], $0x80, s13, s11, $0xb8;
	[tilespmem:$0x10280] =	vst v63  }
0x49: {  	_ = 	snop  }
0x4a: {  	[tilespmem:s16], [sflag:$0x2] =	stream.indirect.gather [hbm4b:s0+s11], $0x80, s15, s11, $0xb8;
	[tilespmem:$0x10280] =	vst v63  }
0x4b: {  	_ =	swait.ge [sflag:s17], $0x4000  }
0x4c: {  	[sflag:s17] =	ssyncset.done $0x0  }
0x4d: {  	[sflag:s17] =	ssyncadd.s32 $0xFFFFC000  }
0x4e: {  	_ =	swait.ge [sflag:s18], $0x4000  }
0x4f: {  	[sflag:s18] =	ssyncset.done $0x0  }
0x50: {  	s22 =	simm.s32 $0x0;
	[sflag:s18] =	ssyncadd.s32 $0xFFFFC000  }
.LBB2_2:
0x51: {  	s23 =	sshll.u32 s22, $0xB  }
0x52: {  	v0 =	vld [tilespmem:s23+$0x200]  }
0x53: {  	v12 =	vld [tilespmem:s23+$0x4200]  }
0x54: {  	v5 =	vld [tilespmem:s23+$0x210]  }
0x55: {  	v13 =	vld [tilespmem:s23+$0x4210]  }
0x56: {  	v6 =	vld [tilespmem:s23+$0x220]  }
0x57: {  	v21 =	vld [tilespmem:s23+$0x4220]  }
0x58: {  	v7 =	vld [tilespmem:s23+$0x230]  }
0x59: {  	v37 =	vld [tilespmem:s23+$0x4230]  }
0x5a: {  	v9 =	vld [tilespmem:s23+$0x8200]  }
0x5b: {  	v31 =	vld [tilespmem:s23+$0x8210]  }
0x5c: {  	v17 =	vld [tilespmem:s23+$0x8220]  }
0x5d: {  	v18 =	vld [tilespmem:s23+$0x8230]  }
0x5e: {  	v35 =	vld [tilespmem:s23+$0x280]  }
0x5f: {  	v46 =	vld [tilespmem:s23+$0x4280];
	v8 =	vsub.f32 v0, v12;
	v10 =	vsub.f32 v5, v13  }
0x60: {  	v19 =	vld [tilespmem:s23+$0x8280]  }
0x61: {  	v41 =	vld [tilespmem:s23+$0x290];
	v11 =	vsub.f32 v6, v21;
	v8 =	vmul.f32 v8, v8;
	v10 =	vmul.f32 v10, v10  }
0x62: {  	v59 =	vld [tilespmem:s23+$0x4290]  }
0x63: {  	v36 =	vld [tilespmem:s23+$0x8290];
	v33 =	vsub.f32 v7, v37;
	v32 =	vmul.f32 v11, v11;
	v8 =	vadd.f32 v10, v8  }
0x64: {  	v14 =	vld [tilespmem:s23+$0x2B0]  }
0x65: {  	v1 =	vld [tilespmem:s23+$0x82B0];
	v34 =	vmul.f32 v33, v33;
	v8 =	vadd.f32 v32, v8  }
0x66: {  	v15 =	vld [tilespmem:s23+$0x300];
	v0 =	vsub.f32 v0, v9;
	v5 =	vsub.f32 v5, v31  }
0x67: {  	v44 =	vld [tilespmem:s23+$0x4300];
	v8 =	vadd.f32 v34, v8  }
0x68: {  	v24 =	vld [tilespmem:s23+$0x8300];
	v6 =	vsub.f32 v6, v17;
	v0 =	vmul.f32 v0, v0;
	v5 =	vmul.f32 v5, v5  }
0x69: {  	v51 =	vld [tilespmem:s23+$0x310];
	v10 =	vperm.xlane v8, v50  }
0x6a: {  	v25 =	vld [tilespmem:s23+$0x4310];
	v0 =	vadd.f32 v5, v0;
	v5 =	vmul.f32 v6, v6;
	v6 =	vsub.f32 v7, v18  }
0x6b: {  	v61 =	vld [tilespmem:s23+$0x330];
	v16 =	vsub.f32 v35, v46;
	v7 =	vadd.f32 v8, v10  }
0x6c: {  	v11 =	vsub.f32 v35, v19;
	v35 =	vld [tilespmem:s23+$0x4330];
	v0 =	vadd.f32 v5, v0;
	v5 =	vmul.f32 v6, v6  }
0x6d: {  	v26 =	vld [tilespmem:s23+$0x8310];
	v20 =	vsub.f32 v41, v59;
	v58 =	vsub.f32 v14, v1;
	v6 =	vperm.xlane v7, v2  }
0x6e: {  	v48 =	vld [tilespmem:s23+$0x42A0];
	v60 =	vsub.f32 v15, v44;
	v0 =	vadd.f32 v5, v0  }
0x6f: {  	v47 =	vmul.f32 v20, v20;
	v8 =	vsub.f32 v41, v36;
	v5 =	vadd.f32 v7, v6;
	v6 =	vld [tilespmem:s23+$0x2A0]  }
0x70: {  	v62 =	vld [tilespmem:s23+$0x82A0];
	v15 =	vsub.f32 v15, v24;
	v38 =	vmul.f32 v58, v58;
	v11 =	vmul.f32 v11, v11  }
0x71: {  	v23 =	vld [tilespmem:s23+$0x320];
	v29 =	vsub.f32 v61, v35;
	v8 =	vmul.f32 v8, v8;
	v7 =	vperm.xlane v5, v3  }
0x72: {  	v27 =	vld [tilespmem:s23+$0x8320];
	v20 =	vsub.f32 v51, v26;
	v45 =	vperm.xlane v0, v50;
	v41 =	vsub.f32 v51, v25  }
0x73: {  	v33 =	vmul.f32 v29, v29;
	v8 =	vadd.f32 v8, v11;
	v5 =	vadd.f32 v5, v7  }
0x74: {  	v51 =	vmul.f32 v20, v20;
	v7 =	vadd.f32 v45, v0;
	v45 =	vld [tilespmem:s23+$0x42B0];
	v49 =	vsub.f32 v6, v48  }
0x75: {  	[tilespmem:$0x1F9F0] =	vst v1;
	v1 =	vld [tilespmem:s23+$0x8330];
	v11 =	vmul.f32 v41, v41;
	v6 =	vsub.f32 v6, v62;
	v0 =	vperm.xlane v5, v4  }
0x76: {  	v57 =	vld [tilespmem:s23+$0x4320];
	v10 =	vperm.xlane v7, v2;
	v52 =	vmul.f32 v49, v49  }
0x77: {  	[tilespmem:$0x1FA00] =	vst v24;
	v24 =	vld [tilespmem:s23+$0x380];
	v28 =	vsub.f32 v23, v27;
	v6 =	vmul.f32 v6, v6;
	v49 =	vmul.f32 v15, v15  }
0x78: {  	v29 =	vld [tilespmem:s23+$0x8390];
	v0 =	vadd.f32 v5, v0;
	v5 =	vadd.f32 v10, v7;
	v7 =	vmul.f32 v16, v16  }
0x79: {  	v20 =	vld [tilespmem:s23+$0x3B0];
	v10 =	vmul.f32 v60, v60;
	v55 =	vsub.f32 v14, v45;
	v6 =	vadd.f32 v6, v8  }
0x7a: {  	v16 =	vld [tilespmem:s23+$0x390];
	v8 =	vadd.f32 v51, v49;
	v14 =	vsub.f32 v61, v1;
	v22 =	vperm.xlane v5, v3  }
0x7b: {  	v61 =	vld [tilespmem:s23+$0x43B0];
	v7 =	vadd.f32 v47, v7;
	v10 =	vadd.f32 v11, v10  }
0x7c: {  	v32 =	vmul.f32 v28, v28;
	v60 =	vld [tilespmem:s23+$0x43A0];
	v6 =	vadd.f32 v38, v6;
	v5 =	vadd.f32 v22, v5  }
0x7d: {  	v11 =	vld [tilespmem:s23+$0x3A0];
	v56 =	vmul.f32 v55, v55;
	v7 =	vadd.f32 v52, v7;
	v22 =	vsub.f32 v23, v57  }
0x7e: {  	v8 =	vadd.f32 v32, v8;
	v14 =	vmul.f32 v14, v14;
	v32 =	vld [tilespmem:s23+$0x83A0]  }
0x7f: {  	[tilespmem:$0x1FA30] =	vst v57;
	v57 =	vld [tilespmem:s23+$0x4390];
	v30 =	vperm.xlane v6, v50;
	v7 =	vadd.f32 v56, v7;
	v52 =	vmul.f32 v22, v22  }
0x80: {  	v8 =	vadd.f32 v14, v8;
	v56 =	vld [tilespmem:s23+$0x4380];
	v23 =	vperm.xlane v5, v4;
	v38 =	vsub.f32 v20, v61  }
0x81: {  	v6 =	vadd.f32 v30, v6;
	v47 =	vperm.xlane v7, v50;
	v10 =	vadd.f32 v52, v10  }
0x82: {  	v30 =	vld [tilespmem:s23+$0x8380];
	v52 =	vsub.f32 v11, v60;
	v5 =	vadd.f32 v23, v5  }
0x83: {  	v11 =	vsub.f32 v11, v32;
	v49 =	vperm.xlane v6, v2;
	v7 =	vadd.f32 v7, v47  }
0x84: {  	v10 =	vadd.f32 v33, v10;
	v47 =	vsub.f32 v16, v57;
	v58 =	vmul.f32 v52, v52  }
0x85: {  	v33 =	vld [tilespmem:s23+$0x83B0];
	v16 =	vsub.f32 v16, v29;
	v11 =	vmul.f32 v11, v11;
	v41 =	vsub.f32 v24, v56  }
0x86: {  	v6 =	vadd.f32 v49, v6;
	v55 =	vperm.xlane v7, v2;
	v51 =	vperm.xlane v10, v50  }
0x87: {  	[tilespmem:$0x1FA10] =	vst v25;
	v25 =	vmul.f32 v47, v47;
	v24 =	vsub.f32 v24, v30;
	v22 =	vmul.f32 v41, v41  }
0x88: {  	v16 =	vmul.f32 v16, v16;
	v41 =	vperm.xlane v6, v3;
	v7 =	vadd.f32 v7, v55  }
0x89: {  	[tilespmem:$0x1FA40] =	vst v27;
	v27 =	vld [tilespmem:s23+$0x410];
	v10 =	vadd.f32 v10, v51;
	v55 =	vperm.xlane v8, v50;
	v22 =	vadd.f32 v25, v22  }
0x8a: {  	v28 =	vld [tilespmem:s23+$0x4400];
	v24 =	vmul.f32 v24, v24;
	v6 =	vadd.f32 v41, v6;
	v20 =	vsub.f32 v20, v33  }
0x8b: {  	v41 =	vld [tilespmem:s23+$0x4410];
	v34 =	vperm.xlane v7, v3;
	v47 =	vperm.xlane v10, v2;
	v8 =	vadd.f32 v55, v8  }
0x8c: {  	v15 =	vld [tilespmem:s23+$0x400];
	v51 =	vmul.f32 v38, v38;
	v16 =	vadd.f32 v16, v24;
	v49 =	vadd.f32 v58, v22  }
0x8d: {  	[tilespmem:$0x1FA60] =	vst v29;
	v29 =	vld [tilespmem:s23+$0x8400];
	v7 =	vadd.f32 v7, v34;
	v10 =	vadd.f32 v10, v47;
	v55 =	vperm.xlane v8, v2  }
0x8e: {  	v24 =	vld [tilespmem:s23+$0x420];
	v58 =	vperm.xlane v6, v4;
	v11 =	vadd.f32 v11, v16;
	v14 =	vadd.f32 v51, v49  }
0x8f: {  	v49 =	vld [tilespmem:s23+$0x8410];
	v52 =	vperm.xlane v7, v4;
	v34 =	vperm.xlane v10, v3;
	v8 =	vadd.f32 v55, v8  }
0x90: {  	[tilespmem:$0x1FA50] =	vst v30;
	v55 =	vmul.f32 v20, v20;
	v20 =	vld [tilespmem:s23+$0x430];
	v30 =	vsub.f32 v27, v41;
	v38 =	vperm.xlane v14, v50  }
0x91: {  	v10 =	vadd.f32 v10, v34;
	v47 =	vperm.xlane v8, v3;
	v7 =	vadd.f32 v7, v52;
	v52 =	vld [tilespmem:s23+$0x4420]  }
0x92: {  	v34 =	vld [tilespmem:s23+$0x8420];
	v11 =	vadd.f32 v55, v11;
	v23 =	vmul.f32 v30, v30;
	v14 =	vadd.f32 v14, v38  }
0x93: {  	[tilespmem:$0x1FA20] =	vst v26;
	v38 =	vld [tilespmem:s23+$0x4430];
	v51 =	vperm.xlane v10, v4;
	v26 =	vadd.f32 v47, v8;
	v8 =	vadd.f32 v58, v6  }
0x94: {  	[tilespmem:$0x1FAB0] =	vst v41;
	v41 =	vld [tilespmem:s23+$0x8430];
	v58 =	vsub.f32 v15, v28;
	v15 =	vsub.f32 v15, v29;
	v25 =	vperm.xlane v14, v2  }
0x95: {  	[tilespmem:$0x1FA90] =	vst v28;
	v30 =	vld [tilespmem:s23+$0x490];
	v47 =	vperm.xlane v11, v50;
	v27 =	vsub.f32 v27, v49;
	v6 =	vadd.f32 v10, v51  }
0x96: {  	[tilespmem:$0x1FAA0] =	vst v29;
	v29 =	vld [tilespmem:s23+$0x480];
	v22 =	vmul.f32 v58, v58;
	v15 =	vmul.f32 v15, v15;
	v14 =	vadd.f32 v14, v25  }
0x97: {  	[tilespmem:$0x1FAC0] =	vst v49;
	v27 =	vmul.f32 v27, v27;
	v51 =	vld [tilespmem:s23+$0x4480];
	v49 =	vsub.f32 v24, v52;
	v24 =	vsub.f32 v24, v34  }
0x98: {  	[tilespmem:$0x1FA70] =	vst v32;
	v10 =	vperm.xlane v26, v4;
	v58 =	vld [tilespmem:s23+$0x4490];
	v22 =	vadd.f32 v23, v22;
	v55 =	vsub.f32 v20, v38  }
0x99: {  	[tilespmem:$0x1FAD0] =	vst v52;
	v15 =	vadd.f32 v27, v15;
	v20 =	vsub.f32 v20, v41;
	v16 =	vperm.xlane v14, v3  }
0x9a: {  	[tilespmem:$0x1FAF0] =	vst v38;
	v38 =	vadd.f32 v47, v11;
	v52 =	vmul.f32 v49, v49;
	v24 =	vmul.f32 v24, v24  }
0x9b: {  	[tilespmem:$0x1FA80] =	vst v33;
	v28 =	vld [tilespmem:s23+$0x44A0];
	v11 =	vadd.f32 v10, v26;
	v14 =	vadd.f32 v14, v16  }
0x9c: {  	[tilespmem:$0x1FAE0] =	vst v34;
	v34 =	vmul.f32 v55, v55;
	v33 =	vadd.f32 v52, v22;
	v15 =	vadd.f32 v24, v15;
	v24 =	vld [tilespmem:s23+$0x4A0]  }
0x9d: {  	v20 =	vmul.f32 v20, v20;
	[tilespmem:$0x1FB20] =	vst v51;
	v51 =	vsub.f32 v29, v51;
	v27 =	vsub.f32 v30, v58  }
0x9e: {  	v32 =	vld [tilespmem:s23+$0x44B0];
	[tilespmem:$0x1FB00] =	vst v41;
	v47 =	vperm.xlane v38, v2;
	v16 =	vadd.f32 v34, v33;
	v41 =	vperm.xlane v14, v4  }
0x9f: {  	[tilespmem:$0x1FB40] =	vst v58;
	v15 =	vadd.f32 v20, v15;
	v20 =	vld [tilespmem:s23+$0x4B0];
	v55 =	vmul.f32 v51, v51;
	v58 =	vmul.f32 v27, v27  }
0xa0: {  	v49 =	vperm.xlane v16, v50;
	v10 =	vadd.f32 v14, v41;
	v14 =	vadd.f32 v47, v38;
	v38 =	vld [tilespmem:s23+$0x84A0]  }
0xa1: {  	v52 =	vperm.xlane v15, v50;
	v47 =	vld [tilespmem:s23+$0x84B0];
	v41 =	vsub.f32 v24, v28  }
0xa2: {  	v33 =	vld [tilespmem:s23+$0x8480];
	v23 =	vadd.f32 v58, v55;
	v16 =	vadd.f32 v16, v49  }
0xa3: {  	v34 =	vld [tilespmem:s23+$0x8490];
	v15 =	vadd.f32 v52, v15;
	v49 =	vperm.xlane v14, v3;
	v22 =	vmul.f32 v41, v41  }
0xa4: {  	vm13 =	vlt.f32 v5, v0;
	v55 =	vsub.f32 v20, v32;
	v51 =	vperm.xlane v16, v2  }
0xa5: {  	v27 =	vld [tilespmem:s23+$0x510];
	v52 =	vperm.xlane v15, v2;
	v14 =	vadd.f32 v49, v14;
	v22 =	vadd.f32 v22, v23  }
0xa6: {  	vm1 =	vne.f32 v5, v0;
	[tilespmem:$0x1FB60] =	vst v28;
	v28 =	vld [tilespmem:s23+$0x520];
	v24 =	vsub.f32 v24, v38;
	v20 =	vsub.f32 v20, v47  }
0xa7: {  	[tilespmem:$0x1FB80] =	vst v32;
	v32 =	vld [tilespmem:s23+$0x500];
	v58 =	vmul.f32 v55, v55;
	v16 =	vadd.f32 v16, v51;
	v15 =	vadd.f32 v52, v15  }
0xa8: {  	vm13 =	vmneg vm13;
	v41 =	vld [tilespmem:s23+$0x4500];
	v51 =	vsub.f32 v29, v33;
	v52 =	vsub.f32 v30, v34  }
0xa9: {  	v49 =	vld [tilespmem:s23+$0x8500];
	v22 =	vadd.f32 v58, v22;
	v55 =	vperm.xlane v16, v3;
	v58 =	vperm.xlane v15, v3  }
0xaa: {  	vm7 =	vlt.f32 v8, v7;
	[tilespmem:$0x1FB70] =	vst v38;
	v38 =	vld [tilespmem:s23+$0x8520];
	v25 =	vmul.f32 v51, v51;
	v26 =	vmul.f32 v52, v52  }
0xab: {  	[tilespmem:$0x1FB90] =	vst v47;
	v47 =	vld [tilespmem:s23+$0x4530];
	v24 =	vmul.f32 v24, v24;
	v20 =	vmul.f32 v20, v20;
	v23 =	vadd.f32 v16, v55  }
0xac: {  	v30 =	vld [tilespmem:s23+$0x4510];
	v52 =	vperm.xlane v14, v4;
	v15 =	vadd.f32 v58, v15;
	v25 =	vadd.f32 v26, v25  }
0xad: {  	vm9 =	vne.f32 v8, v7;
	[tilespmem:$0x1FB30] =	vst v33;
	v33 =	vld [tilespmem:s23+$0x8510];
	v51 =	vperm.xlane v22, v50;
	v55 =	vperm.xlane v23, v4  }
0xae: {  	[tilespmem:$0x1FB50] =	vst v34;
	v34 =	vld [tilespmem:s23+$0x4520];
	v16 =	vadd.f32 v52, v14;
	v24 =	vadd.f32 v24, v25;
	v58 =	vperm.xlane v15, v4  }
0xaf: {  	vm7 =	vmneg vm7;
	v29 =	vld [tilespmem:s23+$0x530];
	v22 =	vadd.f32 v22, v51;
	v14 =	vadd.f32 v23, v55  }
0xb0: {  	vm8 =	vlt.f32 v11, v6;
	v51 =	vld [tilespmem:s23+$0x8530];
	v15 =	vadd.f32 v58, v15;
	v20 =	vadd.f32 v20, v24  }
0xb1: {  	[tilespmem:$0x1FBB0] =	vst v41;
	v26 =	vperm.xlane v22, v2;
	v55 =	vsub.f32 v32, v41;
	v24 =	vld [tilespmem:s23+$0x580];
	v58 =	vsub.f32 v32, v49  }
0xb2: {  	vm10 =	vne.f32 v11, v6;
	[tilespmem:$0x1FBC0] =	vst v49;
	v49 =	vsub.f32 v27, v30;
	v41 =	vld [tilespmem:s23+$0x4580];
	v27 =	vsub.f32 v27, v33  }
0xb3: {  	v32 =	vld [tilespmem:s23+$0x590];
	v22 =	vadd.f32 v22, v26;
	v23 =	vmul.f32 v55, v55;
	v25 =	vmul.f32 v58, v58  }
0xb4: {  	v26 =	vmul.f32 v49, v49;
	v55 =	vsub.f32 v28, v34;
	v49 =	vld [tilespmem:s23+$0x4590];
	v58 =	vperm.xlane v20, v50  }
0xb5: {  	[tilespmem:$0x1FBF0] =	vst v34;
	v27 =	vmul.f32 v27, v27;
	v34 =	vld [tilespmem:s23+$0x5A0];
	v28 =	vsub.f32 v28, v38;
	v52 =	vperm.xlane v22, v3  }
0xb6: {  	vm8 =	vmneg vm8;
	[tilespmem:$0x1FC00] =	vst v38;
	v38 =	vld [tilespmem:s23+$0x45A0];
	v23 =	vadd.f32 v26, v23;
	v20 =	vadd.f32 v58, v20  }
0xb7: {  	[tilespmem:$0x1FBD0] =	vst v30;
	v25 =	vadd.f32 v27, v25;
	v27 =	vld [tilespmem:s23+$0x5B0];
	v22 =	vadd.f32 v22, v52;
	v52 =	vmul.f32 v55, v55  }
0xb8: {  	v58 =	vsub.f32 v29, v47;
	[tilespmem:$0x1FC50] =	vst v41;
	v55 =	vmul.f32 v28, v28;
	v30 =	vsub.f32 v24, v41;
	v41 =	vld [tilespmem:s23+$0x8580]  }
0xb9: {  	[tilespmem:$0x1FC10] =	vst v47;
	vm11 =	vlt.f32 v16, v10;
	vm12 =	vne.f32 v16, v10;
	v47 =	vld [tilespmem:s23+$0x45B0];
	v23 =	vadd.f32 v52, v23  }
0xba: {  	v52 =	vsub.f32 v32, v49;
	v25 =	vadd.f32 v55, v25;
	v55 =	vmul.f32 v58, v58  }
0xbb: {  	vm5 =	vlt.f32 v15, v14;
	[tilespmem:$0x1FC70] =	vst v49;
	v58 =	vsub.f32 v29, v51;
	v29 =	vmul.f32 v30, v30;
	v49 =	vld [tilespmem:s23+$0x8590]  }
0xbc: {  	[tilespmem:$0x1FBE0] =	vst v33;
	v33 =	vld [tilespmem:s23+$0x85B0];
	v30 =	vmul.f32 v52, v52;
	v52 =	vsub.f32 v34, v38;
	v23 =	vadd.f32 v55, v23  }
0xbd: {  	[tilespmem:$0x1FC20] =	vst v51;
	v55 =	vmul.f32 v58, v58;
	v58 =	vperm.xlane v20, v2;
	v24 =	vsub.f32 v24, v41  }
0xbe: {  	[tilespmem:$0x1FC90] =	vst v38;
	v38 =	vld [tilespmem:s23+$0x85A0];
	v29 =	vadd.f32 v30, v29;
	v51 =	vmul.f32 v52, v52;
	v52 =	vsub.f32 v27, v47  }
0xbf: {  	[tilespmem:$0x1FCB0] =	vst v47;
	v20 =	vadd.f32 v58, v20;
	v25 =	vadd.f32 v55, v25;
	v47 =	vperm.xlane v23, v50  }
0xc0: {  	v55 =	vadd.f32 v51, v29;
	v58 =	vmul.f32 v52, v52;
	v51 =	vsub.f32 v32, v49  }
0xc1: {  	[tilespmem:$0x1FCC0] =	vst v33;
	v27 =	vsub.f32 v27, v33;
	v23 =	vadd.f32 v23, v47;
	v52 =	vperm.xlane v25, v50  }
0xc2: {  	v11 =	vld [tilespmem:s23+$0x690];
	[tilespmem:$0x1FC60] =	vst v41;
	v24 =	vmul.f32 v24, v24;
	v26 =	vadd.f32 v58, v55;
	v55 =	vmul.f32 v51, v51  }
0xc3: {  	v30 =	vld [tilespmem:s23+$0x600];
	[tilespmem:$0x1FCA0] =	vst v38;
	v58 =	vsub.f32 v34, v38;
	v25 =	vadd.f32 v52, v25;
	v38 =	vperm.xlane v23, v2  }
0xc4: {  	v33 =	vld [tilespmem:s23+$0x8620];
	[tilespmem:$0x1FC80] =	vst v49;
	v49 =	vperm.xlane v20, v3;
	v41 =	vperm.xlane v26, v50;
	v24 =	vadd.f32 v55, v24  }
0xc5: {  	v29 =	vld [tilespmem:s23+$0x610];
	v47 =	vmul.f32 v58, v58;
	v23 =	vadd.f32 v23, v38;
	v51 =	vperm.xlane v25, v2  }
0xc6: {  	v27 =	vmul.f32 v27, v27;
	v20 =	vadd.f32 v49, v20;
	v49 =	vld [tilespmem:s23+$0x8610];
	v26 =	vadd.f32 v26, v41  }
0xc7: {  	v38 =	vld [tilespmem:s23+$0x4600];
	v24 =	vadd.f32 v47, v24;
	v52 =	vperm.xlane v23, v3;
	v25 =	vadd.f32 v51, v25  }
0xc8: {  	vm6 =	vne.f32 v15, v14;
	v34 =	vld [tilespmem:s23+$0x620];
	v55 =	vperm.xlane v22, v4;
	v32 =	vperm.xlane v26, v2  }
0xc9: {  	v41 =	vld [tilespmem:s23+$0x4610];
	v24 =	vadd.f32 v27, v24;
	v23 =	vadd.f32 v23, v52;
	v27 =	vperm.xlane v25, v3  }
0xca: {  	v58 =	vperm.xlane v20, v4;
	v47 =	vld [tilespmem:s23+$0x8600];
	v22 =	vadd.f32 v22, v55;
	v26 =	vadd.f32 v26, v32  }
0xcb: {  	v52 =	vperm.xlane v24, v50;
	v55 =	vperm.xlane v23, v4;
	v25 =	vadd.f32 v27, v25;
	v32 =	vld [tilespmem:s23+$0x4620]  }
0xcc: {  	v20 =	vadd.f32 v58, v20;
	[tilespmem:$0x1FCD0] =	vst v38;
	v7 =	vsub.f32 v30, v38;
	v38 =	vld [tilespmem:s23+$0x4680];
	v58 =	vperm.xlane v26, v3  }
0xcd: {  	v27 =	vld [tilespmem:s23+$0x630];
	v24 =	vadd.f32 v52, v24;
	v0 =	vadd.f32 v23, v55;
	v51 =	vperm.xlane v25, v4  }
0xce: {  	vm0 =	vlt.f32 v20, v22;
	v55 =	vsub.f32 v29, v41;
	v5 =	vadd.f32 v26, v58;
	v58 =	vld [tilespmem:s23+$0x4630]  }
0xcf: {  	v7 =	vmul.f32 v7, v7;
	v52 =	vperm.xlane v24, v2;
	v23 =	vadd.f32 v51, v25;
	v26 =	vld [tilespmem:s23+$0x680]  }
0xd0: {  	v8 =	vmul.f32 v55, v55;
	v51 =	vsub.f32 v30, v47;
	v30 =	vld [tilespmem:s23+$0x4690];
	v6 =	vsub.f32 v34, v32  }
0xd1: {  	vm15 =	vne.f32 v20, v22;
	[tilespmem:$0x1FCF0] =	vst v41;
	v55 =	vsub.f32 v29, v49;
	v41 =	vperm.xlane v5, v4  }
0xd2: {  	[tilespmem:$0x1FCE0] =	vst v47;
	v47 =	vld [tilespmem:s23+$0x8630];
	v24 =	vadd.f32 v52, v24;
	v7 =	vadd.f32 v8, v7;
	v6 =	vmul.f32 v6, v6  }
0xd3: {  	[tilespmem:$0x1FD00] =	vst v49;
	v49 =	vld [tilespmem:s23+$0x46A0];
	v16 =	vmul.f32 v55, v55;
	v5 =	vadd.f32 v5, v41;
	v41 =	vsub.f32 v34, v33  }
0xd4: {  	[tilespmem:$0x1FD20] =	vst v33;
	v52 =	vperm.xlane v24, v3;
	v33 =	vld [tilespmem:s23+$0x8690];
	v28 =	vsub.f32 v27, v58;
	v6 =	vadd.f32 v6, v7  }
0xd5: {  	[tilespmem:$0x1FD60] =	vst v30;
	v7 =	vmul.f32 v51, v51;
	v51 =	vsub.f32 v26, v38;
	v55 =	vsub.f32 v11, v30;
	v30 =	vld [tilespmem:s23+$0x46B0]  }
0xd6: {  	[tilespmem:$0x1FD40] =	vst v38;
	vm2 =	vlt.f32 v23, v0;
	vm4 =	vne.f32 v23, v0;
	v10 =	vadd.f32 v52, v24;
	v24 =	vld [tilespmem:s23+$0x6A0]  }
0xd7: {  	[tilespmem:$0x1FD30] =	vst v58;
	v27 =	vsub.f32 v27, v47;
	v58 =	vmul.f32 v28, v28;
	v34 =	vmul.f32 v51, v51;
	v28 =	vld [tilespmem:s23+$0x6B0]  }
0xd8: {  	[tilespmem:$0x1FD10] =	vst v32;
	v32 =	vld [tilespmem:s23+$0x8680];
	v7 =	vadd.f32 v16, v7;
	v38 =	vmul.f32 v55, v55;
	v52 =	vperm.xlane v10, v4  }
0xd9: {  	v55 =	vld [tilespmem:s23+$0x86B0];
	v14 =	vmul.f32 v27, v27;
	v6 =	vadd.f32 v58, v6;
	v11 =	vsub.f32 v11, v33  }
0xda: {  	v58 =	vmul.f32 v41, v41;
	v8 =	vadd.f32 v52, v10;
	v10 =	vadd.f32 v38, v34  }
0xdb: {  	v38 =	vimm.s32 $0x0;
	v41 =	vperm.xlane v6, v50;
	v51 =	vsub.f32 v24, v49  }
0xdc: {  	s24 =	sshll.u32 s22, $0x4;
	v7 =	vadd.f32 v58, v7;
	v58 =	vld [tilespmem:s23+$0x86A0];
	v34 =	vmovc v47;
	v16 =	vsel vm0, $0xFFFFFFFF, v38;
	v47 =	vsub.f32 v28, v30  }
0xdd: {  	v38 =	vld [tilespmem:s24+$0x0];
	v6 =	vadd.f32 v6, v41;
	v29 =	vmul.f32 v51, v51;
	v41 =	vsub.f32 v26, v32  }
0xde: {  	v11 =	vmul.f32 v11, v11;
	v51 =	vsub.f32 v28, v55;
	v7 =	vadd.f32 v14, v7  }
0xdf: {  	[tilespmem:$0x1FB10] =	vst v16;
	v15 =	vmul.f32 v47, v47;
	v10 =	vadd.f32 v29, v10;
	v16 =	vmul.f32 v41, v41;
	v41 =	vld [tilespmem:s24+$0x80]  }
0xe0: {  	[tilespmem:$0x1FD50] =	vst v32;
	v27 =	vimm.s32 $0x0;
	v52 =	vperm.xlane v6, v2;
	v32 =	vperm.xlane v7, v50  }
0xe1: {  	[tilespmem:$0x1FD80] =	vst v49;
	v25 =	vmul.f32 v51, v51;
	v29 =	vld [tilespmem:s23+$0x4700];
	v49 =	vsub.f32 v24, v58;
	v10 =	vadd.f32 v15, v10  }
0xe2: {  	v26 =	vperm.xlane v38, v39;
	v6 =	vadd.f32 v6, v52;
	v0 =	vadd.f32 v32, v7;
	v52 =	vld [tilespmem:s23+$0x700]  }
0xe3: {  	[tilespmem:$0x1FD70] =	vst v33;
	v11 =	vadd.f32 v11, v16;
	v20 =	vmul.f32 v49, v49;
	v49 =	vperm.xlane v10, v50  }
0xe4: {  	[tilespmem:$0x1FD90] =	vst v30;
	vm0 =	vlt.f32 v8, v5;
	v30 =	vld [tilespmem:s23+$0x8700];
	v28 =	vperm.xlane v0, v2;
	v33 =	vperm.xlane v41, v39  }
0xe5: {  	v16 =	vsel vm0, $0xFFFFFFFF, v27;
	v51 =	vperm.xlane v6, v3;
	v11 =	vadd.f32 v20, v11  }
0xe6: {  	v10 =	vadd.f32 v10, v49;
	v0 =	vadd.f32 v28, v0;
	vm3 =	vge.s32 v33, v26  }
0xe7: {  	v49 =	vld [tilespmem:s23+$0x4710];
	v7 =	vadd.f32 v25, v11;
	v28 =	vsub.f32 v52, v29;
	vm14 =	vmor vm1, vm3  }
0xe8: {  	v11 =	vld [tilespmem:s23+$0x710];
	vm3 =	vne.f32 v8, v5;
	v5 =	vadd.f32 v6, v51;
	v6 =	vperm.xlane v10, v2  }
0xe9: {  	[tilespmem:$0x1FDB0] =	vst v30;
	v25 =	vld [tilespmem:s23+$0x8710];
	v30 =	vsub.f32 v52, v30;
	v24 =	vperm.xlane v0, v3;
	v39 =	vperm.xlane v7, v50  }
0xea: {  	vm13 =	vmand vm13, vm14;
	v6 =	vadd.f32 v10, v6;
	v47 =	vperm.xlane v5, v4  }
0xeb: {  	[tilespmem:$0x1FDA0] =	vst v29;
	v29 =	vld [tilespmem:s23+$0x4720];
	v14 =	vsel vm13, v26, v33;
	v33 =	vsel vm13, v12, v9;
	v0 =	vadd.f32 v24, v0  }
0xec: {  	v10 =	vld [tilespmem:s23+$0x720];
	v13 =	vsel vm13, v13, v31;
	v31 =	vmul.f32 v28, v28;
	v7 =	vadd.f32 v39, v7  }
0xed: {  	v52 =	vld [tilespmem:s23+$0x8720];
	v5 =	vadd.f32 v5, v47;
	v26 =	vperm.xlane v6, v3;
	v47 =	vsub.f32 v11, v49  }
0xee: {  	v51 =	vld [tilespmem:s23+$0x4730];
	v9 =	vmul.f32 v30, v30;
	v32 =	vperm.xlane v0, v4;
	v11 =	vsub.f32 v11, v25  }
0xef: {  	[tilespmem:$0x1FBA0] =	vst v14;
	v39 =	vld [tilespmem:s23+$0x730];
	v27 =	vperm.xlane v7, v2;
	v6 =	vadd.f32 v6, v26;
	v14 =	vmul.f32 v47, v47  }
0xf0: {  	v0 =	vadd.f32 v32, v0;
	v11 =	vmul.f32 v11, v11;
	v32 =	vperm.xlane v38, v40  }
0xf1: {  	v7 =	vadd.f32 v27, v7;
	v23 =	vsub.f32 v10, v29;
	v27 =	vsel vm13, v21, v17  }
0xf2: {  	v47 =	vld [tilespmem:s23+$0x8730];
	v10 =	vsub.f32 v10, v52;
	v17 =	vperm.xlane v38, v42;
	v20 =	vperm.xlane v6, v4  }
0xf3: {  	v15 =	vld [tilespmem:s23+$0x780];
	v8 =	vadd.f32 v14, v31;
	v31 =	vsel vm13, v37, v18;
	v37 =	vperm.xlane v41, v40  }
0xf4: {  	v24 =	vld [tilespmem:s23+$0x8780];
	v30 =	vsub.f32 v39, v51;
	v18 =	vperm.xlane v41, v42;
	v22 =	vperm.xlane v7, v3  }
0xf5: {  	v28 =	vld [tilespmem:s23+$0x47A0];
	v9 =	vadd.f32 v11, v9;
	v26 =	vmul.f32 v23, v23;
	v10 =	vmul.f32 v10, v10  }
0xf6: {  	[tilespmem:$0x1FDC0] =	vst v49;
	v49 =	vld [tilespmem:s23+$0x4790];
	v6 =	vadd.f32 v6, v20;
	v12 =	vmul.f32 v30, v30;
	vm1 =	vge.s32 v37, v32  }
0xf7: {  	[tilespmem:$0x1FC40] =	vst v13;
	vm0 =	vge.s32 v18, v17;
	v7 =	vadd.f32 v22, v7;
	v13 =	vsub.f32 v39, v47;
	v39 =	vld [tilespmem:s23+$0x4780]  }
0xf8: {  	v8 =	vadd.f32 v26, v8;
	v9 =	vadd.f32 v10, v9;
	vm13 =	vmor vm9, vm1;
	v10 =	vld [tilespmem:s23+$0x790]  }
0xf9: {  	[tilespmem:$0x1FDE0] =	vst v29;
	v29 =	vld [tilespmem:s23+$0x7B0];
	vm0 =	vmor vm10, vm0;
	vm9 =	vlt.f32 v0, v5;
	v42 =	vperm.xlane v7, v4  }
0xfa: {  	v30 =	vld [tilespmem:s23+$0x47B0];
	vm10 =	vne.f32 v0, v5;
	vm14 =	vmand vm7, vm13;
	v40 =	vmul.f32 v13, v13  }
0xfb: {  	vm1 =	vmand vm8, vm0;
	v8 =	vadd.f32 v12, v8;
	v0 =	vadd.f32 v42, v7;
	v7 =	vld [tilespmem:s23+$0x7A0]  }
0xfc: {  	v26 =	vld [tilespmem:s23+$0x8790];
	v12 =	vsel vm14, v32, v37;
	v46 =	vsel vm14, v46, v19;
	v5 =	vadd.f32 v40, v9  }
0xfd: {  	[tilespmem:$0x1FDD0] =	vst v25;
	v25 =	vperm.xlane v8, v50;
	v32 =	vsub.f32 v15, v39;
	v37 =	vsub.f32 v10, v49  }
0xfe: {  	v14 =	vld [tilespmem:s23+$0x810];
	vm7 =	vlt.f32 v0, v6;
	vm8 =	vne.f32 v0, v6;
	v6 =	vperm.xlane v5, v50  }
0xff: {  	v19 =	vsub.f32 v15, v24;
	v42 =	vld [tilespmem:s23+$0x87B0];
	[tilespmem:$0x1FDF0] =	vst v39;
	v8 =	vadd.f32 v8, v25;
	v39 =	vmul.f32 v37, v37  }
0x100: {  	[tilespmem:$0x1FE10] =	vst v49;
	v49 =	vld [tilespmem:s23+$0x87A0];
	v5 =	vadd.f32 v6, v5;
	v6 =	vmul.f32 v32, v32;
	v40 =	vsub.f32 v7, v28  }
0x101: {  	[tilespmem:$0x1FE40] =	vst v30;
	v21 =	vsub.f32 v29, v30;
	v30 =	vld [tilespmem:$0x1FA20];
	v10 =	vsub.f32 v10, v26;
	v15 =	vsel vm1, v17, v18  }
0x102: {  	v17 =	vld [tilespmem:s23+$0x820];
	v0 =	vperm.xlane v8, v2;
	v6 =	vadd.f32 v39, v6;
	v20 =	vmul.f32 v40, v40  }
0x103: {  	v13 =	vmul.f32 v19, v19;
	v18 =	vld [tilespmem:s23+$0x8A0];
	v10 =	vmul.f32 v10, v10  }
0x104: {  	v22 =	vmul.f32 v21, v21;
	v32 =	vld [tilespmem:s23+$0x8810];
	v0 =	vadd.f32 v8, v0;
	v6 =	vadd.f32 v20, v6  }
0x105: {  	v10 =	vadd.f32 v10, v13;
	v13 =	vld [tilespmem:s23+$0x800];
	v7 =	vsub.f32 v7, v49;
	v23 =	vperm.xlane v5, v2  }
0x106: {  	v9 =	vsub.f32 v29, v42;
	v29 =	vld [tilespmem:s23+$0x4810];
	v8 =	vadd.f32 v22, v6;
	v6 =	vperm.xlane v0, v3  }
0x107: {  	[tilespmem:$0x1FE30] =	vst v28;
	v28 =	vld [tilespmem:$0x1FA10];
	v7 =	vmul.f32 v7, v7;
	v5 =	vadd.f32 v23, v5  }
0x108: {  	[tilespmem:$0x1FE50] =	vst v42;
	v42 =	vperm.xlane v38, v43;
	v40 =	vld [tilespmem:s23+$0x4820];
	v0 =	vadd.f32 v0, v6  }
0x109: {  	[tilespmem:$0x1FE00] =	vst v24;
	v9 =	vmul.f32 v9, v9;
	v23 =	vld [tilespmem:s23+$0x8800];
	v7 =	vadd.f32 v7, v10;
	v24 =	vperm.xlane v5, v3  }
0x10a: {  	v59 =	vsel vm14, v59, v36;
	[tilespmem:$0x1FE20] =	vst v26;
	v22 =	vld [tilespmem:s23+$0x830];
	v25 =	vperm.xlane v8, v50;
	v26 =	vperm.xlane v0, v4  }
0x10b: {  	v43 =	vperm.xlane v41, v43;
	v7 =	vadd.f32 v9, v7;
	v5 =	vadd.f32 v24, v5;
	v6 =	vld [tilespmem:$0x1F9F0]  }
0x10c: {  	v8 =	vadd.f32 v8, v25;
	v0 =	vadd.f32 v0, v26;
	v26 =	vsel vm1, v35, v1;
	v1 =	vld [tilespmem:s23+$0x4830]  }
0x10d: {  	vm13 =	vge.s32 v43, v42;
	v20 =	vld [tilespmem:s23+$0x4800];
	[tilespmem:$0x1FE80] =	vst v29;
	v24 =	vsub.f32 v14, v29;
	v37 =	vperm.xlane v5, v4  }
0x10e: {  	[tilespmem:$0x1FEA0] =	vst v40;
	v29 =	vsub.f32 v17, v40;
	v40 =	vld [tilespmem:s23+$0x48B0];
	v36 =	vperm.xlane v7, v50;
	v39 =	vperm.xlane v8, v2  }
0x10f: {  	vm11 =	vmneg vm11;
	vm0 =	vmor vm12, vm13;
	v25 =	vld [tilespmem:s23+$0x880];
	v5 =	vadd.f32 v37, v5  }
0x110: {  	vm11 =	vmand vm11, vm0;
	v10 =	vadd.f32 v36, v7;
	v7 =	vld [tilespmem:$0x1FA30];
	v8 =	vadd.f32 v8, v39  }
0x111: {  	v19 =	vsel vm14, v45, v6;
	vm12 =	vlt.f32 v5, v0;
	[tilespmem:$0x1FEC0] =	vst v1;
	v39 =	vsub.f32 v22, v1;
	v1 =	vld [tilespmem:$0x1FA50]  }
0x112: {  	v6 =	vld [tilespmem:$0x1FA00];
	vm13 =	vne.f32 v5, v0;
	v5 =	vsub.f32 v13, v20;
	v11 =	vperm.xlane v8, v3  }
0x113: {  	v37 =	vsel vm11, v42, v43;
	v45 =	vld [tilespmem:$0x1FA40]  }
0x114: {  	v42 =	vld [tilespmem:s23+$0x8890];
	v5 =	vmul.f32 v5, v5;
	v9 =	vadd.f32 v8, v11;
	v8 =	vmul.f32 v24, v24  }
0x115: {  	v62 =	vsel vm14, v48, v62;
	[tilespmem:$0x1FE60] =	vst v20;
	v20 =	vld [tilespmem:s23+$0x4880]  }
0x116: {  	v48 =	vperm.xlane v10, v2;
	v5 =	vadd.f32 v8, v5;
	v8 =	vsel vm11, v56, v1;
	v1 =	vld [tilespmem:$0x1FA60]  }
0x117: {  	v6 =	vsel vm1, v44, v6;
	v44 =	vsel vm1, v28, v30;
	v30 =	vld [tilespmem:s23+$0x8820]  }
0x118: {  	[tilespmem:$0x1FC30] =	vst v16;
	v0 =	vadd.f32 v48, v10;
	v16 =	vsel vm1, v7, v45;
	v7 =	vld [tilespmem:s23+$0x8830]  }
0x119: {  	v14 =	vsub.f32 v14, v32;
	v24 =	vld [tilespmem:s23+$0x890]  }
0x11a: {  	v13 =	vsub.f32 v13, v23;
	v10 =	vperm.xlane v0, v3;
	v45 =	vld [tilespmem:s23+$0x4890]  }
0x11b: {  	v35 =	vmul.f32 v14, v14;
	v11 =	vsel vm11, v57, v1;
	v1 =	vld [tilespmem:$0x1FA70]  }
0x11c: {  	[tilespmem:$0x1FE90] =	vst v32;
	v43 =	vld [tilespmem:s23+$0x48A0];
	v32 =	vmul.f32 v13, v13;
	v0 =	vadd.f32 v10, v0;
	v10 =	vmul.f32 v29, v29  }
0x11d: {  	v21 =	vperm.xlane v9, v4;
	[tilespmem:$0x1FED0] =	vst v7;
	v22 =	vsub.f32 v22, v7;
	v7 =	vld [tilespmem:$0x1FA80]  }
0x11e: {  	v48 =	vld [tilespmem:s23+$0x8880];
	v13 =	vadd.f32 v35, v32;
	v5 =	vadd.f32 v10, v5  }
0x11f: {  	v35 =	vmul.f32 v39, v39;
	v36 =	vsub.f32 v17, v30;
	v17 =	vadd.f32 v9, v21;
	v21 =	vld [tilespmem:s23+$0x8B0]  }
0x120: {  	v39 =	vld [tilespmem:s23+$0x88A0];
	v28 =	vsub.f32 v24, v45;
	v10 =	vsel vm11, v60, v1;
	v1 =	vsub.f32 v25, v20  }
0x121: {  	[tilespmem:$0x1FEB0] =	vst v30;
	v24 =	vsub.f32 v24, v42;
	v30 =	vsub.f32 v18, v43;
	v32 =	vmul.f32 v36, v36  }
0x122: {  	v7 =	vsel vm11, v61, v7;
	v61 =	vmul.f32 v28, v28;
	v29 =	vmul.f32 v1, v1  }
0x123: {  	v5 =	vadd.f32 v35, v5;
	v22 =	vmul.f32 v22, v22;
	v13 =	vadd.f32 v32, v13  }
0x124: {  	v36 =	vld [tilespmem:s23+$0x88B0];
	v57 =	vmul.f32 v30, v30;
	v32 =	vsub.f32 v21, v40;
	v35 =	vadd.f32 v61, v29  }
0x125: {  	[tilespmem:$0x1FE70] =	vst v23;
	v23 =	vperm.xlane v0, v4;
	v18 =	vsub.f32 v18, v39;
	v25 =	vsub.f32 v25, v48  }
0x126: {  	v13 =	vadd.f32 v22, v13;
	v9 =	vmul.f32 v32, v32;
	v22 =	vadd.f32 v57, v35  }
0x127: {  	v24 =	vmul.f32 v24, v24;
	v25 =	vmul.f32 v25, v25  }
0x128: {  	v18 =	vmul.f32 v18, v18;
	v30 =	vperm.xlane v41, v63;
	v22 =	vadd.f32 v9, v22  }
0x129: {  	v21 =	vsub.f32 v21, v36;
	v24 =	vadd.f32 v24, v25;
	v29 =	vperm.xlane v5, v50  }
0x12a: {  	v28 =	vperm.xlane v38, v63;
	v25 =	vperm.xlane v22, v50  }
0x12b: {  	v21 =	vmul.f32 v21, v21;
	v1 =	vld [tilespmem:$0x1FA90];
	v5 =	vadd.f32 v5, v29;
	v18 =	vadd.f32 v18, v24  }
0x12c: {  	vm5 =	vmneg vm5;
	v0 =	vadd.f32 v23, v0;
	v61 =	vadd.f32 v22, v25;
	v25 =	vld [tilespmem:$0x1FAA0]  }
0x12d: {  	vm14 =	vge.s32 v30, v28;
	v18 =	vadd.f32 v21, v18;
	v35 =	vperm.xlane v5, v2  }
0x12e: {  	vm0 =	vmor vm6, vm14;
	vm14 =	vne.f32 v0, v17;
	vm11 =	vlt.f32 v0, v17  }
0x12f: {  	vm0 =	vmand vm5, vm0;
	v0 =	vadd.f32 v5, v35;
	v5 =	vperm.xlane v18, v50  }
0x130: {  	v24 =	vsel vm0, v28, v30;
	v28 =	vld [tilespmem:$0x1FAC0]  }
0x131: {  	v5 =	vadd.f32 v5, v18;
	v63 =	vperm.xlane v0, v3;
	v25 =	vsel vm0, v1, v25;
	v1 =	vld [tilespmem:$0x1FAB0]  }
0x132: {  	v32 =	vperm.xlane v13, v50  }
0x133: {  	v56 =	vadd.f32 v0, v63;
	v0 =	vperm.xlane v5, v2  }
0x134: {  	v13 =	vadd.f32 v32, v13  }
0x135: {  	v29 =	vadd.f32 v0, v5;
	v0 =	vld [tilespmem:$0x1FAD0]  }
0x136: {  	v60 =	vperm.xlane v13, v2;
	v9 =	vsel vm0, v1, v28;
	v1 =	vld [tilespmem:$0x1FAE0];
	_ =	sdelay $0x1  }
0x137: {  	v13 =	vadd.f32 v60, v13;
	_ =	sdelay $0x1  }
0x138: {  	v14 =	vperm.xlane v13, v3  }
0x139: {  	v5 =	vsel vm0, v0, v1;
	v0 =	vld [tilespmem:$0x1FAF0]  }
0x13a: {  	v13 =	vadd.f32 v14, v13;
	v1 =	vld [tilespmem:$0x1FB00]  }
0x13b: {  	v32 =	vperm.xlane v41, v53;
	v60 =	vld [tilespmem:$0x1FB10];
	v30 =	vperm.xlane v38, v53  }
0x13c: {  	v53 =	vperm.xlane v13, v4;
	v22 =	vperm.xlane v61, v2  }
0x13d: {  	vm6 =	vge.s32 v32, v30;
	v21 =	vperm.xlane v38, v54  }
0x13e: {  	v13 =	vadd.f32 v53, v13;
	v53 =	vld [tilespmem:$0x1FB70];
	v17 =	vadd.f32 v61, v22;
	v35 =	vperm.xlane v56, v4  }
0x13f: {  	v22 =	vperm.xlane v41, v54;
	v54 =	vld [tilespmem:$0x1FB80];
	v14 =	vsel vm0, v0, v1;
	v1 =	vperm.xlane v29, v3  }
0x140: {  	v56 =	vadd.f32 v56, v35;
	v35 =	vld [tilespmem:$0x1FB60];
	vm0 =	vmor vm15, vm6;
	vm15 =	vnez.u8 v60  }
0x141: {  	v28 =	vld [tilespmem:$0x1FB20];
	vm1 =	vmneg vm15;
	v1 =	vadd.f32 v1, v29  }
0x142: {  	vm5 =	vlt.f32 v13, v56;
	v0 =	vperm.xlane v17, v3;
	vm0 =	vmand vm1, vm0;
	v29 =	vld [tilespmem:$0x1FB30]  }
0x143: {  	vm6 =	vne.f32 v13, v56;
	v56 =	vsel vm0, v30, v32;
	v30 =	vld [tilespmem:$0x1FB40];
	v63 =	vperm.xlane v1, v4  }
0x144: {  	v0 =	vadd.f32 v17, v0;
	v32 =	vld [tilespmem:$0x1FB50]  }
0x145: {  	v1 =	vadd.f32 v63, v1;
	v63 =	vld [tilespmem:$0x1FB90]  }
0x146: {  	v61 =	vperm.xlane v0, v4  }
0x147: {  	vm1 =	vge.s32 v22, v21  }
0x148: {  	vm15 =	vmor vm4, vm1;
	v0 =	vadd.f32 v0, v61  }
0x149: {  	v61 =	vsel vm0, v35, v53;
	v57 =	vsel vm0, v28, v29;
	v60 =	vsel vm0, v30, v32  }
0x14a: {  	vm4 =	vne.f32 v1, v0;
	v23 =	vsel vm0, v54, v63;
	vm0 =	vlt.f32 v1, v0;
	v0 =	vld [tilespmem:$0x1FF10]  }
0x14b: {  	v35 =	vld [tilespmem:$0x1FBF0]  }
0x14c: {  	v53 =	vld [tilespmem:$0x1FC00]  }
0x14d: {  	v28 =	vld [tilespmem:$0x1FBB0]  }
0x14e: {  	v1 =	vld [tilespmem:$0x1FF30]  }
0x14f: {  	vm1 =	vnez.u8 v0;
	v0 =	vld [tilespmem:$0x1FBA0]  }
0x150: {  	v29 =	vld [tilespmem:$0x1FBC0]  }
0x151: {  	v30 =	vld [tilespmem:$0x1FBD0]  }
0x152: {  	v32 =	vld [tilespmem:$0x1FBE0]  }
0x153: {  	vm2 =	vmneg vm2;
	v54 =	vld [tilespmem:$0x1FC10]  }
0x154: {  	vm2 =	vmand vm2, vm15;
	v63 =	vld [tilespmem:$0x1FC20];
	vm15 =	vnez.u8 v1;
	v0 =	vsel vm1, v0, v12  }
0x155: {  	v15 =	vsel vm15, v0, v15;
	v0 =	vld [tilespmem:$0x1FC30];
	_ =	sdelay $0x1  }
0x156: {  	[tilespmem:$0x1FEE0] =	vst v20;
	v20 =	vimm.s32 $0x7  }
0x157: {  	v22 =	vsel vm2, v21, v22;
	v1 =	vperm.xlane v38, v20;
	v12 =	vperm.xlane v41, v20  }
0x158: {  	v13 =	vsel vm2, v28, v29;
	v28 =	vsel vm2, v35, v53;
	v18 =	vsel vm2, v30, v32  }
0x159: {  	v32 =	vsel vm2, v54, v63;
	vm2 =	vge.s32 v12, v1;
	vm15 =	vnez.u8 v0  }
0x15a: {  	vm2 =	vmor vm3, vm2;
	vm1 =	vmneg vm15  }
0x15b: {  	vm1 =	vmand vm1, vm2  }
0x15c: {  	v29 =	vld [tilespmem:$0x1FC60];
	v1 =	vsel vm1, v1, v12  }
0x15d: {  	[tilespmem:$0x1FEF0] =	vst v1;
	v1 =	vld [tilespmem:$0x1FC50];
	_ =	sdelay $0x3  }
0x15e: {  	v30 =	vld [tilespmem:$0x1FC80]  }
0x15f: {  	v20 =	vsel vm1, v1, v29;
	v1 =	vld [tilespmem:$0x1FC70];
	_ =	sdelay $0x3  }
0x160: {  	[tilespmem:s23+$0xC200] =	vst v33;
	v33 =	vld [tilespmem:$0x1FCA0]  }
0x161: {  	[tilespmem:s23+$0xC220] =	vst v27;
	v27 =	vsel vm1, v1, v30;
	v1 =	vld [tilespmem:$0x1FC90];
	_ =	sdelay $0x1  }
0x162: {  	[tilespmem:s23+$0xC280] =	vst v46;
	v46 =	vld [tilespmem:$0x1FF20]  }
0x163: {  	v0 =	vld [tilespmem:$0x1FC40]  }
0x164: {  	v35 =	vld [tilespmem:$0x1FCC0]  }
0x165: {  	v30 =	vsel vm1, v1, v33;
	v1 =	vld [tilespmem:$0x1FCB0];
	_ =	sdelay $0x1  }
0x166: {  	v21 =	vimm.s32 $0x8  }
0x167: {  	v53 =	vperm.xlane v41, v21;
	[tilespmem:s23+$0xC210] =	vst v0;
	v0 =	vperm.xlane v38, v21;
	_ =	sdelay $0x1  }
0x168: {  	[tilespmem:s23+$0xC230] =	vst v31;
	v31 =	vld [tilespmem:$0x1FD10];
	vm15 =	vnez.u8 v46;
	v33 =	vsel vm1, v1, v35;
	vm1 =	vge.s32 v53, v0  }
0x169: {  	v54 =	vld [tilespmem:$0x1FF90];
	v15 =	vsel vm15, v15, v37;
	vm15 =	vmneg vm9;
	vm1 =	vmor vm10, vm1  }
0x16a: {  	v21 =	vld [tilespmem:$0x1FCE0];
	vm1 =	vmand vm15, vm1  }
0x16b: {  	[tilespmem:s23+$0xC2A0] =	vst v62;
	v62 =	vsel vm1, v0, v53;
	v0 =	vld [tilespmem:$0x1FCD0]  }
0x16c: {  	v63 =	vld [tilespmem:$0x1FF40]  }
0x16d: {  	[tilespmem:s23+$0xC300] =	vst v6;
	v6 =	vld [tilespmem:$0x1FF60]  }
0x16e: {  	v29 =	vld [tilespmem:$0x1FD00]  }
0x16f: {  	v17 =	vimm.s32 $0x9;
	vm10 =	vnez.u8 v54;
	v54 =	vld [tilespmem:$0x1FD20]  }
0x170: {  	[tilespmem:s23+$0xC290] =	vst v59;
	v59 =	vperm.xlane v41, v17;
	v46 =	vperm.xlane v38, v17;
	v17 =	vsel vm1, v0, v21;
	v0 =	vld [tilespmem:$0x1FCF0]  }
0x171: {  	vm9 =	vnez.u8 v63;
	v63 =	vld [tilespmem:$0x1FD30];
	_ =	sdelay $0x3  }
0x172: {  	vm15 =	vge.s32 v59, v46;
	v21 =	vsel vm1, v31, v54;
	v53 =	vsel vm1, v0, v29  }
0x173: {  	v29 =	vsel vm1, v63, v34;
	vm1 =	vmor vm8, vm15;
	vm8 =	vnez.u8 v6;
	v6 =	vld [tilespmem:$0x1FF50];
	_ =	sdelay $0x4  }
0x174: {  	[tilespmem:s23+$0xC2B0] =	vst v19;
	v19 =	vld [tilespmem:$0x1FD50];
	vm15 =	vnez.u8 v6;
	v6 =	vimm.s32 $0xA  }
0x175: {  	v15 =	vsel vm9, v15, v24;
	v24 =	vperm.xlane v38, v6;
	v54 =	vperm.xlane v41, v6;
	v6 =	vld [tilespmem:$0x1FD40];
	_ =	sdelay $0x1  }
0x176: {  	[tilespmem:s23+$0xC330] =	vst v26;
	v26 =	vld [tilespmem:s23+$0x930]  }
0x177: {  	[tilespmem:s23+$0xC310] =	vst v44;
	v44 =	vld [tilespmem:$0x1FD70];
	vm9 =	vmneg vm7  }
0x178: {  	[tilespmem:s23+$0xC380] =	vst v8;
	v8 =	vld [tilespmem:s23+$0x4930];
	vm1 =	vmand vm9, vm1  }
0x179: {  	v59 =	vsel vm1, v46, v59;
	v46 =	vsel vm1, v6, v19;
	v6 =	vld [tilespmem:$0x1FD60]  }
0x17a: {  	[tilespmem:s23+$0xC3B0] =	vst v7;
	v7 =	vld [tilespmem:$0x1FDC0]  }
0x17b: {  	[tilespmem:s23+$0xC400] =	vst v25;
	v25 =	vld [tilespmem:$0x1FDE0]  }
0x17c: {  	[tilespmem:s23+$0xC420] =	vst v5;
	v5 =	vld [tilespmem:s23+$0x4990]  }
0x17d: {  	[tilespmem:s23+$0xC4A0] =	vst v61;
	v61 =	vld [tilespmem:$0x1FDF0]  }
0x17e: {  	v12 =	vsel vm1, v6, v44;
	v6 =	vld [tilespmem:$0x1FD80]  }
0x17f: {  	[tilespmem:s23+$0xC480] =	vst v57;
	v57 =	vld [tilespmem:$0x1FFF0]  }
0x180: {  	v37 =	vld [tilespmem:s23+$0x8900]  }
0x181: {  	v1 =	vld [tilespmem:s23+$0x900]  }
0x182: {  	v35 =	vld [tilespmem:s23+$0x4900]  }
0x183: {  	[tilespmem:s23+$0xC320] =	vst v16;
	v16 =	vsel vm1, v6, v58;
	v6 =	vld [tilespmem:$0x1FD90]  }
0x184: {  	v31 =	vld [tilespmem:s23+$0x8910]  }
0x185: {  	v0 =	vld [tilespmem:s23+$0x910]  }
0x186: {  	v34 =	vld [tilespmem:s23+$0x4910]  }
0x187: {  	vm12 =	vmneg vm12;
	v63 =	vld [tilespmem:s23+$0x920];
	v15 =	vsel vm15, v15, v56;
	vm9 =	vge.s32 v54, v24  }
0x188: {  	v56 =	vsel vm8, v15, v22;
	v15 =	vld [tilespmem:$0x1FDB0];
	v19 =	vsel vm1, v6, v55;
	vm1 =	vmor vm13, vm9  }
0x189: {  	[tilespmem:s23+$0xC390] =	vst v11;
	v11 =	vsub.f32 v1, v35;
	v1 =	vsub.f32 v1, v37;
	v6 =	vld [tilespmem:$0x1FDA0];
	vm1 =	vmand vm12, vm1  }
0x18a: {  	v22 =	vsel vm1, v24, v54;
	v24 =	vld [tilespmem:$0x1FDD0]  }
0x18b: {  	[tilespmem:s23+$0xC410] =	vst v9;
	v11 =	vmul.f32 v11, v11;
	v1 =	vmul.f32 v1, v1;
	v9 =	vsub.f32 v0, v31;
	v44 =	vld [tilespmem:s23+$0x4920]  }
0x18c: {  	[tilespmem:s23+$0xC4B0] =	vst v23;
	v23 =	vld [tilespmem:s23+$0x89A0];
	v58 =	vsub.f32 v0, v34;
	v25 =	vsel vm1, v25, v52;
	v52 =	vimm.s32 $0xB  }
0x18d: {  	[tilespmem:s23+$0xC3A0] =	vst v10;
	vm15 =	vmneg vm11;
	v55 =	vld [tilespmem:s23+$0x8920];
	v10 =	vperm.xlane v38, v52;
	v52 =	vperm.xlane v41, v52  }
0x18e: {  	[tilespmem:s23+$0xC430] =	vst v14;
	v14 =	vmul.f32 v9, v9;
	v54 =	vld [tilespmem:s23+$0x8930];
	v6 =	vsel vm1, v6, v15;
	v15 =	vmul.f32 v58, v58  }
0x18f: {  	v47 =	vsel vm1, v51, v47;
	v51 =	vld [tilespmem:s23+$0x990];
	vm13 =	vge.s32 v52, v10;
	v7 =	vsel vm1, v7, v24  }
0x190: {  	v58 =	vld [tilespmem:s23+$0x980];
	v11 =	vadd.f32 v15, v11;
	v15 =	vsub.f32 v63, v44;
	vm1 =	vmor vm14, vm13  }
0x191: {  	vm11 =	vnez.u8 v57;
	v57 =	vadd.f32 v14, v1;
	v24 =	vld [tilespmem:s23+$0x4980];
	vm1 =	vmand vm15, vm1  }
0x192: {  	v63 =	vsub.f32 v63, v55;
	v15 =	vmul.f32 v15, v15;
	v1 =	vsel vm1, v10, v52;
	v52 =	vld [tilespmem:$0x1FE00]  }
0x193: {  	v9 =	vld [tilespmem:s23+$0x8990]  }
0x194: {  	[tilespmem:s23+$0xC490] =	vst v60;
	v14 =	vld [tilespmem:s23+$0x49A0];
	v60 =	vmul.f32 v63, v63;
	v10 =	vadd.f32 v15, v11;
	v11 =	vsub.f32 v26, v8  }
0x195: {  	v0 =	vld [tilespmem:s23+$0x8980];
	v15 =	vsub.f32 v26, v54  }
0x196: {  	v63 =	vld [tilespmem:s23+$0x9A0];
	v57 =	vadd.f32 v60, v57;
	v26 =	vsub.f32 v51, v5;
	v11 =	vmul.f32 v11, v11  }
0x197: {  	[tilespmem:s23+$0xC500] =	vst v13;
	v60 =	vld [tilespmem:s23+$0x9B0];
	v13 =	vsub.f32 v58, v24;
	v52 =	vsel vm1, v61, v52;
	v61 =	vmul.f32 v15, v15  }
0x198: {  	v15 =	vld [tilespmem:s23+$0x49B0];
	v10 =	vadd.f32 v11, v10  }
0x199: {  	v11 =	vmul.f32 v13, v13;
	v13 =	vmul.f32 v26, v26;
	v26 =	vadd.f32 v61, v57;
	v61 =	vld [tilespmem:$0x1FE10]  }
0x19a: {  	v57 =	vld [tilespmem:$0x1FE20]  }
0x19b: {  	[tilespmem:s23+$0xC510] =	vst v18;
	v18 =	vld [tilespmem:s23+$0x89B0];
	v51 =	vsub.f32 v51, v9;
	v58 =	vsub.f32 v58, v0  }
0x19c: {  	[tilespmem:s23+$0xC520] =	vst v28  }
0x19d: {  	[tilespmem:s23+$0xC530] =	vst v32;
	v32 =	vmul.f32 v51, v51;
	v28 =	vmul.f32 v58, v58;
	v58 =	vsub.f32 v63, v14  }
0x19e: {  	v51 =	vimm.s32 $0xC;
	v63 =	vsub.f32 v63, v23;
	v11 =	vadd.f32 v13, v11  }
0x19f: {  	[tilespmem:s23+$0xC580] =	vst v20;
	v13 =	vmul.f32 v58, v58;
	v58 =	vsub.f32 v60, v15;
	v20 =	vsel vm1, v61, v57;
	v61 =	vld [tilespmem:$0x1FE30]  }
0x1a0: {  	[tilespmem:s23+$0xC590] =	vst v27;
	v28 =	vadd.f32 v32, v28;
	v32 =	vmul.f32 v63, v63;
	v60 =	vsub.f32 v60, v18  }
0x1a1: {  	[tilespmem:s23+$0xC5A0] =	vst v30;
	v11 =	vadd.f32 v13, v11;
	v57 =	vperm.xlane v10, v50;
	v63 =	vmul.f32 v58, v58  }
0x1a2: {  	[tilespmem:s23+$0xC620] =	vst v21;
	v21 =	vperm.xlane v38, v51  }
0x1a3: {  	[tilespmem:s23+$0xC630] =	vst v29;
	v10 =	vadd.f32 v10, v57;
	v57 =	vmul.f32 v60, v60;
	v11 =	vadd.f32 v63, v11  }
0x1a4: {  	[tilespmem:s23+$0xC700] =	vst v6;
	v6 =	vld [tilespmem:$0x1FE60];
	v27 =	vsel vm1, v61, v49;
	v61 =	vperm.xlane v26, v50;
	v49 =	vadd.f32 v32, v28  }
0x1a5: {  	vm0 =	vmneg vm0;
	[tilespmem:s23+$0xC680] =	vst v46;
	v29 =	vperm.xlane v41, v51;
	v63 =	vld [tilespmem:$0x1FE50];
	v46 =	vperm.xlane v11, v50  }
0x1a6: {  	[tilespmem:s23+$0xC600] =	vst v17;
	v28 =	vimm.s32 $0xD;
	v17 =	vadd.f32 v61, v26;
	v26 =	vadd.f32 v57, v49;
	v61 =	vld [tilespmem:$0x1FE40]  }
0x1a7: {  	vm8 =	vmneg vm5;
	[tilespmem:s23+$0xC720] =	vst v25;
	v51 =	vld [tilespmem:$0x1FF80];
	v58 =	vperm.xlane v10, v2;
	v25 =	vperm.xlane v38, v28  }
0x1a8: {  	[tilespmem:s23+$0xC6B0] =	vst v19;
	v11 =	vadd.f32 v11, v46;
	v19 =	vperm.xlane v41, v28;
	v57 =	vld [tilespmem:$0x1FF70];
	v49 =	vperm.xlane v26, v50  }
0x1a9: {  	[tilespmem:s23+$0xC780] =	vst v52;
	v52 =	vld [tilespmem:$0x1FEB0];
	vm7 =	vge.s32 v29, v21;
	v10 =	vadd.f32 v10, v58;
	v60 =	vperm.xlane v17, v2  }
0x1aa: {  	[tilespmem:s23+$0xC5B0] =	vst v33;
	v33 =	vperm.xlane v11, v2;
	vm9 =	vge.s32 v19, v25;
	v58 =	vadd.f32 v49, v26;
	v26 =	vld [tilespmem:$0x1FE90]  }
0x1ab: {  	[tilespmem:s23+$0xC690] =	vst v12;
	vm2 =	vmor vm4, vm9;
	v12 =	vadd.f32 v60, v17;
	v30 =	vsel vm1, v61, v63;
	v61 =	vld [tilespmem:$0x1FE70]  }
0x1ac: {  	vm0 =	vmand vm0, vm2;
	v60 =	vperm.xlane v10, v3;
	vm1 =	vmor vm6, vm7;
	v63 =	vld [tilespmem:$0x1FE80]  }
0x1ad: {  	vm6 =	vnez.u8 v51;
	vm5 =	vnez.u8 v57;
	v51 =	vld [tilespmem:$0x1FEA0];
	v32 =	vperm.xlane v12, v3  }
0x1ae: {  	[tilespmem:s23+$0xC710] =	vst v7;
	v7 =	vadd.f32 v10, v60;
	v46 =	vperm.xlane v58, v2;
	v10 =	vadd.f32 v11, v33  }
0x1af: {  	[tilespmem:s23+$0xC6A0] =	vst v16;
	vm1 =	vmand vm8, vm1;
	v33 =	vsel vm0, v45, v42;
	v12 =	vadd.f32 v32, v12  }
0x1b0: {  	[tilespmem:s23+$0xC730] =	vst v47;
	v47 =	vadd.f32 v46, v58;
	v49 =	vperm.xlane v7, v4;
	v58 =	vperm.xlane v10, v3;
	v32 =	vld [tilespmem:$0x1FEE0]  }
0x1b1: {  	[tilespmem:s23+$0xC7B0] =	vst v30;
	v30 =	vld [tilespmem:$0x1FED0];
	v6 =	vsel vm1, v6, v61;
	v17 =	vsel vm1, v63, v26;
	v57 =	vperm.xlane v12, v4  }
0x1b2: {  	v16 =	vsel vm1, v51, v52;
	v60 =	vperm.xlane v47, v3;
	v10 =	vadd.f32 v10, v58;
	[tilespmem:s23+$0xC800] =	vst v6;
	v6 =	vld [tilespmem:$0x1FEC0]  }
0x1b3: {  	v7 =	vadd.f32 v7, v49;
	v61 =	vimm.s32 $0xE;
	v12 =	vadd.f32 v57, v12  }
0x1b4: {  	v11 =	vadd.f32 v60, v47;
	v45 =	vperm.xlane v10, v4;
	v47 =	vperm.xlane v41, v61  }
0x1b5: {  	[tilespmem:s23+$0xC610] =	vst v53;
	v13 =	vsel vm0, v32, v48;
	v48 =	vimm.s32 $0xF;
	vm12 =	vlt.f32 v12, v7  }
0x1b6: {  	[tilespmem:s23+$0xC790] =	vst v20;
	v46 =	vperm.xlane v11, v4;
	vm13 =	vne.f32 v12, v7;
	v7 =	vperm.xlane v38, v61  }
0x1b7: {  	[tilespmem:s23+$0xC820] =	vst v16;
	v49 =	vperm.xlane v38, v48;
	v16 =	vperm.xlane v41, v48;
	v6 =	vsel vm1, v6, v30  }
0x1b8: {  	v10 =	vadd.f32 v10, v45;
	v11 =	vadd.f32 v46, v11;
	[tilespmem:s23+$0xC830] =	vst v6;
	v6 =	vsel vm0, v43, v39  }
0x1b9: {  	vm2 =	vmneg vm12;
	vm14 =	vge.s32 v47, v7;
	vm8 =	vge.s32 v16, v49;
	[tilespmem:s23+$0xC8A0] =	vst v6;
	v6 =	vld [tilespmem:$0x1FEF0]  }
0x1ba: {  	[tilespmem:s23+$0xC7A0] =	vst v27;
	v60 =	vld [tilespmem:$0x1FFB0];
	vm3 =	vmor vm13, vm14;
	vm15 =	vne.f32 v11, v10;
	vm9 =	vlt.f32 v11, v10  }
0x1bb: {  	[tilespmem:s23+$0xC890] =	vst v33;
	v58 =	vld [tilespmem:$0x1FFA0];
	vm2 =	vmand vm2, vm3;
	vm3 =	vmor vm15, vm8;
	vm4 =	vmneg vm9  }
0x1bc: {  	v51 =	vsel vm0, v40, v36;
	[tilespmem:s23+$0xC810] =	vst v17;
	v61 =	vld [tilespmem:$0x1FFC0];
	vm3 =	vmand vm4, vm3  }
0x1bd: {  	v53 =	vimm.s32 $0x5;
	v42 =	vimm.s32 $0x2;
	[tilespmem:s23+$0xC8B0] =	vst v51;
	v0 =	vsel vm3, v24, v0  }
0x1be: {  	[tilespmem:s23+$0xC980] =	vst v0;
	v0 =	vsel vm3, v5, v9;
	v5 =	vsel vm2, v7, v47;
	v7 =	vld [tilespmem:$0x1FFD0];
	v6 =	vsel vm5, v56, v6  }
0x1bf: {  	[tilespmem:s23+$0xC880] =	vst v13;
	vm12 =	vnez.u8 v60;
	v52 =	vsel vm2, v35, v37;
	v6 =	vsel vm6, v6, v62;
	v62 =	vld [tilespmem:$0x1FFE0]  }
0x1c0: {  	v57 =	vsel vm2, v44, v55;
	[tilespmem:s23+$0xC900] =	vst v52;
	v6 =	vsel vm10, v6, v59;
	vm10 =	vnez.u8 v58  }
0x1c1: {  	v8 =	vsel vm2, v8, v54;
	vm13 =	vnez.u8 v61;
	[tilespmem:s23+$0xC920] =	vst v57;
	v6 =	vsel vm10, v6, v22  }
0x1c2: {  	p0 =	sne.s32 s22, $0x7;
	[tilespmem:s23+$0xC930] =	vst v8;
	v56 =	vsel vm2, v34, v31;
	v59 =	vsel vm1, v21, v29;
	v1 =	vsel vm12, v6, v1  }
.Ltmp0:
0x1c3: {  	[tilespmem:s23+$0xC990] =	vst v0;
	v6 =	vsel vm0, v25, v19;
	vm14 =	vnez.u8 v7;
	v1 =	vsel vm13, v1, v59;
	(pc) =	sbr.rel @p0 .LBB2_2-.Ltmp0, $4  }
0x1c4: {  	v0 =	vsel vm3, v14, v23;
	[tilespmem:s23+$0xC910] =	vst v56;
	v1 =	vsel vm14, v1, v6;
	vm15 =	vnez.u8 v62  }
0x1c5: {  	[tilespmem:s23+$0xC9A0] =	vst v0;
	v7 =	vsel vm3, v15, v18;
	v6 =	vsel vm3, v49, v16;
	v1 =	vsel vm15, v1, v5  }
0x1c6: {  	v63 =	vimm.s32 $0x4;
	v40 =	vimm.s32 $0x1;
	[tilespmem:s23+$0xC9B0] =	vst v7;
	v0 =	vsel vm11, v1, v6  }
0x1c7: {  	s22 =	sadd.s32 $0x1, s22;
	v43 =	vimm.s32 $0x3;
	v39 =	vimm.s32 $0x0;
	v54 =	vimm.s32 $0x6;
	[tilespmem:s24+$0x10200] =	vst v0  }
0x1c8: {  	[hbm4b:s7+s3] =	stream.linear.scatter [tilespmem:s19], [sflag:$0x3], $0x4000, $0x38;
	[tilespmem:$0x10280] =	vst v63  }
0x1c9: {  	s21 =	sadd.s32 $0x1, s21;
	_ =	swait.ge [sflag:s10], $0x4000  }
0x1ca: {  	p0 =	sne.s32 s21, s9;
	[sflag:s10] =	ssyncset.done $0x0  }
.Ltmp1:
0x1cb: {  	[sflag:s10] =	ssyncadd.s32 $0xFFFFC000;
	(pc) =	sbr.rel @p0 .LBB2_1-.Ltmp1, $4  }
0x1cc: {  	[hbm4b:s8+s3] =	stream.linear.scatter [tilespmem:s20], [sflag:$0x3], $0x80, $0x38;
	[tilespmem:$0x10280] =	vst v63  }
0x1cd: {  	_ =	swait.ge [sflag:s10], $0x80  }
0x1ce: {  	[sflag:s10] =	ssyncset.done $0x0  }
0x1cf: {  	[sflag:s10] =	ssyncadd.s32 $0xFFFFFF80  }
0x1d0: {  	_ =	sfence.sel $0x180000  }
0x1d1: {  	[bflag:$0x0] =	sbarrier.arrive $0xFFFF  }
0x1d2: {  	p0 =	sne.s32 s2, $0x0;
	_ =	strace $0x90000047  }
0x1d3: {  	s0 =	sadd.s32 @!p0 $0x100000, s1;
	[bflag:$0x2] =	sbarrier.arrive $0xFFFF  }
0x1d4: {  	[sflag:s0] =	ssyncadd.tile.s32 @!p0 $0x1;
	_ =	shalt  }
.Lfunc_end2:
_tile_overlayer_lowered:
.L_overlay_start_2:
0x1d5: {  	(tag) =	ssettag $0x2  }
0x1d6: {  	s0 =	rddreg [dreg:$0x0];
	s2 =	stileid.u32  }
0x1d7: {  	s1 =	rddreg [dreg:$0x1];
	p0 =	sne.s32 s2, $0x0  }
0x1d8: {  	s3 =	rddreg [dreg:$0x2];
	[bflag:$0x3] =	sbarrier.arrive $0xFFFF;
	s2 =	simm.s32 @!p0 $0x1C03  }
0x1d9: {  	[timem:s3], [sflag:s2] =	dma.local @!p0 [hbm:s0], s1  }
0x1da: {  	s0 =	simm.s32 @!p0 $0x3  }
0x1db: {  	_ =	swait.ge @!p0 [sflag:s0], s1  }
0x1dc: {  	s1 =	ssub.s32 @!p0 $0x0, s1;
	[sflag:s0] =	ssyncset.done @!p0 $0x0  }
0x1dd: {  	[sflag:s0] =	ssyncadd.s32 @!p0 s1  }
0x1de: {  	[bflag:$0x3] =	sbarrier.arrive $0xFFFF  }
0x1df: {  	_ =	shalt  }

</sc_bundles>
